<compile_context>
chip_gen: v7x
topology: tpu7x:2x2x1
jax: 0.10.2.dev20260603
libtpu: 0.0.44.dev20260713+nightly
codegen_flags: <defaults>
</compile_context>

<pallas_src>
import functools

import jax
import jax.numpy as jnp
from jax import lax
from jax.experimental import pallas as pl
from jax.experimental.pallas import tpu as pltpu
from jax.experimental.pallas import tpu_sc as plsc

_D = 64
_SCALE = 8.0

_NC = 2
_NS = 16
_NW = _NC * _NS

_BLK = 128
_BC = 2
_SB = _BC * _BLK
_PAD = _BLK + 1
_RING = 2
_UNROLL = 8


@functools.partial(jax.jit, static_argnames=("n_t", "n_b"))
def _embed_lookup(table, x_t, n_t, n_b):
    n_duet = n_b // _SB
    t_per_w = n_t // (_NW // n_duet)
    mesh = plsc.VectorSubcoreMesh(core_axis_name="c", subcore_axis_name="s")

    scratch = [pltpu.VMEM((t_per_w, _SB), jnp.int32)]
    scratch += [pltpu.VMEM((_SB, _D), jnp.float32) for _ in range(_RING)]
    scratch += [pltpu.VMEM((_D // 8, _BC, 8, _PAD), jnp.float32)
                for _ in range(_RING)]
    scratch += [pltpu.SemaphoreType.DMA for _ in range(2 * _RING)]

    @functools.partial(
        pl.kernel,
        out_type=jax.ShapeDtypeStruct((n_t, _D // 8, _NW, 8, _BLK),
                                      jnp.float32),
        mesh=mesh,
        scratch_types=scratch,
        compiler_params=pltpu.CompilerParams(
            use_tc_tiling_on_sc=False, needs_layout_passes=False),
    )
    def k(table_hbm, xt_hbm, out_hbm, idx_all, *bufs):
        rows = bufs[0:_RING]
        trans = bufs[_RING:2 * _RING]
        gsem = bufs[2 * _RING:3 * _RING]
        wsem = bufs[3 * _RING:4 * _RING]
        wid = lax.axis_index("s") * _NC + lax.axis_index("c")
        dd = wid % n_duet
        t0 = (wid // n_duet) * t_per_w

        pltpu.sync_copy(
            xt_hbm.at[pl.ds(t0, t_per_w), pl.ds(dd * _SB, _SB)], idx_all)

        def fire_gather(q, n):
            pltpu.async_copy(table_hbm.at[idx_all.at[n]], rows[q], gsem[q])

        def fire_wb(q, n):
            pltpu.async_copy(
                trans[q].at[:, :, :, pl.ds(0, _BLK)],
                out_hbm.at[t0 + n, :, pl.ds(dd * _BC, _BC), :, :],
                wsem[q])

        def wait_wb(q, n):
            pltpu.make_async_copy(
                trans[q].at[:, :, :, pl.ds(0, _BLK)],
                out_hbm.at[t0 + n, :, pl.ds(dd * _BC, _BC), :, :],
                wsem[q]).wait()

        for q in range(_RING):
            fire_gather(q, q)

        iota16 = lax.iota(jnp.int32, 16)
        drv = [(d16 * 16 + iota16) // 8 for d16 in range(_D // 16)]
        rv = [(d16 * 16 + iota16) % 8 for d16 in range(_D // 16)]
        bclv = [jnp.full((16,), b, jnp.int32) for b in range(_BC)]

        def transpose_scale(q):
            rq, tq = rows[q], trans[q]
            for bcl in range(_BC):

                def cbody(i, carry, _bcl=bcl):
                    cb = i * _UNROLL
                    cbv = jnp.broadcast_to(cb, (16,)).astype(jnp.int32)
                    for u in range(_UNROLL):
                        tok = _bcl * _BLK + cb + u
                        cv = cbv + u
                        for d16 in range(_D // 16):
                            vals = rq[tok, pl.ds(d16 * 16, 16)] * _SCALE
                            plsc.store_scatter(
                                tq, [drv[d16], bclv[_bcl], rv[d16], cv],
                                vals)
                    return carry
                lax.fori_loop(0, _BLK // _UNROLL, cbody, 0)

        def slot(n, qi):
            static = isinstance(n, int)
            pltpu.make_async_copy(
                table_hbm.at[idx_all.at[n]], rows[qi], gsem[qi]).wait()

            if static:
                if n >= _RING:
                    wait_wb(qi, n)
            else:
                @pl.when(n >= _RING)
                def _():
                    wait_wb(qi, n)

            transpose_scale(qi)
            fire_wb(qi, n)

            if static:
                if n + _RING < t_per_w:
                    fire_gather(qi, n + _RING)
            else:
                @pl.when(n + _RING < t_per_w)
                def _():
                    fire_gather(qi, n + _RING)

        def outer(h, carry):
            for qi in range(_RING):
                slot(h * _RING + qi, qi)
            return carry

        n_full = t_per_w // _RING
        lax.fori_loop(0, n_full, outer, 0)
        for n in range(n_full * _RING, t_per_w):
            slot(n, n % _RING)

        for q in range(_RING):
            wait_wb(q, 0)

    return k(table, x_t)


def kernel(x, table):
    n_b, n_t = x.shape
    d = table.shape[1]
    x_t = x.T.astype(jnp.int32)
    o5 = _embed_lookup(table, x_t, n_t, n_b)
    return o5.transpose(2, 4, 0, 1, 3).reshape(n_b, n_t, d)

# --- scband reference (transcript-rebuilt; emitter-appended) ---
"""Pipeline reference for scband-token-embedding-79645873537418 (READ-ONLY COPY).

The authoritative reference and input builder live on the scoring server;
editing this copy changes nothing except your own understanding.
"""

import jax, jax.numpy as jnp
import numpy as np

VOCAB = 1000000
D_MODEL = 64

def setup_inputs(seed: int = 0) -> dict:
    key = jax.random.key(seed)
    k1, k2 = jax.random.split(key)
    x = jax.random.randint(k1, (4096, 200), 0, VOCAB, dtype=jnp.int64 if jax.config.jax_enable_x64 else jnp.int32)
    table = jax.random.normal(k2, (VOCAB, D_MODEL), dtype=jnp.float32) * 0.02
    return {"x": x, "table": table}

def reference(x, table):
    # TokenEmbedding.call: embedding(x) * sqrt(d_model)
    emb = jnp.take(table, x, axis=0)
    return emb * jnp.sqrt(jnp.asarray(D_MODEL, dtype=jnp.float32))

if __name__ == "__main__":
    import jax
    _d = setup_inputs()
    print(jax.jit(kernel)(*tuple(_d.values())))

</pallas_src>

<mosaic_0001>
#map = affine_map<(d0, d1) -> (0, 0)>
#map1 = affine_map<(d0, d1) -> (0, 0, 0, 0, 0)>
module attributes {stable_mosaic.version = 14 : i64} {
  func.func @k(%arg0: i32, %arg1: i32, %arg2: memref<1000000x64xf32, #tpu.memory_space<hbm>>, %arg3: memref<200x4096xi32, #tpu.memory_space<hbm>>, %arg4: memref<200x8x32x8x128xf32, #tpu.memory_space<hbm>>, %arg5: memref<100x256xi32, #tpu.memory_space<vmem>>, %arg6: memref<256x64xf32, #tpu.memory_space<vmem>>, %arg7: memref<256x64xf32, #tpu.memory_space<vmem>>, %arg8: memref<8x2x8x129xf32, #tpu.memory_space<vmem>>, %arg9: memref<8x2x8x129xf32, #tpu.memory_space<vmem>>, %arg10: memref<!tpu.dma_semaphore, #tpu.memory_space<semaphore_mem>>, %arg11: memref<!tpu.dma_semaphore, #tpu.memory_space<semaphore_mem>>, %arg12: memref<!tpu.dma_semaphore, #tpu.memory_space<semaphore_mem>>, %arg13: memref<!tpu.dma_semaphore, #tpu.memory_space<semaphore_mem>>) attributes {dimension_semantics = [#tpu.dimension_semantics<core_parallel>, #tpu.dimension_semantics<subcore_parallel>], iteration_bounds = array<i64: 2, 16>, scalar_prefetch = 0 : i64, scratch_operands = 9 : i64, tpu.core_type = #tpu.core_type<sc_vector_subcore>, window_params = [{transform_indices = #map}, {transform_indices = #map}, {transform_indices = #map1}]} {
    %mul3A = arith.constant 2 : i32
    %mul3A_0 = arith.muli %arg1, %mul3A : i32
    %add3A = arith.addi %mul3A_0, %arg0 : i32
    %jit3A = arith.constant 16 : i32
    %eq3A = arith.constant 0 : i32
    %eq3A_1 = arith.cmpi eq, %jit3A, %eq3A : i32
    %jit3A_2 = arith.constant 1 : i32
    %select_n3A = arith.select %eq3A_1, %jit3A_2, %jit3A : i32
    %rem3A = arith.remsi %add3A, %select_n3A : i32
    %ne3A = arith.constant 0 : i32
    %ne3A_3 = arith.cmpi ne, %rem3A, %ne3A : i32
    %lt3A = arith.constant 0 : i32
    %lt3A_4 = arith.cmpi slt, %rem3A, %lt3A : i32
    %lt3A_5 = arith.constant 0 : i32
    %lt3A_6 = arith.cmpi slt, %select_n3A, %lt3A_5 : i32
    %ne3A_7 = arith.xori %lt3A_4, %lt3A_6 : i1
    %and3A = arith.andi %ne3A_7, %ne3A_3 : i1
    %add3A_8 = arith.addi %rem3A, %select_n3A : i32
    %select_n3A_9 = arith.select %and3A, %add3A_8, %rem3A : i32
    %jit3A_10 = arith.constant 16 : i32
    %div3A = arith.divsi %add3A, %jit3A_10 : i32
    %sign3A = arith.constant 0 : i32
    %sign3A_11 = arith.cmpi sgt, %add3A, %sign3A : i32
    %sign3A_12 = arith.extui %sign3A_11 : i1 to i32
    %sign3A_13 = arith.constant 0 : i32
    %sign3A_14 = arith.cmpi slt, %add3A, %sign3A_13 : i32
    %sign3A_15 = arith.extui %sign3A_14 : i1 to i32
    %sign3A_16 = arith.subi %sign3A_12, %sign3A_15 : i32
    %sign3A_17 = arith.constant 0 : i32
    %sign3A_18 = arith.cmpi sgt, %jit3A_10, %sign3A_17 : i32
    %sign3A_19 = arith.extui %sign3A_18 : i1 to i32
    %sign3A_20 = arith.constant 0 : i32
    %sign3A_21 = arith.cmpi slt, %jit3A_10, %sign3A_20 : i32
    %sign3A_22 = arith.extui %sign3A_21 : i1 to i32
    %sign3A_23 = arith.subi %sign3A_19, %sign3A_22 : i32
    %ne3A_24 = arith.cmpi ne, %sign3A_16, %sign3A_23 : i32
    %rem3A_25 = arith.remsi %add3A, %jit3A_10 : i32
    %ne3A_26 = arith.constant 0 : i32
    %ne3A_27 = arith.cmpi ne, %rem3A_25, %ne3A_26 : i32
    %and3A_28 = arith.andi %ne3A_24, %ne3A_27 : i1
    %sub3A = arith.constant 1 : i32
    %sub3A_29 = arith.subi %div3A, %sub3A : i32
    %select_n3A_30 = arith.select %and3A_28, %sub3A_29, %div3A : i32
    %mul3A_31 = arith.constant 100 : i32
    %mul3A_32 = arith.muli %select_n3A_30, %mul3A_31 : i32
    %mul3A_33 = arith.constant 256 : i32
    %mul3A_34 = arith.muli %select_n3A_9, %mul3A_33 : i32
    "tpu.region"() ({
      %run_scoped3A = tpu.sem_alloc : memref<!tpu.dma_semaphore, #tpu.memory_space<semaphore_mem>>
      %dma_start3A_339 = tpu.memref_slice %arg3[%mul3A_32, %mul3A_34] : memref<200x4096xi32, #tpu.memory_space<hbm>> -> memref<100x256xi32, #tpu.memory_space<hbm>>
      %dma_start3A_340 = tpu.memref_slice %arg3[%mul3A_32, %mul3A_34] : memref<200x4096xi32, #tpu.memory_space<hbm>> -> memref<100x256xi32, #tpu.memory_space<hbm>>
      tpu.enqueue_dma source(%dma_start3A_340 : memref<100x256xi32, #tpu.memory_space<hbm>>) target(%arg5 : memref<100x256xi32, #tpu.memory_space<vmem>>) target_semaphore(%run_scoped3A : memref<!tpu.dma_semaphore, #tpu.memory_space<semaphore_mem>>)
      %dma_wait3A_341 = tpu.memref_slice %arg3[%mul3A_32, %mul3A_34] : memref<200x4096xi32, #tpu.memory_space<hbm>> -> memref<100x256xi32, #tpu.memory_space<hbm>>
      %dma_wait3A_342 = tpu.memref_slice %arg3[%mul3A_32, %mul3A_34] : memref<200x4096xi32, #tpu.memory_space<hbm>> -> memref<100x256xi32, #tpu.memory_space<hbm>>
      tpu.wait_dma2 semaphore(%run_scoped3A : memref<!tpu.dma_semaphore, #tpu.memory_space<semaphore_mem>>) src(%dma_wait3A_342 : memref<100x256xi32, #tpu.memory_space<hbm>>) dst(%arg5 : memref<100x256xi32, #tpu.memory_space<vmem>>)
      tpu.yield
    }) : () -> ()
    %dma_start3A = arith.constant 0 : i32
    %dma_start3A_35 = arith.constant 0 : i32
    %dma_start3A_36 = tpu.memref_slice %arg5[%dma_start3A, %dma_start3A_35] : memref<100x256xi32, #tpu.memory_space<vmem>> -> memref<1x256xi32, #tpu.memory_space<vmem>>
    %dma_start3A_37 = tpu.memref_squeeze %dma_start3A_36 : memref<1x256xi32, #tpu.memory_space<vmem>> -> memref<256xi32, #tpu.memory_space<vmem>>
    %dma_start3A_38 = arith.constant 0 : i32
    %dma_start3A_39 = arith.constant 0 : i32
    %dma_start3A_40 = tpu.memref_slice %arg2[%dma_start3A_38, %dma_start3A_39] : memref<1000000x64xf32, #tpu.memory_space<hbm>> -> memref<1000000x64xf32, #tpu.memory_space<hbm>>
    tpu.enqueue_indirect_dma source(%dma_start3A_40 : memref<1000000x64xf32, #tpu.memory_space<hbm>>) target(%arg6 : memref<256x64xf32, #tpu.memory_space<vmem>>) offsets(%dma_start3A_37 : memref<256xi32, #tpu.memory_space<vmem>>) semaphore(%arg10 : memref<!tpu.dma_semaphore, #tpu.memory_space<semaphore_mem>>)
    %dma_start3A_41 = arith.constant 1 : i32
    %dma_start3A_42 = arith.constant 0 : i32
    %dma_start3A_43 = tpu.memref_slice %arg5[%dma_start3A_41, %dma_start3A_42] : memref<100x256xi32, #tpu.memory_space<vmem>> -> memref<1x256xi32, #tpu.memory_space<vmem>>
    %dma_start3A_44 = tpu.memref_squeeze %dma_start3A_43 : memref<1x256xi32, #tpu.memory_space<vmem>> -> memref<256xi32, #tpu.memory_space<vmem>>
    %dma_start3A_45 = arith.constant 0 : i32
    %dma_start3A_46 = arith.constant 0 : i32
    %dma_start3A_47 = tpu.memref_slice %arg2[%dma_start3A_45, %dma_start3A_46] : memref<1000000x64xf32, #tpu.memory_space<hbm>> -> memref<1000000x64xf32, #tpu.memory_space<hbm>>
    tpu.enqueue_indirect_dma source(%dma_start3A_47 : memref<1000000x64xf32, #tpu.memory_space<hbm>>) target(%arg7 : memref<256x64xf32, #tpu.memory_space<vmem>>) offsets(%dma_start3A_44 : memref<256xi32, #tpu.memory_space<vmem>>) semaphore(%arg11 : memref<!tpu.dma_semaphore, #tpu.memory_space<semaphore_mem>>)
    %iota3A = tpu.iota {dimensions = array<i32: 0>} : vector<16xi32>
    %add3A_48 = arith.constant 0 : i32
    %add3A_49 = vector.broadcast %add3A_48 : i32 to vector<16xi32>
    %add3A_50 = arith.addi %add3A_49, %iota3A : vector<16xi32>
    %jit3A_51 = arith.constant 8 : i32
    %div3A_52 = vector.broadcast %jit3A_51 : i32 to vector<16xi32>
    %div3A_53 = arith.divsi %add3A_50, %div3A_52 : vector<16xi32>
    %sign3A_54 = arith.constant 0 : i32
    %sign3A_55 = vector.broadcast %sign3A_54 : i32 to vector<16xi32>
    %sign3A_56 = arith.cmpi sgt, %add3A_50, %sign3A_55 : vector<16xi32>
    %sign3A_57 = arith.extui %sign3A_56 : vector<16xi1> to vector<16xi32>
    %sign3A_58 = arith.constant 0 : i32
    %sign3A_59 = vector.broadcast %sign3A_58 : i32 to vector<16xi32>
    %sign3A_60 = arith.cmpi slt, %add3A_50, %sign3A_59 : vector<16xi32>
    %sign3A_61 = arith.extui %sign3A_60 : vector<16xi1> to vector<16xi32>
    %sign3A_62 = arith.subi %sign3A_57, %sign3A_61 : vector<16xi32>
    %sign3A_63 = arith.constant 0 : i32
    %sign3A_64 = arith.cmpi sgt, %jit3A_51, %sign3A_63 : i32
    %sign3A_65 = arith.extui %sign3A_64 : i1 to i32
    %sign3A_66 = arith.constant 0 : i32
    %sign3A_67 = arith.cmpi slt, %jit3A_51, %sign3A_66 : i32
    %sign3A_68 = arith.extui %sign3A_67 : i1 to i32
    %sign3A_69 = arith.subi %sign3A_65, %sign3A_68 : i32
    %ne3A_70 = vector.broadcast %sign3A_69 : i32 to vector<16xi32>
    %ne3A_71 = arith.cmpi ne, %sign3A_62, %ne3A_70 : vector<16xi32>
    %rem3A_72 = vector.broadcast %jit3A_51 : i32 to vector<16xi32>
    %rem3A_73 = arith.remsi %add3A_50, %rem3A_72 : vector<16xi32>
    %ne3A_74 = arith.constant 0 : i32
    %ne3A_75 = vector.broadcast %ne3A_74 : i32 to vector<16xi32>
    %ne3A_76 = arith.cmpi ne, %rem3A_73, %ne3A_75 : vector<16xi32>
    %and3A_77 = arith.andi %ne3A_71, %ne3A_76 : vector<16xi1>
    %sub3A_78 = arith.constant 1 : i32
    %sub3A_79 = vector.broadcast %sub3A_78 : i32 to vector<16xi32>
    %sub3A_80 = arith.subi %div3A_53, %sub3A_79 : vector<16xi32>
    %select_n3A_81 = arith.select %and3A_77, %sub3A_80, %div3A_53 : vector<16xi1>, vector<16xi32>
    %add3A_82 = arith.constant 16 : i32
    %add3A_83 = vector.broadcast %add3A_82 : i32 to vector<16xi32>
    %add3A_84 = arith.addi %add3A_83, %iota3A : vector<16xi32>
    %jit3A_85 = arith.constant 8 : i32
    %div3A_86 = vector.broadcast %jit3A_85 : i32 to vector<16xi32>
    %div3A_87 = arith.divsi %add3A_84, %div3A_86 : vector<16xi32>
    %sign3A_88 = arith.constant 0 : i32
    %sign3A_89 = vector.broadcast %sign3A_88 : i32 to vector<16xi32>
    %sign3A_90 = arith.cmpi sgt, %add3A_84, %sign3A_89 : vector<16xi32>
    %sign3A_91 = arith.extui %sign3A_90 : vector<16xi1> to vector<16xi32>
    %sign3A_92 = arith.constant 0 : i32
    %sign3A_93 = vector.broadcast %sign3A_92 : i32 to vector<16xi32>
    %sign3A_94 = arith.cmpi slt, %add3A_84, %sign3A_93 : vector<16xi32>
    %sign3A_95 = arith.extui %sign3A_94 : vector<16xi1> to vector<16xi32>
    %sign3A_96 = arith.subi %sign3A_91, %sign3A_95 : vector<16xi32>
    %sign3A_97 = arith.constant 0 : i32
    %sign3A_98 = arith.cmpi sgt, %jit3A_85, %sign3A_97 : i32
    %sign3A_99 = arith.extui %sign3A_98 : i1 to i32
    %sign3A_100 = arith.constant 0 : i32
    %sign3A_101 = arith.cmpi slt, %jit3A_85, %sign3A_100 : i32
    %sign3A_102 = arith.extui %sign3A_101 : i1 to i32
    %sign3A_103 = arith.subi %sign3A_99, %sign3A_102 : i32
    %ne3A_104 = vector.broadcast %sign3A_103 : i32 to vector<16xi32>
    %ne3A_105 = arith.cmpi ne, %sign3A_96, %ne3A_104 : vector<16xi32>
    %rem3A_106 = vector.broadcast %jit3A_85 : i32 to vector<16xi32>
    %rem3A_107 = arith.remsi %add3A_84, %rem3A_106 : vector<16xi32>
    %ne3A_108 = arith.constant 0 : i32
    %ne3A_109 = vector.broadcast %ne3A_108 : i32 to vector<16xi32>
    %ne3A_110 = arith.cmpi ne, %rem3A_107, %ne3A_109 : vector<16xi32>
    %and3A_111 = arith.andi %ne3A_105, %ne3A_110 : vector<16xi1>
    %sub3A_112 = arith.constant 1 : i32
    %sub3A_113 = vector.broadcast %sub3A_112 : i32 to vector<16xi32>
    %sub3A_114 = arith.subi %div3A_87, %sub3A_113 : vector<16xi32>
    %select_n3A_115 = arith.select %and3A_111, %sub3A_114, %div3A_87 : vector<16xi1>, vector<16xi32>
    %add3A_116 = arith.constant 32 : i32
    %add3A_117 = vector.broadcast %add3A_116 : i32 to vector<16xi32>
    %add3A_118 = arith.addi %add3A_117, %iota3A : vector<16xi32>
    %jit3A_119 = arith.constant 8 : i32
    %div3A_120 = vector.broadcast %jit3A_119 : i32 to vector<16xi32>
    %div3A_121 = arith.divsi %add3A_118, %div3A_120 : vector<16xi32>
    %sign3A_122 = arith.constant 0 : i32
    %sign3A_123 = vector.broadcast %sign3A_122 : i32 to vector<16xi32>
    %sign3A_124 = arith.cmpi sgt, %add3A_118, %sign3A_123 : vector<16xi32>
    %sign3A_125 = arith.extui %sign3A_124 : vector<16xi1> to vector<16xi32>
    %sign3A_126 = arith.constant 0 : i32
    %sign3A_127 = vector.broadcast %sign3A_126 : i32 to vector<16xi32>
    %sign3A_128 = arith.cmpi slt, %add3A_118, %sign3A_127 : vector<16xi32>
    %sign3A_129 = arith.extui %sign3A_128 : vector<16xi1> to vector<16xi32>
    %sign3A_130 = arith.subi %sign3A_125, %sign3A_129 : vector<16xi32>
    %sign3A_131 = arith.constant 0 : i32
    %sign3A_132 = arith.cmpi sgt, %jit3A_119, %sign3A_131 : i32
    %sign3A_133 = arith.extui %sign3A_132 : i1 to i32
    %sign3A_134 = arith.constant 0 : i32
    %sign3A_135 = arith.cmpi slt, %jit3A_119, %sign3A_134 : i32
    %sign3A_136 = arith.extui %sign3A_135 : i1 to i32
    %sign3A_137 = arith.subi %sign3A_133, %sign3A_136 : i32
    %ne3A_138 = vector.broadcast %sign3A_137 : i32 to vector<16xi32>
    %ne3A_139 = arith.cmpi ne, %sign3A_130, %ne3A_138 : vector<16xi32>
    %rem3A_140 = vector.broadcast %jit3A_119 : i32 to vector<16xi32>
    %rem3A_141 = arith.remsi %add3A_118, %rem3A_140 : vector<16xi32>
    %ne3A_142 = arith.constant 0 : i32
    %ne3A_143 = vector.broadcast %ne3A_142 : i32 to vector<16xi32>
    %ne3A_144 = arith.cmpi ne, %rem3A_141, %ne3A_143 : vector<16xi32>
    %and3A_145 = arith.andi %ne3A_139, %ne3A_144 : vector<16xi1>
    %sub3A_146 = arith.constant 1 : i32
    %sub3A_147 = vector.broadcast %sub3A_146 : i32 to vector<16xi32>
    %sub3A_148 = arith.subi %div3A_121, %sub3A_147 : vector<16xi32>
    %select_n3A_149 = arith.select %and3A_145, %sub3A_148, %div3A_121 : vector<16xi1>, vector<16xi32>
    %add3A_150 = arith.constant 48 : i32
    %add3A_151 = vector.broadcast %add3A_150 : i32 to vector<16xi32>
    %add3A_152 = arith.addi %add3A_151, %iota3A : vector<16xi32>
    %jit3A_153 = arith.constant 8 : i32
    %div3A_154 = vector.broadcast %jit3A_153 : i32 to vector<16xi32>
    %div3A_155 = arith.divsi %add3A_152, %div3A_154 : vector<16xi32>
    %sign3A_156 = arith.constant 0 : i32
    %sign3A_157 = vector.broadcast %sign3A_156 : i32 to vector<16xi32>
    %sign3A_158 = arith.cmpi sgt, %add3A_152, %sign3A_157 : vector<16xi32>
    %sign3A_159 = arith.extui %sign3A_158 : vector<16xi1> to vector<16xi32>
    %sign3A_160 = arith.constant 0 : i32
    %sign3A_161 = vector.broadcast %sign3A_160 : i32 to vector<16xi32>
    %sign3A_162 = arith.cmpi slt, %add3A_152, %sign3A_161 : vector<16xi32>
    %sign3A_163 = arith.extui %sign3A_162 : vector<16xi1> to vector<16xi32>
    %sign3A_164 = arith.subi %sign3A_159, %sign3A_163 : vector<16xi32>
    %sign3A_165 = arith.constant 0 : i32
    %sign3A_166 = arith.cmpi sgt, %jit3A_153, %sign3A_165 : i32
    %sign3A_167 = arith.extui %sign3A_166 : i1 to i32
    %sign3A_168 = arith.constant 0 : i32
    %sign3A_169 = arith.cmpi slt, %jit3A_153, %sign3A_168 : i32
    %sign3A_170 = arith.extui %sign3A_169 : i1 to i32
    %sign3A_171 = arith.subi %sign3A_167, %sign3A_170 : i32
    %ne3A_172 = vector.broadcast %sign3A_171 : i32 to vector<16xi32>
    %ne3A_173 = arith.cmpi ne, %sign3A_164, %ne3A_172 : vector<16xi32>
    %rem3A_174 = vector.broadcast %jit3A_153 : i32 to vector<16xi32>
    %rem3A_175 = arith.remsi %add3A_152, %rem3A_174 : vector<16xi32>
    %ne3A_176 = arith.constant 0 : i32
    %ne3A_177 = vector.broadcast %ne3A_176 : i32 to vector<16xi32>
    %ne3A_178 = arith.cmpi ne, %rem3A_175, %ne3A_177 : vector<16xi32>
    %and3A_179 = arith.andi %ne3A_173, %ne3A_178 : vector<16xi1>
    %sub3A_180 = arith.constant 1 : i32
    %sub3A_181 = vector.broadcast %sub3A_180 : i32 to vector<16xi32>
    %sub3A_182 = arith.subi %div3A_155, %sub3A_181 : vector<16xi32>
    %select_n3A_183 = arith.select %and3A_179, %sub3A_182, %div3A_155 : vector<16xi1>, vector<16xi32>
    %add3A_184 = arith.constant 0 : i32
    %add3A_185 = vector.broadcast %add3A_184 : i32 to vector<16xi32>
    %add3A_186 = arith.addi %add3A_185, %iota3A : vector<16xi32>
    %jit3A_187 = arith.constant 8 : i32
    %eq3A_188 = arith.constant 0 : i32
    %eq3A_189 = arith.cmpi eq, %jit3A_187, %eq3A_188 : i32
    %jit3A_190 = arith.constant 1 : i32
    %select_n3A_191 = arith.select %eq3A_189, %jit3A_190, %jit3A_187 : i32
    %rem3A_192 = vector.broadcast %select_n3A_191 : i32 to vector<16xi32>
    %rem3A_193 = arith.remsi %add3A_186, %rem3A_192 : vector<16xi32>
    %ne3A_194 = arith.constant 0 : i32
    %ne3A_195 = vector.broadcast %ne3A_194 : i32 to vector<16xi32>
    %ne3A_196 = arith.cmpi ne, %rem3A_193, %ne3A_195 : vector<16xi32>
    %lt3A_197 = arith.constant 0 : i32
    %lt3A_198 = vector.broadcast %lt3A_197 : i32 to vector<16xi32>
    %lt3A_199 = arith.cmpi slt, %rem3A_193, %lt3A_198 : vector<16xi32>
    %lt3A_200 = arith.constant 0 : i32
    %lt3A_201 = arith.cmpi slt, %select_n3A_191, %lt3A_200 : i32
    %ne3A_202 = vector.broadcast %lt3A_201 : i1 to vector<16xi1>
    %ne3A_203 = vector.broadcast %ne3A_202 : vector<16xi1> to vector<16xi1>
    %ne3A_204 = arith.xori %lt3A_199, %ne3A_203 : vector<16xi1>
    %and3A_205 = arith.andi %ne3A_204, %ne3A_196 : vector<16xi1>
    %add3A_206 = vector.broadcast %select_n3A_191 : i32 to vector<16xi32>
    %add3A_207 = arith.addi %rem3A_193, %add3A_206 : vector<16xi32>
    %select_n3A_208 = arith.select %and3A_205, %add3A_207, %rem3A_193 : vector<16xi1>, vector<16xi32>
    %add3A_209 = arith.constant 16 : i32
    %add3A_210 = vector.broadcast %add3A_209 : i32 to vector<16xi32>
    %add3A_211 = arith.addi %add3A_210, %iota3A : vector<16xi32>
    %jit3A_212 = arith.constant 8 : i32
    %eq3A_213 = arith.constant 0 : i32
    %eq3A_214 = arith.cmpi eq, %jit3A_212, %eq3A_213 : i32
    %jit3A_215 = arith.constant 1 : i32
    %select_n3A_216 = arith.select %eq3A_214, %jit3A_215, %jit3A_212 : i32
    %rem3A_217 = vector.broadcast %select_n3A_216 : i32 to vector<16xi32>
    %rem3A_218 = arith.remsi %add3A_211, %rem3A_217 : vector<16xi32>
    %ne3A_219 = arith.constant 0 : i32
    %ne3A_220 = vector.broadcast %ne3A_219 : i32 to vector<16xi32>
    %ne3A_221 = arith.cmpi ne, %rem3A_218, %ne3A_220 : vector<16xi32>
    %lt3A_222 = arith.constant 0 : i32
    %lt3A_223 = vector.broadcast %lt3A_222 : i32 to vector<16xi32>
    %lt3A_224 = arith.cmpi slt, %rem3A_218, %lt3A_223 : vector<16xi32>
    %lt3A_225 = arith.constant 0 : i32
    %lt3A_226 = arith.cmpi slt, %select_n3A_216, %lt3A_225 : i32
    %ne3A_227 = vector.broadcast %lt3A_226 : i1 to vector<16xi1>
    %ne3A_228 = vector.broadcast %ne3A_227 : vector<16xi1> to vector<16xi1>
    %ne3A_229 = arith.xori %lt3A_224, %ne3A_228 : vector<16xi1>
    %and3A_230 = arith.andi %ne3A_229, %ne3A_221 : vector<16xi1>
    %add3A_231 = vector.broadcast %select_n3A_216 : i32 to vector<16xi32>
    %add3A_232 = arith.addi %rem3A_218, %add3A_231 : vector<16xi32>
    %select_n3A_233 = arith.select %and3A_230, %add3A_232, %rem3A_218 : vector<16xi1>, vector<16xi32>
    %add3A_234 = arith.constant 32 : i32
    %add3A_235 = vector.broadcast %add3A_234 : i32 to vector<16xi32>
    %add3A_236 = arith.addi %add3A_235, %iota3A : vector<16xi32>
    %jit3A_237 = arith.constant 8 : i32
    %eq3A_238 = arith.constant 0 : i32
    %eq3A_239 = arith.cmpi eq, %jit3A_237, %eq3A_238 : i32
    %jit3A_240 = arith.constant 1 : i32
    %select_n3A_241 = arith.select %eq3A_239, %jit3A_240, %jit3A_237 : i32
    %rem3A_242 = vector.broadcast %select_n3A_241 : i32 to vector<16xi32>
    %rem3A_243 = arith.remsi %add3A_236, %rem3A_242 : vector<16xi32>
    %ne3A_244 = arith.constant 0 : i32
    %ne3A_245 = vector.broadcast %ne3A_244 : i32 to vector<16xi32>
    %ne3A_246 = arith.cmpi ne, %rem3A_243, %ne3A_245 : vector<16xi32>
    %lt3A_247 = arith.constant 0 : i32
    %lt3A_248 = vector.broadcast %lt3A_247 : i32 to vector<16xi32>
    %lt3A_249 = arith.cmpi slt, %rem3A_243, %lt3A_248 : vector<16xi32>
    %lt3A_250 = arith.constant 0 : i32
    %lt3A_251 = arith.cmpi slt, %select_n3A_241, %lt3A_250 : i32
    %ne3A_252 = vector.broadcast %lt3A_251 : i1 to vector<16xi1>
    %ne3A_253 = vector.broadcast %ne3A_252 : vector<16xi1> to vector<16xi1>
    %ne3A_254 = arith.xori %lt3A_249, %ne3A_253 : vector<16xi1>
    %and3A_255 = arith.andi %ne3A_254, %ne3A_246 : vector<16xi1>
    %add3A_256 = vector.broadcast %select_n3A_241 : i32 to vector<16xi32>
    %add3A_257 = arith.addi %rem3A_243, %add3A_256 : vector<16xi32>
    %select_n3A_258 = arith.select %and3A_255, %add3A_257, %rem3A_243 : vector<16xi1>, vector<16xi32>
    %add3A_259 = arith.constant 48 : i32
    %add3A_260 = vector.broadcast %add3A_259 : i32 to vector<16xi32>
    %add3A_261 = arith.addi %add3A_260, %iota3A : vector<16xi32>
    %jit3A_262 = arith.constant 8 : i32
    %eq3A_263 = arith.constant 0 : i32
    %eq3A_264 = arith.cmpi eq, %jit3A_262, %eq3A_263 : i32
    %jit3A_265 = arith.constant 1 : i32
    %select_n3A_266 = arith.select %eq3A_264, %jit3A_265, %jit3A_262 : i32
    %rem3A_267 = vector.broadcast %select_n3A_266 : i32 to vector<16xi32>
    %rem3A_268 = arith.remsi %add3A_261, %rem3A_267 : vector<16xi32>
    %ne3A_269 = arith.constant 0 : i32
    %ne3A_270 = vector.broadcast %ne3A_269 : i32 to vector<16xi32>
    %ne3A_271 = arith.cmpi ne, %rem3A_268, %ne3A_270 : vector<16xi32>
    %lt3A_272 = arith.constant 0 : i32
    %lt3A_273 = vector.broadcast %lt3A_272 : i32 to vector<16xi32>
    %lt3A_274 = arith.cmpi slt, %rem3A_268, %lt3A_273 : vector<16xi32>
    %lt3A_275 = arith.constant 0 : i32
    %lt3A_276 = arith.cmpi slt, %select_n3A_266, %lt3A_275 : i32
    %ne3A_277 = vector.broadcast %lt3A_276 : i1 to vector<16xi1>
    %ne3A_278 = vector.broadcast %ne3A_277 : vector<16xi1> to vector<16xi1>
    %ne3A_279 = arith.xori %lt3A_274, %ne3A_278 : vector<16xi1>
    %and3A_280 = arith.andi %ne3A_279, %ne3A_271 : vector<16xi1>
    %add3A_281 = vector.broadcast %select_n3A_266 : i32 to vector<16xi32>
    %add3A_282 = arith.addi %rem3A_268, %add3A_281 : vector<16xi32>
    %select_n3A_283 = arith.select %and3A_280, %add3A_282, %rem3A_268 : vector<16xi1>, vector<16xi32>
    %broadcast_in_dim3A = arith.constant 0 : i32
    %broadcast_in_dim3A_284 = vector.broadcast %broadcast_in_dim3A : i32 to vector<16xi32>
    %broadcast_in_dim3A_285 = arith.constant 1 : i32
    %broadcast_in_dim3A_286 = vector.broadcast %broadcast_in_dim3A_285 : i32 to vector<16xi32>
    %scan3A = arith.constant 0 : i32
    %scan3A_287 = arith.constant 0 : i32
    %scan3A_288 = arith.constant 50 : i32
    %scan3A_289 = arith.addi %scan3A_287, %scan3A_288 : i32
    %scan3A_290 = arith.constant 1 : i32
    scf.for %scan3A_339 = %scan3A_287 to %scan3A_289 step %scan3A_290  : i32 {
      %mul3A_340 = arith.constant 2 : i32
      %mul3A_341 = arith.muli %scan3A_339, %mul3A_340 : i32
      %add3A_342 = arith.constant 0 : i32
      %add3A_343 = arith.addi %mul3A_341, %add3A_342 : i32
      %dma_wait3A_344 = arith.constant 0 : i32
      %dma_wait3A_345 = tpu.memref_slice %arg5[%add3A_343, %dma_wait3A_344] : memref<100x256xi32, #tpu.memory_space<vmem>> -> memref<1x256xi32, #tpu.memory_space<vmem>>
      %dma_wait3A_346 = tpu.memref_squeeze %dma_wait3A_345 : memref<1x256xi32, #tpu.memory_space<vmem>> -> memref<256xi32, #tpu.memory_space<vmem>>
      %dma_wait3A_347 = arith.constant 0 : i32
      %dma_wait3A_348 = arith.constant 0 : i32
      %dma_wait3A_349 = tpu.memref_slice %arg2[%dma_wait3A_347, %dma_wait3A_348] : memref<1000000x64xf32, #tpu.memory_space<hbm>> -> memref<1000000x64xf32, #tpu.memory_space<hbm>>
      tpu.wait_indirect_dma semaphore(%arg10 : memref<!tpu.dma_semaphore, #tpu.memory_space<semaphore_mem>>) src(%dma_wait3A_349 : memref<1000000x64xf32, #tpu.memory_space<hbm>>) dst(%arg6 : memref<256x64xf32, #tpu.memory_space<vmem>>)
      %ge3A = arith.constant 2 : i32
      %ge3A_350 = arith.cmpi sge, %add3A_343, %ge3A : i32
      %convert_element_type3A = arith.extui %ge3A_350 : i1 to i32
      %cond3A = arith.constant 0 : i32
      %cond3A_351 = arith.cmpi ne, %convert_element_type3A, %cond3A : i32
      scf.if %cond3A_351 {
        %add3A_451 = arith.addi %mul3A_32, %add3A_343 : i32
        %mul3A_452 = arith.constant 2 : i32
        %mul3A_453 = arith.muli %select_n3A_9, %mul3A_452 : i32
        %dma_wait3A_454 = arith.constant 0 : i32
        %dma_wait3A_455 = arith.constant 0 : i32
        %dma_wait3A_456 = arith.constant 0 : i32
        %dma_wait3A_457 = arith.constant 0 : i32
        %dma_wait3A_458 = tpu.memref_slice %arg8[%dma_wait3A_454, %dma_wait3A_455, %dma_wait3A_456, %dma_wait3A_457] : memref<8x2x8x129xf32, #tpu.memory_space<vmem>> -> memref<8x2x8x128xf32, #tpu.memory_space<vmem>>
        %dma_wait3A_459 = arith.constant 0 : i32
        %dma_wait3A_460 = arith.constant 0 : i32
        %dma_wait3A_461 = arith.constant 0 : i32
        %dma_wait3A_462 = tpu.memref_slice %arg4[%add3A_451, %dma_wait3A_459, %mul3A_453, %dma_wait3A_460, %dma_wait3A_461] : memref<200x8x32x8x128xf32, #tpu.memory_space<hbm>> -> memref<1x8x2x8x128xf32, #tpu.memory_space<hbm>>
        %dma_wait3A_463 = tpu.memref_squeeze %dma_wait3A_462 : memref<1x8x2x8x128xf32, #tpu.memory_space<hbm>> -> memref<8x2x8x128xf32, #tpu.memory_space<hbm>>
        %dma_wait3A_464 = arith.constant 0 : i32
        %dma_wait3A_465 = arith.constant 0 : i32
        %dma_wait3A_466 = arith.constant 0 : i32
        %dma_wait3A_467 = tpu.memref_slice %arg4[%add3A_451, %dma_wait3A_464, %mul3A_453, %dma_wait3A_465, %dma_wait3A_466] : memref<200x8x32x8x128xf32, #tpu.memory_space<hbm>> -> memref<1x8x2x8x128xf32, #tpu.memory_space<hbm>>
        %dma_wait3A_468 = tpu.memref_squeeze %dma_wait3A_467 : memref<1x8x2x8x128xf32, #tpu.memory_space<hbm>> -> memref<8x2x8x128xf32, #tpu.memory_space<hbm>>
        %dma_wait3A_469 = arith.constant 0 : i32
        %dma_wait3A_470 = arith.constant 0 : i32
        %dma_wait3A_471 = arith.constant 0 : i32
        %dma_wait3A_472 = arith.constant 0 : i32
        %dma_wait3A_473 = tpu.memref_slice %arg8[%dma_wait3A_469, %dma_wait3A_470, %dma_wait3A_471, %dma_wait3A_472] : memref<8x2x8x129xf32, #tpu.memory_space<vmem>> -> memref<8x2x8x128xf32, #tpu.memory_space<vmem>>
        tpu.wait_dma2 semaphore(%arg12 : memref<!tpu.dma_semaphore, #tpu.memory_space<semaphore_mem>>) src(%dma_wait3A_473 : memref<8x2x8x128xf32, #tpu.memory_space<vmem>>) dst(%dma_wait3A_468 : memref<8x2x8x128xf32, #tpu.memory_space<hbm>>)
      } else {
      }
      %scan3A_352 = arith.constant 0 : i32
      %scan3A_353 = arith.constant 0 : i32
      %scan3A_354 = arith.constant 16 : i32
      %scan3A_355 = arith.addi %scan3A_353, %scan3A_354 : i32
      %scan3A_356 = arith.constant 1 : i32
      scf.for %scan3A_451 = %scan3A_353 to %scan3A_355 step %scan3A_356  : i32 {
        %mul3A_452 = arith.constant 8 : i32
        %mul3A_453 = arith.muli %scan3A_451, %mul3A_452 : i32
        %broadcast_in_dim3A_454 = vector.broadcast %mul3A_453 : i32 to vector<16xi32>
        %add3A_455 = arith.constant 0 : i32
        %add3A_456 = arith.addi %add3A_455, %mul3A_453 : i32
        %add3A_457 = arith.constant 0 : i32
        %add3A_458 = arith.addi %add3A_456, %add3A_457 : i32
        %add3A_459 = arith.constant 0 : i32
        %add3A_460 = vector.broadcast %add3A_459 : i32 to vector<16xi32>
        %add3A_461 = arith.addi %broadcast_in_dim3A_454, %add3A_460 : vector<16xi32>
        %get3A = arith.index_cast %add3A_458 : i32 to index
        %get3A_462 = arith.constant 0 : index
        %get3A_463 = tpu.vector_load %arg6[%get3A, %get3A_462] {strides = array<i32>} : memref<256x64xf32, #tpu.memory_space<vmem>>, vector<16xf32>,
        %mul3A_464 = arith.constant 8.000000e+00 : f32
        %mul3A_465 = vector.broadcast %mul3A_464 : f32 to vector<16xf32>
        %mul3A_466 = arith.mulf %get3A_463, %mul3A_465 : vector<16xf32>
        tpu.vector_store_idx %arg8[%select_n3A_81, %broadcast_in_dim3A_284, %select_n3A_208, %add3A_461], %mul3A_466 : memref<8x2x8x129xf32, #tpu.memory_space<vmem>>[vector<16xi32>, vector<16xi32>, vector<16xi32>, vector<16xi32>], vector<16xf32>,
        %get3A_467 = arith.index_cast %add3A_458 : i32 to index
        %get3A_468 = arith.constant 16 : index
        %get3A_469 = tpu.vector_load %arg6[%get3A_467, %get3A_468] {strides = array<i32>} : memref<256x64xf32, #tpu.memory_space<vmem>>, vector<16xf32>,
        %mul3A_470 = arith.constant 8.000000e+00 : f32
        %mul3A_471 = vector.broadcast %mul3A_470 : f32 to vector<16xf32>
        %mul3A_472 = arith.mulf %get3A_469, %mul3A_471 : vector<16xf32>
        tpu.vector_store_idx %arg8[%select_n3A_115, %broadcast_in_dim3A_284, %select_n3A_233, %add3A_461], %mul3A_472 : memref<8x2x8x129xf32, #tpu.memory_space<vmem>>[vector<16xi32>, vector<16xi32>, vector<16xi32>, vector<16xi32>], vector<16xf32>,
        %get3A_473 = arith.index_cast %add3A_458 : i32 to index
        %get3A_474 = arith.constant 32 : index
        %get3A_475 = tpu.vector_load %arg6[%get3A_473, %get3A_474] {strides = array<i32>} : memref<256x64xf32, #tpu.memory_space<vmem>>, vector<16xf32>,
        %mul3A_476 = arith.constant 8.000000e+00 : f32
        %mul3A_477 = vector.broadcast %mul3A_476 : f32 to vector<16xf32>
        %mul3A_478 = arith.mulf %get3A_475, %mul3A_477 : vector<16xf32>
        tpu.vector_store_idx %arg8[%select_n3A_149, %broadcast_in_dim3A_284, %select_n3A_258, %add3A_461], %mul3A_478 : memref<8x2x8x129xf32, #tpu.memory_space<vmem>>[vector<16xi32>, vector<16xi32>, vector<16xi32>, vector<16xi32>], vector<16xf32>,
        %get3A_479 = arith.index_cast %add3A_458 : i32 to index
        %get3A_480 = arith.constant 48 : index
        %get3A_481 = tpu.vector_load %arg6[%get3A_479, %get3A_480] {strides = array<i32>} : memref<256x64xf32, #tpu.memory_space<vmem>>, vector<16xf32>,
        %mul3A_482 = arith.constant 8.000000e+00 : f32
        %mul3A_483 = vector.broadcast %mul3A_482 : f32 to vector<16xf32>
        %mul3A_484 = arith.mulf %get3A_481, %mul3A_483 : vector<16xf32>
        tpu.vector_store_idx %arg8[%select_n3A_183, %broadcast_in_dim3A_284, %select_n3A_283, %add3A_461], %mul3A_484 : memref<8x2x8x129xf32, #tpu.memory_space<vmem>>[vector<16xi32>, vector<16xi32>, vector<16xi32>, vector<16xi32>], vector<16xf32>,
        %add3A_485 = arith.constant 0 : i32
        %add3A_486 = arith.addi %add3A_485, %mul3A_453 : i32
        %add3A_487 = arith.constant 1 : i32
        %add3A_488 = arith.addi %add3A_486, %add3A_487 : i32
        %add3A_489 = arith.constant 1 : i32
        %add3A_490 = vector.broadcast %add3A_489 : i32 to vector<16xi32>
        %add3A_491 = arith.addi %broadcast_in_dim3A_454, %add3A_490 : vector<16xi32>
        %get3A_492 = arith.index_cast %add3A_488 : i32 to index
        %get3A_493 = arith.constant 0 : index
        %get3A_494 = tpu.vector_load %arg6[%get3A_492, %get3A_493] {strides = array<i32>} : memref<256x64xf32, #tpu.memory_space<vmem>>, vector<16xf32>,
        %mul3A_495 = arith.constant 8.000000e+00 : f32
        %mul3A_496 = vector.broadcast %mul3A_495 : f32 to vector<16xf32>
        %mul3A_497 = arith.mulf %get3A_494, %mul3A_496 : vector<16xf32>
        tpu.vector_store_idx %arg8[%select_n3A_81, %broadcast_in_dim3A_284, %select_n3A_208, %add3A_491], %mul3A_497 : memref<8x2x8x129xf32, #tpu.memory_space<vmem>>[vector<16xi32>, vector<16xi32>, vector<16xi32>, vector<16xi32>], vector<16xf32>,
        %get3A_498 = arith.index_cast %add3A_488 : i32 to index
        %get3A_499 = arith.constant 16 : index
        %get3A_500 = tpu.vector_load %arg6[%get3A_498, %get3A_499] {strides = array<i32>} : memref<256x64xf32, #tpu.memory_space<vmem>>, vector<16xf32>,
        %mul3A_501 = arith.constant 8.000000e+00 : f32
        %mul3A_502 = vector.broadcast %mul3A_501 : f32 to vector<16xf32>
        %mul3A_503 = arith.mulf %get3A_500, %mul3A_502 : vector<16xf32>
        tpu.vector_store_idx %arg8[%select_n3A_115, %broadcast_in_dim3A_284, %select_n3A_233, %add3A_491], %mul3A_503 : memref<8x2x8x129xf32, #tpu.memory_space<vmem>>[vector<16xi32>, vector<16xi32>, vector<16xi32>, vector<16xi32>], vector<16xf32>,
        %get3A_504 = arith.index_cast %add3A_488 : i32 to index
        %get3A_505 = arith.constant 32 : index
        %get3A_506 = tpu.vector_load %arg6[%get3A_504, %get3A_505] {strides = array<i32>} : memref<256x64xf32, #tpu.memory_space<vmem>>, vector<16xf32>,
        %mul3A_507 = arith.constant 8.000000e+00 : f32
        %mul3A_508 = vector.broadcast %mul3A_507 : f32 to vector<16xf32>
        %mul3A_509 = arith.mulf %get3A_506, %mul3A_508 : vector<16xf32>
        tpu.vector_store_idx %arg8[%select_n3A_149, %broadcast_in_dim3A_284, %select_n3A_258, %add3A_491], %mul3A_509 : memref<8x2x8x129xf32, #tpu.memory_space<vmem>>[vector<16xi32>, vector<16xi32>, vector<16xi32>, vector<16xi32>], vector<16xf32>,
        %get3A_510 = arith.index_cast %add3A_488 : i32 to index
        %get3A_511 = arith.constant 48 : index
        %get3A_512 = tpu.vector_load %arg6[%get3A_510, %get3A_511] {strides = array<i32>} : memref<256x64xf32, #tpu.memory_space<vmem>>, vector<16xf32>,
        %mul3A_513 = arith.constant 8.000000e+00 : f32
        %mul3A_514 = vector.broadcast %mul3A_513 : f32 to vector<16xf32>
        %mul3A_515 = arith.mulf %get3A_512, %mul3A_514 : vector<16xf32>
        tpu.vector_store_idx %arg8[%select_n3A_183, %broadcast_in_dim3A_284, %select_n3A_283, %add3A_491], %mul3A_515 : memref<8x2x8x129xf32, #tpu.memory_space<vmem>>[vector<16xi32>, vector<16xi32>, vector<16xi32>, vector<16xi32>], vector<16xf32>,
        %add3A_516 = arith.constant 0 : i32
        %add3A_517 = arith.addi %add3A_516, %mul3A_453 : i32
        %add3A_518 = arith.constant 2 : i32
        %add3A_519 = arith.addi %add3A_517, %add3A_518 : i32
        %add3A_520 = arith.constant 2 : i32
        %add3A_521 = vector.broadcast %add3A_520 : i32 to vector<16xi32>
        %add3A_522 = arith.addi %broadcast_in_dim3A_454, %add3A_521 : vector<16xi32>
        %get3A_523 = arith.index_cast %add3A_519 : i32 to index
        %get3A_524 = arith.constant 0 : index
        %get3A_525 = tpu.vector_load %arg6[%get3A_523, %get3A_524] {strides = array<i32>} : memref<256x64xf32, #tpu.memory_space<vmem>>, vector<16xf32>,
        %mul3A_526 = arith.constant 8.000000e+00 : f32
        %mul3A_527 = vector.broadcast %mul3A_526 : f32 to vector<16xf32>
        %mul3A_528 = arith.mulf %get3A_525, %mul3A_527 : vector<16xf32>
        tpu.vector_store_idx %arg8[%select_n3A_81, %broadcast_in_dim3A_284, %select_n3A_208, %add3A_522], %mul3A_528 : memref<8x2x8x129xf32, #tpu.memory_space<vmem>>[vector<16xi32>, vector<16xi32>, vector<16xi32>, vector<16xi32>], vector<16xf32>,
        %get3A_529 = arith.index_cast %add3A_519 : i32 to index
        %get3A_530 = arith.constant 16 : index
        %get3A_531 = tpu.vector_load %arg6[%get3A_529, %get3A_530] {strides = array<i32>} : memref<256x64xf32, #tpu.memory_space<vmem>>, vector<16xf32>,
        %mul3A_532 = arith.constant 8.000000e+00 : f32
        %mul3A_533 = vector.broadcast %mul3A_532 : f32 to vector<16xf32>
        %mul3A_534 = arith.mulf %get3A_531, %mul3A_533 : vector<16xf32>
        tpu.vector_store_idx %arg8[%select_n3A_115, %broadcast_in_dim3A_284, %select_n3A_233, %add3A_522], %mul3A_534 : memref<8x2x8x129xf32, #tpu.memory_space<vmem>>[vector<16xi32>, vector<16xi32>, vector<16xi32>, vector<16xi32>], vector<16xf32>,
        %get3A_535 = arith.index_cast %add3A_519 : i32 to index
        %get3A_536 = arith.constant 32 : index
        %get3A_537 = tpu.vector_load %arg6[%get3A_535, %get3A_536] {strides = array<i32>} : memref<256x64xf32, #tpu.memory_space<vmem>>, vector<16xf32>,
        %mul3A_538 = arith.constant 8.000000e+00 : f32
        %mul3A_539 = vector.broadcast %mul3A_538 : f32 to vector<16xf32>
        %mul3A_540 = arith.mulf %get3A_537, %mul3A_539 : vector<16xf32>
        tpu.vector_store_idx %arg8[%select_n3A_149, %broadcast_in_dim3A_284, %select_n3A_258, %add3A_522], %mul3A_540 : memref<8x2x8x129xf32, #tpu.memory_space<vmem>>[vector<16xi32>, vector<16xi32>, vector<16xi32>, vector<16xi32>], vector<16xf32>,
        %get3A_541 = arith.index_cast %add3A_519 : i32 to index
        %get3A_542 = arith.constant 48 : index
        %get3A_543 = tpu.vector_load %arg6[%get3A_541, %get3A_542] {strides = array<i32>} : memref<256x64xf32, #tpu.memory_space<vmem>>, vector<16xf32>,
        %mul3A_544 = arith.constant 8.000000e+00 : f32
        %mul3A_545 = vector.broadcast %mul3A_544 : f32 to vector<16xf32>
        %mul3A_546 = arith.mulf %get3A_543, %mul3A_545 : vector<16xf32>
        tpu.vector_store_idx %arg8[%select_n3A_183, %broadcast_in_dim3A_284, %select_n3A_283, %add3A_522], %mul3A_546 : memref<8x2x8x129xf32, #tpu.memory_space<vmem>>[vector<16xi32>, vector<16xi32>, vector<16xi32>, vector<16xi32>], vector<16xf32>,
        %add3A_547 = arith.constant 0 : i32
        %add3A_548 = arith.addi %add3A_547, %mul3A_453 : i32
        %add3A_549 = arith.constant 3 : i32
        %add3A_550 = arith.addi %add3A_548, %add3A_549 : i32
        %add3A_551 = arith.constant 3 : i32
        %add3A_552 = vector.broadcast %add3A_551 : i32 to vector<16xi32>
        %add3A_553 = arith.addi %broadcast_in_dim3A_454, %add3A_552 : vector<16xi32>
        %get3A_554 = arith.index_cast %add3A_550 : i32 to index
        %get3A_555 = arith.constant 0 : index
        %get3A_556 = tpu.vector_load %arg6[%get3A_554, %get3A_555] {strides = array<i32>} : memref<256x64xf32, #tpu.memory_space<vmem>>, vector<16xf32>,
        %mul3A_557 = arith.constant 8.000000e+00 : f32
        %mul3A_558 = vector.broadcast %mul3A_557 : f32 to vector<16xf32>
        %mul3A_559 = arith.mulf %get3A_556, %mul3A_558 : vector<16xf32>
        tpu.vector_store_idx %arg8[%select_n3A_81, %broadcast_in_dim3A_284, %select_n3A_208, %add3A_553], %mul3A_559 : memref<8x2x8x129xf32, #tpu.memory_space<vmem>>[vector<16xi32>, vector<16xi32>, vector<16xi32>, vector<16xi32>], vector<16xf32>,
        %get3A_560 = arith.index_cast %add3A_550 : i32 to index
        %get3A_561 = arith.constant 16 : index
        %get3A_562 = tpu.vector_load %arg6[%get3A_560, %get3A_561] {strides = array<i32>} : memref<256x64xf32, #tpu.memory_space<vmem>>, vector<16xf32>,
        %mul3A_563 = arith.constant 8.000000e+00 : f32
        %mul3A_564 = vector.broadcast %mul3A_563 : f32 to vector<16xf32>
        %mul3A_565 = arith.mulf %get3A_562, %mul3A_564 : vector<16xf32>
        tpu.vector_store_idx %arg8[%select_n3A_115, %broadcast_in_dim3A_284, %select_n3A_233, %add3A_553], %mul3A_565 : memref<8x2x8x129xf32, #tpu.memory_space<vmem>>[vector<16xi32>, vector<16xi32>, vector<16xi32>, vector<16xi32>], vector<16xf32>,
        %get3A_566 = arith.index_cast %add3A_550 : i32 to index
        %get3A_567 = arith.constant 32 : index
        %get3A_568 = tpu.vector_load %arg6[%get3A_566, %get3A_567] {strides = array<i32>} : memref<256x64xf32, #tpu.memory_space<vmem>>, vector<16xf32>,
        %mul3A_569 = arith.constant 8.000000e+00 : f32
        %mul3A_570 = vector.broadcast %mul3A_569 : f32 to vector<16xf32>
        %mul3A_571 = arith.mulf %get3A_568, %mul3A_570 : vector<16xf32>
        tpu.vector_store_idx %arg8[%select_n3A_149, %broadcast_in_dim3A_284, %select_n3A_258, %add3A_553], %mul3A_571 : memref<8x2x8x129xf32, #tpu.memory_space<vmem>>[vector<16xi32>, vector<16xi32>, vector<16xi32>, vector<16xi32>], vector<16xf32>,
        %get3A_572 = arith.index_cast %add3A_550 : i32 to index
        %get3A_573 = arith.constant 48 : index
        %get3A_574 = tpu.vector_load %arg6[%get3A_572, %get3A_573] {strides = array<i32>} : memref<256x64xf32, #tpu.memory_space<vmem>>, vector<16xf32>,
        %mul3A_575 = arith.constant 8.000000e+00 : f32
        %mul3A_576 = vector.broadcast %mul3A_575 : f32 to vector<16xf32>
        %mul3A_577 = arith.mulf %get3A_574, %mul3A_576 : vector<16xf32>
        tpu.vector_store_idx %arg8[%select_n3A_183, %broadcast_in_dim3A_284, %select_n3A_283, %add3A_553], %mul3A_577 : memref<8x2x8x129xf32, #tpu.memory_space<vmem>>[vector<16xi32>, vector<16xi32>, vector<16xi32>, vector<16xi32>], vector<16xf32>,
        %add3A_578 = arith.constant 0 : i32
        %add3A_579 = arith.addi %add3A_578, %mul3A_453 : i32
        %add3A_580 = arith.constant 4 : i32
        %add3A_581 = arith.addi %add3A_579, %add3A_580 : i32
        %add3A_582 = arith.constant 4 : i32
        %add3A_583 = vector.broadcast %add3A_582 : i32 to vector<16xi32>
        %add3A_584 = arith.addi %broadcast_in_dim3A_454, %add3A_583 : vector<16xi32>
        %get3A_585 = arith.index_cast %add3A_581 : i32 to index
        %get3A_586 = arith.constant 0 : index
        %get3A_587 = tpu.vector_load %arg6[%get3A_585, %get3A_586] {strides = array<i32>} : memref<256x64xf32, #tpu.memory_space<vmem>>, vector<16xf32>,
        %mul3A_588 = arith.constant 8.000000e+00 : f32
        %mul3A_589 = vector.broadcast %mul3A_588 : f32 to vector<16xf32>
        %mul3A_590 = arith.mulf %get3A_587, %mul3A_589 : vector<16xf32>
        tpu.vector_store_idx %arg8[%select_n3A_81, %broadcast_in_dim3A_284, %select_n3A_208, %add3A_584], %mul3A_590 : memref<8x2x8x129xf32, #tpu.memory_space<vmem>>[vector<16xi32>, vector<16xi32>, vector<16xi32>, vector<16xi32>], vector<16xf32>,
        %get3A_591 = arith.index_cast %add3A_581 : i32 to index
        %get3A_592 = arith.constant 16 : index
        %get3A_593 = tpu.vector_load %arg6[%get3A_591, %get3A_592] {strides = array<i32>} : memref<256x64xf32, #tpu.memory_space<vmem>>, vector<16xf32>,
        %mul3A_594 = arith.constant 8.000000e+00 : f32
        %mul3A_595 = vector.broadcast %mul3A_594 : f32 to vector<16xf32>
        %mul3A_596 = arith.mulf %get3A_593, %mul3A_595 : vector<16xf32>
        tpu.vector_store_idx %arg8[%select_n3A_115, %broadcast_in_dim3A_284, %select_n3A_233, %add3A_584], %mul3A_596 : memref<8x2x8x129xf32, #tpu.memory_space<vmem>>[vector<16xi32>, vector<16xi32>, vector<16xi32>, vector<16xi32>], vector<16xf32>,
        %get3A_597 = arith.index_cast %add3A_581 : i32 to index
        %get3A_598 = arith.constant 32 : index
        %get3A_599 = tpu.vector_load %arg6[%get3A_597, %get3A_598] {strides = array<i32>} : memref<256x64xf32, #tpu.memory_space<vmem>>, vector<16xf32>,
        %mul3A_600 = arith.constant 8.000000e+00 : f32
        %mul3A_601 = vector.broadcast %mul3A_600 : f32 to vector<16xf32>
        %mul3A_602 = arith.mulf %get3A_599, %mul3A_601 : vector<16xf32>
        tpu.vector_store_idx %arg8[%select_n3A_149, %broadcast_in_dim3A_284, %select_n3A_258, %add3A_584], %mul3A_602 : memref<8x2x8x129xf32, #tpu.memory_space<vmem>>[vector<16xi32>, vector<16xi32>, vector<16xi32>, vector<16xi32>], vector<16xf32>,
        %get3A_603 = arith.index_cast %add3A_581 : i32 to index
        %get3A_604 = arith.constant 48 : index
        %get3A_605 = tpu.vector_load %arg6[%get3A_603, %get3A_604] {strides = array<i32>} : memref<256x64xf32, #tpu.memory_space<vmem>>, vector<16xf32>,
        %mul3A_606 = arith.constant 8.000000e+00 : f32
        %mul3A_607 = vector.broadcast %mul3A_606 : f32 to vector<16xf32>
        %mul3A_608 = arith.mulf %get3A_605, %mul3A_607 : vector<16xf32>
        tpu.vector_store_idx %arg8[%select_n3A_183, %broadcast_in_dim3A_284, %select_n3A_283, %add3A_584], %mul3A_608 : memref<8x2x8x129xf32, #tpu.memory_space<vmem>>[vector<16xi32>, vector<16xi32>, vector<16xi32>, vector<16xi32>], vector<16xf32>,
        %add3A_609 = arith.constant 0 : i32
        %add3A_610 = arith.addi %add3A_609, %mul3A_453 : i32
        %add3A_611 = arith.constant 5 : i32
        %add3A_612 = arith.addi %add3A_610, %add3A_611 : i32
        %add3A_613 = arith.constant 5 : i32
        %add3A_614 = vector.broadcast %add3A_613 : i32 to vector<16xi32>
        %add3A_615 = arith.addi %broadcast_in_dim3A_454, %add3A_614 : vector<16xi32>
        %get3A_616 = arith.index_cast %add3A_612 : i32 to index
        %get3A_617 = arith.constant 0 : index
        %get3A_618 = tpu.vector_load %arg6[%get3A_616, %get3A_617] {strides = array<i32>} : memref<256x64xf32, #tpu.memory_space<vmem>>, vector<16xf32>,
        %mul3A_619 = arith.constant 8.000000e+00 : f32
        %mul3A_620 = vector.broadcast %mul3A_619 : f32 to vector<16xf32>
        %mul3A_621 = arith.mulf %get3A_618, %mul3A_620 : vector<16xf32>
        tpu.vector_store_idx %arg8[%select_n3A_81, %broadcast_in_dim3A_284, %select_n3A_208, %add3A_615], %mul3A_621 : memref<8x2x8x129xf32, #tpu.memory_space<vmem>>[vector<16xi32>, vector<16xi32>, vector<16xi32>, vector<16xi32>], vector<16xf32>,
        %get3A_622 = arith.index_cast %add3A_612 : i32 to index
        %get3A_623 = arith.constant 16 : index
        %get3A_624 = tpu.vector_load %arg6[%get3A_622, %get3A_623] {strides = array<i32>} : memref<256x64xf32, #tpu.memory_space<vmem>>, vector<16xf32>,
        %mul3A_625 = arith.constant 8.000000e+00 : f32
        %mul3A_626 = vector.broadcast %mul3A_625 : f32 to vector<16xf32>
        %mul3A_627 = arith.mulf %get3A_624, %mul3A_626 : vector<16xf32>
        tpu.vector_store_idx %arg8[%select_n3A_115, %broadcast_in_dim3A_284, %select_n3A_233, %add3A_615], %mul3A_627 : memref<8x2x8x129xf32, #tpu.memory_space<vmem>>[vector<16xi32>, vector<16xi32>, vector<16xi32>, vector<16xi32>], vector<16xf32>,
        %get3A_628 = arith.index_cast %add3A_612 : i32 to index
        %get3A_629 = arith.constant 32 : index
        %get3A_630 = tpu.vector_load %arg6[%get3A_628, %get3A_629] {strides = array<i32>} : memref<256x64xf32, #tpu.memory_space<vmem>>, vector<16xf32>,
        %mul3A_631 = arith.constant 8.000000e+00 : f32
        %mul3A_632 = vector.broadcast %mul3A_631 : f32 to vector<16xf32>
        %mul3A_633 = arith.mulf %get3A_630, %mul3A_632 : vector<16xf32>
        tpu.vector_store_idx %arg8[%select_n3A_149, %broadcast_in_dim3A_284, %select_n3A_258, %add3A_615], %mul3A_633 : memref<8x2x8x129xf32, #tpu.memory_space<vmem>>[vector<16xi32>, vector<16xi32>, vector<16xi32>, vector<16xi32>], vector<16xf32>,
        %get3A_634 = arith.index_cast %add3A_612 : i32 to index
        %get3A_635 = arith.constant 48 : index
        %get3A_636 = tpu.vector_load %arg6[%get3A_634, %get3A_635] {strides = array<i32>} : memref<256x64xf32, #tpu.memory_space<vmem>>, vector<16xf32>,
        %mul3A_637 = arith.constant 8.000000e+00 : f32
        %mul3A_638 = vector.broadcast %mul3A_637 : f32 to vector<16xf32>
        %mul3A_639 = arith.mulf %get3A_636, %mul3A_638 : vector<16xf32>
        tpu.vector_store_idx %arg8[%select_n3A_183, %broadcast_in_dim3A_284, %select_n3A_283, %add3A_615], %mul3A_639 : memref<8x2x8x129xf32, #tpu.memory_space<vmem>>[vector<16xi32>, vector<16xi32>, vector<16xi32>, vector<16xi32>], vector<16xf32>,
        %add3A_640 = arith.constant 0 : i32
        %add3A_641 = arith.addi %add3A_640, %mul3A_453 : i32
        %add3A_642 = arith.constant 6 : i32
        %add3A_643 = arith.addi %add3A_641, %add3A_642 : i32
        %add3A_644 = arith.constant 6 : i32
        %add3A_645 = vector.broadcast %add3A_644 : i32 to vector<16xi32>
        %add3A_646 = arith.addi %broadcast_in_dim3A_454, %add3A_645 : vector<16xi32>
        %get3A_647 = arith.index_cast %add3A_643 : i32 to index
        %get3A_648 = arith.constant 0 : index
        %get3A_649 = tpu.vector_load %arg6[%get3A_647, %get3A_648] {strides = array<i32>} : memref<256x64xf32, #tpu.memory_space<vmem>>, vector<16xf32>,
        %mul3A_650 = arith.constant 8.000000e+00 : f32
        %mul3A_651 = vector.broadcast %mul3A_650 : f32 to vector<16xf32>
        %mul3A_652 = arith.mulf %get3A_649, %mul3A_651 : vector<16xf32>
        tpu.vector_store_idx %arg8[%select_n3A_81, %broadcast_in_dim3A_284, %select_n3A_208, %add3A_646], %mul3A_652 : memref<8x2x8x129xf32, #tpu.memory_space<vmem>>[vector<16xi32>, vector<16xi32>, vector<16xi32>, vector<16xi32>], vector<16xf32>,
        %get3A_653 = arith.index_cast %add3A_643 : i32 to index
        %get3A_654 = arith.constant 16 : index
        %get3A_655 = tpu.vector_load %arg6[%get3A_653, %get3A_654] {strides = array<i32>} : memref<256x64xf32, #tpu.memory_space<vmem>>, vector<16xf32>,
        %mul3A_656 = arith.constant 8.000000e+00 : f32
        %mul3A_657 = vector.broadcast %mul3A_656 : f32 to vector<16xf32>
        %mul3A_658 = arith.mulf %get3A_655, %mul3A_657 : vector<16xf32>
        tpu.vector_store_idx %arg8[%select_n3A_115, %broadcast_in_dim3A_284, %select_n3A_233, %add3A_646], %mul3A_658 : memref<8x2x8x129xf32, #tpu.memory_space<vmem>>[vector<16xi32>, vector<16xi32>, vector<16xi32>, vector<16xi32>], vector<16xf32>,
        %get3A_659 = arith.index_cast %add3A_643 : i32 to index
        %get3A_660 = arith.constant 32 : index
        %get3A_661 = tpu.vector_load %arg6[%get3A_659, %get3A_660] {strides = array<i32>} : memref<256x64xf32, #tpu.memory_space<vmem>>, vector<16xf32>,
        %mul3A_662 = arith.constant 8.000000e+00 : f32
        %mul3A_663 = vector.broadcast %mul3A_662 : f32 to vector<16xf32>
        %mul3A_664 = arith.mulf %get3A_661, %mul3A_663 : vector<16xf32>
        tpu.vector_store_idx %arg8[%select_n3A_149, %broadcast_in_dim3A_284, %select_n3A_258, %add3A_646], %mul3A_664 : memref<8x2x8x129xf32, #tpu.memory_space<vmem>>[vector<16xi32>, vector<16xi32>, vector<16xi32>, vector<16xi32>], vector<16xf32>,
        %get3A_665 = arith.index_cast %add3A_643 : i32 to index
        %get3A_666 = arith.constant 48 : index
        %get3A_667 = tpu.vector_load %arg6[%get3A_665, %get3A_666] {strides = array<i32>} : memref<256x64xf32, #tpu.memory_space<vmem>>, vector<16xf32>,
        %mul3A_668 = arith.constant 8.000000e+00 : f32
        %mul3A_669 = vector.broadcast %mul3A_668 : f32 to vector<16xf32>
        %mul3A_670 = arith.mulf %get3A_667, %mul3A_669 : vector<16xf32>
        tpu.vector_store_idx %arg8[%select_n3A_183, %broadcast_in_dim3A_284, %select_n3A_283, %add3A_646], %mul3A_670 : memref<8x2x8x129xf32, #tpu.memory_space<vmem>>[vector<16xi32>, vector<16xi32>, vector<16xi32>, vector<16xi32>], vector<16xf32>,
        %add3A_671 = arith.constant 0 : i32
        %add3A_672 = arith.addi %add3A_671, %mul3A_453 : i32
        %add3A_673 = arith.constant 7 : i32
        %add3A_674 = arith.addi %add3A_672, %add3A_673 : i32
        %add3A_675 = arith.constant 7 : i32
        %add3A_676 = vector.broadcast %add3A_675 : i32 to vector<16xi32>
        %add3A_677 = arith.addi %broadcast_in_dim3A_454, %add3A_676 : vector<16xi32>
        %get3A_678 = arith.index_cast %add3A_674 : i32 to index
        %get3A_679 = arith.constant 0 : index
        %get3A_680 = tpu.vector_load %arg6[%get3A_678, %get3A_679] {strides = array<i32>} : memref<256x64xf32, #tpu.memory_space<vmem>>, vector<16xf32>,
        %mul3A_681 = arith.constant 8.000000e+00 : f32
        %mul3A_682 = vector.broadcast %mul3A_681 : f32 to vector<16xf32>
        %mul3A_683 = arith.mulf %get3A_680, %mul3A_682 : vector<16xf32>
        tpu.vector_store_idx %arg8[%select_n3A_81, %broadcast_in_dim3A_284, %select_n3A_208, %add3A_677], %mul3A_683 : memref<8x2x8x129xf32, #tpu.memory_space<vmem>>[vector<16xi32>, vector<16xi32>, vector<16xi32>, vector<16xi32>], vector<16xf32>,
        %get3A_684 = arith.index_cast %add3A_674 : i32 to index
        %get3A_685 = arith.constant 16 : index
        %get3A_686 = tpu.vector_load %arg6[%get3A_684, %get3A_685] {strides = array<i32>} : memref<256x64xf32, #tpu.memory_space<vmem>>, vector<16xf32>,
        %mul3A_687 = arith.constant 8.000000e+00 : f32
        %mul3A_688 = vector.broadcast %mul3A_687 : f32 to vector<16xf32>
        %mul3A_689 = arith.mulf %get3A_686, %mul3A_688 : vector<16xf32>
        tpu.vector_store_idx %arg8[%select_n3A_115, %broadcast_in_dim3A_284, %select_n3A_233, %add3A_677], %mul3A_689 : memref<8x2x8x129xf32, #tpu.memory_space<vmem>>[vector<16xi32>, vector<16xi32>, vector<16xi32>, vector<16xi32>], vector<16xf32>,
        %get3A_690 = arith.index_cast %add3A_674 : i32 to index
        %get3A_691 = arith.constant 32 : index
        %get3A_692 = tpu.vector_load %arg6[%get3A_690, %get3A_691] {strides = array<i32>} : memref<256x64xf32, #tpu.memory_space<vmem>>, vector<16xf32>,
        %mul3A_693 = arith.constant 8.000000e+00 : f32
        %mul3A_694 = vector.broadcast %mul3A_693 : f32 to vector<16xf32>
        %mul3A_695 = arith.mulf %get3A_692, %mul3A_694 : vector<16xf32>
        tpu.vector_store_idx %arg8[%select_n3A_149, %broadcast_in_dim3A_284, %select_n3A_258, %add3A_677], %mul3A_695 : memref<8x2x8x129xf32, #tpu.memory_space<vmem>>[vector<16xi32>, vector<16xi32>, vector<16xi32>, vector<16xi32>], vector<16xf32>,
        %get3A_696 = arith.index_cast %add3A_674 : i32 to index
        %get3A_697 = arith.constant 48 : index
        %get3A_698 = tpu.vector_load %arg6[%get3A_696, %get3A_697] {strides = array<i32>} : memref<256x64xf32, #tpu.memory_space<vmem>>, vector<16xf32>,
        %mul3A_699 = arith.constant 8.000000e+00 : f32
        %mul3A_700 = vector.broadcast %mul3A_699 : f32 to vector<16xf32>
        %mul3A_701 = arith.mulf %get3A_698, %mul3A_700 : vector<16xf32>
        tpu.vector_store_idx %arg8[%select_n3A_183, %broadcast_in_dim3A_284, %select_n3A_283, %add3A_677], %mul3A_701 : memref<8x2x8x129xf32, #tpu.memory_space<vmem>>[vector<16xi32>, vector<16xi32>, vector<16xi32>, vector<16xi32>], vector<16xf32>,
      }
      %scan3A_357 = arith.constant 16 : i32
      %scan3A_358 = arith.constant 0 : i32
      %scan3A_359 = arith.constant 0 : i32
      %scan3A_360 = arith.constant 16 : i32
      %scan3A_361 = arith.addi %scan3A_359, %scan3A_360 : i32
      %scan3A_362 = arith.constant 1 : i32
      scf.for %scan3A_451 = %scan3A_359 to %scan3A_361 step %scan3A_362  : i32 {
        %mul3A_452 = arith.constant 8 : i32
        %mul3A_453 = arith.muli %scan3A_451, %mul3A_452 : i32
        %broadcast_in_dim3A_454 = vector.broadcast %mul3A_453 : i32 to vector<16xi32>
        %add3A_455 = arith.constant 128 : i32
        %add3A_456 = arith.addi %add3A_455, %mul3A_453 : i32
        %add3A_457 = arith.constant 0 : i32
        %add3A_458 = arith.addi %add3A_456, %add3A_457 : i32
        %add3A_459 = arith.constant 0 : i32
        %add3A_460 = vector.broadcast %add3A_459 : i32 to vector<16xi32>
        %add3A_461 = arith.addi %broadcast_in_dim3A_454, %add3A_460 : vector<16xi32>
        %get3A = arith.index_cast %add3A_458 : i32 to index
        %get3A_462 = arith.constant 0 : index
        %get3A_463 = tpu.vector_load %arg6[%get3A, %get3A_462] {strides = array<i32>} : memref<256x64xf32, #tpu.memory_space<vmem>>, vector<16xf32>,
        %mul3A_464 = arith.constant 8.000000e+00 : f32
        %mul3A_465 = vector.broadcast %mul3A_464 : f32 to vector<16xf32>
        %mul3A_466 = arith.mulf %get3A_463, %mul3A_465 : vector<16xf32>
        tpu.vector_store_idx %arg8[%select_n3A_81, %broadcast_in_dim3A_286, %select_n3A_208, %add3A_461], %mul3A_466 : memref<8x2x8x129xf32, #tpu.memory_space<vmem>>[vector<16xi32>, vector<16xi32>, vector<16xi32>, vector<16xi32>], vector<16xf32>,
        %get3A_467 = arith.index_cast %add3A_458 : i32 to index
        %get3A_468 = arith.constant 16 : index
        %get3A_469 = tpu.vector_load %arg6[%get3A_467, %get3A_468] {strides = array<i32>} : memref<256x64xf32, #tpu.memory_space<vmem>>, vector<16xf32>,
        %mul3A_470 = arith.constant 8.000000e+00 : f32
        %mul3A_471 = vector.broadcast %mul3A_470 : f32 to vector<16xf32>
        %mul3A_472 = arith.mulf %get3A_469, %mul3A_471 : vector<16xf32>
        tpu.vector_store_idx %arg8[%select_n3A_115, %broadcast_in_dim3A_286, %select_n3A_233, %add3A_461], %mul3A_472 : memref<8x2x8x129xf32, #tpu.memory_space<vmem>>[vector<16xi32>, vector<16xi32>, vector<16xi32>, vector<16xi32>], vector<16xf32>,
        %get3A_473 = arith.index_cast %add3A_458 : i32 to index
        %get3A_474 = arith.constant 32 : index
        %get3A_475 = tpu.vector_load %arg6[%get3A_473, %get3A_474] {strides = array<i32>} : memref<256x64xf32, #tpu.memory_space<vmem>>, vector<16xf32>,
        %mul3A_476 = arith.constant 8.000000e+00 : f32
        %mul3A_477 = vector.broadcast %mul3A_476 : f32 to vector<16xf32>
        %mul3A_478 = arith.mulf %get3A_475, %mul3A_477 : vector<16xf32>
        tpu.vector_store_idx %arg8[%select_n3A_149, %broadcast_in_dim3A_286, %select_n3A_258, %add3A_461], %mul3A_478 : memref<8x2x8x129xf32, #tpu.memory_space<vmem>>[vector<16xi32>, vector<16xi32>, vector<16xi32>, vector<16xi32>], vector<16xf32>,
        %get3A_479 = arith.index_cast %add3A_458 : i32 to index
        %get3A_480 = arith.constant 48 : index
        %get3A_481 = tpu.vector_load %arg6[%get3A_479, %get3A_480] {strides = array<i32>} : memref<256x64xf32, #tpu.memory_space<vmem>>, vector<16xf32>,
        %mul3A_482 = arith.constant 8.000000e+00 : f32
        %mul3A_483 = vector.broadcast %mul3A_482 : f32 to vector<16xf32>
        %mul3A_484 = arith.mulf %get3A_481, %mul3A_483 : vector<16xf32>
        tpu.vector_store_idx %arg8[%select_n3A_183, %broadcast_in_dim3A_286, %select_n3A_283, %add3A_461], %mul3A_484 : memref<8x2x8x129xf32, #tpu.memory_space<vmem>>[vector<16xi32>, vector<16xi32>, vector<16xi32>, vector<16xi32>], vector<16xf32>,
        %add3A_485 = arith.constant 128 : i32
        %add3A_486 = arith.addi %add3A_485, %mul3A_453 : i32
        %add3A_487 = arith.constant 1 : i32
        %add3A_488 = arith.addi %add3A_486, %add3A_487 : i32
        %add3A_489 = arith.constant 1 : i32
        %add3A_490 = vector.broadcast %add3A_489 : i32 to vector<16xi32>
        %add3A_491 = arith.addi %broadcast_in_dim3A_454, %add3A_490 : vector<16xi32>
        %get3A_492 = arith.index_cast %add3A_488 : i32 to index
        %get3A_493 = arith.constant 0 : index
        %get3A_494 = tpu.vector_load %arg6[%get3A_492, %get3A_493] {strides = array<i32>} : memref<256x64xf32, #tpu.memory_space<vmem>>, vector<16xf32>,
        %mul3A_495 = arith.constant 8.000000e+00 : f32
        %mul3A_496 = vector.broadcast %mul3A_495 : f32 to vector<16xf32>
        %mul3A_497 = arith.mulf %get3A_494, %mul3A_496 : vector<16xf32>
        tpu.vector_store_idx %arg8[%select_n3A_81, %broadcast_in_dim3A_286, %select_n3A_208, %add3A_491], %mul3A_497 : memref<8x2x8x129xf32, #tpu.memory_space<vmem>>[vector<16xi32>, vector<16xi32>, vector<16xi32>, vector<16xi32>], vector<16xf32>,
        %get3A_498 = arith.index_cast %add3A_488 : i32 to index
        %get3A_499 = arith.constant 16 : index
        %get3A_500 = tpu.vector_load %arg6[%get3A_498, %get3A_499] {strides = array<i32>} : memref<256x64xf32, #tpu.memory_space<vmem>>, vector<16xf32>,
        %mul3A_501 = arith.constant 8.000000e+00 : f32
        %mul3A_502 = vector.broadcast %mul3A_501 : f32 to vector<16xf32>
        %mul3A_503 = arith.mulf %get3A_500, %mul3A_502 : vector<16xf32>
        tpu.vector_store_idx %arg8[%select_n3A_115, %broadcast_in_dim3A_286, %select_n3A_233, %add3A_491], %mul3A_503 : memref<8x2x8x129xf32, #tpu.memory_space<vmem>>[vector<16xi32>, vector<16xi32>, vector<16xi32>, vector<16xi32>], vector<16xf32>,
        %get3A_504 = arith.index_cast %add3A_488 : i32 to index
        %get3A_505 = arith.constant 32 : index
        %get3A_506 = tpu.vector_load %arg6[%get3A_504, %get3A_505] {strides = array<i32>} : memref<256x64xf32, #tpu.memory_space<vmem>>, vector<16xf32>,
        %mul3A_507 = arith.constant 8.000000e+00 : f32
        %mul3A_508 = vector.broadcast %mul3A_507 : f32 to vector<16xf32>
        %mul3A_509 = arith.mulf %get3A_506, %mul3A_508 : vector<16xf32>
        tpu.vector_store_idx %arg8[%select_n3A_149, %broadcast_in_dim3A_286, %select_n3A_258, %add3A_491], %mul3A_509 : memref<8x2x8x129xf32, #tpu.memory_space<vmem>>[vector<16xi32>, vector<16xi32>, vector<16xi32>, vector<16xi32>], vector<16xf32>,
        %get3A_510 = arith.index_cast %add3A_488 : i32 to index
        %get3A_511 = arith.constant 48 : index
        %get3A_512 = tpu.vector_load %arg6[%get3A_510, %get3A_511] {strides = array<i32>} : memref<256x64xf32, #tpu.memory_space<vmem>>, vector<16xf32>,
        %mul3A_513 = arith.constant 8.000000e+00 : f32
        %mul3A_514 = vector.broadcast %mul3A_513 : f32 to vector<16xf32>
        %mul3A_515 = arith.mulf %get3A_512, %mul3A_514 : vector<16xf32>
        tpu.vector_store_idx %arg8[%select_n3A_183, %broadcast_in_dim3A_286, %select_n3A_283, %add3A_491], %mul3A_515 : memref<8x2x8x129xf32, #tpu.memory_space<vmem>>[vector<16xi32>, vector<16xi32>, vector<16xi32>, vector<16xi32>], vector<16xf32>,
        %add3A_516 = arith.constant 128 : i32
        %add3A_517 = arith.addi %add3A_516, %mul3A_453 : i32
        %add3A_518 = arith.constant 2 : i32
        %add3A_519 = arith.addi %add3A_517, %add3A_518 : i32
        %add3A_520 = arith.constant 2 : i32
        %add3A_521 = vector.broadcast %add3A_520 : i32 to vector<16xi32>
        %add3A_522 = arith.addi %broadcast_in_dim3A_454, %add3A_521 : vector<16xi32>
        %get3A_523 = arith.index_cast %add3A_519 : i32 to index
        %get3A_524 = arith.constant 0 : index
        %get3A_525 = tpu.vector_load %arg6[%get3A_523, %get3A_524] {strides = array<i32>} : memref<256x64xf32, #tpu.memory_space<vmem>>, vector<16xf32>,
        %mul3A_526 = arith.constant 8.000000e+00 : f32
        %mul3A_527 = vector.broadcast %mul3A_526 : f32 to vector<16xf32>
        %mul3A_528 = arith.mulf %get3A_525, %mul3A_527 : vector<16xf32>
        tpu.vector_store_idx %arg8[%select_n3A_81, %broadcast_in_dim3A_286, %select_n3A_208, %add3A_522], %mul3A_528 : memref<8x2x8x129xf32, #tpu.memory_space<vmem>>[vector<16xi32>, vector<16xi32>, vector<16xi32>, vector<16xi32>], vector<16xf32>,
        %get3A_529 = arith.index_cast %add3A_519 : i32 to index
        %get3A_530 = arith.constant 16 : index
        %get3A_531 = tpu.vector_load %arg6[%get3A_529, %get3A_530] {strides = array<i32>} : memref<256x64xf32, #tpu.memory_space<vmem>>, vector<16xf32>,
        %mul3A_532 = arith.constant 8.000000e+00 : f32
        %mul3A_533 = vector.broadcast %mul3A_532 : f32 to vector<16xf32>
        %mul3A_534 = arith.mulf %get3A_531, %mul3A_533 : vector<16xf32>
        tpu.vector_store_idx %arg8[%select_n3A_115, %broadcast_in_dim3A_286, %select_n3A_233, %add3A_522], %mul3A_534 : memref<8x2x8x129xf32, #tpu.memory_space<vmem>>[vector<16xi32>, vector<16xi32>, vector<16xi32>, vector<16xi32>], vector<16xf32>,
        %get3A_535 = arith.index_cast %add3A_519 : i32 to index
        %get3A_536 = arith.constant 32 : index
        %get3A_537 = tpu.vector_load %arg6[%get3A_535, %get3A_536] {strides = array<i32>} : memref<256x64xf32, #tpu.memory_space<vmem>>, vector<16xf32>,
        %mul3A_538 = arith.constant 8.000000e+00 : f32
        %mul3A_539 = vector.broadcast %mul3A_538 : f32 to vector<16xf32>
        %mul3A_540 = arith.mulf %get3A_537, %mul3A_539 : vector<16xf32>
        tpu.vector_store_idx %arg8[%select_n3A_149, %broadcast_in_dim3A_286, %select_n3A_258, %add3A_522], %mul3A_540 : memref<8x2x8x129xf32, #tpu.memory_space<vmem>>[vector<16xi32>, vector<16xi32>, vector<16xi32>, vector<16xi32>], vector<16xf32>,
        %get3A_541 = arith.index_cast %add3A_519 : i32 to index
        %get3A_542 = arith.constant 48 : index
        %get3A_543 = tpu.vector_load %arg6[%get3A_541, %get3A_542] {strides = array<i32>} : memref<256x64xf32, #tpu.memory_space<vmem>>, vector<16xf32>,
        %mul3A_544 = arith.constant 8.000000e+00 : f32
        %mul3A_545 = vector.broadcast %mul3A_544 : f32 to vector<16xf32>
        %mul3A_546 = arith.mulf %get3A_543, %mul3A_545 : vector<16xf32>
        tpu.vector_store_idx %arg8[%select_n3A_183, %broadcast_in_dim3A_286, %select_n3A_283, %add3A_522], %mul3A_546 : memref<8x2x8x129xf32, #tpu.memory_space<vmem>>[vector<16xi32>, vector<16xi32>, vector<16xi32>, vector<16xi32>], vector<16xf32>,
        %add3A_547 = arith.constant 128 : i32
        %add3A_548 = arith.addi %add3A_547, %mul3A_453 : i32
        %add3A_549 = arith.constant 3 : i32
        %add3A_550 = arith.addi %add3A_548, %add3A_549 : i32
        %add3A_551 = arith.constant 3 : i32
        %add3A_552 = vector.broadcast %add3A_551 : i32 to vector<16xi32>
        %add3A_553 = arith.addi %broadcast_in_dim3A_454, %add3A_552 : vector<16xi32>
        %get3A_554 = arith.index_cast %add3A_550 : i32 to index
        %get3A_555 = arith.constant 0 : index
        %get3A_556 = tpu.vector_load %arg6[%get3A_554, %get3A_555] {strides = array<i32>} : memref<256x64xf32, #tpu.memory_space<vmem>>, vector<16xf32>,
        %mul3A_557 = arith.constant 8.000000e+00 : f32
        %mul3A_558 = vector.broadcast %mul3A_557 : f32 to vector<16xf32>
        %mul3A_559 = arith.mulf %get3A_556, %mul3A_558 : vector<16xf32>
        tpu.vector_store_idx %arg8[%select_n3A_81, %broadcast_in_dim3A_286, %select_n3A_208, %add3A_553], %mul3A_559 : memref<8x2x8x129xf32, #tpu.memory_space<vmem>>[vector<16xi32>, vector<16xi32>, vector<16xi32>, vector<16xi32>], vector<16xf32>,
        %get3A_560 = arith.index_cast %add3A_550 : i32 to index
        %get3A_561 = arith.constant 16 : index
        %get3A_562 = tpu.vector_load %arg6[%get3A_560, %get3A_561] {strides = array<i32>} : memref<256x64xf32, #tpu.memory_space<vmem>>, vector<16xf32>,
        %mul3A_563 = arith.constant 8.000000e+00 : f32
        %mul3A_564 = vector.broadcast %mul3A_563 : f32 to vector<16xf32>
        %mul3A_565 = arith.mulf %get3A_562, %mul3A_564 : vector<16xf32>
        tpu.vector_store_idx %arg8[%select_n3A_115, %broadcast_in_dim3A_286, %select_n3A_233, %add3A_553], %mul3A_565 : memref<8x2x8x129xf32, #tpu.memory_space<vmem>>[vector<16xi32>, vector<16xi32>, vector<16xi32>, vector<16xi32>], vector<16xf32>,
        %get3A_566 = arith.index_cast %add3A_550 : i32 to index
        %get3A_567 = arith.constant 32 : index
        %get3A_568 = tpu.vector_load %arg6[%get3A_566, %get3A_567] {strides = array<i32>} : memref<256x64xf32, #tpu.memory_space<vmem>>, vector<16xf32>,
        %mul3A_569 = arith.constant 8.000000e+00 : f32
        %mul3A_570 = vector.broadcast %mul3A_569 : f32 to vector<16xf32>
        %mul3A_571 = arith.mulf %get3A_568, %mul3A_570 : vector<16xf32>
        tpu.vector_store_idx %arg8[%select_n3A_149, %broadcast_in_dim3A_286, %select_n3A_258, %add3A_553], %mul3A_571 : memref<8x2x8x129xf32, #tpu.memory_space<vmem>>[vector<16xi32>, vector<16xi32>, vector<16xi32>, vector<16xi32>], vector<16xf32>,
        %get3A_572 = arith.index_cast %add3A_550 : i32 to index
        %get3A_573 = arith.constant 48 : index
        %get3A_574 = tpu.vector_load %arg6[%get3A_572, %get3A_573] {strides = array<i32>} : memref<256x64xf32, #tpu.memory_space<vmem>>, vector<16xf32>,
        %mul3A_575 = arith.constant 8.000000e+00 : f32
        %mul3A_576 = vector.broadcast %mul3A_575 : f32 to vector<16xf32>
        %mul3A_577 = arith.mulf %get3A_574, %mul3A_576 : vector<16xf32>
        tpu.vector_store_idx %arg8[%select_n3A_183, %broadcast_in_dim3A_286, %select_n3A_283, %add3A_553], %mul3A_577 : memref<8x2x8x129xf32, #tpu.memory_space<vmem>>[vector<16xi32>, vector<16xi32>, vector<16xi32>, vector<16xi32>], vector<16xf32>,
        %add3A_578 = arith.constant 128 : i32
        %add3A_579 = arith.addi %add3A_578, %mul3A_453 : i32
        %add3A_580 = arith.constant 4 : i32
        %add3A_581 = arith.addi %add3A_579, %add3A_580 : i32
        %add3A_582 = arith.constant 4 : i32
        %add3A_583 = vector.broadcast %add3A_582 : i32 to vector<16xi32>
        %add3A_584 = arith.addi %broadcast_in_dim3A_454, %add3A_583 : vector<16xi32>
        %get3A_585 = arith.index_cast %add3A_581 : i32 to index
        %get3A_586 = arith.constant 0 : index
        %get3A_587 = tpu.vector_load %arg6[%get3A_585, %get3A_586] {strides = array<i32>} : memref<256x64xf32, #tpu.memory_space<vmem>>, vector<16xf32>,
        %mul3A_588 = arith.constant 8.000000e+00 : f32
        %mul3A_589 = vector.broadcast %mul3A_588 : f32 to vector<16xf32>
        %mul3A_590 = arith.mulf %get3A_587, %mul3A_589 : vector<16xf32>
        tpu.vector_store_idx %arg8[%select_n3A_81, %broadcast_in_dim3A_286, %select_n3A_208, %add3A_584], %mul3A_590 : memref<8x2x8x129xf32, #tpu.memory_space<vmem>>[vector<16xi32>, vector<16xi32>, vector<16xi32>, vector<16xi32>], vector<16xf32>,
        %get3A_591 = arith.index_cast %add3A_581 : i32 to index
        %get3A_592 = arith.constant 16 : index
        %get3A_593 = tpu.vector_load %arg6[%get3A_591, %get3A_592] {strides = array<i32>} : memref<256x64xf32, #tpu.memory_space<vmem>>, vector<16xf32>,
        %mul3A_594 = arith.constant 8.000000e+00 : f32
        %mul3A_595 = vector.broadcast %mul3A_594 : f32 to vector<16xf32>
        %mul3A_596 = arith.mulf %get3A_593, %mul3A_595 : vector<16xf32>
        tpu.vector_store_idx %arg8[%select_n3A_115, %broadcast_in_dim3A_286, %select_n3A_233, %add3A_584], %mul3A_596 : memref<8x2x8x129xf32, #tpu.memory_space<vmem>>[vector<16xi32>, vector<16xi32>, vector<16xi32>, vector<16xi32>], vector<16xf32>,
        %get3A_597 = arith.index_cast %add3A_581 : i32 to index
        %get3A_598 = arith.constant 32 : index
        %get3A_599 = tpu.vector_load %arg6[%get3A_597, %get3A_598] {strides = array<i32>} : memref<256x64xf32, #tpu.memory_space<vmem>>, vector<16xf32>,
        %mul3A_600 = arith.constant 8.000000e+00 : f32
        %mul3A_601 = vector.broadcast %mul3A_600 : f32 to vector<16xf32>
        %mul3A_602 = arith.mulf %get3A_599, %mul3A_601 : vector<16xf32>
        tpu.vector_store_idx %arg8[%select_n3A_149, %broadcast_in_dim3A_286, %select_n3A_258, %add3A_584], %mul3A_602 : memref<8x2x8x129xf32, #tpu.memory_space<vmem>>[vector<16xi32>, vector<16xi32>, vector<16xi32>, vector<16xi32>], vector<16xf32>,
        %get3A_603 = arith.index_cast %add3A_581 : i32 to index
        %get3A_604 = arith.constant 48 : index
        %get3A_605 = tpu.vector_load %arg6[%get3A_603, %get3A_604] {strides = array<i32>} : memref<256x64xf32, #tpu.memory_space<vmem>>, vector<16xf32>,
        %mul3A_606 = arith.constant 8.000000e+00 : f32
        %mul3A_607 = vector.broadcast %mul3A_606 : f32 to vector<16xf32>
        %mul3A_608 = arith.mulf %get3A_605, %mul3A_607 : vector<16xf32>
        tpu.vector_store_idx %arg8[%select_n3A_183, %broadcast_in_dim3A_286, %select_n3A_283, %add3A_584], %mul3A_608 : memref<8x2x8x129xf32, #tpu.memory_space<vmem>>[vector<16xi32>, vector<16xi32>, vector<16xi32>, vector<16xi32>], vector<16xf32>,
        %add3A_609 = arith.constant 128 : i32
        %add3A_610 = arith.addi %add3A_609, %mul3A_453 : i32
        %add3A_611 = arith.constant 5 : i32
        %add3A_612 = arith.addi %add3A_610, %add3A_611 : i32
        %add3A_613 = arith.constant 5 : i32
        %add3A_614 = vector.broadcast %add3A_613 : i32 to vector<16xi32>
        %add3A_615 = arith.addi %broadcast_in_dim3A_454, %add3A_614 : vector<16xi32>
        %get3A_616 = arith.index_cast %add3A_612 : i32 to index
        %get3A_617 = arith.constant 0 : index
        %get3A_618 = tpu.vector_load %arg6[%get3A_616, %get3A_617] {strides = array<i32>} : memref<256x64xf32, #tpu.memory_space<vmem>>, vector<16xf32>,
        %mul3A_619 = arith.constant 8.000000e+00 : f32
        %mul3A_620 = vector.broadcast %mul3A_619 : f32 to vector<16xf32>
        %mul3A_621 = arith.mulf %get3A_618, %mul3A_620 : vector<16xf32>
        tpu.vector_store_idx %arg8[%select_n3A_81, %broadcast_in_dim3A_286, %select_n3A_208, %add3A_615], %mul3A_621 : memref<8x2x8x129xf32, #tpu.memory_space<vmem>>[vector<16xi32>, vector<16xi32>, vector<16xi32>, vector<16xi32>], vector<16xf32>,
        %get3A_622 = arith.index_cast %add3A_612 : i32 to index
        %get3A_623 = arith.constant 16 : index
        %get3A_624 = tpu.vector_load %arg6[%get3A_622, %get3A_623] {strides = array<i32>} : memref<256x64xf32, #tpu.memory_space<vmem>>, vector<16xf32>,
        %mul3A_625 = arith.constant 8.000000e+00 : f32
        %mul3A_626 = vector.broadcast %mul3A_625 : f32 to vector<16xf32>
        %mul3A_627 = arith.mulf %get3A_624, %mul3A_626 : vector<16xf32>
        tpu.vector_store_idx %arg8[%select_n3A_115, %broadcast_in_dim3A_286, %select_n3A_233, %add3A_615], %mul3A_627 : memref<8x2x8x129xf32, #tpu.memory_space<vmem>>[vector<16xi32>, vector<16xi32>, vector<16xi32>, vector<16xi32>], vector<16xf32>,
        %get3A_628 = arith.index_cast %add3A_612 : i32 to index
        %get3A_629 = arith.constant 32 : index
        %get3A_630 = tpu.vector_load %arg6[%get3A_628, %get3A_629] {strides = array<i32>} : memref<256x64xf32, #tpu.memory_space<vmem>>, vector<16xf32>,
        %mul3A_631 = arith.constant 8.000000e+00 : f32
        %mul3A_632 = vector.broadcast %mul3A_631 : f32 to vector<16xf32>
        %mul3A_633 = arith.mulf %get3A_630, %mul3A_632 : vector<16xf32>
        tpu.vector_store_idx %arg8[%select_n3A_149, %broadcast_in_dim3A_286, %select_n3A_258, %add3A_615], %mul3A_633 : memref<8x2x8x129xf32, #tpu.memory_space<vmem>>[vector<16xi32>, vector<16xi32>, vector<16xi32>, vector<16xi32>], vector<16xf32>,
        %get3A_634 = arith.index_cast %add3A_612 : i32 to index
        %get3A_635 = arith.constant 48 : index
        %get3A_636 = tpu.vector_load %arg6[%get3A_634, %get3A_635] {strides = array<i32>} : memref<256x64xf32, #tpu.memory_space<vmem>>, vector<16xf32>,
        %mul3A_637 = arith.constant 8.000000e+00 : f32
        %mul3A_638 = vector.broadcast %mul3A_637 : f32 to vector<16xf32>
        %mul3A_639 = arith.mulf %get3A_636, %mul3A_638 : vector<16xf32>
        tpu.vector_store_idx %arg8[%select_n3A_183, %broadcast_in_dim3A_286, %select_n3A_283, %add3A_615], %mul3A_639 : memref<8x2x8x129xf32, #tpu.memory_space<vmem>>[vector<16xi32>, vector<16xi32>, vector<16xi32>, vector<16xi32>], vector<16xf32>,
        %add3A_640 = arith.constant 128 : i32
        %add3A_641 = arith.addi %add3A_640, %mul3A_453 : i32
        %add3A_642 = arith.constant 6 : i32
        %add3A_643 = arith.addi %add3A_641, %add3A_642 : i32
        %add3A_644 = arith.constant 6 : i32
        %add3A_645 = vector.broadcast %add3A_644 : i32 to vector<16xi32>
        %add3A_646 = arith.addi %broadcast_in_dim3A_454, %add3A_645 : vector<16xi32>
        %get3A_647 = arith.index_cast %add3A_643 : i32 to index
        %get3A_648 = arith.constant 0 : index
        %get3A_649 = tpu.vector_load %arg6[%get3A_647, %get3A_648] {strides = array<i32>} : memref<256x64xf32, #tpu.memory_space<vmem>>, vector<16xf32>,
        %mul3A_650 = arith.constant 8.000000e+00 : f32
        %mul3A_651 = vector.broadcast %mul3A_650 : f32 to vector<16xf32>
        %mul3A_652 = arith.mulf %get3A_649, %mul3A_651 : vector<16xf32>
        tpu.vector_store_idx %arg8[%select_n3A_81, %broadcast_in_dim3A_286, %select_n3A_208, %add3A_646], %mul3A_652 : memref<8x2x8x129xf32, #tpu.memory_space<vmem>>[vector<16xi32>, vector<16xi32>, vector<16xi32>, vector<16xi32>], vector<16xf32>,
        %get3A_653 = arith.index_cast %add3A_643 : i32 to index
        %get3A_654 = arith.constant 16 : index
        %get3A_655 = tpu.vector_load %arg6[%get3A_653, %get3A_654] {strides = array<i32>} : memref<256x64xf32, #tpu.memory_space<vmem>>, vector<16xf32>,
        %mul3A_656 = arith.constant 8.000000e+00 : f32
        %mul3A_657 = vector.broadcast %mul3A_656 : f32 to vector<16xf32>
        %mul3A_658 = arith.mulf %get3A_655, %mul3A_657 : vector<16xf32>
        tpu.vector_store_idx %arg8[%select_n3A_115, %broadcast_in_dim3A_286, %select_n3A_233, %add3A_646], %mul3A_658 : memref<8x2x8x129xf32, #tpu.memory_space<vmem>>[vector<16xi32>, vector<16xi32>, vector<16xi32>, vector<16xi32>], vector<16xf32>,
        %get3A_659 = arith.index_cast %add3A_643 : i32 to index
        %get3A_660 = arith.constant 32 : index
        %get3A_661 = tpu.vector_load %arg6[%get3A_659, %get3A_660] {strides = array<i32>} : memref<256x64xf32, #tpu.memory_space<vmem>>, vector<16xf32>,
        %mul3A_662 = arith.constant 8.000000e+00 : f32
        %mul3A_663 = vector.broadcast %mul3A_662 : f32 to vector<16xf32>
        %mul3A_664 = arith.mulf %get3A_661, %mul3A_663 : vector<16xf32>
        tpu.vector_store_idx %arg8[%select_n3A_149, %broadcast_in_dim3A_286, %select_n3A_258, %add3A_646], %mul3A_664 : memref<8x2x8x129xf32, #tpu.memory_space<vmem>>[vector<16xi32>, vector<16xi32>, vector<16xi32>, vector<16xi32>], vector<16xf32>,
        %get3A_665 = arith.index_cast %add3A_643 : i32 to index
        %get3A_666 = arith.constant 48 : index
        %get3A_667 = tpu.vector_load %arg6[%get3A_665, %get3A_666] {strides = array<i32>} : memref<256x64xf32, #tpu.memory_space<vmem>>, vector<16xf32>,
        %mul3A_668 = arith.constant 8.000000e+00 : f32
        %mul3A_669 = vector.broadcast %mul3A_668 : f32 to vector<16xf32>
        %mul3A_670 = arith.mulf %get3A_667, %mul3A_669 : vector<16xf32>
        tpu.vector_store_idx %arg8[%select_n3A_183, %broadcast_in_dim3A_286, %select_n3A_283, %add3A_646], %mul3A_670 : memref<8x2x8x129xf32, #tpu.memory_space<vmem>>[vector<16xi32>, vector<16xi32>, vector<16xi32>, vector<16xi32>], vector<16xf32>,
        %add3A_671 = arith.constant 128 : i32
        %add3A_672 = arith.addi %add3A_671, %mul3A_453 : i32
        %add3A_673 = arith.constant 7 : i32
        %add3A_674 = arith.addi %add3A_672, %add3A_673 : i32
        %add3A_675 = arith.constant 7 : i32
        %add3A_676 = vector.broadcast %add3A_675 : i32 to vector<16xi32>
        %add3A_677 = arith.addi %broadcast_in_dim3A_454, %add3A_676 : vector<16xi32>
        %get3A_678 = arith.index_cast %add3A_674 : i32 to index
        %get3A_679 = arith.constant 0 : index
        %get3A_680 = tpu.vector_load %arg6[%get3A_678, %get3A_679] {strides = array<i32>} : memref<256x64xf32, #tpu.memory_space<vmem>>, vector<16xf32>,
        %mul3A_681 = arith.constant 8.000000e+00 : f32
        %mul3A_682 = vector.broadcast %mul3A_681 : f32 to vector<16xf32>
        %mul3A_683 = arith.mulf %get3A_680, %mul3A_682 : vector<16xf32>
        tpu.vector_store_idx %arg8[%select_n3A_81, %broadcast_in_dim3A_286, %select_n3A_208, %add3A_677], %mul3A_683 : memref<8x2x8x129xf32, #tpu.memory_space<vmem>>[vector<16xi32>, vector<16xi32>, vector<16xi32>, vector<16xi32>], vector<16xf32>,
        %get3A_684 = arith.index_cast %add3A_674 : i32 to index
        %get3A_685 = arith.constant 16 : index
        %get3A_686 = tpu.vector_load %arg6[%get3A_684, %get3A_685] {strides = array<i32>} : memref<256x64xf32, #tpu.memory_space<vmem>>, vector<16xf32>,
        %mul3A_687 = arith.constant 8.000000e+00 : f32
        %mul3A_688 = vector.broadcast %mul3A_687 : f32 to vector<16xf32>
        %mul3A_689 = arith.mulf %get3A_686, %mul3A_688 : vector<16xf32>
        tpu.vector_store_idx %arg8[%select_n3A_115, %broadcast_in_dim3A_286, %select_n3A_233, %add3A_677], %mul3A_689 : memref<8x2x8x129xf32, #tpu.memory_space<vmem>>[vector<16xi32>, vector<16xi32>, vector<16xi32>, vector<16xi32>], vector<16xf32>,
        %get3A_690 = arith.index_cast %add3A_674 : i32 to index
        %get3A_691 = arith.constant 32 : index
        %get3A_692 = tpu.vector_load %arg6[%get3A_690, %get3A_691] {strides = array<i32>} : memref<256x64xf32, #tpu.memory_space<vmem>>, vector<16xf32>,
        %mul3A_693 = arith.constant 8.000000e+00 : f32
        %mul3A_694 = vector.broadcast %mul3A_693 : f32 to vector<16xf32>
        %mul3A_695 = arith.mulf %get3A_692, %mul3A_694 : vector<16xf32>
        tpu.vector_store_idx %arg8[%select_n3A_149, %broadcast_in_dim3A_286, %select_n3A_258, %add3A_677], %mul3A_695 : memref<8x2x8x129xf32, #tpu.memory_space<vmem>>[vector<16xi32>, vector<16xi32>, vector<16xi32>, vector<16xi32>], vector<16xf32>,
        %get3A_696 = arith.index_cast %add3A_674 : i32 to index
        %get3A_697 = arith.constant 48 : index
        %get3A_698 = tpu.vector_load %arg6[%get3A_696, %get3A_697] {strides = array<i32>} : memref<256x64xf32, #tpu.memory_space<vmem>>, vector<16xf32>,
        %mul3A_699 = arith.constant 8.000000e+00 : f32
        %mul3A_700 = vector.broadcast %mul3A_699 : f32 to vector<16xf32>
        %mul3A_701 = arith.mulf %get3A_698, %mul3A_700 : vector<16xf32>
        tpu.vector_store_idx %arg8[%select_n3A_183, %broadcast_in_dim3A_286, %select_n3A_283, %add3A_677], %mul3A_701 : memref<8x2x8x129xf32, #tpu.memory_space<vmem>>[vector<16xi32>, vector<16xi32>, vector<16xi32>, vector<16xi32>], vector<16xf32>,
      }
      %scan3A_363 = arith.constant 16 : i32
      %add3A_364 = arith.addi %mul3A_32, %add3A_343 : i32
      %mul3A_365 = arith.constant 2 : i32
      %mul3A_366 = arith.muli %select_n3A_9, %mul3A_365 : i32
      %dma_start3A_367 = arith.constant 0 : i32
      %dma_start3A_368 = arith.constant 0 : i32
      %dma_start3A_369 = arith.constant 0 : i32
      %dma_start3A_370 = arith.constant 0 : i32
      %dma_start3A_371 = tpu.memref_slice %arg8[%dma_start3A_367, %dma_start3A_368, %dma_start3A_369, %dma_start3A_370] : memref<8x2x8x129xf32, #tpu.memory_space<vmem>> -> memref<8x2x8x128xf32, #tpu.memory_space<vmem>>
      %dma_start3A_372 = arith.constant 0 : i32
      %dma_start3A_373 = arith.constant 0 : i32
      %dma_start3A_374 = arith.constant 0 : i32
      %dma_start3A_375 = tpu.memref_slice %arg4[%add3A_364, %dma_start3A_372, %mul3A_366, %dma_start3A_373, %dma_start3A_374] : memref<200x8x32x8x128xf32, #tpu.memory_space<hbm>> -> memref<1x8x2x8x128xf32, #tpu.memory_space<hbm>>
      %dma_start3A_376 = tpu.memref_squeeze %dma_start3A_375 : memref<1x8x2x8x128xf32, #tpu.memory_space<hbm>> -> memref<8x2x8x128xf32, #tpu.memory_space<hbm>>
      %dma_start3A_377 = arith.constant 0 : i32
      %dma_start3A_378 = arith.constant 0 : i32
      %dma_start3A_379 = arith.constant 0 : i32
      %dma_start3A_380 = tpu.memref_slice %arg4[%add3A_364, %dma_start3A_377, %mul3A_366, %dma_start3A_378, %dma_start3A_379] : memref<200x8x32x8x128xf32, #tpu.memory_space<hbm>> -> memref<1x8x2x8x128xf32, #tpu.memory_space<hbm>>
      %dma_start3A_381 = tpu.memref_squeeze %dma_start3A_380 : memref<1x8x2x8x128xf32, #tpu.memory_space<hbm>> -> memref<8x2x8x128xf32, #tpu.memory_space<hbm>>
      %dma_start3A_382 = arith.constant 0 : i32
      %dma_start3A_383 = arith.constant 0 : i32
      %dma_start3A_384 = arith.constant 0 : i32
      %dma_start3A_385 = arith.constant 0 : i32
      %dma_start3A_386 = tpu.memref_slice %arg8[%dma_start3A_382, %dma_start3A_383, %dma_start3A_384, %dma_start3A_385] : memref<8x2x8x129xf32, #tpu.memory_space<vmem>> -> memref<8x2x8x128xf32, #tpu.memory_space<vmem>>
      tpu.enqueue_dma source(%dma_start3A_386 : memref<8x2x8x128xf32, #tpu.memory_space<vmem>>) target(%dma_start3A_381 : memref<8x2x8x128xf32, #tpu.memory_space<hbm>>) target_semaphore(%arg12 : memref<!tpu.dma_semaphore, #tpu.memory_space<semaphore_mem>>)
      %add3A_387 = arith.constant 2 : i32
      %add3A_388 = arith.addi %add3A_343, %add3A_387 : i32
      %lt3A_389 = arith.constant 100 : i32
      %lt3A_390 = arith.cmpi slt, %add3A_388, %lt3A_389 : i32
      %convert_element_type3A_391 = arith.extui %lt3A_390 : i1 to i32
      %cond3A_392 = arith.constant 0 : i32
      %cond3A_393 = arith.cmpi ne, %convert_element_type3A_391, %cond3A_392 : i32
      scf.if %cond3A_393 {
        %add3A_451 = arith.constant 2 : i32
        %add3A_452 = arith.addi %add3A_343, %add3A_451 : i32
        %dma_start3A_453 = arith.constant 0 : i32
        %dma_start3A_454 = tpu.memref_slice %arg5[%add3A_452, %dma_start3A_453] : memref<100x256xi32, #tpu.memory_space<vmem>> -> memref<1x256xi32, #tpu.memory_space<vmem>>
        %dma_start3A_455 = tpu.memref_squeeze %dma_start3A_454 : memref<1x256xi32, #tpu.memory_space<vmem>> -> memref<256xi32, #tpu.memory_space<vmem>>
        %dma_start3A_456 = arith.constant 0 : i32
        %dma_start3A_457 = arith.constant 0 : i32
        %dma_start3A_458 = tpu.memref_slice %arg2[%dma_start3A_456, %dma_start3A_457] : memref<1000000x64xf32, #tpu.memory_space<hbm>> -> memref<1000000x64xf32, #tpu.memory_space<hbm>>
        tpu.enqueue_indirect_dma source(%dma_start3A_458 : memref<1000000x64xf32, #tpu.memory_space<hbm>>) target(%arg6 : memref<256x64xf32, #tpu.memory_space<vmem>>) offsets(%dma_start3A_455 : memref<256xi32, #tpu.memory_space<vmem>>) semaphore(%arg10 : memref<!tpu.dma_semaphore, #tpu.memory_space<semaphore_mem>>)
      } else {
      }
      %mul3A_394 = arith.constant 2 : i32
      %mul3A_395 = arith.muli %scan3A_339, %mul3A_394 : i32
      %add3A_396 = arith.constant 1 : i32
      %add3A_397 = arith.addi %mul3A_395, %add3A_396 : i32
      %dma_wait3A_398 = arith.constant 0 : i32
      %dma_wait3A_399 = tpu.memref_slice %arg5[%add3A_397, %dma_wait3A_398] : memref<100x256xi32, #tpu.memory_space<vmem>> -> memref<1x256xi32, #tpu.memory_space<vmem>>
      %dma_wait3A_400 = tpu.memref_squeeze %dma_wait3A_399 : memref<1x256xi32, #tpu.memory_space<vmem>> -> memref<256xi32, #tpu.memory_space<vmem>>
      %dma_wait3A_401 = arith.constant 0 : i32
      %dma_wait3A_402 = arith.constant 0 : i32
      %dma_wait3A_403 = tpu.memref_slice %arg2[%dma_wait3A_401, %dma_wait3A_402] : memref<1000000x64xf32, #tpu.memory_space<hbm>> -> memref<1000000x64xf32, #tpu.memory_space<hbm>>
      tpu.wait_indirect_dma semaphore(%arg11 : memref<!tpu.dma_semaphore, #tpu.memory_space<semaphore_mem>>) src(%dma_wait3A_403 : memref<1000000x64xf32, #tpu.memory_space<hbm>>) dst(%arg7 : memref<256x64xf32, #tpu.memory_space<vmem>>)
      %ge3A_404 = arith.constant 2 : i32
      %ge3A_405 = arith.cmpi sge, %add3A_397, %ge3A_404 : i32
      %convert_element_type3A_406 = arith.extui %ge3A_405 : i1 to i32
      %cond3A_407 = arith.constant 0 : i32
      %cond3A_408 = arith.cmpi ne, %convert_element_type3A_406, %cond3A_407 : i32
      scf.if %cond3A_408 {
        %add3A_451 = arith.addi %mul3A_32, %add3A_397 : i32
        %mul3A_452 = arith.constant 2 : i32
        %mul3A_453 = arith.muli %select_n3A_9, %mul3A_452 : i32
        %dma_wait3A_454 = arith.constant 0 : i32
        %dma_wait3A_455 = arith.constant 0 : i32
        %dma_wait3A_456 = arith.constant 0 : i32
        %dma_wait3A_457 = arith.constant 0 : i32
        %dma_wait3A_458 = tpu.memref_slice %arg9[%dma_wait3A_454, %dma_wait3A_455, %dma_wait3A_456, %dma_wait3A_457] : memref<8x2x8x129xf32, #tpu.memory_space<vmem>> -> memref<8x2x8x128xf32, #tpu.memory_space<vmem>>
        %dma_wait3A_459 = arith.constant 0 : i32
        %dma_wait3A_460 = arith.constant 0 : i32
        %dma_wait3A_461 = arith.constant 0 : i32
        %dma_wait3A_462 = tpu.memref_slice %arg4[%add3A_451, %dma_wait3A_459, %mul3A_453, %dma_wait3A_460, %dma_wait3A_461] : memref<200x8x32x8x128xf32, #tpu.memory_space<hbm>> -> memref<1x8x2x8x128xf32, #tpu.memory_space<hbm>>
        %dma_wait3A_463 = tpu.memref_squeeze %dma_wait3A_462 : memref<1x8x2x8x128xf32, #tpu.memory_space<hbm>> -> memref<8x2x8x128xf32, #tpu.memory_space<hbm>>
        %dma_wait3A_464 = arith.constant 0 : i32
        %dma_wait3A_465 = arith.constant 0 : i32
        %dma_wait3A_466 = arith.constant 0 : i32
        %dma_wait3A_467 = tpu.memref_slice %arg4[%add3A_451, %dma_wait3A_464, %mul3A_453, %dma_wait3A_465, %dma_wait3A_466] : memref<200x8x32x8x128xf32, #tpu.memory_space<hbm>> -> memref<1x8x2x8x128xf32, #tpu.memory_space<hbm>>
        %dma_wait3A_468 = tpu.memref_squeeze %dma_wait3A_467 : memref<1x8x2x8x128xf32, #tpu.memory_space<hbm>> -> memref<8x2x8x128xf32, #tpu.memory_space<hbm>>
        %dma_wait3A_469 = arith.constant 0 : i32
        %dma_wait3A_470 = arith.constant 0 : i32
        %dma_wait3A_471 = arith.constant 0 : i32
        %dma_wait3A_472 = arith.constant 0 : i32
        %dma_wait3A_473 = tpu.memref_slice %arg9[%dma_wait3A_469, %dma_wait3A_470, %dma_wait3A_471, %dma_wait3A_472] : memref<8x2x8x129xf32, #tpu.memory_space<vmem>> -> memref<8x2x8x128xf32, #tpu.memory_space<vmem>>
        tpu.wait_dma2 semaphore(%arg13 : memref<!tpu.dma_semaphore, #tpu.memory_space<semaphore_mem>>) src(%dma_wait3A_473 : memref<8x2x8x128xf32, #tpu.memory_space<vmem>>) dst(%dma_wait3A_468 : memref<8x2x8x128xf32, #tpu.memory_space<hbm>>)
      } else {
      }
      %scan3A_409 = arith.constant 0 : i32
      %scan3A_410 = arith.constant 0 : i32
      %scan3A_411 = arith.constant 16 : i32
      %scan3A_412 = arith.addi %scan3A_410, %scan3A_411 : i32
      %scan3A_413 = arith.constant 1 : i32
      scf.for %scan3A_451 = %scan3A_410 to %scan3A_412 step %scan3A_413  : i32 {
        %mul3A_452 = arith.constant 8 : i32
        %mul3A_453 = arith.muli %scan3A_451, %mul3A_452 : i32
        %broadcast_in_dim3A_454 = vector.broadcast %mul3A_453 : i32 to vector<16xi32>
        %add3A_455 = arith.constant 0 : i32
        %add3A_456 = arith.addi %add3A_455, %mul3A_453 : i32
        %add3A_457 = arith.constant 0 : i32
        %add3A_458 = arith.addi %add3A_456, %add3A_457 : i32
        %add3A_459 = arith.constant 0 : i32
        %add3A_460 = vector.broadcast %add3A_459 : i32 to vector<16xi32>
        %add3A_461 = arith.addi %broadcast_in_dim3A_454, %add3A_460 : vector<16xi32>
        %get3A = arith.index_cast %add3A_458 : i32 to index
        %get3A_462 = arith.constant 0 : index
        %get3A_463 = tpu.vector_load %arg7[%get3A, %get3A_462] {strides = array<i32>} : memref<256x64xf32, #tpu.memory_space<vmem>>, vector<16xf32>,
        %mul3A_464 = arith.constant 8.000000e+00 : f32
        %mul3A_465 = vector.broadcast %mul3A_464 : f32 to vector<16xf32>
        %mul3A_466 = arith.mulf %get3A_463, %mul3A_465 : vector<16xf32>
        tpu.vector_store_idx %arg9[%select_n3A_81, %broadcast_in_dim3A_284, %select_n3A_208, %add3A_461], %mul3A_466 : memref<8x2x8x129xf32, #tpu.memory_space<vmem>>[vector<16xi32>, vector<16xi32>, vector<16xi32>, vector<16xi32>], vector<16xf32>,
        %get3A_467 = arith.index_cast %add3A_458 : i32 to index
        %get3A_468 = arith.constant 16 : index
        %get3A_469 = tpu.vector_load %arg7[%get3A_467, %get3A_468] {strides = array<i32>} : memref<256x64xf32, #tpu.memory_space<vmem>>, vector<16xf32>,
        %mul3A_470 = arith.constant 8.000000e+00 : f32
        %mul3A_471 = vector.broadcast %mul3A_470 : f32 to vector<16xf32>
        %mul3A_472 = arith.mulf %get3A_469, %mul3A_471 : vector<16xf32>
        tpu.vector_store_idx %arg9[%select_n3A_115, %broadcast_in_dim3A_284, %select_n3A_233, %add3A_461], %mul3A_472 : memref<8x2x8x129xf32, #tpu.memory_space<vmem>>[vector<16xi32>, vector<16xi32>, vector<16xi32>, vector<16xi32>], vector<16xf32>,
        %get3A_473 = arith.index_cast %add3A_458 : i32 to index
        %get3A_474 = arith.constant 32 : index
        %get3A_475 = tpu.vector_load %arg7[%get3A_473, %get3A_474] {strides = array<i32>} : memref<256x64xf32, #tpu.memory_space<vmem>>, vector<16xf32>,
        %mul3A_476 = arith.constant 8.000000e+00 : f32
        %mul3A_477 = vector.broadcast %mul3A_476 : f32 to vector<16xf32>
        %mul3A_478 = arith.mulf %get3A_475, %mul3A_477 : vector<16xf32>
        tpu.vector_store_idx %arg9[%select_n3A_149, %broadcast_in_dim3A_284, %select_n3A_258, %add3A_461], %mul3A_478 : memref<8x2x8x129xf32, #tpu.memory_space<vmem>>[vector<16xi32>, vector<16xi32>, vector<16xi32>, vector<16xi32>], vector<16xf32>,
        %get3A_479 = arith.index_cast %add3A_458 : i32 to index
        %get3A_480 = arith.constant 48 : index
        %get3A_481 = tpu.vector_load %arg7[%get3A_479, %get3A_480] {strides = array<i32>} : memref<256x64xf32, #tpu.memory_space<vmem>>, vector<16xf32>,
        %mul3A_482 = arith.constant 8.000000e+00 : f32
        %mul3A_483 = vector.broadcast %mul3A_482 : f32 to vector<16xf32>
        %mul3A_484 = arith.mulf %get3A_481, %mul3A_483 : vector<16xf32>
        tpu.vector_store_idx %arg9[%select_n3A_183, %broadcast_in_dim3A_284, %select_n3A_283, %add3A_461], %mul3A_484 : memref<8x2x8x129xf32, #tpu.memory_space<vmem>>[vector<16xi32>, vector<16xi32>, vector<16xi32>, vector<16xi32>], vector<16xf32>,
        %add3A_485 = arith.constant 0 : i32
        %add3A_486 = arith.addi %add3A_485, %mul3A_453 : i32
        %add3A_487 = arith.constant 1 : i32
        %add3A_488 = arith.addi %add3A_486, %add3A_487 : i32
        %add3A_489 = arith.constant 1 : i32
        %add3A_490 = vector.broadcast %add3A_489 : i32 to vector<16xi32>
        %add3A_491 = arith.addi %broadcast_in_dim3A_454, %add3A_490 : vector<16xi32>
        %get3A_492 = arith.index_cast %add3A_488 : i32 to index
        %get3A_493 = arith.constant 0 : index
        %get3A_494 = tpu.vector_load %arg7[%get3A_492, %get3A_493] {strides = array<i32>} : memref<256x64xf32, #tpu.memory_space<vmem>>, vector<16xf32>,
        %mul3A_495 = arith.constant 8.000000e+00 : f32
        %mul3A_496 = vector.broadcast %mul3A_495 : f32 to vector<16xf32>
        %mul3A_497 = arith.mulf %get3A_494, %mul3A_496 : vector<16xf32>
        tpu.vector_store_idx %arg9[%select_n3A_81, %broadcast_in_dim3A_284, %select_n3A_208, %add3A_491], %mul3A_497 : memref<8x2x8x129xf32, #tpu.memory_space<vmem>>[vector<16xi32>, vector<16xi32>, vector<16xi32>, vector<16xi32>], vector<16xf32>,
        %get3A_498 = arith.index_cast %add3A_488 : i32 to index
        %get3A_499 = arith.constant 16 : index
        %get3A_500 = tpu.vector_load %arg7[%get3A_498, %get3A_499] {strides = array<i32>} : memref<256x64xf32, #tpu.memory_space<vmem>>, vector<16xf32>,
        %mul3A_501 = arith.constant 8.000000e+00 : f32
        %mul3A_502 = vector.broadcast %mul3A_501 : f32 to vector<16xf32>
        %mul3A_503 = arith.mulf %get3A_500, %mul3A_502 : vector<16xf32>
        tpu.vector_store_idx %arg9[%select_n3A_115, %broadcast_in_dim3A_284, %select_n3A_233, %add3A_491], %mul3A_503 : memref<8x2x8x129xf32, #tpu.memory_space<vmem>>[vector<16xi32>, vector<16xi32>, vector<16xi32>, vector<16xi32>], vector<16xf32>,
        %get3A_504 = arith.index_cast %add3A_488 : i32 to index
        %get3A_505 = arith.constant 32 : index
        %get3A_506 = tpu.vector_load %arg7[%get3A_504, %get3A_505] {strides = array<i32>} : memref<256x64xf32, #tpu.memory_space<vmem>>, vector<16xf32>,
        %mul3A_507 = arith.constant 8.000000e+00 : f32
        %mul3A_508 = vector.broadcast %mul3A_507 : f32 to vector<16xf32>
        %mul3A_509 = arith.mulf %get3A_506, %mul3A_508 : vector<16xf32>
        tpu.vector_store_idx %arg9[%select_n3A_149, %broadcast_in_dim3A_284, %select_n3A_258, %add3A_491], %mul3A_509 : memref<8x2x8x129xf32, #tpu.memory_space<vmem>>[vector<16xi32>, vector<16xi32>, vector<16xi32>, vector<16xi32>], vector<16xf32>,
        %get3A_510 = arith.index_cast %add3A_488 : i32 to index
        %get3A_511 = arith.constant 48 : index
        %get3A_512 = tpu.vector_load %arg7[%get3A_510, %get3A_511] {strides = array<i32>} : memref<256x64xf32, #tpu.memory_space<vmem>>, vector<16xf32>,
        %mul3A_513 = arith.constant 8.000000e+00 : f32
        %mul3A_514 = vector.broadcast %mul3A_513 : f32 to vector<16xf32>
        %mul3A_515 = arith.mulf %get3A_512, %mul3A_514 : vector<16xf32>
        tpu.vector_store_idx %arg9[%select_n3A_183, %broadcast_in_dim3A_284, %select_n3A_283, %add3A_491], %mul3A_515 : memref<8x2x8x129xf32, #tpu.memory_space<vmem>>[vector<16xi32>, vector<16xi32>, vector<16xi32>, vector<16xi32>], vector<16xf32>,
        %add3A_516 = arith.constant 0 : i32
        %add3A_517 = arith.addi %add3A_516, %mul3A_453 : i32
        %add3A_518 = arith.constant 2 : i32
        %add3A_519 = arith.addi %add3A_517, %add3A_518 : i32
        %add3A_520 = arith.constant 2 : i32
        %add3A_521 = vector.broadcast %add3A_520 : i32 to vector<16xi32>
        %add3A_522 = arith.addi %broadcast_in_dim3A_454, %add3A_521 : vector<16xi32>
        %get3A_523 = arith.index_cast %add3A_519 : i32 to index
        %get3A_524 = arith.constant 0 : index
        %get3A_525 = tpu.vector_load %arg7[%get3A_523, %get3A_524] {strides = array<i32>} : memref<256x64xf32, #tpu.memory_space<vmem>>, vector<16xf32>,
        %mul3A_526 = arith.constant 8.000000e+00 : f32
        %mul3A_527 = vector.broadcast %mul3A_526 : f32 to vector<16xf32>
        %mul3A_528 = arith.mulf %get3A_525, %mul3A_527 : vector<16xf32>
        tpu.vector_store_idx %arg9[%select_n3A_81, %broadcast_in_dim3A_284, %select_n3A_208, %add3A_522], %mul3A_528 : memref<8x2x8x129xf32, #tpu.memory_space<vmem>>[vector<16xi32>, vector<16xi32>, vector<16xi32>, vector<16xi32>], vector<16xf32>,
        %get3A_529 = arith.index_cast %add3A_519 : i32 to index
        %get3A_530 = arith.constant 16 : index
        %get3A_531 = tpu.vector_load %arg7[%get3A_529, %get3A_530] {strides = array<i32>} : memref<256x64xf32, #tpu.memory_space<vmem>>, vector<16xf32>,
        %mul3A_532 = arith.constant 8.000000e+00 : f32
        %mul3A_533 = vector.broadcast %mul3A_532 : f32 to vector<16xf32>
        %mul3A_534 = arith.mulf %get3A_531, %mul3A_533 : vector<16xf32>
        tpu.vector_store_idx %arg9[%select_n3A_115, %broadcast_in_dim3A_284, %select_n3A_233, %add3A_522], %mul3A_534 : memref<8x2x8x129xf32, #tpu.memory_space<vmem>>[vector<16xi32>, vector<16xi32>, vector<16xi32>, vector<16xi32>], vector<16xf32>,
        %get3A_535 = arith.index_cast %add3A_519 : i32 to index
        %get3A_536 = arith.constant 32 : index
        %get3A_537 = tpu.vector_load %arg7[%get3A_535, %get3A_536] {strides = array<i32>} : memref<256x64xf32, #tpu.memory_space<vmem>>, vector<16xf32>,
        %mul3A_538 = arith.constant 8.000000e+00 : f32
        %mul3A_539 = vector.broadcast %mul3A_538 : f32 to vector<16xf32>
        %mul3A_540 = arith.mulf %get3A_537, %mul3A_539 : vector<16xf32>
        tpu.vector_store_idx %arg9[%select_n3A_149, %broadcast_in_dim3A_284, %select_n3A_258, %add3A_522], %mul3A_540 : memref<8x2x8x129xf32, #tpu.memory_space<vmem>>[vector<16xi32>, vector<16xi32>, vector<16xi32>, vector<16xi32>], vector<16xf32>,
        %get3A_541 = arith.index_cast %add3A_519 : i32 to index
        %get3A_542 = arith.constant 48 : index
        %get3A_543 = tpu.vector_load %arg7[%get3A_541, %get3A_542] {strides = array<i32>} : memref<256x64xf32, #tpu.memory_space<vmem>>, vector<16xf32>,
        %mul3A_544 = arith.constant 8.000000e+00 : f32
        %mul3A_545 = vector.broadcast %mul3A_544 : f32 to vector<16xf32>
        %mul3A_546 = arith.mulf %get3A_543, %mul3A_545 : vector<16xf32>
        tpu.vector_store_idx %arg9[%select_n3A_183, %broadcast_in_dim3A_284, %select_n3A_283, %add3A_522], %mul3A_546 : memref<8x2x8x129xf32, #tpu.memory_space<vmem>>[vector<16xi32>, vector<16xi32>, vector<16xi32>, vector<16xi32>], vector<16xf32>,
        %add3A_547 = arith.constant 0 : i32
        %add3A_548 = arith.addi %add3A_547, %mul3A_453 : i32
        %add3A_549 = arith.constant 3 : i32
        %add3A_550 = arith.addi %add3A_548, %add3A_549 : i32
        %add3A_551 = arith.constant 3 : i32
        %add3A_552 = vector.broadcast %add3A_551 : i32 to vector<16xi32>
        %add3A_553 = arith.addi %broadcast_in_dim3A_454, %add3A_552 : vector<16xi32>
        %get3A_554 = arith.index_cast %add3A_550 : i32 to index
        %get3A_555 = arith.constant 0 : index
        %get3A_556 = tpu.vector_load %arg7[%get3A_554, %get3A_555] {strides = array<i32>} : memref<256x64xf32, #tpu.memory_space<vmem>>, vector<16xf32>,
        %mul3A_557 = arith.constant 8.000000e+00 : f32
        %mul3A_558 = vector.broadcast %mul3A_557 : f32 to vector<16xf32>
        %mul3A_559 = arith.mulf %get3A_556, %mul3A_558 : vector<16xf32>
        tpu.vector_store_idx %arg9[%select_n3A_81, %broadcast_in_dim3A_284, %select_n3A_208, %add3A_553], %mul3A_559 : memref<8x2x8x129xf32, #tpu.memory_space<vmem>>[vector<16xi32>, vector<16xi32>, vector<16xi32>, vector<16xi32>], vector<16xf32>,
        %get3A_560 = arith.index_cast %add3A_550 : i32 to index
        %get3A_561 = arith.constant 16 : index
        %get3A_562 = tpu.vector_load %arg7[%get3A_560, %get3A_561] {strides = array<i32>} : memref<256x64xf32, #tpu.memory_space<vmem>>, vector<16xf32>,
        %mul3A_563 = arith.constant 8.000000e+00 : f32
        %mul3A_564 = vector.broadcast %mul3A_563 : f32 to vector<16xf32>
        %mul3A_565 = arith.mulf %get3A_562, %mul3A_564 : vector<16xf32>
        tpu.vector_store_idx %arg9[%select_n3A_115, %broadcast_in_dim3A_284, %select_n3A_233, %add3A_553], %mul3A_565 : memref<8x2x8x129xf32, #tpu.memory_space<vmem>>[vector<16xi32>, vector<16xi32>, vector<16xi32>, vector<16xi32>], vector<16xf32>,
        %get3A_566 = arith.index_cast %add3A_550 : i32 to index
        %get3A_567 = arith.constant 32 : index
        %get3A_568 = tpu.vector_load %arg7[%get3A_566, %get3A_567] {strides = array<i32>} : memref<256x64xf32, #tpu.memory_space<vmem>>, vector<16xf32>,
        %mul3A_569 = arith.constant 8.000000e+00 : f32
        %mul3A_570 = vector.broadcast %mul3A_569 : f32 to vector<16xf32>
        %mul3A_571 = arith.mulf %get3A_568, %mul3A_570 : vector<16xf32>
        tpu.vector_store_idx %arg9[%select_n3A_149, %broadcast_in_dim3A_284, %select_n3A_258, %add3A_553], %mul3A_571 : memref<8x2x8x129xf32, #tpu.memory_space<vmem>>[vector<16xi32>, vector<16xi32>, vector<16xi32>, vector<16xi32>], vector<16xf32>,
        %get3A_572 = arith.index_cast %add3A_550 : i32 to index
        %get3A_573 = arith.constant 48 : index
        %get3A_574 = tpu.vector_load %arg7[%get3A_572, %get3A_573] {strides = array<i32>} : memref<256x64xf32, #tpu.memory_space<vmem>>, vector<16xf32>,
        %mul3A_575 = arith.constant 8.000000e+00 : f32
        %mul3A_576 = vector.broadcast %mul3A_575 : f32 to vector<16xf32>
        %mul3A_577 = arith.mulf %get3A_574, %mul3A_576 : vector<16xf32>
        tpu.vector_store_idx %arg9[%select_n3A_183, %broadcast_in_dim3A_284, %select_n3A_283, %add3A_553], %mul3A_577 : memref<8x2x8x129xf32, #tpu.memory_space<vmem>>[vector<16xi32>, vector<16xi32>, vector<16xi32>, vector<16xi32>], vector<16xf32>,
        %add3A_578 = arith.constant 0 : i32
        %add3A_579 = arith.addi %add3A_578, %mul3A_453 : i32
        %add3A_580 = arith.constant 4 : i32
        %add3A_581 = arith.addi %add3A_579, %add3A_580 : i32
        %add3A_582 = arith.constant 4 : i32
        %add3A_583 = vector.broadcast %add3A_582 : i32 to vector<16xi32>
        %add3A_584 = arith.addi %broadcast_in_dim3A_454, %add3A_583 : vector<16xi32>
        %get3A_585 = arith.index_cast %add3A_581 : i32 to index
        %get3A_586 = arith.constant 0 : index
        %get3A_587 = tpu.vector_load %arg7[%get3A_585, %get3A_586] {strides = array<i32>} : memref<256x64xf32, #tpu.memory_space<vmem>>, vector<16xf32>,
        %mul3A_588 = arith.constant 8.000000e+00 : f32
        %mul3A_589 = vector.broadcast %mul3A_588 : f32 to vector<16xf32>
        %mul3A_590 = arith.mulf %get3A_587, %mul3A_589 : vector<16xf32>
        tpu.vector_store_idx %arg9[%select_n3A_81, %broadcast_in_dim3A_284, %select_n3A_208, %add3A_584], %mul3A_590 : memref<8x2x8x129xf32, #tpu.memory_space<vmem>>[vector<16xi32>, vector<16xi32>, vector<16xi32>, vector<16xi32>], vector<16xf32>,
        %get3A_591 = arith.index_cast %add3A_581 : i32 to index
        %get3A_592 = arith.constant 16 : index
        %get3A_593 = tpu.vector_load %arg7[%get3A_591, %get3A_592] {strides = array<i32>} : memref<256x64xf32, #tpu.memory_space<vmem>>, vector<16xf32>,
        %mul3A_594 = arith.constant 8.000000e+00 : f32
        %mul3A_595 = vector.broadcast %mul3A_594 : f32 to vector<16xf32>
        %mul3A_596 = arith.mulf %get3A_593, %mul3A_595 : vector<16xf32>
        tpu.vector_store_idx %arg9[%select_n3A_115, %broadcast_in_dim3A_284, %select_n3A_233, %add3A_584], %mul3A_596 : memref<8x2x8x129xf32, #tpu.memory_space<vmem>>[vector<16xi32>, vector<16xi32>, vector<16xi32>, vector<16xi32>], vector<16xf32>,
        %get3A_597 = arith.index_cast %add3A_581 : i32 to index
        %get3A_598 = arith.constant 32 : index
        %get3A_599 = tpu.vector_load %arg7[%get3A_597, %get3A_598] {strides = array<i32>} : memref<256x64xf32, #tpu.memory_space<vmem>>, vector<16xf32>,
        %mul3A_600 = arith.constant 8.000000e+00 : f32
        %mul3A_601 = vector.broadcast %mul3A_600 : f32 to vector<16xf32>
        %mul3A_602 = arith.mulf %get3A_599, %mul3A_601 : vector<16xf32>
        tpu.vector_store_idx %arg9[%select_n3A_149, %broadcast_in_dim3A_284, %select_n3A_258, %add3A_584], %mul3A_602 : memref<8x2x8x129xf32, #tpu.memory_space<vmem>>[vector<16xi32>, vector<16xi32>, vector<16xi32>, vector<16xi32>], vector<16xf32>,
        %get3A_603 = arith.index_cast %add3A_581 : i32 to index
        %get3A_604 = arith.constant 48 : index
        %get3A_605 = tpu.vector_load %arg7[%get3A_603, %get3A_604] {strides = array<i32>} : memref<256x64xf32, #tpu.memory_space<vmem>>, vector<16xf32>,
        %mul3A_606 = arith.constant 8.000000e+00 : f32
        %mul3A_607 = vector.broadcast %mul3A_606 : f32 to vector<16xf32>
        %mul3A_608 = arith.mulf %get3A_605, %mul3A_607 : vector<16xf32>
        tpu.vector_store_idx %arg9[%select_n3A_183, %broadcast_in_dim3A_284, %select_n3A_283, %add3A_584], %mul3A_608 : memref<8x2x8x129xf32, #tpu.memory_space<vmem>>[vector<16xi32>, vector<16xi32>, vector<16xi32>, vector<16xi32>], vector<16xf32>,
        %add3A_609 = arith.constant 0 : i32
        %add3A_610 = arith.addi %add3A_609, %mul3A_453 : i32
        %add3A_611 = arith.constant 5 : i32
        %add3A_612 = arith.addi %add3A_610, %add3A_611 : i32
        %add3A_613 = arith.constant 5 : i32
        %add3A_614 = vector.broadcast %add3A_613 : i32 to vector<16xi32>
        %add3A_615 = arith.addi %broadcast_in_dim3A_454, %add3A_614 : vector<16xi32>
        %get3A_616 = arith.index_cast %add3A_612 : i32 to index
        %get3A_617 = arith.constant 0 : index
        %get3A_618 = tpu.vector_load %arg7[%get3A_616, %get3A_617] {strides = array<i32>} : memref<256x64xf32, #tpu.memory_space<vmem>>, vector<16xf32>,
        %mul3A_619 = arith.constant 8.000000e+00 : f32
        %mul3A_620 = vector.broadcast %mul3A_619 : f32 to vector<16xf32>
        %mul3A_621 = arith.mulf %get3A_618, %mul3A_620 : vector<16xf32>
        tpu.vector_store_idx %arg9[%select_n3A_81, %broadcast_in_dim3A_284, %select_n3A_208, %add3A_615], %mul3A_621 : memref<8x2x8x129xf32, #tpu.memory_space<vmem>>[vector<16xi32>, vector<16xi32>, vector<16xi32>, vector<16xi32>], vector<16xf32>,
        %get3A_622 = arith.index_cast %add3A_612 : i32 to index
        %get3A_623 = arith.constant 16 : index
        %get3A_624 = tpu.vector_load %arg7[%get3A_622, %get3A_623] {strides = array<i32>} : memref<256x64xf32, #tpu.memory_space<vmem>>, vector<16xf32>,
        %mul3A_625 = arith.constant 8.000000e+00 : f32
        %mul3A_626 = vector.broadcast %mul3A_625 : f32 to vector<16xf32>
        %mul3A_627 = arith.mulf %get3A_624, %mul3A_626 : vector<16xf32>
        tpu.vector_store_idx %arg9[%select_n3A_115, %broadcast_in_dim3A_284, %select_n3A_233, %add3A_615], %mul3A_627 : memref<8x2x8x129xf32, #tpu.memory_space<vmem>>[vector<16xi32>, vector<16xi32>, vector<16xi32>, vector<16xi32>], vector<16xf32>,
        %get3A_628 = arith.index_cast %add3A_612 : i32 to index
        %get3A_629 = arith.constant 32 : index
        %get3A_630 = tpu.vector_load %arg7[%get3A_628, %get3A_629] {strides = array<i32>} : memref<256x64xf32, #tpu.memory_space<vmem>>, vector<16xf32>,
        %mul3A_631 = arith.constant 8.000000e+00 : f32
        %mul3A_632 = vector.broadcast %mul3A_631 : f32 to vector<16xf32>
        %mul3A_633 = arith.mulf %get3A_630, %mul3A_632 : vector<16xf32>
        tpu.vector_store_idx %arg9[%select_n3A_149, %broadcast_in_dim3A_284, %select_n3A_258, %add3A_615], %mul3A_633 : memref<8x2x8x129xf32, #tpu.memory_space<vmem>>[vector<16xi32>, vector<16xi32>, vector<16xi32>, vector<16xi32>], vector<16xf32>,
        %get3A_634 = arith.index_cast %add3A_612 : i32 to index
        %get3A_635 = arith.constant 48 : index
        %get3A_636 = tpu.vector_load %arg7[%get3A_634, %get3A_635] {strides = array<i32>} : memref<256x64xf32, #tpu.memory_space<vmem>>, vector<16xf32>,
        %mul3A_637 = arith.constant 8.000000e+00 : f32
        %mul3A_638 = vector.broadcast %mul3A_637 : f32 to vector<16xf32>
        %mul3A_639 = arith.mulf %get3A_636, %mul3A_638 : vector<16xf32>
        tpu.vector_store_idx %arg9[%select_n3A_183, %broadcast_in_dim3A_284, %select_n3A_283, %add3A_615], %mul3A_639 : memref<8x2x8x129xf32, #tpu.memory_space<vmem>>[vector<16xi32>, vector<16xi32>, vector<16xi32>, vector<16xi32>], vector<16xf32>,
        %add3A_640 = arith.constant 0 : i32
        %add3A_641 = arith.addi %add3A_640, %mul3A_453 : i32
        %add3A_642 = arith.constant 6 : i32
        %add3A_643 = arith.addi %add3A_641, %add3A_642 : i32
        %add3A_644 = arith.constant 6 : i32
        %add3A_645 = vector.broadcast %add3A_644 : i32 to vector<16xi32>
        %add3A_646 = arith.addi %broadcast_in_dim3A_454, %add3A_645 : vector<16xi32>
        %get3A_647 = arith.index_cast %add3A_643 : i32 to index
        %get3A_648 = arith.constant 0 : index
        %get3A_649 = tpu.vector_load %arg7[%get3A_647, %get3A_648] {strides = array<i32>} : memref<256x64xf32, #tpu.memory_space<vmem>>, vector<16xf32>,
        %mul3A_650 = arith.constant 8.000000e+00 : f32
        %mul3A_651 = vector.broadcast %mul3A_650 : f32 to vector<16xf32>
        %mul3A_652 = arith.mulf %get3A_649, %mul3A_651 : vector<16xf32>
        tpu.vector_store_idx %arg9[%select_n3A_81, %broadcast_in_dim3A_284, %select_n3A_208, %add3A_646], %mul3A_652 : memref<8x2x8x129xf32, #tpu.memory_space<vmem>>[vector<16xi32>, vector<16xi32>, vector<16xi32>, vector<16xi32>], vector<16xf32>,
        %get3A_653 = arith.index_cast %add3A_643 : i32 to index
        %get3A_654 = arith.constant 16 : index
        %get3A_655 = tpu.vector_load %arg7[%get3A_653, %get3A_654] {strides = array<i32>} : memref<256x64xf32, #tpu.memory_space<vmem>>, vector<16xf32>,
        %mul3A_656 = arith.constant 8.000000e+00 : f32
        %mul3A_657 = vector.broadcast %mul3A_656 : f32 to vector<16xf32>
        %mul3A_658 = arith.mulf %get3A_655, %mul3A_657 : vector<16xf32>
        tpu.vector_store_idx %arg9[%select_n3A_115, %broadcast_in_dim3A_284, %select_n3A_233, %add3A_646], %mul3A_658 : memref<8x2x8x129xf32, #tpu.memory_space<vmem>>[vector<16xi32>, vector<16xi32>, vector<16xi32>, vector<16xi32>], vector<16xf32>,
        %get3A_659 = arith.index_cast %add3A_643 : i32 to index
        %get3A_660 = arith.constant 32 : index
        %get3A_661 = tpu.vector_load %arg7[%get3A_659, %get3A_660] {strides = array<i32>} : memref<256x64xf32, #tpu.memory_space<vmem>>, vector<16xf32>,
        %mul3A_662 = arith.constant 8.000000e+00 : f32
        %mul3A_663 = vector.broadcast %mul3A_662 : f32 to vector<16xf32>
        %mul3A_664 = arith.mulf %get3A_661, %mul3A_663 : vector<16xf32>
        tpu.vector_store_idx %arg9[%select_n3A_149, %broadcast_in_dim3A_284, %select_n3A_258, %add3A_646], %mul3A_664 : memref<8x2x8x129xf32, #tpu.memory_space<vmem>>[vector<16xi32>, vector<16xi32>, vector<16xi32>, vector<16xi32>], vector<16xf32>,
        %get3A_665 = arith.index_cast %add3A_643 : i32 to index
        %get3A_666 = arith.constant 48 : index
        %get3A_667 = tpu.vector_load %arg7[%get3A_665, %get3A_666] {strides = array<i32>} : memref<256x64xf32, #tpu.memory_space<vmem>>, vector<16xf32>,
        %mul3A_668 = arith.constant 8.000000e+00 : f32
        %mul3A_669 = vector.broadcast %mul3A_668 : f32 to vector<16xf32>
        %mul3A_670 = arith.mulf %get3A_667, %mul3A_669 : vector<16xf32>
        tpu.vector_store_idx %arg9[%select_n3A_183, %broadcast_in_dim3A_284, %select_n3A_283, %add3A_646], %mul3A_670 : memref<8x2x8x129xf32, #tpu.memory_space<vmem>>[vector<16xi32>, vector<16xi32>, vector<16xi32>, vector<16xi32>], vector<16xf32>,
        %add3A_671 = arith.constant 0 : i32
        %add3A_672 = arith.addi %add3A_671, %mul3A_453 : i32
        %add3A_673 = arith.constant 7 : i32
        %add3A_674 = arith.addi %add3A_672, %add3A_673 : i32
        %add3A_675 = arith.constant 7 : i32
        %add3A_676 = vector.broadcast %add3A_675 : i32 to vector<16xi32>
        %add3A_677 = arith.addi %broadcast_in_dim3A_454, %add3A_676 : vector<16xi32>
        %get3A_678 = arith.index_cast %add3A_674 : i32 to index
        %get3A_679 = arith.constant 0 : index
        %get3A_680 = tpu.vector_load %arg7[%get3A_678, %get3A_679] {strides = array<i32>} : memref<256x64xf32, #tpu.memory_space<vmem>>, vector<16xf32>,
        %mul3A_681 = arith.constant 8.000000e+00 : f32
        %mul3A_682 = vector.broadcast %mul3A_681 : f32 to vector<16xf32>
        %mul3A_683 = arith.mulf %get3A_680, %mul3A_682 : vector<16xf32>
        tpu.vector_store_idx %arg9[%select_n3A_81, %broadcast_in_dim3A_284, %select_n3A_208, %add3A_677], %mul3A_683 : memref<8x2x8x129xf32, #tpu.memory_space<vmem>>[vector<16xi32>, vector<16xi32>, vector<16xi32>, vector<16xi32>], vector<16xf32>,
        %get3A_684 = arith.index_cast %add3A_674 : i32 to index
        %get3A_685 = arith.constant 16 : index
        %get3A_686 = tpu.vector_load %arg7[%get3A_684, %get3A_685] {strides = array<i32>} : memref<256x64xf32, #tpu.memory_space<vmem>>, vector<16xf32>,
        %mul3A_687 = arith.constant 8.000000e+00 : f32
        %mul3A_688 = vector.broadcast %mul3A_687 : f32 to vector<16xf32>
        %mul3A_689 = arith.mulf %get3A_686, %mul3A_688 : vector<16xf32>
        tpu.vector_store_idx %arg9[%select_n3A_115, %broadcast_in_dim3A_284, %select_n3A_233, %add3A_677], %mul3A_689 : memref<8x2x8x129xf32, #tpu.memory_space<vmem>>[vector<16xi32>, vector<16xi32>, vector<16xi32>, vector<16xi32>], vector<16xf32>,
        %get3A_690 = arith.index_cast %add3A_674 : i32 to index
        %get3A_691 = arith.constant 32 : index
        %get3A_692 = tpu.vector_load %arg7[%get3A_690, %get3A_691] {strides = array<i32>} : memref<256x64xf32, #tpu.memory_space<vmem>>, vector<16xf32>,
        %mul3A_693 = arith.constant 8.000000e+00 : f32
        %mul3A_694 = vector.broadcast %mul3A_693 : f32 to vector<16xf32>
        %mul3A_695 = arith.mulf %get3A_692, %mul3A_694 : vector<16xf32>
        tpu.vector_store_idx %arg9[%select_n3A_149, %broadcast_in_dim3A_284, %select_n3A_258, %add3A_677], %mul3A_695 : memref<8x2x8x129xf32, #tpu.memory_space<vmem>>[vector<16xi32>, vector<16xi32>, vector<16xi32>, vector<16xi32>], vector<16xf32>,
        %get3A_696 = arith.index_cast %add3A_674 : i32 to index
        %get3A_697 = arith.constant 48 : index
        %get3A_698 = tpu.vector_load %arg7[%get3A_696, %get3A_697] {strides = array<i32>} : memref<256x64xf32, #tpu.memory_space<vmem>>, vector<16xf32>,
        %mul3A_699 = arith.constant 8.000000e+00 : f32
        %mul3A_700 = vector.broadcast %mul3A_699 : f32 to vector<16xf32>
        %mul3A_701 = arith.mulf %get3A_698, %mul3A_700 : vector<16xf32>
        tpu.vector_store_idx %arg9[%select_n3A_183, %broadcast_in_dim3A_284, %select_n3A_283, %add3A_677], %mul3A_701 : memref<8x2x8x129xf32, #tpu.memory_space<vmem>>[vector<16xi32>, vector<16xi32>, vector<16xi32>, vector<16xi32>], vector<16xf32>,
      }
      %scan3A_414 = arith.constant 16 : i32
      %scan3A_415 = arith.constant 0 : i32
      %scan3A_416 = arith.constant 0 : i32
      %scan3A_417 = arith.constant 16 : i32
      %scan3A_418 = arith.addi %scan3A_416, %scan3A_417 : i32
      %scan3A_419 = arith.constant 1 : i32
      scf.for %scan3A_451 = %scan3A_416 to %scan3A_418 step %scan3A_419  : i32 {
        %mul3A_452 = arith.constant 8 : i32
        %mul3A_453 = arith.muli %scan3A_451, %mul3A_452 : i32
        %broadcast_in_dim3A_454 = vector.broadcast %mul3A_453 : i32 to vector<16xi32>
        %add3A_455 = arith.constant 128 : i32
        %add3A_456 = arith.addi %add3A_455, %mul3A_453 : i32
        %add3A_457 = arith.constant 0 : i32
        %add3A_458 = arith.addi %add3A_456, %add3A_457 : i32
        %add3A_459 = arith.constant 0 : i32
        %add3A_460 = vector.broadcast %add3A_459 : i32 to vector<16xi32>
        %add3A_461 = arith.addi %broadcast_in_dim3A_454, %add3A_460 : vector<16xi32>
        %get3A = arith.index_cast %add3A_458 : i32 to index
        %get3A_462 = arith.constant 0 : index
        %get3A_463 = tpu.vector_load %arg7[%get3A, %get3A_462] {strides = array<i32>} : memref<256x64xf32, #tpu.memory_space<vmem>>, vector<16xf32>,
        %mul3A_464 = arith.constant 8.000000e+00 : f32
        %mul3A_465 = vector.broadcast %mul3A_464 : f32 to vector<16xf32>
        %mul3A_466 = arith.mulf %get3A_463, %mul3A_465 : vector<16xf32>
        tpu.vector_store_idx %arg9[%select_n3A_81, %broadcast_in_dim3A_286, %select_n3A_208, %add3A_461], %mul3A_466 : memref<8x2x8x129xf32, #tpu.memory_space<vmem>>[vector<16xi32>, vector<16xi32>, vector<16xi32>, vector<16xi32>], vector<16xf32>,
        %get3A_467 = arith.index_cast %add3A_458 : i32 to index
        %get3A_468 = arith.constant 16 : index
        %get3A_469 = tpu.vector_load %arg7[%get3A_467, %get3A_468] {strides = array<i32>} : memref<256x64xf32, #tpu.memory_space<vmem>>, vector<16xf32>,
        %mul3A_470 = arith.constant 8.000000e+00 : f32
        %mul3A_471 = vector.broadcast %mul3A_470 : f32 to vector<16xf32>
        %mul3A_472 = arith.mulf %get3A_469, %mul3A_471 : vector<16xf32>
        tpu.vector_store_idx %arg9[%select_n3A_115, %broadcast_in_dim3A_286, %select_n3A_233, %add3A_461], %mul3A_472 : memref<8x2x8x129xf32, #tpu.memory_space<vmem>>[vector<16xi32>, vector<16xi32>, vector<16xi32>, vector<16xi32>], vector<16xf32>,
        %get3A_473 = arith.index_cast %add3A_458 : i32 to index
        %get3A_474 = arith.constant 32 : index
        %get3A_475 = tpu.vector_load %arg7[%get3A_473, %get3A_474] {strides = array<i32>} : memref<256x64xf32, #tpu.memory_space<vmem>>, vector<16xf32>,
        %mul3A_476 = arith.constant 8.000000e+00 : f32
        %mul3A_477 = vector.broadcast %mul3A_476 : f32 to vector<16xf32>
        %mul3A_478 = arith.mulf %get3A_475, %mul3A_477 : vector<16xf32>
        tpu.vector_store_idx %arg9[%select_n3A_149, %broadcast_in_dim3A_286, %select_n3A_258, %add3A_461], %mul3A_478 : memref<8x2x8x129xf32, #tpu.memory_space<vmem>>[vector<16xi32>, vector<16xi32>, vector<16xi32>, vector<16xi32>], vector<16xf32>,
        %get3A_479 = arith.index_cast %add3A_458 : i32 to index
        %get3A_480 = arith.constant 48 : index
        %get3A_481 = tpu.vector_load %arg7[%get3A_479, %get3A_480] {strides = array<i32>} : memref<256x64xf32, #tpu.memory_space<vmem>>, vector<16xf32>,
        %mul3A_482 = arith.constant 8.000000e+00 : f32
        %mul3A_483 = vector.broadcast %mul3A_482 : f32 to vector<16xf32>
        %mul3A_484 = arith.mulf %get3A_481, %mul3A_483 : vector<16xf32>
        tpu.vector_store_idx %arg9[%select_n3A_183, %broadcast_in_dim3A_286, %select_n3A_283, %add3A_461], %mul3A_484 : memref<8x2x8x129xf32, #tpu.memory_space<vmem>>[vector<16xi32>, vector<16xi32>, vector<16xi32>, vector<16xi32>], vector<16xf32>,
        %add3A_485 = arith.constant 128 : i32
        %add3A_486 = arith.addi %add3A_485, %mul3A_453 : i32
        %add3A_487 = arith.constant 1 : i32
        %add3A_488 = arith.addi %add3A_486, %add3A_487 : i32
        %add3A_489 = arith.constant 1 : i32
        %add3A_490 = vector.broadcast %add3A_489 : i32 to vector<16xi32>
        %add3A_491 = arith.addi %broadcast_in_dim3A_454, %add3A_490 : vector<16xi32>
        %get3A_492 = arith.index_cast %add3A_488 : i32 to index
        %get3A_493 = arith.constant 0 : index
        %get3A_494 = tpu.vector_load %arg7[%get3A_492, %get3A_493] {strides = array<i32>} : memref<256x64xf32, #tpu.memory_space<vmem>>, vector<16xf32>,
        %mul3A_495 = arith.constant 8.000000e+00 : f32
        %mul3A_496 = vector.broadcast %mul3A_495 : f32 to vector<16xf32>
        %mul3A_497 = arith.mulf %get3A_494, %mul3A_496 : vector<16xf32>
        tpu.vector_store_idx %arg9[%select_n3A_81, %broadcast_in_dim3A_286, %select_n3A_208, %add3A_491], %mul3A_497 : memref<8x2x8x129xf32, #tpu.memory_space<vmem>>[vector<16xi32>, vector<16xi32>, vector<16xi32>, vector<16xi32>], vector<16xf32>,
        %get3A_498 = arith.index_cast %add3A_488 : i32 to index
        %get3A_499 = arith.constant 16 : index
        %get3A_500 = tpu.vector_load %arg7[%get3A_498, %get3A_499] {strides = array<i32>} : memref<256x64xf32, #tpu.memory_space<vmem>>, vector<16xf32>,
        %mul3A_501 = arith.constant 8.000000e+00 : f32
        %mul3A_502 = vector.broadcast %mul3A_501 : f32 to vector<16xf32>
        %mul3A_503 = arith.mulf %get3A_500, %mul3A_502 : vector<16xf32>
        tpu.vector_store_idx %arg9[%select_n3A_115, %broadcast_in_dim3A_286, %select_n3A_233, %add3A_491], %mul3A_503 : memref<8x2x8x129xf32, #tpu.memory_space<vmem>>[vector<16xi32>, vector<16xi32>, vector<16xi32>, vector<16xi32>], vector<16xf32>,
        %get3A_504 = arith.index_cast %add3A_488 : i32 to index
        %get3A_505 = arith.constant 32 : index
        %get3A_506 = tpu.vector_load %arg7[%get3A_504, %get3A_505] {strides = array<i32>} : memref<256x64xf32, #tpu.memory_space<vmem>>, vector<16xf32>,
        %mul3A_507 = arith.constant 8.000000e+00 : f32
        %mul3A_508 = vector.broadcast %mul3A_507 : f32 to vector<16xf32>
        %mul3A_509 = arith.mulf %get3A_506, %mul3A_508 : vector<16xf32>
        tpu.vector_store_idx %arg9[%select_n3A_149, %broadcast_in_dim3A_286, %select_n3A_258, %add3A_491], %mul3A_509 : memref<8x2x8x129xf32, #tpu.memory_space<vmem>>[vector<16xi32>, vector<16xi32>, vector<16xi32>, vector<16xi32>], vector<16xf32>,
        %get3A_510 = arith.index_cast %add3A_488 : i32 to index
        %get3A_511 = arith.constant 48 : index
        %get3A_512 = tpu.vector_load %arg7[%get3A_510, %get3A_511] {strides = array<i32>} : memref<256x64xf32, #tpu.memory_space<vmem>>, vector<16xf32>,
        %mul3A_513 = arith.constant 8.000000e+00 : f32
        %mul3A_514 = vector.broadcast %mul3A_513 : f32 to vector<16xf32>
        %mul3A_515 = arith.mulf %get3A_512, %mul3A_514 : vector<16xf32>
        tpu.vector_store_idx %arg9[%select_n3A_183, %broadcast_in_dim3A_286, %select_n3A_283, %add3A_491], %mul3A_515 : memref<8x2x8x129xf32, #tpu.memory_space<vmem>>[vector<16xi32>, vector<16xi32>, vector<16xi32>, vector<16xi32>], vector<16xf32>,
        %add3A_516 = arith.constant 128 : i32
        %add3A_517 = arith.addi %add3A_516, %mul3A_453 : i32
        %add3A_518 = arith.constant 2 : i32
        %add3A_519 = arith.addi %add3A_517, %add3A_518 : i32
        %add3A_520 = arith.constant 2 : i32
        %add3A_521 = vector.broadcast %add3A_520 : i32 to vector<16xi32>
        %add3A_522 = arith.addi %broadcast_in_dim3A_454, %add3A_521 : vector<16xi32>
        %get3A_523 = arith.index_cast %add3A_519 : i32 to index
        %get3A_524 = arith.constant 0 : index
        %get3A_525 = tpu.vector_load %arg7[%get3A_523, %get3A_524] {strides = array<i32>} : memref<256x64xf32, #tpu.memory_space<vmem>>, vector<16xf32>,
        %mul3A_526 = arith.constant 8.000000e+00 : f32
        %mul3A_527 = vector.broadcast %mul3A_526 : f32 to vector<16xf32>
        %mul3A_528 = arith.mulf %get3A_525, %mul3A_527 : vector<16xf32>
        tpu.vector_store_idx %arg9[%select_n3A_81, %broadcast_in_dim3A_286, %select_n3A_208, %add3A_522], %mul3A_528 : memref<8x2x8x129xf32, #tpu.memory_space<vmem>>[vector<16xi32>, vector<16xi32>, vector<16xi32>, vector<16xi32>], vector<16xf32>,
        %get3A_529 = arith.index_cast %add3A_519 : i32 to index
        %get3A_530 = arith.constant 16 : index
        %get3A_531 = tpu.vector_load %arg7[%get3A_529, %get3A_530] {strides = array<i32>} : memref<256x64xf32, #tpu.memory_space<vmem>>, vector<16xf32>,
        %mul3A_532 = arith.constant 8.000000e+00 : f32
        %mul3A_533 = vector.broadcast %mul3A_532 : f32 to vector<16xf32>
        %mul3A_534 = arith.mulf %get3A_531, %mul3A_533 : vector<16xf32>
        tpu.vector_store_idx %arg9[%select_n3A_115, %broadcast_in_dim3A_286, %select_n3A_233, %add3A_522], %mul3A_534 : memref<8x2x8x129xf32, #tpu.memory_space<vmem>>[vector<16xi32>, vector<16xi32>, vector<16xi32>, vector<16xi32>], vector<16xf32>,
        %get3A_535 = arith.index_cast %add3A_519 : i32 to index
        %get3A_536 = arith.constant 32 : index
        %get3A_537 = tpu.vector_load %arg7[%get3A_535, %get3A_536] {strides = array<i32>} : memref<256x64xf32, #tpu.memory_space<vmem>>, vector<16xf32>,
        %mul3A_538 = arith.constant 8.000000e+00 : f32
        %mul3A_539 = vector.broadcast %mul3A_538 : f32 to vector<16xf32>
        %mul3A_540 = arith.mulf %get3A_537, %mul3A_539 : vector<16xf32>
        tpu.vector_store_idx %arg9[%select_n3A_149, %broadcast_in_dim3A_286, %select_n3A_258, %add3A_522], %mul3A_540 : memref<8x2x8x129xf32, #tpu.memory_space<vmem>>[vector<16xi32>, vector<16xi32>, vector<16xi32>, vector<16xi32>], vector<16xf32>,
        %get3A_541 = arith.index_cast %add3A_519 : i32 to index
        %get3A_542 = arith.constant 48 : index
        %get3A_543 = tpu.vector_load %arg7[%get3A_541, %get3A_542] {strides = array<i32>} : memref<256x64xf32, #tpu.memory_space<vmem>>, vector<16xf32>,
        %mul3A_544 = arith.constant 8.000000e+00 : f32
        %mul3A_545 = vector.broadcast %mul3A_544 : f32 to vector<16xf32>
        %mul3A_546 = arith.mulf %get3A_543, %mul3A_545 : vector<16xf32>
        tpu.vector_store_idx %arg9[%select_n3A_183, %broadcast_in_dim3A_286, %select_n3A_283, %add3A_522], %mul3A_546 : memref<8x2x8x129xf32, #tpu.memory_space<vmem>>[vector<16xi32>, vector<16xi32>, vector<16xi32>, vector<16xi32>], vector<16xf32>,
        %add3A_547 = arith.constant 128 : i32
        %add3A_548 = arith.addi %add3A_547, %mul3A_453 : i32
        %add3A_549 = arith.constant 3 : i32
        %add3A_550 = arith.addi %add3A_548, %add3A_549 : i32
        %add3A_551 = arith.constant 3 : i32
        %add3A_552 = vector.broadcast %add3A_551 : i32 to vector<16xi32>
        %add3A_553 = arith.addi %broadcast_in_dim3A_454, %add3A_552 : vector<16xi32>
        %get3A_554 = arith.index_cast %add3A_550 : i32 to index
        %get3A_555 = arith.constant 0 : index
        %get3A_556 = tpu.vector_load %arg7[%get3A_554, %get3A_555] {strides = array<i32>} : memref<256x64xf32, #tpu.memory_space<vmem>>, vector<16xf32>,
        %mul3A_557 = arith.constant 8.000000e+00 : f32
        %mul3A_558 = vector.broadcast %mul3A_557 : f32 to vector<16xf32>
        %mul3A_559 = arith.mulf %get3A_556, %mul3A_558 : vector<16xf32>
        tpu.vector_store_idx %arg9[%select_n3A_81, %broadcast_in_dim3A_286, %select_n3A_208, %add3A_553], %mul3A_559 : memref<8x2x8x129xf32, #tpu.memory_space<vmem>>[vector<16xi32>, vector<16xi32>, vector<16xi32>, vector<16xi32>], vector<16xf32>,
        %get3A_560 = arith.index_cast %add3A_550 : i32 to index
        %get3A_561 = arith.constant 16 : index
        %get3A_562 = tpu.vector_load %arg7[%get3A_560, %get3A_561] {strides = array<i32>} : memref<256x64xf32, #tpu.memory_space<vmem>>, vector<16xf32>,
        %mul3A_563 = arith.constant 8.000000e+00 : f32
        %mul3A_564 = vector.broadcast %mul3A_563 : f32 to vector<16xf32>
        %mul3A_565 = arith.mulf %get3A_562, %mul3A_564 : vector<16xf32>
        tpu.vector_store_idx %arg9[%select_n3A_115, %broadcast_in_dim3A_286, %select_n3A_233, %add3A_553], %mul3A_565 : memref<8x2x8x129xf32, #tpu.memory_space<vmem>>[vector<16xi32>, vector<16xi32>, vector<16xi32>, vector<16xi32>], vector<16xf32>,
        %get3A_566 = arith.index_cast %add3A_550 : i32 to index
        %get3A_567 = arith.constant 32 : index
        %get3A_568 = tpu.vector_load %arg7[%get3A_566, %get3A_567] {strides = array<i32>} : memref<256x64xf32, #tpu.memory_space<vmem>>, vector<16xf32>,
        %mul3A_569 = arith.constant 8.000000e+00 : f32
        %mul3A_570 = vector.broadcast %mul3A_569 : f32 to vector<16xf32>
        %mul3A_571 = arith.mulf %get3A_568, %mul3A_570 : vector<16xf32>
        tpu.vector_store_idx %arg9[%select_n3A_149, %broadcast_in_dim3A_286, %select_n3A_258, %add3A_553], %mul3A_571 : memref<8x2x8x129xf32, #tpu.memory_space<vmem>>[vector<16xi32>, vector<16xi32>, vector<16xi32>, vector<16xi32>], vector<16xf32>,
        %get3A_572 = arith.index_cast %add3A_550 : i32 to index
        %get3A_573 = arith.constant 48 : index
        %get3A_574 = tpu.vector_load %arg7[%get3A_572, %get3A_573] {strides = array<i32>} : memref<256x64xf32, #tpu.memory_space<vmem>>, vector<16xf32>,
        %mul3A_575 = arith.constant 8.000000e+00 : f32
        %mul3A_576 = vector.broadcast %mul3A_575 : f32 to vector<16xf32>
        %mul3A_577 = arith.mulf %get3A_574, %mul3A_576 : vector<16xf32>
        tpu.vector_store_idx %arg9[%select_n3A_183, %broadcast_in_dim3A_286, %select_n3A_283, %add3A_553], %mul3A_577 : memref<8x2x8x129xf32, #tpu.memory_space<vmem>>[vector<16xi32>, vector<16xi32>, vector<16xi32>, vector<16xi32>], vector<16xf32>,
        %add3A_578 = arith.constant 128 : i32
        %add3A_579 = arith.addi %add3A_578, %mul3A_453 : i32
        %add3A_580 = arith.constant 4 : i32
        %add3A_581 = arith.addi %add3A_579, %add3A_580 : i32
        %add3A_582 = arith.constant 4 : i32
        %add3A_583 = vector.broadcast %add3A_582 : i32 to vector<16xi32>
        %add3A_584 = arith.addi %broadcast_in_dim3A_454, %add3A_583 : vector<16xi32>
        %get3A_585 = arith.index_cast %add3A_581 : i32 to index
        %get3A_586 = arith.constant 0 : index
        %get3A_587 = tpu.vector_load %arg7[%get3A_585, %get3A_586] {strides = array<i32>} : memref<256x64xf32, #tpu.memory_space<vmem>>, vector<16xf32>,
        %mul3A_588 = arith.constant 8.000000e+00 : f32
        %mul3A_589 = vector.broadcast %mul3A_588 : f32 to vector<16xf32>
        %mul3A_590 = arith.mulf %get3A_587, %mul3A_589 : vector<16xf32>
        tpu.vector_store_idx %arg9[%select_n3A_81, %broadcast_in_dim3A_286, %select_n3A_208, %add3A_584], %mul3A_590 : memref<8x2x8x129xf32, #tpu.memory_space<vmem>>[vector<16xi32>, vector<16xi32>, vector<16xi32>, vector<16xi32>], vector<16xf32>,
        %get3A_591 = arith.index_cast %add3A_581 : i32 to index
        %get3A_592 = arith.constant 16 : index
        %get3A_593 = tpu.vector_load %arg7[%get3A_591, %get3A_592] {strides = array<i32>} : memref<256x64xf32, #tpu.memory_space<vmem>>, vector<16xf32>,
        %mul3A_594 = arith.constant 8.000000e+00 : f32
        %mul3A_595 = vector.broadcast %mul3A_594 : f32 to vector<16xf32>
        %mul3A_596 = arith.mulf %get3A_593, %mul3A_595 : vector<16xf32>
        tpu.vector_store_idx %arg9[%select_n3A_115, %broadcast_in_dim3A_286, %select_n3A_233, %add3A_584], %mul3A_596 : memref<8x2x8x129xf32, #tpu.memory_space<vmem>>[vector<16xi32>, vector<16xi32>, vector<16xi32>, vector<16xi32>], vector<16xf32>,
        %get3A_597 = arith.index_cast %add3A_581 : i32 to index
        %get3A_598 = arith.constant 32 : index
        %get3A_599 = tpu.vector_load %arg7[%get3A_597, %get3A_598] {strides = array<i32>} : memref<256x64xf32, #tpu.memory_space<vmem>>, vector<16xf32>,
        %mul3A_600 = arith.constant 8.000000e+00 : f32
        %mul3A_601 = vector.broadcast %mul3A_600 : f32 to vector<16xf32>
        %mul3A_602 = arith.mulf %get3A_599, %mul3A_601 : vector<16xf32>
        tpu.vector_store_idx %arg9[%select_n3A_149, %broadcast_in_dim3A_286, %select_n3A_258, %add3A_584], %mul3A_602 : memref<8x2x8x129xf32, #tpu.memory_space<vmem>>[vector<16xi32>, vector<16xi32>, vector<16xi32>, vector<16xi32>], vector<16xf32>,
        %get3A_603 = arith.index_cast %add3A_581 : i32 to index
        %get3A_604 = arith.constant 48 : index
        %get3A_605 = tpu.vector_load %arg7[%get3A_603, %get3A_604] {strides = array<i32>} : memref<256x64xf32, #tpu.memory_space<vmem>>, vector<16xf32>,
        %mul3A_606 = arith.constant 8.000000e+00 : f32
        %mul3A_607 = vector.broadcast %mul3A_606 : f32 to vector<16xf32>
        %mul3A_608 = arith.mulf %get3A_605, %mul3A_607 : vector<16xf32>
        tpu.vector_store_idx %arg9[%select_n3A_183, %broadcast_in_dim3A_286, %select_n3A_283, %add3A_584], %mul3A_608 : memref<8x2x8x129xf32, #tpu.memory_space<vmem>>[vector<16xi32>, vector<16xi32>, vector<16xi32>, vector<16xi32>], vector<16xf32>,
        %add3A_609 = arith.constant 128 : i32
        %add3A_610 = arith.addi %add3A_609, %mul3A_453 : i32
        %add3A_611 = arith.constant 5 : i32
        %add3A_612 = arith.addi %add3A_610, %add3A_611 : i32
        %add3A_613 = arith.constant 5 : i32
        %add3A_614 = vector.broadcast %add3A_613 : i32 to vector<16xi32>
        %add3A_615 = arith.addi %broadcast_in_dim3A_454, %add3A_614 : vector<16xi32>
        %get3A_616 = arith.index_cast %add3A_612 : i32 to index
        %get3A_617 = arith.constant 0 : index
        %get3A_618 = tpu.vector_load %arg7[%get3A_616, %get3A_617] {strides = array<i32>} : memref<256x64xf32, #tpu.memory_space<vmem>>, vector<16xf32>,
        %mul3A_619 = arith.constant 8.000000e+00 : f32
        %mul3A_620 = vector.broadcast %mul3A_619 : f32 to vector<16xf32>
        %mul3A_621 = arith.mulf %get3A_618, %mul3A_620 : vector<16xf32>
        tpu.vector_store_idx %arg9[%select_n3A_81, %broadcast_in_dim3A_286, %select_n3A_208, %add3A_615], %mul3A_621 : memref<8x2x8x129xf32, #tpu.memory_space<vmem>>[vector<16xi32>, vector<16xi32>, vector<16xi32>, vector<16xi32>], vector<16xf32>,
        %get3A_622 = arith.index_cast %add3A_612 : i32 to index
        %get3A_623 = arith.constant 16 : index
        %get3A_624 = tpu.vector_load %arg7[%get3A_622, %get3A_623] {strides = array<i32>} : memref<256x64xf32, #tpu.memory_space<vmem>>, vector<16xf32>,
        %mul3A_625 = arith.constant 8.000000e+00 : f32
        %mul3A_626 = vector.broadcast %mul3A_625 : f32 to vector<16xf32>
        %mul3A_627 = arith.mulf %get3A_624, %mul3A_626 : vector<16xf32>
        tpu.vector_store_idx %arg9[%select_n3A_115, %broadcast_in_dim3A_286, %select_n3A_233, %add3A_615], %mul3A_627 : memref<8x2x8x129xf32, #tpu.memory_space<vmem>>[vector<16xi32>, vector<16xi32>, vector<16xi32>, vector<16xi32>], vector<16xf32>,
        %get3A_628 = arith.index_cast %add3A_612 : i32 to index
        %get3A_629 = arith.constant 32 : index
        %get3A_630 = tpu.vector_load %arg7[%get3A_628, %get3A_629] {strides = array<i32>} : memref<256x64xf32, #tpu.memory_space<vmem>>, vector<16xf32>,
        %mul3A_631 = arith.constant 8.000000e+00 : f32
        %mul3A_632 = vector.broadcast %mul3A_631 : f32 to vector<16xf32>
        %mul3A_633 = arith.mulf %get3A_630, %mul3A_632 : vector<16xf32>
        tpu.vector_store_idx %arg9[%select_n3A_149, %broadcast_in_dim3A_286, %select_n3A_258, %add3A_615], %mul3A_633 : memref<8x2x8x129xf32, #tpu.memory_space<vmem>>[vector<16xi32>, vector<16xi32>, vector<16xi32>, vector<16xi32>], vector<16xf32>,
        %get3A_634 = arith.index_cast %add3A_612 : i32 to index
        %get3A_635 = arith.constant 48 : index
        %get3A_636 = tpu.vector_load %arg7[%get3A_634, %get3A_635] {strides = array<i32>} : memref<256x64xf32, #tpu.memory_space<vmem>>, vector<16xf32>,
        %mul3A_637 = arith.constant 8.000000e+00 : f32
        %mul3A_638 = vector.broadcast %mul3A_637 : f32 to vector<16xf32>
        %mul3A_639 = arith.mulf %get3A_636, %mul3A_638 : vector<16xf32>
        tpu.vector_store_idx %arg9[%select_n3A_183, %broadcast_in_dim3A_286, %select_n3A_283, %add3A_615], %mul3A_639 : memref<8x2x8x129xf32, #tpu.memory_space<vmem>>[vector<16xi32>, vector<16xi32>, vector<16xi32>, vector<16xi32>], vector<16xf32>,
        %add3A_640 = arith.constant 128 : i32
        %add3A_641 = arith.addi %add3A_640, %mul3A_453 : i32
        %add3A_642 = arith.constant 6 : i32
        %add3A_643 = arith.addi %add3A_641, %add3A_642 : i32
        %add3A_644 = arith.constant 6 : i32
        %add3A_645 = vector.broadcast %add3A_644 : i32 to vector<16xi32>
        %add3A_646 = arith.addi %broadcast_in_dim3A_454, %add3A_645 : vector<16xi32>
        %get3A_647 = arith.index_cast %add3A_643 : i32 to index
        %get3A_648 = arith.constant 0 : index
        %get3A_649 = tpu.vector_load %arg7[%get3A_647, %get3A_648] {strides = array<i32>} : memref<256x64xf32, #tpu.memory_space<vmem>>, vector<16xf32>,
        %mul3A_650 = arith.constant 8.000000e+00 : f32
        %mul3A_651 = vector.broadcast %mul3A_650 : f32 to vector<16xf32>
        %mul3A_652 = arith.mulf %get3A_649, %mul3A_651 : vector<16xf32>
        tpu.vector_store_idx %arg9[%select_n3A_81, %broadcast_in_dim3A_286, %select_n3A_208, %add3A_646], %mul3A_652 : memref<8x2x8x129xf32, #tpu.memory_space<vmem>>[vector<16xi32>, vector<16xi32>, vector<16xi32>, vector<16xi32>], vector<16xf32>,
        %get3A_653 = arith.index_cast %add3A_643 : i32 to index
        %get3A_654 = arith.constant 16 : index
        %get3A_655 = tpu.vector_load %arg7[%get3A_653, %get3A_654] {strides = array<i32>} : memref<256x64xf32, #tpu.memory_space<vmem>>, vector<16xf32>,
        %mul3A_656 = arith.constant 8.000000e+00 : f32
        %mul3A_657 = vector.broadcast %mul3A_656 : f32 to vector<16xf32>
        %mul3A_658 = arith.mulf %get3A_655, %mul3A_657 : vector<16xf32>
        tpu.vector_store_idx %arg9[%select_n3A_115, %broadcast_in_dim3A_286, %select_n3A_233, %add3A_646], %mul3A_658 : memref<8x2x8x129xf32, #tpu.memory_space<vmem>>[vector<16xi32>, vector<16xi32>, vector<16xi32>, vector<16xi32>], vector<16xf32>,
        %get3A_659 = arith.index_cast %add3A_643 : i32 to index
        %get3A_660 = arith.constant 32 : index
        %get3A_661 = tpu.vector_load %arg7[%get3A_659, %get3A_660] {strides = array<i32>} : memref<256x64xf32, #tpu.memory_space<vmem>>, vector<16xf32>,
        %mul3A_662 = arith.constant 8.000000e+00 : f32
        %mul3A_663 = vector.broadcast %mul3A_662 : f32 to vector<16xf32>
        %mul3A_664 = arith.mulf %get3A_661, %mul3A_663 : vector<16xf32>
        tpu.vector_store_idx %arg9[%select_n3A_149, %broadcast_in_dim3A_286, %select_n3A_258, %add3A_646], %mul3A_664 : memref<8x2x8x129xf32, #tpu.memory_space<vmem>>[vector<16xi32>, vector<16xi32>, vector<16xi32>, vector<16xi32>], vector<16xf32>,
        %get3A_665 = arith.index_cast %add3A_643 : i32 to index
        %get3A_666 = arith.constant 48 : index
        %get3A_667 = tpu.vector_load %arg7[%get3A_665, %get3A_666] {strides = array<i32>} : memref<256x64xf32, #tpu.memory_space<vmem>>, vector<16xf32>,
        %mul3A_668 = arith.constant 8.000000e+00 : f32
        %mul3A_669 = vector.broadcast %mul3A_668 : f32 to vector<16xf32>
        %mul3A_670 = arith.mulf %get3A_667, %mul3A_669 : vector<16xf32>
        tpu.vector_store_idx %arg9[%select_n3A_183, %broadcast_in_dim3A_286, %select_n3A_283, %add3A_646], %mul3A_670 : memref<8x2x8x129xf32, #tpu.memory_space<vmem>>[vector<16xi32>, vector<16xi32>, vector<16xi32>, vector<16xi32>], vector<16xf32>,
        %add3A_671 = arith.constant 128 : i32
        %add3A_672 = arith.addi %add3A_671, %mul3A_453 : i32
        %add3A_673 = arith.constant 7 : i32
        %add3A_674 = arith.addi %add3A_672, %add3A_673 : i32
        %add3A_675 = arith.constant 7 : i32
        %add3A_676 = vector.broadcast %add3A_675 : i32 to vector<16xi32>
        %add3A_677 = arith.addi %broadcast_in_dim3A_454, %add3A_676 : vector<16xi32>
        %get3A_678 = arith.index_cast %add3A_674 : i32 to index
        %get3A_679 = arith.constant 0 : index
        %get3A_680 = tpu.vector_load %arg7[%get3A_678, %get3A_679] {strides = array<i32>} : memref<256x64xf32, #tpu.memory_space<vmem>>, vector<16xf32>,
        %mul3A_681 = arith.constant 8.000000e+00 : f32
        %mul3A_682 = vector.broadcast %mul3A_681 : f32 to vector<16xf32>
        %mul3A_683 = arith.mulf %get3A_680, %mul3A_682 : vector<16xf32>
        tpu.vector_store_idx %arg9[%select_n3A_81, %broadcast_in_dim3A_286, %select_n3A_208, %add3A_677], %mul3A_683 : memref<8x2x8x129xf32, #tpu.memory_space<vmem>>[vector<16xi32>, vector<16xi32>, vector<16xi32>, vector<16xi32>], vector<16xf32>,
        %get3A_684 = arith.index_cast %add3A_674 : i32 to index
        %get3A_685 = arith.constant 16 : index
        %get3A_686 = tpu.vector_load %arg7[%get3A_684, %get3A_685] {strides = array<i32>} : memref<256x64xf32, #tpu.memory_space<vmem>>, vector<16xf32>,
        %mul3A_687 = arith.constant 8.000000e+00 : f32
        %mul3A_688 = vector.broadcast %mul3A_687 : f32 to vector<16xf32>
        %mul3A_689 = arith.mulf %get3A_686, %mul3A_688 : vector<16xf32>
        tpu.vector_store_idx %arg9[%select_n3A_115, %broadcast_in_dim3A_286, %select_n3A_233, %add3A_677], %mul3A_689 : memref<8x2x8x129xf32, #tpu.memory_space<vmem>>[vector<16xi32>, vector<16xi32>, vector<16xi32>, vector<16xi32>], vector<16xf32>,
        %get3A_690 = arith.index_cast %add3A_674 : i32 to index
        %get3A_691 = arith.constant 32 : index
        %get3A_692 = tpu.vector_load %arg7[%get3A_690, %get3A_691] {strides = array<i32>} : memref<256x64xf32, #tpu.memory_space<vmem>>, vector<16xf32>,
        %mul3A_693 = arith.constant 8.000000e+00 : f32
        %mul3A_694 = vector.broadcast %mul3A_693 : f32 to vector<16xf32>
        %mul3A_695 = arith.mulf %get3A_692, %mul3A_694 : vector<16xf32>
        tpu.vector_store_idx %arg9[%select_n3A_149, %broadcast_in_dim3A_286, %select_n3A_258, %add3A_677], %mul3A_695 : memref<8x2x8x129xf32, #tpu.memory_space<vmem>>[vector<16xi32>, vector<16xi32>, vector<16xi32>, vector<16xi32>], vector<16xf32>,
        %get3A_696 = arith.index_cast %add3A_674 : i32 to index
        %get3A_697 = arith.constant 48 : index
        %get3A_698 = tpu.vector_load %arg7[%get3A_696, %get3A_697] {strides = array<i32>} : memref<256x64xf32, #tpu.memory_space<vmem>>, vector<16xf32>,
        %mul3A_699 = arith.constant 8.000000e+00 : f32
        %mul3A_700 = vector.broadcast %mul3A_699 : f32 to vector<16xf32>
        %mul3A_701 = arith.mulf %get3A_698, %mul3A_700 : vector<16xf32>
        tpu.vector_store_idx %arg9[%select_n3A_183, %broadcast_in_dim3A_286, %select_n3A_283, %add3A_677], %mul3A_701 : memref<8x2x8x129xf32, #tpu.memory_space<vmem>>[vector<16xi32>, vector<16xi32>, vector<16xi32>, vector<16xi32>], vector<16xf32>,
      }
      %scan3A_420 = arith.constant 16 : i32
      %add3A_421 = arith.addi %mul3A_32, %add3A_397 : i32
      %mul3A_422 = arith.constant 2 : i32
      %mul3A_423 = arith.muli %select_n3A_9, %mul3A_422 : i32
      %dma_start3A_424 = arith.constant 0 : i32
      %dma_start3A_425 = arith.constant 0 : i32
      %dma_start3A_426 = arith.constant 0 : i32
      %dma_start3A_427 = arith.constant 0 : i32
      %dma_start3A_428 = tpu.memref_slice %arg9[%dma_start3A_424, %dma_start3A_425, %dma_start3A_426, %dma_start3A_427] : memref<8x2x8x129xf32, #tpu.memory_space<vmem>> -> memref<8x2x8x128xf32, #tpu.memory_space<vmem>>
      %dma_start3A_429 = arith.constant 0 : i32
      %dma_start3A_430 = arith.constant 0 : i32
      %dma_start3A_431 = arith.constant 0 : i32
      %dma_start3A_432 = tpu.memref_slice %arg4[%add3A_421, %dma_start3A_429, %mul3A_423, %dma_start3A_430, %dma_start3A_431] : memref<200x8x32x8x128xf32, #tpu.memory_space<hbm>> -> memref<1x8x2x8x128xf32, #tpu.memory_space<hbm>>
      %dma_start3A_433 = tpu.memref_squeeze %dma_start3A_432 : memref<1x8x2x8x128xf32, #tpu.memory_space<hbm>> -> memref<8x2x8x128xf32, #tpu.memory_space<hbm>>
      %dma_start3A_434 = arith.constant 0 : i32
      %dma_start3A_435 = arith.constant 0 : i32
      %dma_start3A_436 = arith.constant 0 : i32
      %dma_start3A_437 = tpu.memref_slice %arg4[%add3A_421, %dma_start3A_434, %mul3A_423, %dma_start3A_435, %dma_start3A_436] : memref<200x8x32x8x128xf32, #tpu.memory_space<hbm>> -> memref<1x8x2x8x128xf32, #tpu.memory_space<hbm>>
      %dma_start3A_438 = tpu.memref_squeeze %dma_start3A_437 : memref<1x8x2x8x128xf32, #tpu.memory_space<hbm>> -> memref<8x2x8x128xf32, #tpu.memory_space<hbm>>
      %dma_start3A_439 = arith.constant 0 : i32
      %dma_start3A_440 = arith.constant 0 : i32
      %dma_start3A_441 = arith.constant 0 : i32
      %dma_start3A_442 = arith.constant 0 : i32
      %dma_start3A_443 = tpu.memref_slice %arg9[%dma_start3A_439, %dma_start3A_440, %dma_start3A_441, %dma_start3A_442] : memref<8x2x8x129xf32, #tpu.memory_space<vmem>> -> memref<8x2x8x128xf32, #tpu.memory_space<vmem>>
      tpu.enqueue_dma source(%dma_start3A_443 : memref<8x2x8x128xf32, #tpu.memory_space<vmem>>) target(%dma_start3A_438 : memref<8x2x8x128xf32, #tpu.memory_space<hbm>>) target_semaphore(%arg13 : memref<!tpu.dma_semaphore, #tpu.memory_space<semaphore_mem>>)
      %add3A_444 = arith.constant 2 : i32
      %add3A_445 = arith.addi %add3A_397, %add3A_444 : i32
      %lt3A_446 = arith.constant 100 : i32
      %lt3A_447 = arith.cmpi slt, %add3A_445, %lt3A_446 : i32
      %convert_element_type3A_448 = arith.extui %lt3A_447 : i1 to i32
      %cond3A_449 = arith.constant 0 : i32
      %cond3A_450 = arith.cmpi ne, %convert_element_type3A_448, %cond3A_449 : i32
      scf.if %cond3A_450 {
        %add3A_451 = arith.constant 2 : i32
        %add3A_452 = arith.addi %add3A_397, %add3A_451 : i32
        %dma_start3A_453 = arith.constant 0 : i32
        %dma_start3A_454 = tpu.memref_slice %arg5[%add3A_452, %dma_start3A_453] : memref<100x256xi32, #tpu.memory_space<vmem>> -> memref<1x256xi32, #tpu.memory_space<vmem>>
        %dma_start3A_455 = tpu.memref_squeeze %dma_start3A_454 : memref<1x256xi32, #tpu.memory_space<vmem>> -> memref<256xi32, #tpu.memory_space<vmem>>
        %dma_start3A_456 = arith.constant 0 : i32
        %dma_start3A_457 = arith.constant 0 : i32
        %dma_start3A_458 = tpu.memref_slice %arg2[%dma_start3A_456, %dma_start3A_457] : memref<1000000x64xf32, #tpu.memory_space<hbm>> -> memref<1000000x64xf32, #tpu.memory_space<hbm>>
        tpu.enqueue_indirect_dma source(%dma_start3A_458 : memref<1000000x64xf32, #tpu.memory_space<hbm>>) target(%arg7 : memref<256x64xf32, #tpu.memory_space<vmem>>) offsets(%dma_start3A_455 : memref<256xi32, #tpu.memory_space<vmem>>) semaphore(%arg11 : memref<!tpu.dma_semaphore, #tpu.memory_space<semaphore_mem>>)
      } else {
      }
    }
    %scan3A_291 = arith.constant 50 : i32
    %add3A_292 = arith.constant 0 : i32
    %add3A_293 = arith.addi %mul3A_32, %add3A_292 : i32
    %mul3A_294 = arith.constant 2 : i32
    %mul3A_295 = arith.muli %select_n3A_9, %mul3A_294 : i32
    %dma_wait3A = arith.constant 0 : i32
    %dma_wait3A_296 = arith.constant 0 : i32
    %dma_wait3A_297 = arith.constant 0 : i32
    %dma_wait3A_298 = arith.constant 0 : i32
    %dma_wait3A_299 = tpu.memref_slice %arg8[%dma_wait3A, %dma_wait3A_296, %dma_wait3A_297, %dma_wait3A_298] : memref<8x2x8x129xf32, #tpu.memory_space<vmem>> -> memref<8x2x8x128xf32, #tpu.memory_space<vmem>>
    %dma_wait3A_300 = arith.constant 0 : i32
    %dma_wait3A_301 = arith.constant 0 : i32
    %dma_wait3A_302 = arith.constant 0 : i32
    %dma_wait3A_303 = tpu.memref_slice %arg4[%add3A_293, %dma_wait3A_300, %mul3A_295, %dma_wait3A_301, %dma_wait3A_302] : memref<200x8x32x8x128xf32, #tpu.memory_space<hbm>> -> memref<1x8x2x8x128xf32, #tpu.memory_space<hbm>>
    %dma_wait3A_304 = tpu.memref_squeeze %dma_wait3A_303 : memref<1x8x2x8x128xf32, #tpu.memory_space<hbm>> -> memref<8x2x8x128xf32, #tpu.memory_space<hbm>>
    %dma_wait3A_305 = arith.constant 0 : i32
    %dma_wait3A_306 = arith.constant 0 : i32
    %dma_wait3A_307 = arith.constant 0 : i32
    %dma_wait3A_308 = tpu.memref_slice %arg4[%add3A_293, %dma_wait3A_305, %mul3A_295, %dma_wait3A_306, %dma_wait3A_307] : memref<200x8x32x8x128xf32, #tpu.memory_space<hbm>> -> memref<1x8x2x8x128xf32, #tpu.memory_space<hbm>>
    %dma_wait3A_309 = tpu.memref_squeeze %dma_wait3A_308 : memref<1x8x2x8x128xf32, #tpu.memory_space<hbm>> -> memref<8x2x8x128xf32, #tpu.memory_space<hbm>>
    %dma_wait3A_310 = arith.constant 0 : i32
    %dma_wait3A_311 = arith.constant 0 : i32
    %dma_wait3A_312 = arith.constant 0 : i32
    %dma_wait3A_313 = arith.constant 0 : i32
    %dma_wait3A_314 = tpu.memref_slice %arg8[%dma_wait3A_310, %dma_wait3A_311, %dma_wait3A_312, %dma_wait3A_313] : memref<8x2x8x129xf32, #tpu.memory_space<vmem>> -> memref<8x2x8x128xf32, #tpu.memory_space<vmem>>
    tpu.wait_dma2 semaphore(%arg12 : memref<!tpu.dma_semaphore, #tpu.memory_space<semaphore_mem>>) src(%dma_wait3A_314 : memref<8x2x8x128xf32, #tpu.memory_space<vmem>>) dst(%dma_wait3A_309 : memref<8x2x8x128xf32, #tpu.memory_space<hbm>>)
    %add3A_315 = arith.constant 0 : i32
    %add3A_316 = arith.addi %mul3A_32, %add3A_315 : i32
    %mul3A_317 = arith.constant 2 : i32
    %mul3A_318 = arith.muli %select_n3A_9, %mul3A_317 : i32
    %dma_wait3A_319 = arith.constant 0 : i32
    %dma_wait3A_320 = arith.constant 0 : i32
    %dma_wait3A_321 = arith.constant 0 : i32
    %dma_wait3A_322 = arith.constant 0 : i32
    %dma_wait3A_323 = tpu.memref_slice %arg9[%dma_wait3A_319, %dma_wait3A_320, %dma_wait3A_321, %dma_wait3A_322] : memref<8x2x8x129xf32, #tpu.memory_space<vmem>> -> memref<8x2x8x128xf32, #tpu.memory_space<vmem>>
    %dma_wait3A_324 = arith.constant 0 : i32
    %dma_wait3A_325 = arith.constant 0 : i32
    %dma_wait3A_326 = arith.constant 0 : i32
    %dma_wait3A_327 = tpu.memref_slice %arg4[%add3A_316, %dma_wait3A_324, %mul3A_318, %dma_wait3A_325, %dma_wait3A_326] : memref<200x8x32x8x128xf32, #tpu.memory_space<hbm>> -> memref<1x8x2x8x128xf32, #tpu.memory_space<hbm>>
    %dma_wait3A_328 = tpu.memref_squeeze %dma_wait3A_327 : memref<1x8x2x8x128xf32, #tpu.memory_space<hbm>> -> memref<8x2x8x128xf32, #tpu.memory_space<hbm>>
    %dma_wait3A_329 = arith.constant 0 : i32
    %dma_wait3A_330 = arith.constant 0 : i32
    %dma_wait3A_331 = arith.constant 0 : i32
    %dma_wait3A_332 = tpu.memref_slice %arg4[%add3A_316, %dma_wait3A_329, %mul3A_318, %dma_wait3A_330, %dma_wait3A_331] : memref<200x8x32x8x128xf32, #tpu.memory_space<hbm>> -> memref<1x8x2x8x128xf32, #tpu.memory_space<hbm>>
    %dma_wait3A_333 = tpu.memref_squeeze %dma_wait3A_332 : memref<1x8x2x8x128xf32, #tpu.memory_space<hbm>> -> memref<8x2x8x128xf32, #tpu.memory_space<hbm>>
    %dma_wait3A_334 = arith.constant 0 : i32
    %dma_wait3A_335 = arith.constant 0 : i32
    %dma_wait3A_336 = arith.constant 0 : i32
    %dma_wait3A_337 = arith.constant 0 : i32
    %dma_wait3A_338 = tpu.memref_slice %arg9[%dma_wait3A_334, %dma_wait3A_335, %dma_wait3A_336, %dma_wait3A_337] : memref<8x2x8x129xf32, #tpu.memory_space<vmem>> -> memref<8x2x8x128xf32, #tpu.memory_space<vmem>>
    tpu.wait_dma2 semaphore(%arg13 : memref<!tpu.dma_semaphore, #tpu.memory_space<semaphore_mem>>) src(%dma_wait3A_338 : memref<8x2x8x128xf32, #tpu.memory_space<vmem>>) dst(%dma_wait3A_333 : memref<8x2x8x128xf32, #tpu.memory_space<hbm>>)
    return
  }
}

</mosaic_0001>

<sc_bundles>
// kernel: _embed_lookup.3.cloned.1.call-start
scs
__scs_entry_jumppad:
0x0: {  	(pc) =	sbr.rel $0x88, $3  }
0x1: {  	(tag) =	ssettag $0x0;
	lr =	simm.s32 $0x1  }
0x2: {  	[smem:$0x3F9F] =	sst lr;
	_ =	strace $0xD0000000  }
0x3: {  	_ = 	snop  }
0x4: {  	_ = 	snop  }
0x5: {  	_ = 	snop  }
0x6: {  	_ = 	snop  }
0x7: {  	_ = 	snop  }
__scs_overlays_trampoline_lowered:
0x8: {  	[smem:$0x3FAE] =	sst s0  }
0x9: {  	[smem:$0x3FAF] =	sst s1  }
0xa: {  	[smem:$0x3FB0] =	sst s2  }
0xb: {  	[smem:$0x3FB1] =	sst s3  }
0xc: {  	[smem:$0x3FB2] =	sst s4  }
0xd: {  	[smem:$0x3FB3] =	sst s5  }
0xe: {  	[smem:$0x3FB4] =	sst s6  }
0xf: {  	[smem:$0x3FB5] =	sst s7  }
0x10: {  	[smem:$0x3FB6] =	sst s8  }
0x11: {  	[smem:$0x3FB7] =	sst s9;
	s0 =	simm.s32 @!p0 $0x0  }
0x12: {  	s1 =	sld [smem:$0x3F9D];
	s0 =	simm.s32 @p0 $0x1  }
0x13: {  	[smem:$0x3FB8] =	sst s0;
	s0 =	simm.s32 @!p1 $0x0  }
0x14: {  	s2 =	sld [smem:$0x3F9C];
	s0 =	simm.s32 @p1 $0x1  }
0x15: {  	[smem:$0x3FB9] =	sst s0;
	s0 =	simm.s32 @!p2 $0x0  }
0x16: {  	s3 =	sld [smem:$0x3FDB];
	s0 =	simm.s32 @p2 $0x1  }
0x17: {  	s4 =	simm.s32 $0x1BF5;
	[smem:$0x3FBB] =	sst s0  }
0x18: {  	s0 =	sld [smem:$0x3F9E];
	_ =	swait.ge [sflag:s4], $0x0  }
0x19: {  	s7 =	sld [smem:$0x3F9F]  }
0x1a: {  	s8 =	sadd.s32 $0xFFFFE003, lr  }
0x1b: {  	s9 =	sadd.s32 $0xFFFFFEF7, lr;
	s5 =	simm.s32 $0xFFFFFFFF;
	p2 =	slt.u32 s8, $0xFFFFF086  }
0x1c: {  	p1 =	slt.u32 s9, $0xF7A;
	s5 =	simm.s32 @!p2 $0x0  }
0x1d: {  	s5 =	simm.s32 @p1 $0x1;
	p0 =	seq.s32 s7, s2  }
0x1e: {  	s7 =	smul.u32 @!p0 $0xF7A, s2;
	p2 =	seq.s32 @!p0 s5, $0x0  }
0x1f: {  	s9 =	smul.u32 $0xF7A, s1;
	s8 =	simm.s32 @!p0 $0x1BF5;
	p2 =	por !p2, p0  }
0x20: {  	[sflag:s8] =	ssyncset.s32 @!p0 $0xFFFFF086;
	s6 =	sadd.s32 @!p0 s3, s7;
	s7 =	simm.s32 @!p0 $0x108  }
0x21: {  	s3 =	sadd.s32 s3, s9;
	s6 =	sadd.s32 @!p0 $0x88, s6;
	s7 =	simm.s32 @p2 $0x1082  }
0x22: {  	[simem:s7], [sflag:s8] =	dma.local @!p0 [hbm:s6], $0xF7A  }
0x23: {  	s9 =	sor.u32 $0xD0000000, s2;
	s6 =	simm.s32 $0x108;
	_ =	swait.ge @!p0 [sflag:s8], $0x0  }
0x24: {  	s3 =	sadd.s32 $0x88, s3;
	s6 =	simm.s32 @!p1 $0x1082;
	[sflag:s4] =	ssyncset.s32 $0xFFFFF086  }
0x25: {  	[simem:s6], [sflag:s4] =	dma.local [hbm:s3], $0xF7A  }
0x26: {  	[smem:$0x3F9F] =	sst s1;
	(tag) =	ssettag s2;
	_ =	strace s9  }
0x27: {  	s1 =	sld [smem:$0x3FAF]  }
0x28: {  	s2 =	sld [smem:$0x3FB0]  }
0x29: {  	s4 =	sld [smem:$0x3FB2]  }
0x2a: {  	p0 =	seq.s32 s5, $0x0;
	s5 =	sld [smem:$0x3FB3]  }
0x2b: {  	s6 =	sld [smem:$0x3FB4]  }
0x2c: {  	s7 =	sld [smem:$0x3FB5]  }
0x2d: {  	s3 =	simm.s32 $0x108;
	s8 =	sld [smem:$0x3FB6]  }
0x2e: {  	s3 =	simm.s32 @!p0 $0x1082;
	s9 =	sld [smem:$0x3FB7]  }
0x2f: {  	lr =	sadd.s32 s0, s3;
	s0 =	sld [smem:$0x3FAE]  }
0x30: {  	s3 =	sld [smem:$0x3FB1]  }
0x31: {  	[smem:$0x3FBA] =	sst s10  }
0x32: {  	s10 =	sld [smem:$0x3FB8];
	_ =	sdelay $0x3  }
0x33: {  	p0 =	seq.s32 s10, $0x1;
	s10 =	sld [smem:$0x3FBA];
	_ =	sdelay $0x3  }
0x34: {  	[smem:$0x3FBA] =	sst s10  }
0x35: {  	s10 =	sld [smem:$0x3FB9];
	_ =	sdelay $0x3  }
0x36: {  	p1 =	seq.s32 s10, $0x1;
	s10 =	sld [smem:$0x3FBA];
	_ =	sdelay $0x3  }
0x37: {  	[smem:$0x3FBA] =	sst s10  }
0x38: {  	s10 =	sld [smem:$0x3FBB]  }
0x39: {  	_ = 	snop;
	(pc) =	sbr.ind lr, $3  }
0x3a: {  	_ = 	snop  }
0x3b: {  	_ = 	snop  }
0x3c: {  	p2 =	seq.s32 s10, $0x1;
	s10 =	sld [smem:$0x3FBA]  }
0x3d: {  	_ =	shalt  }
0x3e: {  	_ =	shalt  }
0x3f: {  	_ =	shalt  }
0x40: {  	_ =	shalt  }
0x41: {  	_ =	shalt  }
0x42: {  	_ =	shalt  }
0x43: {  	_ =	shalt  }
0x44: {  	_ =	shalt  }
0x45: {  	_ =	shalt  }
0x46: {  	_ =	shalt  }
0x47: {  	_ =	shalt  }
0x48: {  	_ =	shalt  }
0x49: {  	_ =	shalt  }
0x4a: {  	_ =	shalt  }
0x4b: {  	_ =	shalt  }
0x4c: {  	_ =	shalt  }
0x4d: {  	_ =	shalt  }
0x4e: {  	_ =	shalt  }
0x4f: {  	_ =	shalt  }
0x50: {  	_ =	shalt  }
0x51: {  	_ =	shalt  }
0x52: {  	_ =	shalt  }
0x53: {  	_ =	shalt  }
0x54: {  	_ =	shalt  }
0x55: {  	_ =	shalt  }
0x56: {  	_ =	shalt  }
0x57: {  	_ =	shalt  }
0x58: {  	_ =	shalt  }
0x59: {  	_ =	shalt  }
0x5a: {  	_ =	shalt  }
0x5b: {  	_ =	shalt  }
0x5c: {  	_ =	shalt  }
0x5d: {  	_ =	shalt  }
0x5e: {  	_ =	shalt  }
0x5f: {  	_ =	shalt  }
0x60: {  	_ =	shalt  }
0x61: {  	_ =	shalt  }
0x62: {  	_ =	shalt  }
0x63: {  	_ =	shalt  }
0x64: {  	_ =	shalt  }
0x65: {  	_ =	shalt  }
0x66: {  	_ =	shalt  }
0x67: {  	_ =	shalt  }
0x68: {  	_ =	shalt  }
0x69: {  	_ =	shalt  }
0x6a: {  	_ =	shalt  }
0x6b: {  	_ =	shalt  }
0x6c: {  	_ =	shalt  }
0x6d: {  	_ =	shalt  }
0x6e: {  	_ =	shalt  }
0x6f: {  	_ =	shalt  }
0x70: {  	_ =	shalt  }
0x71: {  	_ =	shalt  }
0x72: {  	_ =	shalt  }
0x73: {  	_ =	shalt  }
0x74: {  	_ =	shalt  }
0x75: {  	_ =	shalt  }
0x76: {  	_ =	shalt  }
0x77: {  	_ =	shalt  }
0x78: {  	_ =	shalt  }
0x79: {  	_ =	shalt  }
0x7a: {  	_ =	shalt  }
0x7b: {  	_ =	shalt  }
0x7c: {  	_ =	shalt  }
0x7d: {  	_ =	shalt  }
0x7e: {  	_ =	shalt  }
0x7f: {  	_ =	shalt  }
0x80: {  	_ =	shalt  }
0x81: {  	_ =	shalt  }
0x82: {  	_ =	shalt  }
0x83: {  	_ =	shalt  }
0x84: {  	_ =	shalt  }
0x85: {  	_ =	shalt  }
0x86: {  	_ =	shalt  }
0x87: {  	_ =	shalt  }
.Lfunc_end0:
.L_simem_size_0:
called_computation_lowered:
.L_overlay_start_0:
0x88: {  	s2 =	sld [smem:$0x3FD9]  }
0x89: {  	s3 =	sld [smem:$0x3FFE];
	_ =	sdelay $0x1  }
0x8a: {  	s1 =	srdreg.scid  }
0x8b: {  	s0 =	sand.u32 $0x1, s1  }
0x8c: {  	s17 =	sshll.u32 s0, $0xA;
	s2 =	sadd.s32 s3, s2  }
0x8d: {  	s2 =	sadd.s32 s2, s17  }
0x8e: {  	[smem:$0x3FC6] =	sst s2  }
0x8f: {  	_ = 	snop  }
0x90: {  	s2 =	sld [smem:$0x3FD0];
	(tm) =	ssettm $0x1  }
0x91: {  	s18 =	sld [smem:$0x3FFB];
	_ =	sdelay $0x3  }
0x92: {  	_ =	strace s18  }
0x93: {  	s3 =	sld [smem:$0x3FFC];
	_ =	sdelay $0x3  }
0x94: {  	_ =	strace s3  }
0x95: {  	s3 =	sld [smem:$0x3FFD];
	_ =	sdelay $0x3  }
0x96: {  	_ =	strace s3  }
0x97: {  	_ =	strace $0x8FFFFFFF  }
0x98: {  	s19 =	sld [smem:$0x3FDB];
	_ =	sdelay $0x1  }
0x99: {  	s4 =	simm.s32 $_scs_section_size  }
0x9a: {  	s5 =	simm.s32 $_size__tile_overlayer_lowered;
	s6 =	simm.s32 $_tile_overlayer_lowered  }
0x9b: {  	s22 =	simm.s32 $0x1BFF;
	s21 =	sshll.u32 s6, $0x1;
	s3 =	sadd.s32 s4, s19  }
0x9c: {  	s7 =	simm.s32 $0x0;
	s20 =	sshll.u32 s5, $0x1;
	s5 =	sadd.s32 s21, s3  }
0x9d: {  	[timem:s7], [sflag:s22] =	dma.local [hbm:s5], s20  }
0x9e: {  	_ =	swait.ge [sflag:s22], s20  }
0x9f: {  	s4 =	ssub.s32 $0x0, s20;
	[sflag:s22] =	ssyncset.done $0x0  }
0xa0: {  	[sflag:s22] =	ssyncadd.s32 s4;
	_ =	sdelay $0x1  }
0xa1: {  	s23 =	simm.s32 $0x1B8B  }
0xa2: {  	_ =	swait.ge [sflag:s23], $0x1  }
0xa3: {  	[sflag:s23] =	ssyncset.done $0x0  }
0xa4: {  	s25 =	simm.s32 $0x1B8E;
	s24 =	sld [smem:$0x3FFE];
	[sflag:s23] =	ssyncadd.s32 $0xFFFFFFFF  }
0xa5: {  	s26 =	simm.s32 $execute0_lowered;
	[smem:$0x3FD2] =	sst s25  }
0xa6: {  	s5 =	sshll.u32 s26, $0x1;
	_ =	strace $0x80000046;
	[dreg:$0x1] =	wrdreg $0xFFFFFFFF  }
0xa7: {  	s28 =	simm.s32 $_size_execute0_lowered;
	s3 =	sadd.s32 s3, s5;
	[dreg:$0x0] =	wrdreg $0x0  }
0xa8: {  	s5 =	sshll.u32 s28, $0x1;
	[dreg:$0x2] =	wrdreg s3  }
0xa9: {  	[dreg:$0x3] =	wrdreg s5  }
0xaa: {  	[dreg:$0x4] =	wrdreg $0xC0  }
0xab: {  	_ =	task [dreg:s7], $0x5FFFF  }
0xac: {  	[dreg:$0x1] =	wrdreg $0xFFFFFFFF  }
0xad: {  	[dreg:$0x0] =	wrdreg $0x60  }
0xae: {  	[dreg:$0x2] =	wrdreg s24  }
0xaf: {  	[dreg:$0x3] =	wrdreg s2  }
0xb0: {  	[dreg:$0x4] =	wrdreg $0x9  }
0xb1: {  	_ =	task.clear_ibuf [dreg:s7], $0x5FFFF;
	_ =	strace $0x90000046  }
0xb2: {  	s29 =	simm.s32 $0x9;
	_ =	strace $0x80000048  }
0xb3: {  	_ =	swait.ge [sflag:s29], $0x1  }
0xb4: {  	[sflag:s29] =	ssyncadd.s32 $0xFFFFFFFF  }
0xb5: {  	_ =	strace $0x90000048  }
0xb6: {  	_ =	sfence  }
0xb7: {  	s30 =	sld [smem:$0x0];
	_ =	sdelay $0x2  }
0xb8: {  	s31 =	sshll.u32 s1, $0xD;
	s1 =	sshrl.u32 s1, $0x2  }
0xb9: {  	s3 =	sand.u32 $0x4000, s31;
	s1 =	sadd.s32 s1, s30  }
0xba: {  	s0 =	sor.u32 s3, s0;
	s1 =	sshll.u32 s1, $0x11  }
0xbb: {  	s0 =	sor.u32 s1, s0  }
0xbc: {  	s0 =	sadd.s32 $0x8F2B, s0  }
0xbd: {  	[sflag:s0] =	ssyncadd.remote.s32 $0x1  }
0xbe: {  	_ =	sfence.sel $0xFFFF  }
0xbf: {  	[dreg:$0x0] =	wrdreg $0xFFFFFFFF;
	(pc) =	sbr.abs _section_cstart, $3  }
0xc0: {  	[dreg:$0x1] =	wrdreg $0xFFFFFFFF  }
0xc1: {  	_ =	task.clear_ibuf [dreg:s7], $0x2FFFF;
	_ =	strace $0x9FFFFFFF  }
0xc2: {  	(tm) =	ssettm $0x7FFFFFFF  }
0xc3: {  	_ =	shalt  }
tec
execute0_lowered:
.L_overlay_start_1:
0x0: {  	(tag) =	ssettag $0x1  }
0x1: {  	v0 =	vimm.s32 $0xC38  }
0x2: {  	vm14 =	vcmask $0x300;
	vm13 =	vcmask $0x704;
	vm12 =	vcmask $0xB08  }
0x3: {  	vm11 =	vcmask $0xF0C;
	vm10 =	vcmask $0x1310;
	vm9 =	vcmask $0x1714  }
0x4: {  	vm8 =	vcmask $0x1B18;
	vm7 =	vcmask $0x1F1C;
	vm6 =	vcmask $0x2320  }
0x5: {  	vm5 =	vcmask $0x2724;
	vm4 =	vcmask $0x2B28;
	vm3 =	vcmask $0x2F2C  }
0x6: {  	vm2 =	vcmask $0x3330;
	vm1 =	vcmask $0x3734;
	vm0 =	vcmask $0x3B38  }
0x7: {  	v1 =	vimm.s32 $0x2E38;
	v2 =	vimm.s32 $0x3F38;
	v4 =	vimm.s32 $0x2E39  }
0x8: {  	v7 =	vimm.s32 $0x1D3A;
	v10 =	vimm.s32 $0xC3B;
	v13 =	vimm.s32 $0x3F3B  }
0x9: {  	v16 =	vimm.s32 $0x2E3C;
	v19 =	vimm.s32 $0x1D3D;
	v22 =	vimm.s32 $0xC3E  }
0xa: {  	v25 =	vimm.s32 $0x3F3E;
	v28 =	vimm.s32 $0x2E3F;
	v31 =	vimm.s32 $0x2178  }
0xb: {  	v34 =	vimm.s32 $0x1079;
	v37 =	vimm.s32 $0x4379;
	v40 =	vimm.s32 $0x327A  }
0xc: {  	v43 =	vimm.s32 $0x217B;
	v46 =	vimm.s32 $0x107C;
	v49 =	vimm.s32 $0x437C  }
0xd: {  	v52 =	vimm.s32 $0x327D;
	v55 =	vimm.s32 $0x217E;
	v58 =	vimm.s32 $0x107F  }
0xe: {  	v61 =	vimm.s32 $0x437F;
	v0 =	vsel vm14, $0x0, v0;
	v1 =	vsel vm14, $0x2200, v1  }
0xf: {  	v2 =	vsel vm14, $0x3300, v2;
	v4 =	vsel vm14, $0x2201, v4;
	v7 =	vsel vm14, $0x1102, v7  }
0x10: {  	v10 =	vsel vm14, $0x3, v10;
	v13 =	vsel vm14, $0x3303, v13;
	v0 =	vsel vm13, $0x88, v0  }
0x11: {  	v16 =	vsel vm14, $0x2204, v16;
	v19 =	vsel vm14, $0x1105, v19;
	v0 =	vsel vm12, $0x110, v0  }
0x12: {  	v22 =	vsel vm14, $0x6, v22;
	v25 =	vsel vm14, $0x3306, v25;
	v0 =	vsel vm11, $0x198, v0  }
0x13: {  	v28 =	vsel vm14, $0x2207, v28;
	v31 =	vsel vm14, $0x1540, v31;
	v0 =	vsel vm10, $0x220, v0  }
0x14: {  	v34 =	vsel vm14, $0x441, v34;
	v37 =	vsel vm14, $0x3741, v37;
	v0 =	vsel vm9, $0x2A8, v0  }
0x15: {  	v40 =	vsel vm14, $0x2642, v40;
	v43 =	vsel vm14, $0x1543, v43;
	v0 =	vsel vm8, $0x330, v0  }
0x16: {  	v46 =	vsel vm14, $0x444, v46;
	v49 =	vsel vm14, $0x3744, v49;
	v0 =	vsel vm7, $0x3B8, v0  }
0x17: {  	v52 =	vsel vm14, $0x2645, v52;
	v55 =	vsel vm14, $0x1546, v55;
	v0 =	vsel vm6, $0x880, v0  }
0x18: {  	v58 =	vsel vm14, $0x447, v58;
	v61 =	vsel vm14, $0x3747, v61;
	v0 =	vsel vm5, $0x908, v0  }
0x19: {  	v1 =	vsel vm13, $0x2288, v1;
	v2 =	vsel vm13, $0x3388, v2;
	v0 =	vsel vm4, $0x990, v0  }
0x1a: {  	v4 =	vsel vm13, $0x2289, v4;
	v7 =	vsel vm13, $0x118A, v7;
	v0 =	vsel vm3, $0xA18, v0  }
0x1b: {  	v10 =	vsel vm13, $0x8B, v10;
	v13 =	vsel vm13, $0x338B, v13;
	v0 =	vsel vm2, $0xAA0, v0  }
0x1c: {  	v16 =	vsel vm13, $0x228C, v16;
	v19 =	vsel vm13, $0x118D, v19;
	v0 =	vsel vm1, $0xB28, v0  }
0x1d: {  	v22 =	vsel vm13, $0x8E, v22;
	v25 =	vsel vm13, $0x338E, v25;
	v0 =	vsel vm0, $0xBB0, v0  }
0x1e: {  	v28 =	vsel vm13, $0x228F, v28;
	v31 =	vsel vm13, $0x15C8, v31;
	[tilespmem:$0x1FE00] =	vst v0;
	v0 =	vimm.s32 $0x1D38  }
0x1f: {  	v34 =	vsel vm13, $0x4C9, v34;
	v37 =	vsel vm13, $0x37C9, v37;
	v0 =	vsel vm14, $0x1100, v0  }
0x20: {  	v40 =	vsel vm13, $0x26CA, v40;
	v43 =	vsel vm13, $0x15CB, v43;
	v0 =	vsel vm13, $0x1188, v0  }
0x21: {  	v46 =	vsel vm13, $0x4CC, v46;
	v49 =	vsel vm13, $0x37CC, v49;
	v0 =	vsel vm12, $0x1210, v0  }
0x22: {  	v52 =	vsel vm13, $0x26CD, v52;
	v1 =	vsel vm12, $0x2310, v1;
	v0 =	vsel vm11, $0x1298, v0  }
0x23: {  	v55 =	vsel vm13, $0x15CE, v55;
	v1 =	vsel vm11, $0x2398, v1;
	v0 =	vsel vm10, $0x1320, v0  }
0x24: {  	v58 =	vsel vm13, $0x4CF, v58;
	v1 =	vsel vm10, $0x2420, v1;
	v0 =	vsel vm9, $0x13A8, v0  }
0x25: {  	v61 =	vsel vm13, $0x37CF, v61;
	v1 =	vsel vm9, $0x24A8, v1;
	v0 =	vsel vm8, $0x1430, v0  }
0x26: {  	v2 =	vsel vm12, $0x3410, v2;
	v1 =	vsel vm8, $0x2530, v1;
	v0 =	vsel vm7, $0x14B8, v0  }
0x27: {  	v4 =	vsel vm12, $0x2311, v4;
	v1 =	vsel vm7, $0x25B8, v1;
	v0 =	vsel vm6, $0x1980, v0  }
0x28: {  	v7 =	vsel vm12, $0x1212, v7;
	v1 =	vsel vm6, $0x2A80, v1;
	v0 =	vsel vm5, $0x1A08, v0  }
0x29: {  	v10 =	vsel vm12, $0x113, v10;
	v1 =	vsel vm5, $0x2B08, v1;
	v0 =	vsel vm4, $0x1A90, v0  }
0x2a: {  	v13 =	vsel vm12, $0x3413, v13;
	v1 =	vsel vm4, $0x2B90, v1;
	v0 =	vsel vm3, $0x1B18, v0  }
0x2b: {  	v16 =	vsel vm12, $0x2314, v16;
	v1 =	vsel vm3, $0x2C18, v1;
	v0 =	vsel vm2, $0x1BA0, v0  }
0x2c: {  	v19 =	vsel vm12, $0x1215, v19;
	v1 =	vsel vm2, $0x2CA0, v1;
	v0 =	vsel vm1, $0x1C28, v0  }
0x2d: {  	v22 =	vsel vm12, $0x116, v22;
	v1 =	vsel vm1, $0x2D28, v1;
	v0 =	vsel vm0, $0x1CB0, v0  }
0x2e: {  	v25 =	vsel vm12, $0x3416, v25;
	[tilespmem:$0x1FDE0] =	vst v0;
	v0 =	vsel vm0, $0x2DB0, v1;
	v1 =	vimm.s32 $0x1D39  }
0x2f: {  	v28 =	vsel vm12, $0x2317, v28;
	[tilespmem:$0x1FDF0] =	vst v0;
	v0 =	vimm.s32 $0xC39;
	v1 =	vsel vm14, $0x1101, v1  }
0x30: {  	v31 =	vsel vm12, $0x1650, v31;
	v0 =	vsel vm14, $0x1, v0;
	v1 =	vsel vm13, $0x1189, v1  }
0x31: {  	v34 =	vsel vm12, $0x551, v34;
	v0 =	vsel vm13, $0x89, v0;
	v1 =	vsel vm12, $0x1211, v1  }
0x32: {  	v4 =	vsel vm11, $0x2399, v4;
	v0 =	vsel vm12, $0x111, v0;
	v1 =	vsel vm11, $0x1299, v1  }
0x33: {  	v4 =	vsel vm10, $0x2421, v4;
	v0 =	vsel vm11, $0x199, v0;
	v1 =	vsel vm10, $0x1321, v1  }
0x34: {  	v4 =	vsel vm9, $0x24A9, v4;
	v0 =	vsel vm10, $0x221, v0;
	v1 =	vsel vm9, $0x13A9, v1  }
0x35: {  	v4 =	vsel vm8, $0x2531, v4;
	v0 =	vsel vm9, $0x2A9, v0;
	v1 =	vsel vm8, $0x1431, v1  }
0x36: {  	v4 =	vsel vm7, $0x25B9, v4;
	v0 =	vsel vm8, $0x331, v0;
	v1 =	vsel vm7, $0x14B9, v1  }
0x37: {  	v4 =	vsel vm6, $0x2A81, v4;
	v0 =	vsel vm7, $0x3B9, v0;
	v1 =	vsel vm6, $0x1981, v1  }
0x38: {  	v4 =	vsel vm5, $0x2B09, v4;
	v0 =	vsel vm6, $0x881, v0;
	v1 =	vsel vm5, $0x1A09, v1  }
0x39: {  	v4 =	vsel vm4, $0x2B91, v4;
	v0 =	vsel vm5, $0x909, v0;
	v1 =	vsel vm4, $0x1A91, v1  }
0x3a: {  	v4 =	vsel vm3, $0x2C19, v4;
	v0 =	vsel vm4, $0x991, v0;
	v1 =	vsel vm3, $0x1B19, v1  }
0x3b: {  	v4 =	vsel vm2, $0x2CA1, v4;
	v0 =	vsel vm3, $0xA19, v0;
	v1 =	vsel vm2, $0x1BA1, v1  }
0x3c: {  	v6 =	vsel vm1, $0x2D29, v4;
	v0 =	vsel vm2, $0xAA1, v0;
	v1 =	vsel vm1, $0x1C29, v1  }
0x3d: {  	v0 =	vsel vm1, $0xB29, v0;
	v5 =	vsel vm0, $0x1CB1, v1;
	v1 =	vimm.s32 $0xC3A  }
0x3e: {  	v4 =	vsel vm0, $0xBB1, v0;
	v0 =	vimm.s32 $0x3F39;
	v1 =	vsel vm14, $0x2, v1  }
0x3f: {  	v37 =	vsel vm12, $0x3851, v37;
	v0 =	vsel vm14, $0x3301, v0;
	v1 =	vsel vm13, $0x8A, v1  }
0x40: {  	v40 =	vsel vm12, $0x2752, v40;
	v0 =	vsel vm13, $0x3389, v0;
	v1 =	vsel vm12, $0x112, v1  }
0x41: {  	v7 =	vsel vm11, $0x129A, v7;
	v0 =	vsel vm12, $0x3411, v0;
	v1 =	vsel vm11, $0x19A, v1  }
0x42: {  	v7 =	vsel vm10, $0x1322, v7;
	v0 =	vsel vm11, $0x3499, v0;
	v1 =	vsel vm10, $0x222, v1  }
0x43: {  	v7 =	vsel vm9, $0x13AA, v7;
	v0 =	vsel vm10, $0x3521, v0;
	v1 =	vsel vm9, $0x2AA, v1  }
0x44: {  	v7 =	vsel vm8, $0x1432, v7;
	v0 =	vsel vm9, $0x35A9, v0;
	v1 =	vsel vm8, $0x332, v1  }
0x45: {  	v7 =	vsel vm7, $0x14BA, v7;
	v0 =	vsel vm8, $0x3631, v0;
	v1 =	vsel vm7, $0x3BA, v1  }
0x46: {  	v7 =	vsel vm6, $0x1982, v7;
	v0 =	vsel vm7, $0x36B9, v0;
	v1 =	vsel vm6, $0x882, v1  }
0x47: {  	v7 =	vsel vm5, $0x1A0A, v7;
	v0 =	vsel vm6, $0x3B81, v0;
	v1 =	vsel vm5, $0x90A, v1  }
0x48: {  	v7 =	vsel vm4, $0x1A92, v7;
	v0 =	vsel vm5, $0x3C09, v0;
	v1 =	vsel vm4, $0x992, v1  }
0x49: {  	v7 =	vsel vm3, $0x1B1A, v7;
	v0 =	vsel vm4, $0x3C91, v0;
	v1 =	vsel vm3, $0xA1A, v1  }
0x4a: {  	v7 =	vsel vm2, $0x1BA2, v7;
	v0 =	vsel vm3, $0x3D19, v0;
	v1 =	vsel vm2, $0xAA2, v1  }
0x4b: {  	v9 =	vsel vm1, $0x1C2A, v7;
	v0 =	vsel vm2, $0x3DA1, v0;
	v1 =	vsel vm1, $0xB2A, v1  }
0x4c: {  	v0 =	vsel vm1, $0x3E29, v0;
	v8 =	vsel vm0, $0xBB2, v1;
	v1 =	vimm.s32 $0x3F3A  }
0x4d: {  	v7 =	vsel vm0, $0x3EB1, v0;
	v0 =	vimm.s32 $0x2E3A;
	v1 =	vsel vm14, $0x3302, v1  }
0x4e: {  	v43 =	vsel vm12, $0x1653, v43;
	v0 =	vsel vm14, $0x2202, v0;
	v1 =	vsel vm13, $0x338A, v1  }
0x4f: {  	v46 =	vsel vm12, $0x554, v46;
	v0 =	vsel vm13, $0x228A, v0;
	v1 =	vsel vm12, $0x3412, v1  }
0x50: {  	v10 =	vsel vm11, $0x19B, v10;
	v0 =	vsel vm12, $0x2312, v0;
	v1 =	vsel vm11, $0x349A, v1  }
0x51: {  	v10 =	vsel vm10, $0x223, v10;
	v0 =	vsel vm11, $0x239A, v0;
	v1 =	vsel vm10, $0x3522, v1  }
0x52: {  	v10 =	vsel vm9, $0x2AB, v10;
	v0 =	vsel vm10, $0x2422, v0;
	v1 =	vsel vm9, $0x35AA, v1  }
0x53: {  	v10 =	vsel vm8, $0x333, v10;
	v0 =	vsel vm9, $0x24AA, v0;
	v1 =	vsel vm8, $0x3632, v1  }
0x54: {  	v10 =	vsel vm7, $0x3BB, v10;
	v0 =	vsel vm8, $0x2532, v0;
	v1 =	vsel vm7, $0x36BA, v1  }
0x55: {  	v10 =	vsel vm6, $0x883, v10;
	v0 =	vsel vm7, $0x25BA, v0;
	v1 =	vsel vm6, $0x3B82, v1  }
0x56: {  	v10 =	vsel vm5, $0x90B, v10;
	v0 =	vsel vm6, $0x2A82, v0;
	v1 =	vsel vm5, $0x3C0A, v1  }
0x57: {  	v10 =	vsel vm4, $0x993, v10;
	v0 =	vsel vm5, $0x2B0A, v0;
	v1 =	vsel vm4, $0x3C92, v1  }
0x58: {  	v10 =	vsel vm3, $0xA1B, v10;
	v0 =	vsel vm4, $0x2B92, v0;
	v1 =	vsel vm3, $0x3D1A, v1  }
0x59: {  	v10 =	vsel vm2, $0xAA3, v10;
	v0 =	vsel vm3, $0x2C1A, v0;
	v1 =	vsel vm2, $0x3DA2, v1  }
0x5a: {  	v12 =	vsel vm1, $0xB2B, v10;
	v0 =	vsel vm2, $0x2CA2, v0;
	v1 =	vsel vm1, $0x3E2A, v1  }
0x5b: {  	v0 =	vsel vm1, $0x2D2A, v0;
	v11 =	vsel vm0, $0x3EB2, v1;
	v1 =	vimm.s32 $0x2E3B  }
0x5c: {  	v10 =	vsel vm0, $0x2DB2, v0;
	v0 =	vimm.s32 $0x1D3B;
	v1 =	vsel vm14, $0x2203, v1  }
0x5d: {  	v49 =	vsel vm12, $0x3854, v49;
	v0 =	vsel vm14, $0x1103, v0;
	v1 =	vsel vm13, $0x228B, v1  }
0x5e: {  	v52 =	vsel vm12, $0x2755, v52;
	v0 =	vsel vm13, $0x118B, v0;
	v1 =	vsel vm12, $0x2313, v1  }
0x5f: {  	v13 =	vsel vm11, $0x349B, v13;
	v0 =	vsel vm12, $0x1213, v0;
	v1 =	vsel vm11, $0x239B, v1  }
0x60: {  	v13 =	vsel vm10, $0x3523, v13;
	v0 =	vsel vm11, $0x129B, v0;
	v1 =	vsel vm10, $0x2423, v1  }
0x61: {  	v13 =	vsel vm9, $0x35AB, v13;
	v0 =	vsel vm10, $0x1323, v0;
	v1 =	vsel vm9, $0x24AB, v1  }
0x62: {  	v13 =	vsel vm8, $0x3633, v13;
	v0 =	vsel vm9, $0x13AB, v0;
	v1 =	vsel vm8, $0x2533, v1  }
0x63: {  	v13 =	vsel vm7, $0x36BB, v13;
	v0 =	vsel vm8, $0x1433, v0;
	v1 =	vsel vm7, $0x25BB, v1  }
0x64: {  	v13 =	vsel vm6, $0x3B83, v13;
	v0 =	vsel vm7, $0x14BB, v0;
	v1 =	vsel vm6, $0x2A83, v1  }
0x65: {  	v13 =	vsel vm5, $0x3C0B, v13;
	v0 =	vsel vm6, $0x1983, v0;
	v1 =	vsel vm5, $0x2B0B, v1  }
0x66: {  	v13 =	vsel vm4, $0x3C93, v13;
	v0 =	vsel vm5, $0x1A0B, v0;
	v1 =	vsel vm4, $0x2B93, v1  }
0x67: {  	v13 =	vsel vm3, $0x3D1B, v13;
	v0 =	vsel vm4, $0x1A93, v0;
	v1 =	vsel vm3, $0x2C1B, v1  }
0x68: {  	v13 =	vsel vm2, $0x3DA3, v13;
	v0 =	vsel vm3, $0x1B1B, v0;
	v1 =	vsel vm2, $0x2CA3, v1  }
0x69: {  	v15 =	vsel vm1, $0x3E2B, v13;
	v0 =	vsel vm2, $0x1BA3, v0;
	v1 =	vsel vm1, $0x2D2B, v1  }
0x6a: {  	v0 =	vsel vm1, $0x1C2B, v0;
	v14 =	vsel vm0, $0x2DB3, v1;
	v1 =	vimm.s32 $0x1D3C  }
0x6b: {  	v13 =	vsel vm0, $0x1CB3, v0;
	v0 =	vimm.s32 $0xC3C;
	v1 =	vsel vm14, $0x1104, v1  }
0x6c: {  	v55 =	vsel vm12, $0x1656, v55;
	v0 =	vsel vm14, $0x4, v0;
	v1 =	vsel vm13, $0x118C, v1  }
0x6d: {  	v58 =	vsel vm12, $0x557, v58;
	v0 =	vsel vm13, $0x8C, v0;
	v1 =	vsel vm12, $0x1214, v1  }
0x6e: {  	v16 =	vsel vm11, $0x239C, v16;
	v0 =	vsel vm12, $0x114, v0;
	v1 =	vsel vm11, $0x129C, v1  }
0x6f: {  	v16 =	vsel vm10, $0x2424, v16;
	v0 =	vsel vm11, $0x19C, v0;
	v1 =	vsel vm10, $0x1324, v1  }
0x70: {  	v16 =	vsel vm9, $0x24AC, v16;
	v0 =	vsel vm10, $0x224, v0;
	v1 =	vsel vm9, $0x13AC, v1  }
0x71: {  	v16 =	vsel vm8, $0x2534, v16;
	v0 =	vsel vm9, $0x2AC, v0;
	v1 =	vsel vm8, $0x1434, v1  }
0x72: {  	v16 =	vsel vm7, $0x25BC, v16;
	v0 =	vsel vm8, $0x334, v0;
	v1 =	vsel vm7, $0x14BC, v1  }
0x73: {  	v16 =	vsel vm6, $0x2A84, v16;
	v0 =	vsel vm7, $0x3BC, v0;
	v1 =	vsel vm6, $0x1984, v1  }
0x74: {  	v16 =	vsel vm5, $0x2B0C, v16;
	v0 =	vsel vm6, $0x884, v0;
	v1 =	vsel vm5, $0x1A0C, v1  }
0x75: {  	v16 =	vsel vm4, $0x2B94, v16;
	v0 =	vsel vm5, $0x90C, v0;
	v1 =	vsel vm4, $0x1A94, v1  }
0x76: {  	v16 =	vsel vm3, $0x2C1C, v16;
	v0 =	vsel vm4, $0x994, v0;
	v1 =	vsel vm3, $0x1B1C, v1  }
0x77: {  	v16 =	vsel vm2, $0x2CA4, v16;
	v0 =	vsel vm3, $0xA1C, v0;
	v1 =	vsel vm2, $0x1BA4, v1  }
0x78: {  	v18 =	vsel vm1, $0x2D2C, v16;
	v0 =	vsel vm2, $0xAA4, v0;
	v1 =	vsel vm1, $0x1C2C, v1  }
0x79: {  	v0 =	vsel vm1, $0xB2C, v0;
	v17 =	vsel vm0, $0x1CB4, v1;
	v1 =	vimm.s32 $0xC3D  }
0x7a: {  	v16 =	vsel vm0, $0xBB4, v0;
	v0 =	vimm.s32 $0x3F3C;
	v1 =	vsel vm14, $0x5, v1  }
0x7b: {  	v61 =	vsel vm12, $0x3857, v61;
	v0 =	vsel vm14, $0x3304, v0;
	v1 =	vsel vm13, $0x8D, v1  }
0x7c: {  	v2 =	vsel vm11, $0x3498, v2;
	v0 =	vsel vm13, $0x338C, v0;
	v1 =	vsel vm12, $0x115, v1  }
0x7d: {  	v19 =	vsel vm11, $0x129D, v19;
	v0 =	vsel vm12, $0x3414, v0;
	v1 =	vsel vm11, $0x19D, v1  }
0x7e: {  	v19 =	vsel vm10, $0x1325, v19;
	v0 =	vsel vm11, $0x349C, v0;
	v1 =	vsel vm10, $0x225, v1  }
0x7f: {  	v19 =	vsel vm9, $0x13AD, v19;
	v0 =	vsel vm10, $0x3524, v0;
	v1 =	vsel vm9, $0x2AD, v1  }
0x80: {  	v19 =	vsel vm8, $0x1435, v19;
	v0 =	vsel vm9, $0x35AC, v0;
	v1 =	vsel vm8, $0x335, v1  }
0x81: {  	v19 =	vsel vm7, $0x14BD, v19;
	v0 =	vsel vm8, $0x3634, v0;
	v1 =	vsel vm7, $0x3BD, v1  }
0x82: {  	v19 =	vsel vm6, $0x1985, v19;
	v0 =	vsel vm7, $0x36BC, v0;
	v1 =	vsel vm6, $0x885, v1  }
0x83: {  	v19 =	vsel vm5, $0x1A0D, v19;
	v0 =	vsel vm6, $0x3B84, v0;
	v1 =	vsel vm5, $0x90D, v1  }
0x84: {  	v19 =	vsel vm4, $0x1A95, v19;
	v0 =	vsel vm5, $0x3C0C, v0;
	v1 =	vsel vm4, $0x995, v1  }
0x85: {  	v19 =	vsel vm3, $0x1B1D, v19;
	v0 =	vsel vm4, $0x3C94, v0;
	v1 =	vsel vm3, $0xA1D, v1  }
0x86: {  	v19 =	vsel vm2, $0x1BA5, v19;
	v0 =	vsel vm3, $0x3D1C, v0;
	v1 =	vsel vm2, $0xAA5, v1  }
0x87: {  	v21 =	vsel vm1, $0x1C2D, v19;
	v0 =	vsel vm2, $0x3DA4, v0;
	v1 =	vsel vm1, $0xB2D, v1  }
0x88: {  	v0 =	vsel vm1, $0x3E2C, v0;
	v20 =	vsel vm0, $0xBB5, v1;
	v1 =	vimm.s32 $0x3F3D  }
0x89: {  	v19 =	vsel vm0, $0x3EB4, v0;
	v0 =	vimm.s32 $0x2E3D;
	v1 =	vsel vm14, $0x3305, v1  }
0x8a: {  	v22 =	vsel vm11, $0x19E, v22;
	v0 =	vsel vm14, $0x2205, v0;
	v1 =	vsel vm13, $0x338D, v1  }
0x8b: {  	v25 =	vsel vm11, $0x349E, v25;
	v0 =	vsel vm13, $0x228D, v0;
	v1 =	vsel vm12, $0x3415, v1  }
0x8c: {  	v28 =	vsel vm11, $0x239F, v28;
	v0 =	vsel vm12, $0x2315, v0;
	v1 =	vsel vm11, $0x349D, v1  }
0x8d: {  	v22 =	vsel vm10, $0x226, v22;
	v0 =	vsel vm11, $0x239D, v0;
	v1 =	vsel vm10, $0x3525, v1  }
0x8e: {  	v22 =	vsel vm9, $0x2AE, v22;
	v0 =	vsel vm10, $0x2425, v0;
	v1 =	vsel vm9, $0x35AD, v1  }
0x8f: {  	v22 =	vsel vm8, $0x336, v22;
	v0 =	vsel vm9, $0x24AD, v0;
	v1 =	vsel vm8, $0x3635, v1  }
0x90: {  	v22 =	vsel vm7, $0x3BE, v22;
	v0 =	vsel vm8, $0x2535, v0;
	v1 =	vsel vm7, $0x36BD, v1  }
0x91: {  	v22 =	vsel vm6, $0x886, v22;
	v0 =	vsel vm7, $0x25BD, v0;
	v1 =	vsel vm6, $0x3B85, v1  }
0x92: {  	v22 =	vsel vm5, $0x90E, v22;
	v0 =	vsel vm6, $0x2A85, v0;
	v1 =	vsel vm5, $0x3C0D, v1  }
0x93: {  	v22 =	vsel vm4, $0x996, v22;
	v0 =	vsel vm5, $0x2B0D, v0;
	v1 =	vsel vm4, $0x3C95, v1  }
0x94: {  	v22 =	vsel vm3, $0xA1E, v22;
	v0 =	vsel vm4, $0x2B95, v0;
	v1 =	vsel vm3, $0x3D1D, v1  }
0x95: {  	v22 =	vsel vm2, $0xAA6, v22;
	v0 =	vsel vm3, $0x2C1D, v0;
	v1 =	vsel vm2, $0x3DA5, v1  }
0x96: {  	v24 =	vsel vm1, $0xB2E, v22;
	v0 =	vsel vm2, $0x2CA5, v0;
	v1 =	vsel vm1, $0x3E2D, v1  }
0x97: {  	v0 =	vsel vm1, $0x2D2D, v0;
	v23 =	vsel vm0, $0x3EB5, v1;
	v1 =	vimm.s32 $0x2E3E  }
0x98: {  	v22 =	vsel vm0, $0x2DB5, v0;
	v0 =	vimm.s32 $0x1D3E;
	v1 =	vsel vm14, $0x2206, v1  }
0x99: {  	v31 =	vsel vm11, $0x16D8, v31;
	v0 =	vsel vm14, $0x1106, v0;
	v1 =	vsel vm13, $0x228E, v1  }
0x9a: {  	v34 =	vsel vm11, $0x5D9, v34;
	v0 =	vsel vm13, $0x118E, v0;
	v1 =	vsel vm12, $0x2316, v1  }
0x9b: {  	v37 =	vsel vm11, $0x38D9, v37;
	v0 =	vsel vm12, $0x1216, v0;
	v1 =	vsel vm11, $0x239E, v1  }
0x9c: {  	v25 =	vsel vm10, $0x3526, v25;
	v0 =	vsel vm11, $0x129E, v0;
	v1 =	vsel vm10, $0x2426, v1  }
0x9d: {  	v25 =	vsel vm9, $0x35AE, v25;
	v0 =	vsel vm10, $0x1326, v0;
	v1 =	vsel vm9, $0x24AE, v1  }
0x9e: {  	v25 =	vsel vm8, $0x3636, v25;
	v0 =	vsel vm9, $0x13AE, v0;
	v1 =	vsel vm8, $0x2536, v1  }
0x9f: {  	v25 =	vsel vm7, $0x36BE, v25;
	v0 =	vsel vm8, $0x1436, v0;
	v1 =	vsel vm7, $0x25BE, v1  }
0xa0: {  	v25 =	vsel vm6, $0x3B86, v25;
	v0 =	vsel vm7, $0x14BE, v0;
	v1 =	vsel vm6, $0x2A86, v1  }
0xa1: {  	v25 =	vsel vm5, $0x3C0E, v25;
	v0 =	vsel vm6, $0x1986, v0;
	v1 =	vsel vm5, $0x2B0E, v1  }
0xa2: {  	v25 =	vsel vm4, $0x3C96, v25;
	v0 =	vsel vm5, $0x1A0E, v0;
	v1 =	vsel vm4, $0x2B96, v1  }
0xa3: {  	v25 =	vsel vm3, $0x3D1E, v25;
	v0 =	vsel vm4, $0x1A96, v0;
	v1 =	vsel vm3, $0x2C1E, v1  }
0xa4: {  	v25 =	vsel vm2, $0x3DA6, v25;
	v0 =	vsel vm3, $0x1B1E, v0;
	v1 =	vsel vm2, $0x2CA6, v1  }
0xa5: {  	v27 =	vsel vm1, $0x3E2E, v25;
	v0 =	vsel vm2, $0x1BA6, v0;
	v1 =	vsel vm1, $0x2D2E, v1  }
0xa6: {  	v0 =	vsel vm1, $0x1C2E, v0;
	v26 =	vsel vm0, $0x2DB6, v1;
	v1 =	vimm.s32 $0x1D3F  }
0xa7: {  	v25 =	vsel vm0, $0x1CB6, v0;
	v0 =	vimm.s32 $0xC3F;
	v1 =	vsel vm14, $0x1107, v1  }
0xa8: {  	v40 =	vsel vm11, $0x27DA, v40;
	v0 =	vsel vm14, $0x7, v0;
	v1 =	vsel vm13, $0x118F, v1  }
0xa9: {  	v43 =	vsel vm11, $0x16DB, v43;
	v0 =	vsel vm13, $0x8F, v0;
	v1 =	vsel vm12, $0x1217, v1  }
0xaa: {  	v46 =	vsel vm11, $0x5DC, v46;
	v0 =	vsel vm12, $0x117, v0;
	v1 =	vsel vm11, $0x129F, v1  }
0xab: {  	v28 =	vsel vm10, $0x2427, v28;
	v0 =	vsel vm11, $0x19F, v0;
	v1 =	vsel vm10, $0x1327, v1  }
0xac: {  	v28 =	vsel vm9, $0x24AF, v28;
	v0 =	vsel vm10, $0x227, v0;
	v1 =	vsel vm9, $0x13AF, v1  }
0xad: {  	v28 =	vsel vm8, $0x2537, v28;
	v0 =	vsel vm9, $0x2AF, v0;
	v1 =	vsel vm8, $0x1437, v1  }
0xae: {  	v28 =	vsel vm7, $0x25BF, v28;
	v0 =	vsel vm8, $0x337, v0;
	v1 =	vsel vm7, $0x14BF, v1  }
0xaf: {  	v28 =	vsel vm6, $0x2A87, v28;
	v0 =	vsel vm7, $0x3BF, v0;
	v1 =	vsel vm6, $0x1987, v1  }
0xb0: {  	v28 =	vsel vm5, $0x2B0F, v28;
	v0 =	vsel vm6, $0x887, v0;
	v1 =	vsel vm5, $0x1A0F, v1  }
0xb1: {  	v28 =	vsel vm4, $0x2B97, v28;
	v0 =	vsel vm5, $0x90F, v0;
	v1 =	vsel vm4, $0x1A97, v1  }
0xb2: {  	v28 =	vsel vm3, $0x2C1F, v28;
	v0 =	vsel vm4, $0x997, v0;
	v1 =	vsel vm3, $0x1B1F, v1  }
0xb3: {  	v28 =	vsel vm2, $0x2CA7, v28;
	v0 =	vsel vm3, $0xA1F, v0;
	v1 =	vsel vm2, $0x1BA7, v1  }
0xb4: {  	v30 =	vsel vm1, $0x2D2F, v28;
	v0 =	vsel vm2, $0xAA7, v0;
	v1 =	vsel vm1, $0x1C2F, v1  }
0xb5: {  	v0 =	vsel vm1, $0xB2F, v0;
	v29 =	vsel vm0, $0x1CB7, v1;
	v1 =	vimm.s32 $0x1078  }
0xb6: {  	v28 =	vsel vm0, $0xBB7, v0;
	v0 =	vimm.s32 $0x3F3F;
	v1 =	vsel vm14, $0x440, v1  }
0xb7: {  	v49 =	vsel vm11, $0x38DC, v49;
	v0 =	vsel vm14, $0x3307, v0;
	v1 =	vsel vm13, $0x4C8, v1  }
0xb8: {  	v52 =	vsel vm11, $0x27DD, v52;
	v0 =	vsel vm13, $0x338F, v0;
	v1 =	vsel vm12, $0x550, v1  }
0xb9: {  	v55 =	vsel vm11, $0x16DE, v55;
	v0 =	vsel vm12, $0x3417, v0;
	v1 =	vsel vm11, $0x5D8, v1  }
0xba: {  	v31 =	vsel vm10, $0x1760, v31;
	v0 =	vsel vm11, $0x349F, v0;
	v1 =	vsel vm10, $0x660, v1  }
0xbb: {  	v31 =	vsel vm9, $0x17E8, v31;
	v0 =	vsel vm10, $0x3527, v0;
	v1 =	vsel vm9, $0x6E8, v1  }
0xbc: {  	v31 =	vsel vm8, $0x1870, v31;
	v0 =	vsel vm9, $0x35AF, v0;
	v1 =	vsel vm8, $0x770, v1  }
0xbd: {  	v31 =	vsel vm7, $0x18F8, v31;
	v0 =	vsel vm8, $0x3637, v0;
	v1 =	vsel vm7, $0x7F8, v1  }
0xbe: {  	v31 =	vsel vm6, $0x1DC0, v31;
	v0 =	vsel vm7, $0x36BF, v0;
	v1 =	vsel vm6, $0xCC0, v1  }
0xbf: {  	v31 =	vsel vm5, $0x1E48, v31;
	v0 =	vsel vm6, $0x3B87, v0;
	v1 =	vsel vm5, $0xD48, v1  }
0xc0: {  	v31 =	vsel vm4, $0x1ED0, v31;
	v0 =	vsel vm5, $0x3C0F, v0;
	v1 =	vsel vm4, $0xDD0, v1  }
0xc1: {  	v31 =	vsel vm3, $0x1F58, v31;
	v0 =	vsel vm4, $0x3C97, v0;
	v1 =	vsel vm3, $0xE58, v1  }
0xc2: {  	v31 =	vsel vm2, $0x1FE0, v31;
	v0 =	vsel vm3, $0x3D1F, v0;
	v1 =	vsel vm2, $0xEE0, v1  }
0xc3: {  	v33 =	vsel vm1, $0x2068, v31;
	v0 =	vsel vm2, $0x3DA7, v0;
	v1 =	vsel vm1, $0xF68, v1  }
0xc4: {  	v0 =	vsel vm1, $0x3E2F, v0;
	v32 =	vsel vm0, $0xFF0, v1;
	v1 =	vimm.s32 $0x4378  }
0xc5: {  	v31 =	vsel vm0, $0x3EB7, v0;
	v0 =	vimm.s32 $0x3278;
	v1 =	vsel vm14, $0x3740, v1  }
0xc6: {  	v58 =	vsel vm11, $0x5DF, v58;
	v0 =	vsel vm14, $0x2640, v0;
	v1 =	vsel vm13, $0x37C8, v1  }
0xc7: {  	v61 =	vsel vm11, $0x38DF, v61;
	v0 =	vsel vm13, $0x26C8, v0;
	v1 =	vsel vm12, $0x3850, v1  }
0xc8: {  	v2 =	vsel vm10, $0x3520, v2;
	v0 =	vsel vm12, $0x2750, v0;
	v1 =	vsel vm11, $0x38D8, v1  }
0xc9: {  	v34 =	vsel vm10, $0x661, v34;
	v0 =	vsel vm11, $0x27D8, v0;
	v1 =	vsel vm10, $0x3960, v1  }
0xca: {  	v34 =	vsel vm9, $0x6E9, v34;
	v0 =	vsel vm10, $0x2860, v0;
	v1 =	vsel vm9, $0x39E8, v1  }
0xcb: {  	v34 =	vsel vm8, $0x771, v34;
	v0 =	vsel vm9, $0x28E8, v0;
	v1 =	vsel vm8, $0x3A70, v1  }
0xcc: {  	v34 =	vsel vm7, $0x7F9, v34;
	v0 =	vsel vm8, $0x2970, v0;
	v1 =	vsel vm7, $0x3AF8, v1  }
0xcd: {  	v34 =	vsel vm6, $0xCC1, v34;
	v0 =	vsel vm7, $0x29F8, v0;
	v1 =	vsel vm6, $0x3FC0, v1  }
0xce: {  	v34 =	vsel vm5, $0xD49, v34;
	v0 =	vsel vm6, $0x2EC0, v0;
	v1 =	vsel vm5, $0x4048, v1  }
0xcf: {  	v34 =	vsel vm4, $0xDD1, v34;
	v0 =	vsel vm5, $0x2F48, v0;
	v1 =	vsel vm4, $0x40D0, v1  }
0xd0: {  	v34 =	vsel vm3, $0xE59, v34;
	v0 =	vsel vm4, $0x2FD0, v0;
	v1 =	vsel vm3, $0x4158, v1  }
0xd1: {  	v34 =	vsel vm2, $0xEE1, v34;
	v0 =	vsel vm3, $0x3058, v0;
	v1 =	vsel vm2, $0x41E0, v1  }
0xd2: {  	v36 =	vsel vm1, $0xF69, v34;
	v0 =	vsel vm2, $0x30E0, v0;
	v1 =	vsel vm1, $0x4268, v1  }
0xd3: {  	v0 =	vsel vm1, $0x3168, v0;
	v35 =	vsel vm0, $0x42F0, v1;
	v1 =	vimm.s32 $0x3279  }
0xd4: {  	v34 =	vsel vm0, $0x31F0, v0;
	v0 =	vimm.s32 $0x2179;
	v1 =	vsel vm14, $0x2641, v1  }
0xd5: {  	v37 =	vsel vm10, $0x3961, v37;
	v0 =	vsel vm14, $0x1541, v0;
	v1 =	vsel vm13, $0x26C9, v1  }
0xd6: {  	v40 =	vsel vm10, $0x2862, v40;
	v0 =	vsel vm13, $0x15C9, v0;
	v1 =	vsel vm12, $0x2751, v1  }
0xd7: {  	v43 =	vsel vm10, $0x1763, v43;
	v0 =	vsel vm12, $0x1651, v0;
	v1 =	vsel vm11, $0x27D9, v1  }
0xd8: {  	v46 =	vsel vm10, $0x664, v46;
	v0 =	vsel vm11, $0x16D9, v0;
	v1 =	vsel vm10, $0x2861, v1  }
0xd9: {  	v37 =	vsel vm9, $0x39E9, v37;
	v0 =	vsel vm10, $0x1761, v0;
	v1 =	vsel vm9, $0x28E9, v1  }
0xda: {  	v37 =	vsel vm8, $0x3A71, v37;
	v0 =	vsel vm9, $0x17E9, v0;
	v1 =	vsel vm8, $0x2971, v1  }
0xdb: {  	v37 =	vsel vm7, $0x3AF9, v37;
	v0 =	vsel vm8, $0x1871, v0;
	v1 =	vsel vm7, $0x29F9, v1  }
0xdc: {  	v37 =	vsel vm6, $0x3FC1, v37;
	v0 =	vsel vm7, $0x18F9, v0;
	v1 =	vsel vm6, $0x2EC1, v1  }
0xdd: {  	v37 =	vsel vm5, $0x4049, v37;
	v0 =	vsel vm6, $0x1DC1, v0;
	v1 =	vsel vm5, $0x2F49, v1  }
0xde: {  	v37 =	vsel vm4, $0x40D1, v37;
	v0 =	vsel vm5, $0x1E49, v0;
	v1 =	vsel vm4, $0x2FD1, v1  }
0xdf: {  	v37 =	vsel vm3, $0x4159, v37;
	v0 =	vsel vm4, $0x1ED1, v0;
	v1 =	vsel vm3, $0x3059, v1  }
0xe0: {  	v37 =	vsel vm2, $0x41E1, v37;
	v0 =	vsel vm3, $0x1F59, v0;
	v1 =	vsel vm2, $0x30E1, v1  }
0xe1: {  	v39 =	vsel vm1, $0x4269, v37;
	v0 =	vsel vm2, $0x1FE1, v0;
	v1 =	vsel vm1, $0x3169, v1  }
0xe2: {  	v0 =	vsel vm1, $0x2069, v0;
	v38 =	vsel vm0, $0x31F1, v1;
	v1 =	vimm.s32 $0x217A  }
0xe3: {  	v37 =	vsel vm0, $0x20F1, v0;
	v0 =	vimm.s32 $0x107A;
	v1 =	vsel vm14, $0x1542, v1  }
0xe4: {  	v49 =	vsel vm10, $0x3964, v49;
	v0 =	vsel vm14, $0x442, v0;
	v1 =	vsel vm13, $0x15CA, v1  }
0xe5: {  	v52 =	vsel vm10, $0x2865, v52;
	v0 =	vsel vm13, $0x4CA, v0;
	v1 =	vsel vm12, $0x1652, v1  }
0xe6: {  	v55 =	vsel vm10, $0x1766, v55;
	v0 =	vsel vm12, $0x552, v0;
	v1 =	vsel vm11, $0x16DA, v1  }
0xe7: {  	v58 =	vsel vm10, $0x667, v58;
	v0 =	vsel vm11, $0x5DA, v0;
	v1 =	vsel vm10, $0x1762, v1  }
0xe8: {  	v40 =	vsel vm9, $0x28EA, v40;
	v0 =	vsel vm10, $0x662, v0;
	v1 =	vsel vm9, $0x17EA, v1  }
0xe9: {  	v40 =	vsel vm8, $0x2972, v40;
	v0 =	vsel vm9, $0x6EA, v0;
	v1 =	vsel vm8, $0x1872, v1  }
0xea: {  	v40 =	vsel vm7, $0x29FA, v40;
	v0 =	vsel vm8, $0x772, v0;
	v1 =	vsel vm7, $0x18FA, v1  }
0xeb: {  	v40 =	vsel vm6, $0x2EC2, v40;
	v0 =	vsel vm7, $0x7FA, v0;
	v1 =	vsel vm6, $0x1DC2, v1  }
0xec: {  	v40 =	vsel vm5, $0x2F4A, v40;
	v0 =	vsel vm6, $0xCC2, v0;
	v1 =	vsel vm5, $0x1E4A, v1  }
0xed: {  	v40 =	vsel vm4, $0x2FD2, v40;
	v0 =	vsel vm5, $0xD4A, v0;
	v1 =	vsel vm4, $0x1ED2, v1  }
0xee: {  	v40 =	vsel vm3, $0x305A, v40;
	v0 =	vsel vm4, $0xDD2, v0;
	v1 =	vsel vm3, $0x1F5A, v1  }
0xef: {  	v40 =	vsel vm2, $0x30E2, v40;
	v0 =	vsel vm3, $0xE5A, v0;
	v1 =	vsel vm2, $0x1FE2, v1  }
0xf0: {  	v42 =	vsel vm1, $0x316A, v40;
	v0 =	vsel vm2, $0xEE2, v0;
	v1 =	vsel vm1, $0x206A, v1  }
0xf1: {  	v0 =	vsel vm1, $0xF6A, v0;
	v41 =	vsel vm0, $0x20F2, v1;
	v1 =	vimm.s32 $0x107B  }
0xf2: {  	v40 =	vsel vm0, $0xFF2, v0;
	v0 =	vimm.s32 $0x437A;
	v1 =	vsel vm14, $0x443, v1  }
0xf3: {  	v61 =	vsel vm10, $0x3967, v61;
	v0 =	vsel vm14, $0x3742, v0;
	v1 =	vsel vm13, $0x4CB, v1  }
0xf4: {  	v2 =	vsel vm9, $0x35A8, v2;
	v0 =	vsel vm13, $0x37CA, v0;
	v1 =	vsel vm12, $0x553, v1  }
0xf5: {  	v43 =	vsel vm9, $0x17EB, v43;
	v0 =	vsel vm12, $0x3852, v0;
	v1 =	vsel vm11, $0x5DB, v1  }
0xf6: {  	v46 =	vsel vm9, $0x6EC, v46;
	v0 =	vsel vm11, $0x38DA, v0;
	v1 =	vsel vm10, $0x663, v1  }
0xf7: {  	v49 =	vsel vm9, $0x39EC, v49;
	v0 =	vsel vm10, $0x3962, v0;
	v1 =	vsel vm9, $0x6EB, v1  }
0xf8: {  	v43 =	vsel vm8, $0x1873, v43;
	v0 =	vsel vm9, $0x39EA, v0;
	v1 =	vsel vm8, $0x773, v1  }
0xf9: {  	v43 =	vsel vm7, $0x18FB, v43;
	v0 =	vsel vm8, $0x3A72, v0;
	v1 =	vsel vm7, $0x7FB, v1  }
0xfa: {  	v43 =	vsel vm6, $0x1DC3, v43;
	v0 =	vsel vm7, $0x3AFA, v0;
	v1 =	vsel vm6, $0xCC3, v1  }
0xfb: {  	v43 =	vsel vm5, $0x1E4B, v43;
	v0 =	vsel vm6, $0x3FC2, v0;
	v1 =	vsel vm5, $0xD4B, v1  }
0xfc: {  	v43 =	vsel vm4, $0x1ED3, v43;
	v0 =	vsel vm5, $0x404A, v0;
	v1 =	vsel vm4, $0xDD3, v1  }
0xfd: {  	v43 =	vsel vm3, $0x1F5B, v43;
	v0 =	vsel vm4, $0x40D2, v0;
	v1 =	vsel vm3, $0xE5B, v1  }
0xfe: {  	v43 =	vsel vm2, $0x1FE3, v43;
	v0 =	vsel vm3, $0x415A, v0;
	v1 =	vsel vm2, $0xEE3, v1  }
0xff: {  	v45 =	vsel vm1, $0x206B, v43;
	v0 =	vsel vm2, $0x41E2, v0;
	v1 =	vsel vm1, $0xF6B, v1  }
0x100: {  	v0 =	vsel vm1, $0x426A, v0;
	v44 =	vsel vm0, $0xFF3, v1;
	v1 =	vimm.s32 $0x437B  }
0x101: {  	v43 =	vsel vm0, $0x42F2, v0;
	v0 =	vimm.s32 $0x327B;
	v1 =	vsel vm14, $0x3743, v1  }
0x102: {  	v52 =	vsel vm9, $0x28ED, v52;
	v0 =	vsel vm14, $0x2643, v0;
	v1 =	vsel vm13, $0x37CB, v1  }
0x103: {  	v55 =	vsel vm9, $0x17EE, v55;
	v0 =	vsel vm13, $0x26CB, v0;
	v1 =	vsel vm12, $0x3853, v1  }
0x104: {  	v58 =	vsel vm9, $0x6EF, v58;
	v0 =	vsel vm12, $0x2753, v0;
	v1 =	vsel vm11, $0x38DB, v1  }
0x105: {  	v61 =	vsel vm9, $0x39EF, v61;
	v0 =	vsel vm11, $0x27DB, v0;
	v1 =	vsel vm10, $0x3963, v1  }
0x106: {  	v2 =	vsel vm8, $0x3630, v2;
	v0 =	vsel vm10, $0x2863, v0;
	v1 =	vsel vm9, $0x39EB, v1  }
0x107: {  	v46 =	vsel vm8, $0x774, v46;
	v0 =	vsel vm9, $0x28EB, v0;
	v1 =	vsel vm8, $0x3A73, v1  }
0x108: {  	v46 =	vsel vm7, $0x7FC, v46;
	v0 =	vsel vm8, $0x2973, v0;
	v1 =	vsel vm7, $0x3AFB, v1  }
0x109: {  	v46 =	vsel vm6, $0xCC4, v46;
	v0 =	vsel vm7, $0x29FB, v0;
	v1 =	vsel vm6, $0x3FC3, v1  }
0x10a: {  	v46 =	vsel vm5, $0xD4C, v46;
	v0 =	vsel vm6, $0x2EC3, v0;
	v1 =	vsel vm5, $0x404B, v1  }
0x10b: {  	v46 =	vsel vm4, $0xDD4, v46;
	v0 =	vsel vm5, $0x2F4B, v0;
	v1 =	vsel vm4, $0x40D3, v1  }
0x10c: {  	v46 =	vsel vm3, $0xE5C, v46;
	v0 =	vsel vm4, $0x2FD3, v0;
	v1 =	vsel vm3, $0x415B, v1  }
0x10d: {  	v46 =	vsel vm2, $0xEE4, v46;
	v0 =	vsel vm3, $0x305B, v0;
	v1 =	vsel vm2, $0x41E3, v1  }
0x10e: {  	v48 =	vsel vm1, $0xF6C, v46;
	v0 =	vsel vm2, $0x30E3, v0;
	v1 =	vsel vm1, $0x426B, v1  }
0x10f: {  	v0 =	vsel vm1, $0x316B, v0;
	v47 =	vsel vm0, $0x42F3, v1;
	v1 =	vimm.s32 $0x327C  }
0x110: {  	v46 =	vsel vm0, $0x31F3, v0;
	v0 =	vimm.s32 $0x217C;
	v1 =	vsel vm14, $0x2644, v1  }
0x111: {  	v49 =	vsel vm8, $0x3A74, v49;
	v0 =	vsel vm14, $0x1544, v0;
	v1 =	vsel vm13, $0x26CC, v1  }
0x112: {  	v52 =	vsel vm8, $0x2975, v52;
	v0 =	vsel vm13, $0x15CC, v0;
	v1 =	vsel vm12, $0x2754, v1  }
0x113: {  	v55 =	vsel vm8, $0x1876, v55;
	v0 =	vsel vm12, $0x1654, v0;
	v1 =	vsel vm11, $0x27DC, v1  }
0x114: {  	v58 =	vsel vm8, $0x777, v58;
	v0 =	vsel vm11, $0x16DC, v0;
	v1 =	vsel vm10, $0x2864, v1  }
0x115: {  	v61 =	vsel vm8, $0x3A77, v61;
	v0 =	vsel vm10, $0x1764, v0;
	v1 =	vsel vm9, $0x28EC, v1  }
0x116: {  	v2 =	vsel vm7, $0x36B8, v2;
	v0 =	vsel vm9, $0x17EC, v0;
	v1 =	vsel vm8, $0x2974, v1  }
0x117: {  	v49 =	vsel vm7, $0x3AFC, v49;
	v0 =	vsel vm8, $0x1874, v0;
	v1 =	vsel vm7, $0x29FC, v1  }
0x118: {  	v49 =	vsel vm6, $0x3FC4, v49;
	v0 =	vsel vm7, $0x18FC, v0;
	v1 =	vsel vm6, $0x2EC4, v1  }
0x119: {  	v49 =	vsel vm5, $0x404C, v49;
	v0 =	vsel vm6, $0x1DC4, v0;
	v1 =	vsel vm5, $0x2F4C, v1  }
0x11a: {  	v49 =	vsel vm4, $0x40D4, v49;
	v0 =	vsel vm5, $0x1E4C, v0;
	v1 =	vsel vm4, $0x2FD4, v1  }
0x11b: {  	v49 =	vsel vm3, $0x415C, v49;
	v0 =	vsel vm4, $0x1ED4, v0;
	v1 =	vsel vm3, $0x305C, v1  }
0x11c: {  	v49 =	vsel vm2, $0x41E4, v49;
	v0 =	vsel vm3, $0x1F5C, v0;
	v1 =	vsel vm2, $0x30E4, v1  }
0x11d: {  	v51 =	vsel vm1, $0x426C, v49;
	v0 =	vsel vm2, $0x1FE4, v0;
	v1 =	vsel vm1, $0x316C, v1  }
0x11e: {  	v0 =	vsel vm1, $0x206C, v0;
	v50 =	vsel vm0, $0x31F4, v1;
	v1 =	vimm.s32 $0x217D  }
0x11f: {  	v49 =	vsel vm0, $0x20F4, v0;
	v0 =	vimm.s32 $0x107D;
	v1 =	vsel vm14, $0x1545, v1  }
0x120: {  	v52 =	vsel vm7, $0x29FD, v52;
	v0 =	vsel vm14, $0x445, v0;
	v1 =	vsel vm13, $0x15CD, v1  }
0x121: {  	v55 =	vsel vm7, $0x18FE, v55;
	v0 =	vsel vm13, $0x4CD, v0;
	v1 =	vsel vm12, $0x1655, v1  }
0x122: {  	v58 =	vsel vm7, $0x7FF, v58;
	v0 =	vsel vm12, $0x555, v0;
	v1 =	vsel vm11, $0x16DD, v1  }
0x123: {  	v61 =	vsel vm7, $0x3AFF, v61;
	v0 =	vsel vm11, $0x5DD, v0;
	v1 =	vsel vm10, $0x1765, v1  }
0x124: {  	v2 =	vsel vm6, $0x3B80, v2;
	v0 =	vsel vm10, $0x665, v0;
	v1 =	vsel vm9, $0x17ED, v1  }
0x125: {  	v52 =	vsel vm6, $0x2EC5, v52;
	v0 =	vsel vm9, $0x6ED, v0;
	v1 =	vsel vm8, $0x1875, v1  }
0x126: {  	v55 =	vsel vm6, $0x1DC6, v55;
	v0 =	vsel vm8, $0x775, v0;
	v1 =	vsel vm7, $0x18FD, v1  }
0x127: {  	v58 =	vsel vm6, $0xCC7, v58;
	v0 =	vsel vm7, $0x7FD, v0;
	v1 =	vsel vm6, $0x1DC5, v1  }
0x128: {  	v52 =	vsel vm5, $0x2F4D, v52;
	v0 =	vsel vm6, $0xCC5, v0;
	v1 =	vsel vm5, $0x1E4D, v1  }
0x129: {  	v52 =	vsel vm4, $0x2FD5, v52;
	v0 =	vsel vm5, $0xD4D, v0;
	v1 =	vsel vm4, $0x1ED5, v1  }
0x12a: {  	v52 =	vsel vm3, $0x305D, v52;
	v0 =	vsel vm4, $0xDD5, v0;
	v1 =	vsel vm3, $0x1F5D, v1  }
0x12b: {  	v52 =	vsel vm2, $0x30E5, v52;
	v0 =	vsel vm3, $0xE5D, v0;
	v1 =	vsel vm2, $0x1FE5, v1  }
0x12c: {  	v54 =	vsel vm1, $0x316D, v52;
	v0 =	vsel vm2, $0xEE5, v0;
	v1 =	vsel vm1, $0x206D, v1  }
0x12d: {  	v0 =	vsel vm1, $0xF6D, v0;
	v53 =	vsel vm0, $0x20F5, v1;
	v1 =	vimm.s32 $0x107E  }
0x12e: {  	v52 =	vsel vm0, $0xFF5, v0;
	v0 =	vimm.s32 $0x437D;
	v1 =	vsel vm14, $0x446, v1  }
0x12f: {  	v61 =	vsel vm6, $0x3FC7, v61;
	v0 =	vsel vm14, $0x3745, v0;
	v1 =	vsel vm13, $0x4CE, v1  }
0x130: {  	v2 =	vsel vm5, $0x3C08, v2;
	v0 =	vsel vm13, $0x37CD, v0;
	v1 =	vsel vm12, $0x556, v1  }
0x131: {  	v55 =	vsel vm5, $0x1E4E, v55;
	v0 =	vsel vm12, $0x3855, v0;
	v1 =	vsel vm11, $0x5DE, v1  }
0x132: {  	v2 =	vsel vm4, $0x3C90, v2;
	v0 =	vsel vm11, $0x38DD, v0;
	v1 =	vsel vm10, $0x666, v1  }
0x133: {  	v55 =	vsel vm4, $0x1ED6, v55;
	v0 =	vsel vm10, $0x3965, v0;
	v1 =	vsel vm9, $0x6EE, v1  }
0x134: {  	v2 =	vsel vm3, $0x3D18, v2;
	v0 =	vsel vm9, $0x39ED, v0;
	v1 =	vsel vm8, $0x776, v1  }
0x135: {  	v55 =	vsel vm3, $0x1F5E, v55;
	v0 =	vsel vm8, $0x3A75, v0;
	v1 =	vsel vm7, $0x7FE, v1  }
0x136: {  	v2 =	vsel vm2, $0x3DA0, v2;
	v0 =	vsel vm7, $0x3AFD, v0;
	v1 =	vsel vm6, $0xCC6, v1  }
0x137: {  	v55 =	vsel vm2, $0x1FE6, v55;
	v0 =	vsel vm6, $0x3FC5, v0;
	v1 =	vsel vm5, $0xD4E, v1  }
0x138: {  	v3 =	vsel vm1, $0x3E28, v2;
	v0 =	vsel vm5, $0x404D, v0;
	v1 =	vsel vm4, $0xDD6, v1  }
0x139: {  	s0 =	stileid.u32;
	v57 =	vsel vm1, $0x206E, v55;
	v0 =	vsel vm4, $0x40D5, v0;
	v1 =	vsel vm3, $0xE5E, v1  }
0x13a: {  	s5 =	rddreg [dreg:$0x0];
	s1 =	srdreg.scid;
	s3 =	simm.s32 $0x0;
	v3 =	vsel vm0, $0x3EB0, v3;
	v0 =	vsel vm3, $0x415D, v0;
	v1 =	vsel vm2, $0xEE6, v1  }
0x13b: {  	s2 =	sshll.u32 s0, $0x1;
	s4 =	sand.u32 $0x1, s1;
	s1 =	rddreg [dreg:$0x2];
	v6 =	vsel vm0, $0x2DB1, v6;
	v0 =	vsel vm2, $0x41E5, v0;
	v1 =	vsel vm1, $0xF6E, v1  }
0x13c: {  	[smem:$0x7FF] =	sst s3;
	s30 =	sand.u32 $0xE, s2;
	v0 =	vsel vm1, $0x426D, v0;
	v56 =	vsel vm0, $0xFF6, v1;
	v1 =	vimm.s32 $0x437E  }
0x13d: {  	s2 =	rddreg [dreg:$0x1];
	_ =	strace $0x80000047;
	[tilespmem:$0x1FE10] =	vst v3;
	v55 =	vsel vm0, $0x42F5, v0;
	v0 =	vimm.s32 $0x327E;
	v1 =	vsel vm14, $0x3746, v1  }
0x13e: {  	v9 =	vsel vm0, $0x1CB2, v9;
	[tilespmem:$0x1FE40] =	vst v6;
	v0 =	vsel vm14, $0x2646, v0;
	v1 =	vsel vm13, $0x37CE, v1  }
0x13f: {  	v12 =	vsel vm0, $0xBB3, v12;
	[tilespmem:$0x1FE70] =	vst v9;
	v0 =	vsel vm13, $0x26CE, v0;
	v1 =	vsel vm12, $0x3856, v1  }
0x140: {  	v15 =	vsel vm0, $0x3EB3, v15;
	[tilespmem:$0x1FEA0] =	vst v12;
	v0 =	vsel vm12, $0x2756, v0;
	v1 =	vsel vm11, $0x38DE, v1  }
0x141: {  	v18 =	vsel vm0, $0x2DB4, v18;
	[tilespmem:$0x1FED0] =	vst v15;
	v0 =	vsel vm11, $0x27DE, v0;
	v1 =	vsel vm10, $0x3966, v1  }
0x142: {  	v21 =	vsel vm0, $0x1CB5, v21;
	[tilespmem:$0x1FF00] =	vst v18;
	v0 =	vsel vm10, $0x2866, v0;
	v1 =	vsel vm9, $0x39EE, v1  }
0x143: {  	v24 =	vsel vm0, $0xBB6, v24;
	[tilespmem:$0x1FF30] =	vst v21;
	v0 =	vsel vm9, $0x28EE, v0;
	v1 =	vsel vm8, $0x3A76, v1  }
0x144: {  	v27 =	vsel vm0, $0x3EB6, v27;
	[tilespmem:$0x1FF60] =	vst v24;
	v0 =	vsel vm8, $0x2976, v0;
	v1 =	vsel vm7, $0x3AFE, v1  }
0x145: {  	v30 =	vsel vm0, $0x2DB7, v30;
	[tilespmem:$0x1FF90] =	vst v27;
	v0 =	vsel vm7, $0x29FE, v0;
	v1 =	vsel vm6, $0x3FC6, v1  }
0x146: {  	v33 =	vsel vm0, $0x20F0, v33;
	[tilespmem:$0x1FFC0] =	vst v30;
	v0 =	vsel vm6, $0x2EC6, v0;
	v1 =	vsel vm5, $0x404E, v1  }
0x147: {  	v58 =	vsel vm5, $0xD4F, v58;
	[tilespmem:$0x1FFF0] =	vst v33;
	v0 =	vsel vm5, $0x2F4E, v0;
	v1 =	vsel vm4, $0x40D6, v1  }
0x148: {  	v58 =	vsel vm4, $0xDD7, v58;
	[tilespmem:$0x1FE30] =	vst v5;
	v0 =	vsel vm4, $0x2FD6, v0;
	v1 =	vsel vm3, $0x415E, v1  }
0x149: {  	v58 =	vsel vm3, $0xE5F, v58;
	[tilespmem:$0x1FE20] =	vst v4;
	v0 =	vsel vm3, $0x305E, v0;
	v1 =	vsel vm2, $0x41E6, v1  }
0x14a: {  	v58 =	vsel vm2, $0xEE7, v58;
	[tilespmem:$0x1FE60] =	vst v8;
	v0 =	vsel vm2, $0x30E6, v0;
	v1 =	vsel vm1, $0x426E, v1  }
0x14b: {  	v60 =	vsel vm1, $0xF6F, v58;
	[tilespmem:$0x1FE50] =	vst v7;
	v0 =	vsel vm1, $0x316E, v0;
	v59 =	vsel vm0, $0x42F6, v1  }
0x14c: {  	[tilespmem:$0x1FE90] =	vst v11;
	v1 =	vimm.s32 $0x327F;
	v58 =	vsel vm0, $0x31F6, v0;
	v0 =	vimm.s32 $0x217F  }
0x14d: {  	v61 =	vsel vm5, $0x404F, v61;
	[tilespmem:$0x1FE80] =	vst v10;
	v1 =	vsel vm14, $0x2647, v1;
	v0 =	vsel vm14, $0x1547, v0  }
0x14e: {  	v61 =	vsel vm4, $0x40D7, v61;
	[tilespmem:$0x1FEC0] =	vst v14;
	v1 =	vsel vm13, $0x26CF, v1;
	v0 =	vsel vm13, $0x15CF, v0  }
0x14f: {  	v61 =	vsel vm3, $0x415F, v61;
	[tilespmem:$0x1FEB0] =	vst v13;
	v1 =	vsel vm12, $0x2757, v1;
	v0 =	vsel vm12, $0x1657, v0  }
0x150: {  	v61 =	vsel vm2, $0x41E7, v61;
	[tilespmem:$0x1FEF0] =	vst v17;
	v1 =	vsel vm11, $0x27DF, v1;
	v0 =	vsel vm11, $0x16DF, v0  }
0x151: {  	v63 =	vsel vm1, $0x426F, v61;
	[tilespmem:$0x1FEE0] =	vst v16;
	v1 =	vsel vm10, $0x2867, v1;
	v0 =	vsel vm10, $0x1767, v0  }
0x152: {  	s11 =	simm.s32 $0x1000;
	s12 =	simm.s32 $0x5;
	v36 =	vsel vm0, $0xFF1, v36;
	[tilespmem:$0x1FF20] =	vst v20;
	v1 =	vsel vm9, $0x28EF, v1;
	v0 =	vsel vm9, $0x17EF, v0  }
0x153: {  	s13 =	simm.s32 $0x6400;
	s14 =	simm.s32 $0xA400;
	s15 =	simm.s32 $0x1;
	v39 =	vsel vm0, $0x42F1, v39;
	[tilespmem:$0x1FF10] =	vst v19;
	v1 =	vsel vm8, $0x2977, v1;
	v0 =	vsel vm8, $0x1877, v0  }
0x154: {  	s16 =	simm.s32 $0xE400;
	s17 =	simm.s32 $0x2;
	s18 =	simm.s32 $0x4;
	v42 =	vsel vm0, $0x31F2, v42;
	[tilespmem:$0x1FF50] =	vst v23;
	v1 =	vsel vm7, $0x29FF, v1;
	v0 =	vsel vm7, $0x18FF, v0  }
0x155: {  	s19 =	simm.s32 $0x12800;
	s20 =	simm.s32 $0x3;
	s6 =	sshrl.u32 s0, $0x3;
	v45 =	vsel vm0, $0x20F3, v45;
	[tilespmem:$0x1FF40] =	vst v22;
	v1 =	vsel vm6, $0x2EC7, v1;
	v0 =	vsel vm6, $0x1DC7, v0  }
0x156: {  	s21 =	simm.s32 $0x0;
	s8 =	smul.u32 $0x64000, s6;
	s7 =	sor.u32 s4, s30;
	v48 =	vsel vm0, $0xFF4, v48;
	[tilespmem:$0x1FF80] =	vst v26;
	v1 =	vsel vm5, $0x2F4F, v1;
	v0 =	vsel vm5, $0x1E4F, v0  }
.Ltmp0:
0x157: {  	s31 =	ssub.s32 $0x2, s4;
	s9 =	sshll.u32 s7, $0x8;
	v51 =	vsel vm0, $0x42F4, v51;
	[tilespmem:$0x1FF70] =	vst v25;
	v1 =	vsel vm4, $0x2FD7, v1;
	v0 =	vsel vm4, $0x1ED7, v0;
	(pc) =	sbr.rel .LBB2_1-.Ltmp0, $4  }
0x158: {  	s10 =	sshrl.u32 s31, $0x1;
	s4 =	smul.u32 $0x64, s6;
	s8 =	sor.u32 s8, s9;
	v54 =	vsel vm0, $0x31F5, v54;
	[tilespmem:$0x1FFB0] =	vst v29;
	v1 =	vsel vm3, $0x305F, v1;
	v0 =	vsel vm3, $0x1F5F, v0  }
0x159: {  	s7 =	sshll.u32 s7, $0xB;
	s9 =	ssub.s32 s31, s10;
	s8 =	sshrl.u32 s8, $0x3;
	v57 =	vsel vm0, $0x20F6, v57;
	[tilespmem:$0x1FFA0] =	vst v28;
	v1 =	vsel vm2, $0x30E7, v1;
	v0 =	vsel vm2, $0x1FE7, v0  }
0x15a: {  	s10 =	simm.s32 $0x100;
	s8 =	sadd.s32 s8, s5;
	s5 =	sadd.s32 $0xF42A00, s5;
	v60 =	vsel vm0, $0xFF7, v60;
	[tilespmem:$0x1FFE0] =	vst v32;
	v1 =	vsel vm1, $0x316F, v1;
	v0 =	vsel vm1, $0x206F, v0  }
0x15b: {  	s9 =	smax.u32 s9, $0x1;
	s6 =	sadd.s32 $0x600, s8;
	s8 =	sor.u32 $0x1, s4;
	v63 =	vsel vm0, $0x42F7, v63;
	v2 =	vld [tilespmem:$0x1FE00];
	[tilespmem:$0x1FFD0] =	vst v31;
	v62 =	vsel vm0, $0x31F7, v1;
	v61 =	vsel vm0, $0x20F7, v0  }
.LBB2_20:
0x15c: {  	s21 =	sadd.s32 $0x1, s21  }
0x15d: {  	_ =	swait.ge [sflag:s20], $0x4000;
	p0 =	sne.s32 s21, s9  }
.Ltmp1:
0x15e: {  	[sflag:s20] =	ssyncset.done $0x0;
	(pc) =	sbr.rel @!p0 .LBB2_21-.Ltmp1, $4  }
0x15f: {  	[sflag:s20] =	ssyncadd.s32 $0xFFFFC000  }
0x160: {  	_ =	swait.ge [sflag:s18], $0x4000  }
0x161: {  	[sflag:s18] =	ssyncset.done $0x0  }
0x162: {  	[sflag:s18] =	ssyncadd.s32 $0xFFFFC000  }
.LBB2_1:
0x163: {  	[tilespmem:s3], [sflag:$0x5] =	stream.strided.gather [hbm4b:s6+s10], $0x6400, s11, s10, $0x38;
	[tilespmem:$0x16C00] =	vst v63  }
0x164: {  	_ =	swait.ge [sflag:s12], $0x6400  }
0x165: {  	[sflag:s12] =	ssyncset.done $0x0  }
0x166: {  	[sflag:s12] =	ssyncadd.s32 $0xFFFF9C00  }
0x167: {  	[tilespmem:s13], [sflag:$0x1] =	stream.indirect.gather [hbm4b:s5+s10], $0x40, s3, s10, $0xb8;
	[tilespmem:$0x16C00] =	vst v63  }
0x168: {  	s22 =	simm.s32 $0x0  }
0x169: {  	[tilespmem:s14], [sflag:$0x2] =	stream.indirect.gather [hbm4b:s5+s10], $0x40, s10, s10, $0xb8;
	[tilespmem:$0x16C00] =	vst v63  }
.LBB2_2:
0x16a: {  	_ =	swait.ge [sflag:s15], $0x4000  }
0x16b: {  	p0 =	seq.s32 s22, $0x0;
	[sflag:s15] =	ssyncset.done $0x0  }
0x16c: {  	s23 =	simm.s32 @!p0 $0x3;
	[sflag:s15] =	ssyncadd.s32 $0xFFFFC000  }
0x16d: {  	_ =	swait.ge @!p0 [sflag:s23], $0x4000  }
0x16e: {  	[sflag:s23] =	ssyncset.done @!p0 $0x0  }
0x16f: {  	s25 =	simm.s32 $0x6500;
	[sflag:s23] =	ssyncadd.s32 @!p0 $0xFFFFC000  }
0x170: {  	v0 =	vld [tilespmem:s25+$0xFFFFFF00]  }
0x171: {  	s24 =	simm.s32 $0x0  }
0x172: {  	v1 =	vadd.s32 s24, v2;
	_ =	sdelay $0x2  }
0x173: {  	v3 =	vld [tilespmem:$0x1FDE0];
	v0 =	vmul.f32 $8.000000000e+00, v0;
	_ =	sdelay $0x1  }
0x174: {  	[tilespmem:v1+s16+$0x0] =	vst.idx.msk $0xffff, v0  }
0x175: {  	v0 =	vld [tilespmem:s25+$0xFFFFFF10];
	_ =	sdelay $0x1  }
0x176: {  	v1 =	vadd.s32 s24, v3;
	_ =	sdelay $0x2  }
0x177: {  	v4 =	vld [tilespmem:$0x1FDF0];
	v0 =	vmul.f32 $8.000000000e+00, v0;
	_ =	sdelay $0x1  }
0x178: {  	[tilespmem:v1+s16+$0x0] =	vst.idx.msk $0xffff, v0  }
0x179: {  	v0 =	vld [tilespmem:s25+$0xFFFFFF20];
	_ =	sdelay $0x1  }
0x17a: {  	v1 =	vadd.s32 s24, v4;
	_ =	sdelay $0x2  }
0x17b: {  	v5 =	vld [tilespmem:$0x1FE10];
	v0 =	vmul.f32 $8.000000000e+00, v0;
	_ =	sdelay $0x1  }
0x17c: {  	[tilespmem:v1+s16+$0x0] =	vst.idx.msk $0xffff, v0  }
0x17d: {  	v0 =	vld [tilespmem:s25+$0xFFFFFF30];
	_ =	sdelay $0x1  }
0x17e: {  	v1 =	vadd.s32 s24, v5;
	_ =	sdelay $0x2  }
0x17f: {  	v6 =	vld [tilespmem:$0x1FE20];
	v0 =	vmul.f32 $8.000000000e+00, v0;
	_ =	sdelay $0x1  }
0x180: {  	[tilespmem:v1+s16+$0x0] =	vst.idx.msk $0xffff, v0  }
0x181: {  	v0 =	vld [tilespmem:s25+$0xFFFFFF40];
	_ =	sdelay $0x1  }
0x182: {  	v1 =	vadd.s32 s24, v6;
	_ =	sdelay $0x2  }
0x183: {  	v7 =	vld [tilespmem:$0x1FE30];
	v0 =	vmul.f32 $8.000000000e+00, v0;
	_ =	sdelay $0x1  }
0x184: {  	[tilespmem:v1+s16+$0x0] =	vst.idx.msk $0xffff, v0  }
0x185: {  	v0 =	vld [tilespmem:s25+$0xFFFFFF50];
	_ =	sdelay $0x1  }
0x186: {  	v1 =	vadd.s32 s24, v7;
	_ =	sdelay $0x2  }
0x187: {  	v8 =	vld [tilespmem:$0x1FE40];
	v0 =	vmul.f32 $8.000000000e+00, v0;
	_ =	sdelay $0x1  }
0x188: {  	[tilespmem:v1+s16+$0x0] =	vst.idx.msk $0xffff, v0  }
0x189: {  	v0 =	vld [tilespmem:s25+$0xFFFFFF60];
	_ =	sdelay $0x1  }
0x18a: {  	v1 =	vadd.s32 s24, v8;
	_ =	sdelay $0x2  }
0x18b: {  	v9 =	vld [tilespmem:$0x1FE50];
	v0 =	vmul.f32 $8.000000000e+00, v0;
	_ =	sdelay $0x1  }
0x18c: {  	[tilespmem:v1+s16+$0x0] =	vst.idx.msk $0xffff, v0  }
0x18d: {  	v0 =	vld [tilespmem:s25+$0xFFFFFF70];
	_ =	sdelay $0x1  }
0x18e: {  	v1 =	vadd.s32 s24, v9;
	_ =	sdelay $0x2  }
0x18f: {  	v10 =	vld [tilespmem:$0x1FE60];
	v0 =	vmul.f32 $8.000000000e+00, v0;
	_ =	sdelay $0x1  }
0x190: {  	[tilespmem:v1+s16+$0x0] =	vst.idx.msk $0xffff, v0  }
0x191: {  	v0 =	vld [tilespmem:s25+$0xFFFFFF80];
	_ =	sdelay $0x1  }
0x192: {  	v1 =	vadd.s32 s24, v10;
	_ =	sdelay $0x2  }
0x193: {  	v11 =	vld [tilespmem:$0x1FE70];
	v0 =	vmul.f32 $8.000000000e+00, v0;
	_ =	sdelay $0x1  }
0x194: {  	[tilespmem:v1+s16+$0x0] =	vst.idx.msk $0xffff, v0  }
0x195: {  	v0 =	vld [tilespmem:s25+$0xFFFFFF90];
	_ =	sdelay $0x1  }
0x196: {  	v1 =	vadd.s32 s24, v11;
	_ =	sdelay $0x2  }
0x197: {  	v12 =	vld [tilespmem:$0x1FE80];
	v0 =	vmul.f32 $8.000000000e+00, v0;
	_ =	sdelay $0x1  }
0x198: {  	[tilespmem:v1+s16+$0x0] =	vst.idx.msk $0xffff, v0  }
0x199: {  	v0 =	vld [tilespmem:s25+$0xFFFFFFA0];
	_ =	sdelay $0x1  }
0x19a: {  	v1 =	vadd.s32 s24, v12;
	_ =	sdelay $0x2  }
0x19b: {  	v13 =	vld [tilespmem:$0x1FE90];
	v0 =	vmul.f32 $8.000000000e+00, v0;
	_ =	sdelay $0x1  }
0x19c: {  	[tilespmem:v1+s16+$0x0] =	vst.idx.msk $0xffff, v0  }
0x19d: {  	v0 =	vld [tilespmem:s25+$0xFFFFFFB0];
	_ =	sdelay $0x1  }
0x19e: {  	v1 =	vadd.s32 s24, v13;
	_ =	sdelay $0x2  }
0x19f: {  	v14 =	vld [tilespmem:$0x1FEA0];
	v0 =	vmul.f32 $8.000000000e+00, v0;
	_ =	sdelay $0x1  }
0x1a0: {  	[tilespmem:v1+s16+$0x0] =	vst.idx.msk $0xffff, v0  }
0x1a1: {  	v0 =	vld [tilespmem:s25+$0xFFFFFFC0];
	_ =	sdelay $0x1  }
0x1a2: {  	v1 =	vadd.s32 s24, v14;
	_ =	sdelay $0x2  }
0x1a3: {  	v15 =	vld [tilespmem:$0x1FEB0];
	v0 =	vmul.f32 $8.000000000e+00, v0;
	_ =	sdelay $0x1  }
0x1a4: {  	[tilespmem:v1+s16+$0x0] =	vst.idx.msk $0xffff, v0  }
0x1a5: {  	v0 =	vld [tilespmem:s25+$0xFFFFFFD0];
	_ =	sdelay $0x1  }
0x1a6: {  	v1 =	vadd.s32 s24, v15;
	_ =	sdelay $0x2  }
0x1a7: {  	v16 =	vld [tilespmem:$0x1FEC0];
	v0 =	vmul.f32 $8.000000000e+00, v0;
	_ =	sdelay $0x1  }
0x1a8: {  	[tilespmem:v1+s16+$0x0] =	vst.idx.msk $0xffff, v0  }
0x1a9: {  	v0 =	vld [tilespmem:s25+$0xFFFFFFE0];
	_ =	sdelay $0x1  }
0x1aa: {  	v1 =	vadd.s32 s24, v16;
	_ =	sdelay $0x2  }
0x1ab: {  	v17 =	vld [tilespmem:$0x1FED0];
	v0 =	vmul.f32 $8.000000000e+00, v0;
	_ =	sdelay $0x1  }
0x1ac: {  	[tilespmem:v1+s16+$0x0] =	vst.idx.msk $0xffff, v0  }
0x1ad: {  	v0 =	vld [tilespmem:s25+$0xFFFFFFF0];
	_ =	sdelay $0x1  }
0x1ae: {  	v1 =	vadd.s32 s24, v17;
	_ =	sdelay $0x2  }
0x1af: {  	v18 =	vld [tilespmem:$0x1FEE0];
	v0 =	vmul.f32 $8.000000000e+00, v0;
	_ =	sdelay $0x1  }
0x1b0: {  	[tilespmem:v1+s16+$0x0] =	vst.idx.msk $0xffff, v0  }
0x1b1: {  	v0 =	vld [tilespmem:s25+$0x0];
	_ =	sdelay $0x1  }
0x1b2: {  	v1 =	vadd.s32 s24, v18;
	_ =	sdelay $0x2  }
0x1b3: {  	v19 =	vld [tilespmem:$0x1FEF0];
	v0 =	vmul.f32 $8.000000000e+00, v0;
	_ =	sdelay $0x1  }
0x1b4: {  	[tilespmem:v1+s16+$0x0] =	vst.idx.msk $0xffff, v0  }
0x1b5: {  	v0 =	vld [tilespmem:s25+$0x10];
	_ =	sdelay $0x1  }
0x1b6: {  	v1 =	vadd.s32 s24, v19;
	_ =	sdelay $0x2  }
0x1b7: {  	v20 =	vld [tilespmem:$0x1FF00];
	v0 =	vmul.f32 $8.000000000e+00, v0;
	_ =	sdelay $0x1  }
0x1b8: {  	[tilespmem:v1+s16+$0x0] =	vst.idx.msk $0xffff, v0  }
0x1b9: {  	v0 =	vld [tilespmem:s25+$0x20];
	_ =	sdelay $0x1  }
0x1ba: {  	v1 =	vadd.s32 s24, v20;
	_ =	sdelay $0x2  }
0x1bb: {  	v21 =	vld [tilespmem:$0x1FF10];
	v0 =	vmul.f32 $8.000000000e+00, v0;
	_ =	sdelay $0x1  }
0x1bc: {  	[tilespmem:v1+s16+$0x0] =	vst.idx.msk $0xffff, v0  }
0x1bd: {  	v0 =	vld [tilespmem:s25+$0x30];
	_ =	sdelay $0x1  }
0x1be: {  	v1 =	vadd.s32 s24, v21;
	_ =	sdelay $0x2  }
0x1bf: {  	v22 =	vld [tilespmem:$0x1FF20];
	v0 =	vmul.f32 $8.000000000e+00, v0;
	_ =	sdelay $0x1  }
0x1c0: {  	[tilespmem:v1+s16+$0x0] =	vst.idx.msk $0xffff, v0  }
0x1c1: {  	v0 =	vld [tilespmem:s25+$0x40];
	_ =	sdelay $0x1  }
0x1c2: {  	v1 =	vadd.s32 s24, v22;
	_ =	sdelay $0x2  }
0x1c3: {  	v23 =	vld [tilespmem:$0x1FF30];
	v0 =	vmul.f32 $8.000000000e+00, v0;
	_ =	sdelay $0x1  }
0x1c4: {  	[tilespmem:v1+s16+$0x0] =	vst.idx.msk $0xffff, v0  }
0x1c5: {  	v0 =	vld [tilespmem:s25+$0x50];
	_ =	sdelay $0x1  }
0x1c6: {  	v1 =	vadd.s32 s24, v23;
	_ =	sdelay $0x2  }
0x1c7: {  	v24 =	vld [tilespmem:$0x1FF40];
	v0 =	vmul.f32 $8.000000000e+00, v0;
	_ =	sdelay $0x1  }
0x1c8: {  	[tilespmem:v1+s16+$0x0] =	vst.idx.msk $0xffff, v0  }
0x1c9: {  	v0 =	vld [tilespmem:s25+$0x60];
	_ =	sdelay $0x1  }
0x1ca: {  	v1 =	vadd.s32 s24, v24;
	_ =	sdelay $0x2  }
0x1cb: {  	v25 =	vld [tilespmem:$0x1FF50];
	v0 =	vmul.f32 $8.000000000e+00, v0;
	_ =	sdelay $0x1  }
0x1cc: {  	[tilespmem:v1+s16+$0x0] =	vst.idx.msk $0xffff, v0  }
0x1cd: {  	v0 =	vld [tilespmem:s25+$0x70];
	_ =	sdelay $0x1  }
0x1ce: {  	v1 =	vadd.s32 s24, v25;
	_ =	sdelay $0x2  }
0x1cf: {  	v26 =	vld [tilespmem:$0x1FF60];
	v0 =	vmul.f32 $8.000000000e+00, v0;
	_ =	sdelay $0x1  }
0x1d0: {  	[tilespmem:v1+s16+$0x0] =	vst.idx.msk $0xffff, v0  }
0x1d1: {  	v0 =	vld [tilespmem:s25+$0x80];
	_ =	sdelay $0x1  }
0x1d2: {  	v1 =	vadd.s32 s24, v26;
	_ =	sdelay $0x2  }
0x1d3: {  	v27 =	vld [tilespmem:$0x1FF70];
	v0 =	vmul.f32 $8.000000000e+00, v0;
	_ =	sdelay $0x1  }
0x1d4: {  	[tilespmem:v1+s16+$0x0] =	vst.idx.msk $0xffff, v0  }
0x1d5: {  	v0 =	vld [tilespmem:s25+$0x90];
	_ =	sdelay $0x1  }
0x1d6: {  	v1 =	vadd.s32 s24, v27;
	_ =	sdelay $0x2  }
0x1d7: {  	v28 =	vld [tilespmem:$0x1FF80];
	v0 =	vmul.f32 $8.000000000e+00, v0;
	_ =	sdelay $0x1  }
0x1d8: {  	[tilespmem:v1+s16+$0x0] =	vst.idx.msk $0xffff, v0  }
0x1d9: {  	v0 =	vld [tilespmem:s25+$0xA0];
	_ =	sdelay $0x1  }
0x1da: {  	v1 =	vadd.s32 s24, v28;
	_ =	sdelay $0x2  }
0x1db: {  	v29 =	vld [tilespmem:$0x1FF90];
	v0 =	vmul.f32 $8.000000000e+00, v0;
	_ =	sdelay $0x1  }
0x1dc: {  	[tilespmem:v1+s16+$0x0] =	vst.idx.msk $0xffff, v0  }
0x1dd: {  	v0 =	vld [tilespmem:s25+$0xB0];
	_ =	sdelay $0x1  }
0x1de: {  	v1 =	vadd.s32 s24, v29;
	_ =	sdelay $0x2  }
0x1df: {  	v30 =	vld [tilespmem:$0x1FFA0];
	v0 =	vmul.f32 $8.000000000e+00, v0;
	_ =	sdelay $0x1  }
0x1e0: {  	[tilespmem:v1+s16+$0x0] =	vst.idx.msk $0xffff, v0  }
0x1e1: {  	v0 =	vld [tilespmem:s25+$0xC0];
	_ =	sdelay $0x1  }
0x1e2: {  	v1 =	vadd.s32 s24, v30;
	_ =	sdelay $0x2  }
0x1e3: {  	v31 =	vld [tilespmem:$0x1FFB0];
	v0 =	vmul.f32 $8.000000000e+00, v0;
	_ =	sdelay $0x1  }
0x1e4: {  	[tilespmem:v1+s16+$0x0] =	vst.idx.msk $0xffff, v0  }
0x1e5: {  	v0 =	vld [tilespmem:s25+$0xD0];
	_ =	sdelay $0x1  }
0x1e6: {  	v1 =	vadd.s32 s24, v31;
	_ =	sdelay $0x2  }
0x1e7: {  	v32 =	vld [tilespmem:$0x1FFC0];
	v0 =	vmul.f32 $8.000000000e+00, v0;
	_ =	sdelay $0x1  }
0x1e8: {  	[tilespmem:v1+s16+$0x0] =	vst.idx.msk $0xffff, v0  }
0x1e9: {  	v0 =	vld [tilespmem:s25+$0xE0];
	_ =	sdelay $0x1  }
0x1ea: {  	v1 =	vadd.s32 s24, v32;
	_ =	sdelay $0x2  }
0x1eb: {  	v33 =	vld [tilespmem:$0x1FFD0];
	v0 =	vmul.f32 $8.000000000e+00, v0;
	_ =	sdelay $0x1  }
0x1ec: {  	[tilespmem:v1+s16+$0x0] =	vst.idx.msk $0xffff, v0  }
0x1ed: {  	v1 =	vld [tilespmem:s25+$0xF0];
	_ =	sdelay $0x1  }
0x1ee: {  	v0 =	vadd.s32 s24, v33;
	_ =	sdelay $0x2  }
0x1ef: {  	s26 =	simm.s32 $0x8;
	s23 =	sshll.u32 s22, $0x1;
	v1 =	vmul.f32 $8.000000000e+00, v1  }
.LBB2_3:
0x1f0: {  	p1 =	sne.s32 s26, $0x78  }
0x1f1: {  	s25 =	sadd.s32 $0x200, s25;
	s28 =	smov.u32 s26;
	s26 =	sadd.s32 $0x8, s26;
	[tilespmem:v0+s16+$0x0] =	vst.idx.msk $0xffff, v1  }
0x1f2: {  	v0 =	vld [tilespmem:s25+$0xFFFFFF00];
	_ =	sdelay $0x1  }
0x1f3: {  	v1 =	vadd.s32 s28, v2;
	_ =	sdelay $0x2  }
0x1f4: {  	v0 =	vmul.f32 $8.000000000e+00, v0;
	_ =	sdelay $0x1  }
0x1f5: {  	[tilespmem:v1+s16+$0x0] =	vst.idx.msk $0xffff, v0  }
0x1f6: {  	v0 =	vld [tilespmem:s25+$0xFFFFFF10];
	_ =	sdelay $0x1  }
0x1f7: {  	v1 =	vadd.s32 s28, v3;
	_ =	sdelay $0x2  }
0x1f8: {  	v0 =	vmul.f32 $8.000000000e+00, v0;
	_ =	sdelay $0x1  }
0x1f9: {  	[tilespmem:v1+s16+$0x0] =	vst.idx.msk $0xffff, v0  }
0x1fa: {  	v0 =	vld [tilespmem:s25+$0xFFFFFF20];
	_ =	sdelay $0x1  }
0x1fb: {  	v1 =	vadd.s32 s28, v4;
	_ =	sdelay $0x2  }
0x1fc: {  	v0 =	vmul.f32 $8.000000000e+00, v0;
	_ =	sdelay $0x1  }
0x1fd: {  	[tilespmem:v1+s16+$0x0] =	vst.idx.msk $0xffff, v0  }
0x1fe: {  	v0 =	vld [tilespmem:s25+$0xFFFFFF30];
	_ =	sdelay $0x1  }
0x1ff: {  	v1 =	vadd.s32 s28, v5;
	_ =	sdelay $0x2  }
0x200: {  	v0 =	vmul.f32 $8.000000000e+00, v0;
	_ =	sdelay $0x1  }
0x201: {  	[tilespmem:v1+s16+$0x0] =	vst.idx.msk $0xffff, v0  }
0x202: {  	v0 =	vld [tilespmem:s25+$0xFFFFFF40];
	_ =	sdelay $0x1  }
0x203: {  	v1 =	vadd.s32 s28, v6;
	_ =	sdelay $0x2  }
0x204: {  	v0 =	vmul.f32 $8.000000000e+00, v0;
	_ =	sdelay $0x1  }
0x205: {  	[tilespmem:v1+s16+$0x0] =	vst.idx.msk $0xffff, v0  }
0x206: {  	v0 =	vld [tilespmem:s25+$0xFFFFFF50];
	_ =	sdelay $0x1  }
0x207: {  	v1 =	vadd.s32 s28, v7;
	_ =	sdelay $0x2  }
0x208: {  	v0 =	vmul.f32 $8.000000000e+00, v0;
	_ =	sdelay $0x1  }
0x209: {  	[tilespmem:v1+s16+$0x0] =	vst.idx.msk $0xffff, v0  }
0x20a: {  	v0 =	vld [tilespmem:s25+$0xFFFFFF60];
	_ =	sdelay $0x1  }
0x20b: {  	v1 =	vadd.s32 s28, v8;
	_ =	sdelay $0x2  }
0x20c: {  	v0 =	vmul.f32 $8.000000000e+00, v0;
	_ =	sdelay $0x1  }
0x20d: {  	[tilespmem:v1+s16+$0x0] =	vst.idx.msk $0xffff, v0  }
0x20e: {  	v0 =	vld [tilespmem:s25+$0xFFFFFF70];
	_ =	sdelay $0x1  }
0x20f: {  	v1 =	vadd.s32 s28, v9;
	_ =	sdelay $0x2  }
0x210: {  	v0 =	vmul.f32 $8.000000000e+00, v0;
	_ =	sdelay $0x1  }
0x211: {  	[tilespmem:v1+s16+$0x0] =	vst.idx.msk $0xffff, v0  }
0x212: {  	v0 =	vld [tilespmem:s25+$0xFFFFFF80];
	_ =	sdelay $0x1  }
0x213: {  	v1 =	vadd.s32 s28, v10;
	_ =	sdelay $0x2  }
0x214: {  	v0 =	vmul.f32 $8.000000000e+00, v0;
	_ =	sdelay $0x1  }
0x215: {  	[tilespmem:v1+s16+$0x0] =	vst.idx.msk $0xffff, v0  }
0x216: {  	v0 =	vld [tilespmem:s25+$0xFFFFFF90];
	_ =	sdelay $0x1  }
0x217: {  	v1 =	vadd.s32 s28, v11;
	_ =	sdelay $0x2  }
0x218: {  	v0 =	vmul.f32 $8.000000000e+00, v0;
	_ =	sdelay $0x1  }
0x219: {  	[tilespmem:v1+s16+$0x0] =	vst.idx.msk $0xffff, v0  }
0x21a: {  	v0 =	vld [tilespmem:s25+$0xFFFFFFA0];
	_ =	sdelay $0x1  }
0x21b: {  	v1 =	vadd.s32 s28, v12;
	_ =	sdelay $0x2  }
0x21c: {  	v0 =	vmul.f32 $8.000000000e+00, v0;
	_ =	sdelay $0x1  }
0x21d: {  	[tilespmem:v1+s16+$0x0] =	vst.idx.msk $0xffff, v0  }
0x21e: {  	v0 =	vld [tilespmem:s25+$0xFFFFFFB0];
	_ =	sdelay $0x1  }
0x21f: {  	v1 =	vadd.s32 s28, v13;
	_ =	sdelay $0x2  }
0x220: {  	v0 =	vmul.f32 $8.000000000e+00, v0;
	_ =	sdelay $0x1  }
0x221: {  	[tilespmem:v1+s16+$0x0] =	vst.idx.msk $0xffff, v0  }
0x222: {  	v0 =	vld [tilespmem:s25+$0xFFFFFFC0];
	_ =	sdelay $0x1  }
0x223: {  	v1 =	vadd.s32 s28, v14;
	_ =	sdelay $0x2  }
0x224: {  	v0 =	vmul.f32 $8.000000000e+00, v0;
	_ =	sdelay $0x1  }
0x225: {  	[tilespmem:v1+s16+$0x0] =	vst.idx.msk $0xffff, v0  }
0x226: {  	v0 =	vld [tilespmem:s25+$0xFFFFFFD0];
	_ =	sdelay $0x1  }
0x227: {  	v1 =	vadd.s32 s28, v15;
	_ =	sdelay $0x2  }
0x228: {  	v0 =	vmul.f32 $8.000000000e+00, v0;
	_ =	sdelay $0x1  }
0x229: {  	[tilespmem:v1+s16+$0x0] =	vst.idx.msk $0xffff, v0  }
0x22a: {  	v0 =	vld [tilespmem:s25+$0xFFFFFFE0];
	_ =	sdelay $0x1  }
0x22b: {  	v1 =	vadd.s32 s28, v16;
	_ =	sdelay $0x2  }
0x22c: {  	v0 =	vmul.f32 $8.000000000e+00, v0;
	_ =	sdelay $0x1  }
0x22d: {  	[tilespmem:v1+s16+$0x0] =	vst.idx.msk $0xffff, v0  }
0x22e: {  	v0 =	vld [tilespmem:s25+$0xFFFFFFF0];
	_ =	sdelay $0x1  }
0x22f: {  	v1 =	vadd.s32 s28, v17;
	_ =	sdelay $0x2  }
0x230: {  	v0 =	vmul.f32 $8.000000000e+00, v0;
	_ =	sdelay $0x1  }
0x231: {  	[tilespmem:v1+s16+$0x0] =	vst.idx.msk $0xffff, v0  }
0x232: {  	v0 =	vld [tilespmem:s25+$0x0];
	_ =	sdelay $0x1  }
0x233: {  	v1 =	vadd.s32 s28, v18;
	_ =	sdelay $0x2  }
0x234: {  	v0 =	vmul.f32 $8.000000000e+00, v0;
	_ =	sdelay $0x1  }
0x235: {  	[tilespmem:v1+s16+$0x0] =	vst.idx.msk $0xffff, v0  }
0x236: {  	v0 =	vld [tilespmem:s25+$0x10];
	_ =	sdelay $0x1  }
0x237: {  	v1 =	vadd.s32 s28, v19;
	_ =	sdelay $0x2  }
0x238: {  	v0 =	vmul.f32 $8.000000000e+00, v0;
	_ =	sdelay $0x1  }
0x239: {  	[tilespmem:v1+s16+$0x0] =	vst.idx.msk $0xffff, v0  }
0x23a: {  	v0 =	vld [tilespmem:s25+$0x20];
	_ =	sdelay $0x1  }
0x23b: {  	v1 =	vadd.s32 s28, v20;
	_ =	sdelay $0x2  }
0x23c: {  	v0 =	vmul.f32 $8.000000000e+00, v0;
	_ =	sdelay $0x1  }
0x23d: {  	[tilespmem:v1+s16+$0x0] =	vst.idx.msk $0xffff, v0  }
0x23e: {  	v0 =	vld [tilespmem:s25+$0x30];
	_ =	sdelay $0x1  }
0x23f: {  	v1 =	vadd.s32 s28, v21;
	_ =	sdelay $0x2  }
0x240: {  	v0 =	vmul.f32 $8.000000000e+00, v0;
	_ =	sdelay $0x1  }
0x241: {  	[tilespmem:v1+s16+$0x0] =	vst.idx.msk $0xffff, v0  }
0x242: {  	v0 =	vld [tilespmem:s25+$0x40];
	_ =	sdelay $0x1  }
0x243: {  	v1 =	vadd.s32 s28, v22;
	_ =	sdelay $0x2  }
0x244: {  	v0 =	vmul.f32 $8.000000000e+00, v0;
	_ =	sdelay $0x1  }
0x245: {  	[tilespmem:v1+s16+$0x0] =	vst.idx.msk $0xffff, v0  }
0x246: {  	v0 =	vld [tilespmem:s25+$0x50];
	_ =	sdelay $0x1  }
0x247: {  	v1 =	vadd.s32 s28, v23;
	_ =	sdelay $0x2  }
0x248: {  	v0 =	vmul.f32 $8.000000000e+00, v0;
	_ =	sdelay $0x1  }
0x249: {  	[tilespmem:v1+s16+$0x0] =	vst.idx.msk $0xffff, v0  }
0x24a: {  	v0 =	vld [tilespmem:s25+$0x60];
	_ =	sdelay $0x1  }
0x24b: {  	v1 =	vadd.s32 s28, v24;
	_ =	sdelay $0x2  }
0x24c: {  	v0 =	vmul.f32 $8.000000000e+00, v0;
	_ =	sdelay $0x1  }
0x24d: {  	[tilespmem:v1+s16+$0x0] =	vst.idx.msk $0xffff, v0  }
0x24e: {  	v0 =	vld [tilespmem:s25+$0x70];
	_ =	sdelay $0x1  }
0x24f: {  	v1 =	vadd.s32 s28, v25;
	_ =	sdelay $0x2  }
0x250: {  	v0 =	vmul.f32 $8.000000000e+00, v0;
	_ =	sdelay $0x1  }
0x251: {  	[tilespmem:v1+s16+$0x0] =	vst.idx.msk $0xffff, v0  }
0x252: {  	v0 =	vld [tilespmem:s25+$0x80];
	_ =	sdelay $0x1  }
0x253: {  	v1 =	vadd.s32 s28, v26;
	_ =	sdelay $0x2  }
0x254: {  	v0 =	vmul.f32 $8.000000000e+00, v0;
	_ =	sdelay $0x1  }
0x255: {  	[tilespmem:v1+s16+$0x0] =	vst.idx.msk $0xffff, v0  }
0x256: {  	v0 =	vld [tilespmem:s25+$0x90];
	_ =	sdelay $0x1  }
0x257: {  	v1 =	vadd.s32 s28, v27;
	_ =	sdelay $0x2  }
0x258: {  	v0 =	vmul.f32 $8.000000000e+00, v0;
	_ =	sdelay $0x1  }
0x259: {  	[tilespmem:v1+s16+$0x0] =	vst.idx.msk $0xffff, v0  }
0x25a: {  	v0 =	vld [tilespmem:s25+$0xA0];
	_ =	sdelay $0x1  }
0x25b: {  	v1 =	vadd.s32 s28, v28;
	_ =	sdelay $0x2  }
0x25c: {  	v0 =	vmul.f32 $8.000000000e+00, v0;
	_ =	sdelay $0x1  }
0x25d: {  	[tilespmem:v1+s16+$0x0] =	vst.idx.msk $0xffff, v0  }
0x25e: {  	v0 =	vld [tilespmem:s25+$0xB0];
	_ =	sdelay $0x1  }
0x25f: {  	v1 =	vadd.s32 s28, v29;
	_ =	sdelay $0x2  }
0x260: {  	v0 =	vmul.f32 $8.000000000e+00, v0;
	_ =	sdelay $0x1  }
0x261: {  	[tilespmem:v1+s16+$0x0] =	vst.idx.msk $0xffff, v0  }
0x262: {  	v0 =	vld [tilespmem:s25+$0xC0];
	_ =	sdelay $0x1  }
0x263: {  	v1 =	vadd.s32 s28, v30;
	_ =	sdelay $0x2  }
0x264: {  	v0 =	vmul.f32 $8.000000000e+00, v0;
	_ =	sdelay $0x1  }
0x265: {  	[tilespmem:v1+s16+$0x0] =	vst.idx.msk $0xffff, v0  }
0x266: {  	v0 =	vld [tilespmem:s25+$0xD0];
	_ =	sdelay $0x1  }
0x267: {  	v1 =	vadd.s32 s28, v31;
	_ =	sdelay $0x2  }
0x268: {  	v0 =	vmul.f32 $8.000000000e+00, v0;
	_ =	sdelay $0x1  }
0x269: {  	[tilespmem:v1+s16+$0x0] =	vst.idx.msk $0xffff, v0  }
0x26a: {  	v0 =	vld [tilespmem:s25+$0xE0];
	_ =	sdelay $0x1  }
0x26b: {  	v1 =	vadd.s32 s28, v32;
	_ =	sdelay $0x2  }
0x26c: {  	v0 =	vmul.f32 $8.000000000e+00, v0;
	_ =	sdelay $0x1  }
0x26d: {  	[tilespmem:v1+s16+$0x0] =	vst.idx.msk $0xffff, v0  }
0x26e: {  	v1 =	vld [tilespmem:s25+$0xF0]  }
.Ltmp2:
0x26f: {  	(pc) =	sbr.rel @p1 .LBB2_3-.Ltmp2, $2  }
0x270: {  	v0 =	vadd.s32 s28, v33;
	_ =	sdelay $0x2  }
0x271: {  	v1 =	vmul.f32 $8.000000000e+00, v1  }
0x272: {  	_ =	sdelay $0x1  }
0x273: {  	v2 =	vld [tilespmem:$0x1FFE0];
	_ =	sdelay $0x1  }
0x274: {  	s25 =	simm.s32 $0x85F0;
	[tilespmem:v0+s16+$0x0] =	vst.idx.msk $0xffff, v1  }
0x275: {  	v0 =	vld [tilespmem:s25+$0xFFFFFE10];
	_ =	sdelay $0x1  }
0x276: {  	v1 =	vadd.s32 s24, v2;
	_ =	sdelay $0x2  }
0x277: {  	v3 =	vld [tilespmem:$0x1FFF0];
	v0 =	vmul.f32 $8.000000000e+00, v0;
	_ =	sdelay $0x1  }
0x278: {  	[tilespmem:v1+s16+$0x0] =	vst.idx.msk $0xffff, v0  }
0x279: {  	v0 =	vld [tilespmem:s25+$0xFFFFFE20];
	_ =	sdelay $0x1  }
0x27a: {  	v1 =	vadd.s32 s24, v3;
	_ =	sdelay $0x2  }
0x27b: {  	v0 =	vmul.f32 $8.000000000e+00, v0;
	_ =	sdelay $0x1  }
0x27c: {  	[tilespmem:v1+s16+$0x0] =	vst.idx.msk $0xffff, v0  }
0x27d: {  	v0 =	vld [tilespmem:s25+$0xFFFFFE30];
	_ =	sdelay $0x1  }
0x27e: {  	v1 =	vadd.s32 s24, v34;
	_ =	sdelay $0x2  }
0x27f: {  	v0 =	vmul.f32 $8.000000000e+00, v0;
	_ =	sdelay $0x1  }
0x280: {  	[tilespmem:v1+s16+$0x0] =	vst.idx.msk $0xffff, v0  }
0x281: {  	v0 =	vld [tilespmem:s25+$0xFFFFFE40];
	_ =	sdelay $0x1  }
0x282: {  	v1 =	vadd.s32 s24, v35;
	_ =	sdelay $0x2  }
0x283: {  	v0 =	vmul.f32 $8.000000000e+00, v0;
	_ =	sdelay $0x1  }
0x284: {  	[tilespmem:v1+s16+$0x0] =	vst.idx.msk $0xffff, v0  }
0x285: {  	v0 =	vld [tilespmem:s25+$0xFFFFFE50];
	_ =	sdelay $0x1  }
0x286: {  	v1 =	vadd.s32 s24, v36;
	_ =	sdelay $0x2  }
0x287: {  	v0 =	vmul.f32 $8.000000000e+00, v0;
	_ =	sdelay $0x1  }
0x288: {  	[tilespmem:v1+s16+$0x0] =	vst.idx.msk $0xffff, v0  }
0x289: {  	v0 =	vld [tilespmem:s25+$0xFFFFFE60];
	_ =	sdelay $0x1  }
0x28a: {  	v1 =	vadd.s32 s24, v37;
	_ =	sdelay $0x2  }
0x28b: {  	v0 =	vmul.f32 $8.000000000e+00, v0;
	_ =	sdelay $0x1  }
0x28c: {  	[tilespmem:v1+s16+$0x0] =	vst.idx.msk $0xffff, v0  }
0x28d: {  	v0 =	vld [tilespmem:s25+$0xFFFFFE70];
	_ =	sdelay $0x1  }
0x28e: {  	v1 =	vadd.s32 s24, v38;
	_ =	sdelay $0x2  }
0x28f: {  	v0 =	vmul.f32 $8.000000000e+00, v0;
	_ =	sdelay $0x1  }
0x290: {  	[tilespmem:v1+s16+$0x0] =	vst.idx.msk $0xffff, v0  }
0x291: {  	v0 =	vld [tilespmem:s25+$0xFFFFFE80];
	_ =	sdelay $0x1  }
0x292: {  	v1 =	vadd.s32 s24, v39;
	_ =	sdelay $0x2  }
0x293: {  	v0 =	vmul.f32 $8.000000000e+00, v0;
	_ =	sdelay $0x1  }
0x294: {  	[tilespmem:v1+s16+$0x0] =	vst.idx.msk $0xffff, v0  }
0x295: {  	v0 =	vld [tilespmem:s25+$0xFFFFFE90];
	_ =	sdelay $0x1  }
0x296: {  	v1 =	vadd.s32 s24, v40;
	_ =	sdelay $0x2  }
0x297: {  	v0 =	vmul.f32 $8.000000000e+00, v0;
	_ =	sdelay $0x1  }
0x298: {  	[tilespmem:v1+s16+$0x0] =	vst.idx.msk $0xffff, v0  }
0x299: {  	v0 =	vld [tilespmem:s25+$0xFFFFFEA0];
	_ =	sdelay $0x1  }
0x29a: {  	v1 =	vadd.s32 s24, v41;
	_ =	sdelay $0x2  }
0x29b: {  	v0 =	vmul.f32 $8.000000000e+00, v0;
	_ =	sdelay $0x1  }
0x29c: {  	[tilespmem:v1+s16+$0x0] =	vst.idx.msk $0xffff, v0  }
0x29d: {  	v0 =	vld [tilespmem:s25+$0xFFFFFEB0];
	_ =	sdelay $0x1  }
0x29e: {  	v1 =	vadd.s32 s24, v42;
	_ =	sdelay $0x2  }
0x29f: {  	v0 =	vmul.f32 $8.000000000e+00, v0;
	_ =	sdelay $0x1  }
0x2a0: {  	[tilespmem:v1+s16+$0x0] =	vst.idx.msk $0xffff, v0  }
0x2a1: {  	v0 =	vld [tilespmem:s25+$0xFFFFFEC0];
	_ =	sdelay $0x1  }
0x2a2: {  	v1 =	vadd.s32 s24, v43;
	_ =	sdelay $0x2  }
0x2a3: {  	v0 =	vmul.f32 $8.000000000e+00, v0;
	_ =	sdelay $0x1  }
0x2a4: {  	[tilespmem:v1+s16+$0x0] =	vst.idx.msk $0xffff, v0  }
0x2a5: {  	v0 =	vld [tilespmem:s25+$0xFFFFFED0];
	_ =	sdelay $0x1  }
0x2a6: {  	v1 =	vadd.s32 s24, v44;
	_ =	sdelay $0x2  }
0x2a7: {  	v0 =	vmul.f32 $8.000000000e+00, v0;
	_ =	sdelay $0x1  }
0x2a8: {  	[tilespmem:v1+s16+$0x0] =	vst.idx.msk $0xffff, v0  }
0x2a9: {  	v0 =	vld [tilespmem:s25+$0xFFFFFEE0];
	_ =	sdelay $0x1  }
0x2aa: {  	v1 =	vadd.s32 s24, v45;
	_ =	sdelay $0x2  }
0x2ab: {  	v0 =	vmul.f32 $8.000000000e+00, v0;
	_ =	sdelay $0x1  }
0x2ac: {  	[tilespmem:v1+s16+$0x0] =	vst.idx.msk $0xffff, v0  }
0x2ad: {  	v0 =	vld [tilespmem:s25+$0xFFFFFEF0];
	_ =	sdelay $0x1  }
0x2ae: {  	v1 =	vadd.s32 s24, v46;
	_ =	sdelay $0x2  }
0x2af: {  	v0 =	vmul.f32 $8.000000000e+00, v0;
	_ =	sdelay $0x1  }
0x2b0: {  	[tilespmem:v1+s16+$0x0] =	vst.idx.msk $0xffff, v0  }
0x2b1: {  	v0 =	vld [tilespmem:s25+$0xFFFFFF00];
	_ =	sdelay $0x1  }
0x2b2: {  	v1 =	vadd.s32 s24, v47;
	_ =	sdelay $0x2  }
0x2b3: {  	v0 =	vmul.f32 $8.000000000e+00, v0;
	_ =	sdelay $0x1  }
0x2b4: {  	[tilespmem:v1+s16+$0x0] =	vst.idx.msk $0xffff, v0  }
0x2b5: {  	v0 =	vld [tilespmem:s25+$0xFFFFFF10];
	_ =	sdelay $0x1  }
0x2b6: {  	v1 =	vadd.s32 s24, v48;
	_ =	sdelay $0x2  }
0x2b7: {  	v0 =	vmul.f32 $8.000000000e+00, v0;
	_ =	sdelay $0x1  }
0x2b8: {  	[tilespmem:v1+s16+$0x0] =	vst.idx.msk $0xffff, v0  }
0x2b9: {  	v0 =	vld [tilespmem:s25+$0xFFFFFF20];
	_ =	sdelay $0x1  }
0x2ba: {  	v1 =	vadd.s32 s24, v49;
	_ =	sdelay $0x2  }
0x2bb: {  	v0 =	vmul.f32 $8.000000000e+00, v0;
	_ =	sdelay $0x1  }
0x2bc: {  	[tilespmem:v1+s16+$0x0] =	vst.idx.msk $0xffff, v0  }
0x2bd: {  	v0 =	vld [tilespmem:s25+$0xFFFFFF30];
	_ =	sdelay $0x1  }
0x2be: {  	v1 =	vadd.s32 s24, v50;
	_ =	sdelay $0x2  }
0x2bf: {  	v0 =	vmul.f32 $8.000000000e+00, v0;
	_ =	sdelay $0x1  }
0x2c0: {  	[tilespmem:v1+s16+$0x0] =	vst.idx.msk $0xffff, v0  }
0x2c1: {  	v0 =	vld [tilespmem:s25+$0xFFFFFF40];
	_ =	sdelay $0x1  }
0x2c2: {  	v1 =	vadd.s32 s24, v51;
	_ =	sdelay $0x2  }
0x2c3: {  	v0 =	vmul.f32 $8.000000000e+00, v0;
	_ =	sdelay $0x1  }
0x2c4: {  	[tilespmem:v1+s16+$0x0] =	vst.idx.msk $0xffff, v0  }
0x2c5: {  	v0 =	vld [tilespmem:s25+$0xFFFFFF50];
	_ =	sdelay $0x1  }
0x2c6: {  	v1 =	vadd.s32 s24, v52;
	_ =	sdelay $0x2  }
0x2c7: {  	v0 =	vmul.f32 $8.000000000e+00, v0;
	_ =	sdelay $0x1  }
0x2c8: {  	[tilespmem:v1+s16+$0x0] =	vst.idx.msk $0xffff, v0  }
0x2c9: {  	v0 =	vld [tilespmem:s25+$0xFFFFFF60];
	_ =	sdelay $0x1  }
0x2ca: {  	v1 =	vadd.s32 s24, v53;
	_ =	sdelay $0x2  }
0x2cb: {  	v0 =	vmul.f32 $8.000000000e+00, v0;
	_ =	sdelay $0x1  }
0x2cc: {  	[tilespmem:v1+s16+$0x0] =	vst.idx.msk $0xffff, v0  }
0x2cd: {  	v0 =	vld [tilespmem:s25+$0xFFFFFF70];
	_ =	sdelay $0x1  }
0x2ce: {  	v1 =	vadd.s32 s24, v54;
	_ =	sdelay $0x2  }
0x2cf: {  	v0 =	vmul.f32 $8.000000000e+00, v0;
	_ =	sdelay $0x1  }
0x2d0: {  	[tilespmem:v1+s16+$0x0] =	vst.idx.msk $0xffff, v0  }
0x2d1: {  	v0 =	vld [tilespmem:s25+$0xFFFFFF80];
	_ =	sdelay $0x1  }
0x2d2: {  	v1 =	vadd.s32 s24, v55;
	_ =	sdelay $0x2  }
0x2d3: {  	v0 =	vmul.f32 $8.000000000e+00, v0;
	_ =	sdelay $0x1  }
0x2d4: {  	[tilespmem:v1+s16+$0x0] =	vst.idx.msk $0xffff, v0  }
0x2d5: {  	v0 =	vld [tilespmem:s25+$0xFFFFFF90];
	_ =	sdelay $0x1  }
0x2d6: {  	v1 =	vadd.s32 s24, v56;
	_ =	sdelay $0x2  }
0x2d7: {  	v0 =	vmul.f32 $8.000000000e+00, v0;
	_ =	sdelay $0x1  }
0x2d8: {  	[tilespmem:v1+s16+$0x0] =	vst.idx.msk $0xffff, v0  }
0x2d9: {  	v0 =	vld [tilespmem:s25+$0xFFFFFFA0];
	_ =	sdelay $0x1  }
0x2da: {  	v1 =	vadd.s32 s24, v57;
	_ =	sdelay $0x2  }
0x2db: {  	v0 =	vmul.f32 $8.000000000e+00, v0;
	_ =	sdelay $0x1  }
0x2dc: {  	[tilespmem:v1+s16+$0x0] =	vst.idx.msk $0xffff, v0  }
0x2dd: {  	v0 =	vld [tilespmem:s25+$0xFFFFFFB0];
	_ =	sdelay $0x1  }
0x2de: {  	v1 =	vadd.s32 s24, v58;
	_ =	sdelay $0x2  }
0x2df: {  	v0 =	vmul.f32 $8.000000000e+00, v0;
	_ =	sdelay $0x1  }
0x2e0: {  	[tilespmem:v1+s16+$0x0] =	vst.idx.msk $0xffff, v0  }
0x2e1: {  	v0 =	vld [tilespmem:s25+$0xFFFFFFC0];
	_ =	sdelay $0x1  }
0x2e2: {  	v1 =	vadd.s32 s24, v59;
	_ =	sdelay $0x2  }
0x2e3: {  	v0 =	vmul.f32 $8.000000000e+00, v0;
	_ =	sdelay $0x1  }
0x2e4: {  	[tilespmem:v1+s16+$0x0] =	vst.idx.msk $0xffff, v0  }
0x2e5: {  	v0 =	vld [tilespmem:s25+$0xFFFFFFD0];
	_ =	sdelay $0x1  }
0x2e6: {  	v1 =	vadd.s32 s24, v60;
	_ =	sdelay $0x2  }
0x2e7: {  	v0 =	vmul.f32 $8.000000000e+00, v0;
	_ =	sdelay $0x1  }
0x2e8: {  	[tilespmem:v1+s16+$0x0] =	vst.idx.msk $0xffff, v0  }
0x2e9: {  	v0 =	vld [tilespmem:s25+$0xFFFFFFE0];
	_ =	sdelay $0x1  }
0x2ea: {  	v1 =	vadd.s32 s24, v61;
	_ =	sdelay $0x2  }
0x2eb: {  	v0 =	vmul.f32 $8.000000000e+00, v0;
	_ =	sdelay $0x1  }
0x2ec: {  	[tilespmem:v1+s16+$0x0] =	vst.idx.msk $0xffff, v0  }
0x2ed: {  	v0 =	vld [tilespmem:s25+$0xFFFFFFF0];
	_ =	sdelay $0x1  }
0x2ee: {  	v1 =	vadd.s32 s24, v62;
	_ =	sdelay $0x2  }
0x2ef: {  	v0 =	vmul.f32 $8.000000000e+00, v0;
	_ =	sdelay $0x1  }
0x2f0: {  	[tilespmem:v1+s16+$0x0] =	vst.idx.msk $0xffff, v0  }
0x2f1: {  	v1 =	vld [tilespmem:s25+$0x0];
	_ =	sdelay $0x1  }
0x2f2: {  	v0 =	vadd.s32 s24, v63;
	_ =	sdelay $0x2  }
0x2f3: {  	s26 =	simm.s32 $0x8;
	v1 =	vmul.f32 $8.000000000e+00, v1  }
.LBB2_5:
0x2f4: {  	p1 =	sne.s32 s26, $0x78  }
0x2f5: {  	s25 =	sadd.s32 $0x200, s25;
	s24 =	smov.u32 s26;
	s26 =	sadd.s32 $0x8, s26;
	[tilespmem:v0+s16+$0x0] =	vst.idx.msk $0xffff, v1  }
0x2f6: {  	v0 =	vld [tilespmem:s25+$0xFFFFFE10];
	_ =	sdelay $0x1  }
0x2f7: {  	v1 =	vadd.s32 s24, v2;
	_ =	sdelay $0x2  }
0x2f8: {  	v0 =	vmul.f32 $8.000000000e+00, v0;
	_ =	sdelay $0x1  }
0x2f9: {  	[tilespmem:v1+s16+$0x0] =	vst.idx.msk $0xffff, v0  }
0x2fa: {  	v0 =	vld [tilespmem:s25+$0xFFFFFE20];
	_ =	sdelay $0x1  }
0x2fb: {  	v1 =	vadd.s32 s24, v3;
	_ =	sdelay $0x2  }
0x2fc: {  	v0 =	vmul.f32 $8.000000000e+00, v0;
	_ =	sdelay $0x1  }
0x2fd: {  	[tilespmem:v1+s16+$0x0] =	vst.idx.msk $0xffff, v0  }
0x2fe: {  	v0 =	vld [tilespmem:s25+$0xFFFFFE30];
	_ =	sdelay $0x1  }
0x2ff: {  	v1 =	vadd.s32 s24, v34;
	_ =	sdelay $0x2  }
0x300: {  	v0 =	vmul.f32 $8.000000000e+00, v0;
	_ =	sdelay $0x1  }
0x301: {  	[tilespmem:v1+s16+$0x0] =	vst.idx.msk $0xffff, v0  }
0x302: {  	v0 =	vld [tilespmem:s25+$0xFFFFFE40];
	_ =	sdelay $0x1  }
0x303: {  	v1 =	vadd.s32 s24, v35;
	_ =	sdelay $0x2  }
0x304: {  	v0 =	vmul.f32 $8.000000000e+00, v0;
	_ =	sdelay $0x1  }
0x305: {  	[tilespmem:v1+s16+$0x0] =	vst.idx.msk $0xffff, v0  }
0x306: {  	v0 =	vld [tilespmem:s25+$0xFFFFFE50];
	_ =	sdelay $0x1  }
0x307: {  	v1 =	vadd.s32 s24, v36;
	_ =	sdelay $0x2  }
0x308: {  	v0 =	vmul.f32 $8.000000000e+00, v0;
	_ =	sdelay $0x1  }
0x309: {  	[tilespmem:v1+s16+$0x0] =	vst.idx.msk $0xffff, v0  }
0x30a: {  	v0 =	vld [tilespmem:s25+$0xFFFFFE60];
	_ =	sdelay $0x1  }
0x30b: {  	v1 =	vadd.s32 s24, v37;
	_ =	sdelay $0x2  }
0x30c: {  	v0 =	vmul.f32 $8.000000000e+00, v0;
	_ =	sdelay $0x1  }
0x30d: {  	[tilespmem:v1+s16+$0x0] =	vst.idx.msk $0xffff, v0  }
0x30e: {  	v0 =	vld [tilespmem:s25+$0xFFFFFE70];
	_ =	sdelay $0x1  }
0x30f: {  	v1 =	vadd.s32 s24, v38;
	_ =	sdelay $0x2  }
0x310: {  	v0 =	vmul.f32 $8.000000000e+00, v0;
	_ =	sdelay $0x1  }
0x311: {  	[tilespmem:v1+s16+$0x0] =	vst.idx.msk $0xffff, v0  }
0x312: {  	v0 =	vld [tilespmem:s25+$0xFFFFFE80];
	_ =	sdelay $0x1  }
0x313: {  	v1 =	vadd.s32 s24, v39;
	_ =	sdelay $0x2  }
0x314: {  	v0 =	vmul.f32 $8.000000000e+00, v0;
	_ =	sdelay $0x1  }
0x315: {  	[tilespmem:v1+s16+$0x0] =	vst.idx.msk $0xffff, v0  }
0x316: {  	v0 =	vld [tilespmem:s25+$0xFFFFFE90];
	_ =	sdelay $0x1  }
0x317: {  	v1 =	vadd.s32 s24, v40;
	_ =	sdelay $0x2  }
0x318: {  	v0 =	vmul.f32 $8.000000000e+00, v0;
	_ =	sdelay $0x1  }
0x319: {  	[tilespmem:v1+s16+$0x0] =	vst.idx.msk $0xffff, v0  }
0x31a: {  	v0 =	vld [tilespmem:s25+$0xFFFFFEA0];
	_ =	sdelay $0x1  }
0x31b: {  	v1 =	vadd.s32 s24, v41;
	_ =	sdelay $0x2  }
0x31c: {  	v0 =	vmul.f32 $8.000000000e+00, v0;
	_ =	sdelay $0x1  }
0x31d: {  	[tilespmem:v1+s16+$0x0] =	vst.idx.msk $0xffff, v0  }
0x31e: {  	v0 =	vld [tilespmem:s25+$0xFFFFFEB0];
	_ =	sdelay $0x1  }
0x31f: {  	v1 =	vadd.s32 s24, v42;
	_ =	sdelay $0x2  }
0x320: {  	v0 =	vmul.f32 $8.000000000e+00, v0;
	_ =	sdelay $0x1  }
0x321: {  	[tilespmem:v1+s16+$0x0] =	vst.idx.msk $0xffff, v0  }
0x322: {  	v0 =	vld [tilespmem:s25+$0xFFFFFEC0];
	_ =	sdelay $0x1  }
0x323: {  	v1 =	vadd.s32 s24, v43;
	_ =	sdelay $0x2  }
0x324: {  	v0 =	vmul.f32 $8.000000000e+00, v0;
	_ =	sdelay $0x1  }
0x325: {  	[tilespmem:v1+s16+$0x0] =	vst.idx.msk $0xffff, v0  }
0x326: {  	v0 =	vld [tilespmem:s25+$0xFFFFFED0];
	_ =	sdelay $0x1  }
0x327: {  	v1 =	vadd.s32 s24, v44;
	_ =	sdelay $0x2  }
0x328: {  	v0 =	vmul.f32 $8.000000000e+00, v0;
	_ =	sdelay $0x1  }
0x329: {  	[tilespmem:v1+s16+$0x0] =	vst.idx.msk $0xffff, v0  }
0x32a: {  	v0 =	vld [tilespmem:s25+$0xFFFFFEE0];
	_ =	sdelay $0x1  }
0x32b: {  	v1 =	vadd.s32 s24, v45;
	_ =	sdelay $0x2  }
0x32c: {  	v0 =	vmul.f32 $8.000000000e+00, v0;
	_ =	sdelay $0x1  }
0x32d: {  	[tilespmem:v1+s16+$0x0] =	vst.idx.msk $0xffff, v0  }
0x32e: {  	v0 =	vld [tilespmem:s25+$0xFFFFFEF0];
	_ =	sdelay $0x1  }
0x32f: {  	v1 =	vadd.s32 s24, v46;
	_ =	sdelay $0x2  }
0x330: {  	v0 =	vmul.f32 $8.000000000e+00, v0;
	_ =	sdelay $0x1  }
0x331: {  	[tilespmem:v1+s16+$0x0] =	vst.idx.msk $0xffff, v0  }
0x332: {  	v0 =	vld [tilespmem:s25+$0xFFFFFF00];
	_ =	sdelay $0x1  }
0x333: {  	v1 =	vadd.s32 s24, v47;
	_ =	sdelay $0x2  }
0x334: {  	v0 =	vmul.f32 $8.000000000e+00, v0;
	_ =	sdelay $0x1  }
0x335: {  	[tilespmem:v1+s16+$0x0] =	vst.idx.msk $0xffff, v0  }
0x336: {  	v0 =	vld [tilespmem:s25+$0xFFFFFF10];
	_ =	sdelay $0x1  }
0x337: {  	v1 =	vadd.s32 s24, v48;
	_ =	sdelay $0x2  }
0x338: {  	v0 =	vmul.f32 $8.000000000e+00, v0;
	_ =	sdelay $0x1  }
0x339: {  	[tilespmem:v1+s16+$0x0] =	vst.idx.msk $0xffff, v0  }
0x33a: {  	v0 =	vld [tilespmem:s25+$0xFFFFFF20];
	_ =	sdelay $0x1  }
0x33b: {  	v1 =	vadd.s32 s24, v49;
	_ =	sdelay $0x2  }
0x33c: {  	v0 =	vmul.f32 $8.000000000e+00, v0;
	_ =	sdelay $0x1  }
0x33d: {  	[tilespmem:v1+s16+$0x0] =	vst.idx.msk $0xffff, v0  }
0x33e: {  	v0 =	vld [tilespmem:s25+$0xFFFFFF30];
	_ =	sdelay $0x1  }
0x33f: {  	v1 =	vadd.s32 s24, v50;
	_ =	sdelay $0x2  }
0x340: {  	v0 =	vmul.f32 $8.000000000e+00, v0;
	_ =	sdelay $0x1  }
0x341: {  	[tilespmem:v1+s16+$0x0] =	vst.idx.msk $0xffff, v0  }
0x342: {  	v0 =	vld [tilespmem:s25+$0xFFFFFF40];
	_ =	sdelay $0x1  }
0x343: {  	v1 =	vadd.s32 s24, v51;
	_ =	sdelay $0x2  }
0x344: {  	v0 =	vmul.f32 $8.000000000e+00, v0;
	_ =	sdelay $0x1  }
0x345: {  	[tilespmem:v1+s16+$0x0] =	vst.idx.msk $0xffff, v0  }
0x346: {  	v0 =	vld [tilespmem:s25+$0xFFFFFF50];
	_ =	sdelay $0x1  }
0x347: {  	v1 =	vadd.s32 s24, v52;
	_ =	sdelay $0x2  }
0x348: {  	v0 =	vmul.f32 $8.000000000e+00, v0;
	_ =	sdelay $0x1  }
0x349: {  	[tilespmem:v1+s16+$0x0] =	vst.idx.msk $0xffff, v0  }
0x34a: {  	v0 =	vld [tilespmem:s25+$0xFFFFFF60];
	_ =	sdelay $0x1  }
0x34b: {  	v1 =	vadd.s32 s24, v53;
	_ =	sdelay $0x2  }
0x34c: {  	v0 =	vmul.f32 $8.000000000e+00, v0;
	_ =	sdelay $0x1  }
0x34d: {  	[tilespmem:v1+s16+$0x0] =	vst.idx.msk $0xffff, v0  }
0x34e: {  	v0 =	vld [tilespmem:s25+$0xFFFFFF70];
	_ =	sdelay $0x1  }
0x34f: {  	v1 =	vadd.s32 s24, v54;
	_ =	sdelay $0x2  }
0x350: {  	v0 =	vmul.f32 $8.000000000e+00, v0;
	_ =	sdelay $0x1  }
0x351: {  	[tilespmem:v1+s16+$0x0] =	vst.idx.msk $0xffff, v0  }
0x352: {  	v0 =	vld [tilespmem:s25+$0xFFFFFF80];
	_ =	sdelay $0x1  }
0x353: {  	v1 =	vadd.s32 s24, v55;
	_ =	sdelay $0x2  }
0x354: {  	v0 =	vmul.f32 $8.000000000e+00, v0;
	_ =	sdelay $0x1  }
0x355: {  	[tilespmem:v1+s16+$0x0] =	vst.idx.msk $0xffff, v0  }
0x356: {  	v0 =	vld [tilespmem:s25+$0xFFFFFF90];
	_ =	sdelay $0x1  }
0x357: {  	v1 =	vadd.s32 s24, v56;
	_ =	sdelay $0x2  }
0x358: {  	v0 =	vmul.f32 $8.000000000e+00, v0;
	_ =	sdelay $0x1  }
0x359: {  	[tilespmem:v1+s16+$0x0] =	vst.idx.msk $0xffff, v0  }
0x35a: {  	v0 =	vld [tilespmem:s25+$0xFFFFFFA0];
	_ =	sdelay $0x1  }
0x35b: {  	v1 =	vadd.s32 s24, v57;
	_ =	sdelay $0x2  }
0x35c: {  	v0 =	vmul.f32 $8.000000000e+00, v0;
	_ =	sdelay $0x1  }
0x35d: {  	[tilespmem:v1+s16+$0x0] =	vst.idx.msk $0xffff, v0  }
0x35e: {  	v0 =	vld [tilespmem:s25+$0xFFFFFFB0];
	_ =	sdelay $0x1  }
0x35f: {  	v1 =	vadd.s32 s24, v58;
	_ =	sdelay $0x2  }
0x360: {  	v0 =	vmul.f32 $8.000000000e+00, v0;
	_ =	sdelay $0x1  }
0x361: {  	[tilespmem:v1+s16+$0x0] =	vst.idx.msk $0xffff, v0  }
0x362: {  	v0 =	vld [tilespmem:s25+$0xFFFFFFC0];
	_ =	sdelay $0x1  }
0x363: {  	v1 =	vadd.s32 s24, v59;
	_ =	sdelay $0x2  }
0x364: {  	v0 =	vmul.f32 $8.000000000e+00, v0;
	_ =	sdelay $0x1  }
0x365: {  	[tilespmem:v1+s16+$0x0] =	vst.idx.msk $0xffff, v0  }
0x366: {  	v0 =	vld [tilespmem:s25+$0xFFFFFFD0];
	_ =	sdelay $0x1  }
0x367: {  	v1 =	vadd.s32 s24, v60;
	_ =	sdelay $0x2  }
0x368: {  	v0 =	vmul.f32 $8.000000000e+00, v0;
	_ =	sdelay $0x1  }
0x369: {  	[tilespmem:v1+s16+$0x0] =	vst.idx.msk $0xffff, v0  }
0x36a: {  	v0 =	vld [tilespmem:s25+$0xFFFFFFE0];
	_ =	sdelay $0x1  }
0x36b: {  	v1 =	vadd.s32 s24, v61;
	_ =	sdelay $0x2  }
0x36c: {  	v0 =	vmul.f32 $8.000000000e+00, v0;
	_ =	sdelay $0x1  }
0x36d: {  	[tilespmem:v1+s16+$0x0] =	vst.idx.msk $0xffff, v0  }
0x36e: {  	v0 =	vld [tilespmem:s25+$0xFFFFFFF0];
	_ =	sdelay $0x1  }
0x36f: {  	v1 =	vadd.s32 s24, v62;
	_ =	sdelay $0x2  }
0x370: {  	v0 =	vmul.f32 $8.000000000e+00, v0;
	_ =	sdelay $0x1  }
0x371: {  	[tilespmem:v1+s16+$0x0] =	vst.idx.msk $0xffff, v0  }
0x372: {  	v1 =	vld [tilespmem:s25+$0x0]  }
.Ltmp3:
0x373: {  	(pc) =	sbr.rel @p1 .LBB2_5-.Ltmp3, $2  }
0x374: {  	v0 =	vadd.s32 s24, v63;
	_ =	sdelay $0x2  }
0x375: {  	v1 =	vmul.f32 $8.000000000e+00, v1  }
0x376: {  	s24 =	sadd.s32 s4, s23  }
0x377: {  	s24 =	sshll.u32 s24, $0x12  }
0x378: {  	s24 =	sor.u32 s7, s24  }
0x379: {  	s24 =	sshrl.u32 s24, $0x3  }
0x37a: {  	s28 =	simm.s32 $0xE400;
	[tilespmem:v0+s16+$0x0] =	vst.idx.msk $0xffff, v1;
	s25 =	sadd.s32 s2, s24  }
0x37b: {  	[hbm4b:s25+s3] =	stream.linear.scatter [tilespmem:s28], [sflag:$0x3], $0x80, $0x38;
	[tilespmem:$0x16C00] =	vst v63  }
0x37c: {  	s31 =	simm.s32 $0xE488;
	s26 =	sadd.s32 $0x10, s25  }
0x37d: {  	[hbm4b:s26+s3] =	stream.linear.scatter [tilespmem:s31], [sflag:$0x3], $0x80, $0x38;
	[tilespmem:$0x16C00] =	vst v63  }
0x37e: {  	s28 =	simm.s32 $0xE510;
	s31 =	sadd.s32 $0x20, s25  }
0x37f: {  	[hbm4b:s31+s3] =	stream.linear.scatter [tilespmem:s28], [sflag:$0x3], $0x80, $0x38;
	[tilespmem:$0x16C00] =	vst v63  }
0x380: {  	s28 =	simm.s32 $0xE598;
	s31 =	sadd.s32 $0x30, s25  }
0x381: {  	[hbm4b:s31+s3] =	stream.linear.scatter [tilespmem:s28], [sflag:$0x3], $0x80, $0x38;
	[tilespmem:$0x16C00] =	vst v63  }
0x382: {  	s28 =	simm.s32 $0xE620;
	s31 =	sadd.s32 $0x40, s25  }
0x383: {  	[hbm4b:s31+s3] =	stream.linear.scatter [tilespmem:s28], [sflag:$0x3], $0x80, $0x38;
	[tilespmem:$0x16C00] =	vst v63  }
0x384: {  	s28 =	simm.s32 $0xE6A8;
	s31 =	sadd.s32 $0x50, s25  }
0x385: {  	[hbm4b:s31+s3] =	stream.linear.scatter [tilespmem:s28], [sflag:$0x3], $0x80, $0x38;
	[tilespmem:$0x16C00] =	vst v63  }
0x386: {  	s28 =	simm.s32 $0xE730;
	s31 =	sadd.s32 $0x60, s25  }
0x387: {  	[hbm4b:s31+s3] =	stream.linear.scatter [tilespmem:s28], [sflag:$0x3], $0x80, $0x38;
	[tilespmem:$0x16C00] =	vst v63  }
0x388: {  	s28 =	simm.s32 $0xE7B8;
	s31 =	sadd.s32 $0x70, s25  }
0x389: {  	[hbm4b:s31+s3] =	stream.linear.scatter [tilespmem:s28], [sflag:$0x3], $0x80, $0x38;
	[tilespmem:$0x16C00] =	vst v63  }
0x38a: {  	s28 =	simm.s32 $0xE840;
	s31 =	sadd.s32 $0x80, s25  }
0x38b: {  	[hbm4b:s31+s3] =	stream.linear.scatter [tilespmem:s28], [sflag:$0x3], $0x80, $0x38;
	[tilespmem:$0x16C00] =	vst v63  }
0x38c: {  	s28 =	simm.s32 $0xE8C8;
	s31 =	sadd.s32 $0x90, s25  }
0x38d: {  	[hbm4b:s31+s3] =	stream.linear.scatter [tilespmem:s28], [sflag:$0x3], $0x80, $0x38;
	[tilespmem:$0x16C00] =	vst v63  }
0x38e: {  	s29 =	simm.s32 $0x4400;
	s28 =	simm.s32 $0xE950;
	s31 =	sadd.s32 $0xA0, s25  }
0x38f: {  	[hbm4b:s31+s3] =	stream.linear.scatter [tilespmem:s28], [sflag:$0x3], $0x80, $0x38;
	[tilespmem:$0x16C00] =	vst v63  }
0x390: {  	s24 =	simm.s32 $0x880;
	s28 =	simm.s32 $0xE9D8;
	s31 =	sadd.s32 $0xB0, s25  }
0x391: {  	[hbm4b:s31+s3] =	stream.linear.scatter [tilespmem:s28], [sflag:$0x3], $0x80, $0x38;
	[tilespmem:$0x16C00] =	vst v63  }
0x392: {  	s30 =	sadd.s32 $0xF0, s25;
	s28 =	simm.s32 $0xEA60;
	s31 =	sadd.s32 $0xC0, s25  }
0x393: {  	[hbm4b:s31+s3] =	stream.linear.scatter [tilespmem:s28], [sflag:$0x3], $0x80, $0x38;
	[tilespmem:$0x16C00] =	vst v63  }
0x394: {  	s26 =	simm.s32 $0xEBF8;
	s28 =	simm.s32 $0xEAE8;
	s31 =	sadd.s32 $0xD0, s25  }
0x395: {  	[hbm4b:s31+s3] =	stream.linear.scatter [tilespmem:s28], [sflag:$0x3], $0x80, $0x38;
	[tilespmem:$0x16C00] =	vst v63  }
0x396: {  	s28 =	simm.s32 $0xEB70;
	s31 =	sadd.s32 $0xE0, s25;
	s25 =	sadd.s32 $0x1000, s25  }
0x397: {  	[hbm4b:s31+s3] =	stream.linear.scatter [tilespmem:s28], [sflag:$0x3], $0x80, $0x38;
	[tilespmem:$0x16C00] =	vst v63  }
.LBB2_7:
0x398: {  	[hbm4b:s30+s3] =	stream.linear.scatter [tilespmem:s26], [sflag:$0x3], $0x80, $0x38;
	[tilespmem:$0x16C00] =	vst v63  }
0x399: {  	s26 =	smov.u32 s24;
	s24 =	smov.u32 s29  }
0x39a: {  	s28 =	sadd.s32 $0x2200, s29;
	s24 =	sshra.s32 s24, $0x2;
	s30 =	sadd.s32 $0xE400, s26  }
0x39b: {  	[hbm4b:s25+s3] =	stream.linear.scatter [tilespmem:s30], [sflag:$0x3], $0x80, $0x38;
	[tilespmem:$0x16C00] =	vst v63  }
0x39c: {  	p1 =	sne.s32 s29, $0xEE00;
	s29 =	sadd.s32 $0xE488, s26;
	s30 =	sadd.s32 $0x10, s25  }
0x39d: {  	[hbm4b:s30+s3] =	stream.linear.scatter [tilespmem:s29], [sflag:$0x3], $0x80, $0x38;
	[tilespmem:$0x16C00] =	vst v63  }
0x39e: {  	s29 =	sadd.s32 $0xE510, s26;
	s30 =	sadd.s32 $0x20, s25  }
0x39f: {  	[hbm4b:s30+s3] =	stream.linear.scatter [tilespmem:s29], [sflag:$0x3], $0x80, $0x38;
	[tilespmem:$0x16C00] =	vst v63  }
0x3a0: {  	s29 =	sadd.s32 $0xE598, s26;
	s30 =	sadd.s32 $0x30, s25  }
0x3a1: {  	[hbm4b:s30+s3] =	stream.linear.scatter [tilespmem:s29], [sflag:$0x3], $0x80, $0x38;
	[tilespmem:$0x16C00] =	vst v63  }
0x3a2: {  	s29 =	sadd.s32 $0xE620, s26;
	s30 =	sadd.s32 $0x40, s25  }
0x3a3: {  	[hbm4b:s30+s3] =	stream.linear.scatter [tilespmem:s29], [sflag:$0x3], $0x80, $0x38;
	[tilespmem:$0x16C00] =	vst v63  }
0x3a4: {  	s29 =	sadd.s32 $0xE6A8, s26;
	s30 =	sadd.s32 $0x50, s25  }
0x3a5: {  	[hbm4b:s30+s3] =	stream.linear.scatter [tilespmem:s29], [sflag:$0x3], $0x80, $0x38;
	[tilespmem:$0x16C00] =	vst v63  }
0x3a6: {  	s29 =	sadd.s32 $0xE730, s26;
	s30 =	sadd.s32 $0x60, s25  }
0x3a7: {  	[hbm4b:s30+s3] =	stream.linear.scatter [tilespmem:s29], [sflag:$0x3], $0x80, $0x38;
	[tilespmem:$0x16C00] =	vst v63  }
0x3a8: {  	s29 =	sadd.s32 $0xE7B8, s26;
	s30 =	sadd.s32 $0x70, s25  }
0x3a9: {  	[hbm4b:s30+s3] =	stream.linear.scatter [tilespmem:s29], [sflag:$0x3], $0x80, $0x38;
	[tilespmem:$0x16C00] =	vst v63  }
0x3aa: {  	s29 =	sadd.s32 $0xE840, s26;
	s30 =	sadd.s32 $0x80, s25  }
0x3ab: {  	[hbm4b:s30+s3] =	stream.linear.scatter [tilespmem:s29], [sflag:$0x3], $0x80, $0x38;
	[tilespmem:$0x16C00] =	vst v63  }
0x3ac: {  	s29 =	sadd.s32 $0xE8C8, s26;
	s30 =	sadd.s32 $0x90, s25  }
0x3ad: {  	[hbm4b:s30+s3] =	stream.linear.scatter [tilespmem:s29], [sflag:$0x3], $0x80, $0x38;
	[tilespmem:$0x16C00] =	vst v63  }
0x3ae: {  	s29 =	sadd.s32 $0xE950, s26;
	s30 =	sadd.s32 $0xA0, s25  }
0x3af: {  	[hbm4b:s30+s3] =	stream.linear.scatter [tilespmem:s29], [sflag:$0x3], $0x80, $0x38;
	[tilespmem:$0x16C00] =	vst v63  }
0x3b0: {  	s29 =	sadd.s32 $0xE9D8, s26;
	s30 =	sadd.s32 $0xB0, s25  }
0x3b1: {  	[hbm4b:s30+s3] =	stream.linear.scatter [tilespmem:s29], [sflag:$0x3], $0x80, $0x38;
	[tilespmem:$0x16C00] =	vst v63  }
0x3b2: {  	s29 =	sadd.s32 $0xEA60, s26;
	s30 =	sadd.s32 $0xC0, s25  }
0x3b3: {  	[hbm4b:s30+s3] =	stream.linear.scatter [tilespmem:s29], [sflag:$0x3], $0x80, $0x38;
	[tilespmem:$0x16C00] =	vst v63  }
.Ltmp4:
0x3b4: {  	s29 =	sadd.s32 $0xEAE8, s26;
	s30 =	sadd.s32 $0xD0, s25;
	(pc) =	sbr.rel @p1 .LBB2_7-.Ltmp4, $4  }
0x3b5: {  	[hbm4b:s30+s3] =	stream.linear.scatter [tilespmem:s29], [sflag:$0x3], $0x80, $0x38;
	[tilespmem:$0x16C00] =	vst v63  }
0x3b6: {  	s29 =	sadd.s32 $0xEB70, s26;
	s30 =	sadd.s32 $0xE0, s25;
	s26 =	sadd.s32 $0xEBF8, s26  }
0x3b7: {  	[hbm4b:s30+s3] =	stream.linear.scatter [tilespmem:s29], [sflag:$0x3], $0x80, $0x38;
	[tilespmem:$0x16C00] =	vst v63  }
0x3b8: {  	s30 =	sadd.s32 $0xF0, s25;
	s25 =	sadd.s32 $0x1000, s25;
	s29 =	smov.u32 s28  }
0x3b9: {  	[hbm4b:s30+s3] =	stream.linear.scatter [tilespmem:s26], [sflag:$0x3], $0x80, $0x38;
	[tilespmem:$0x16C00] =	vst v63  }
0x3ba: {  	s29 =	sadd.s32 $0xE400, s24  }
0x3bb: {  	[hbm4b:s25+s3] =	stream.linear.scatter [tilespmem:s29], [sflag:$0x3], $0x80, $0x38;
	[tilespmem:$0x16C00] =	vst v63  }
0x3bc: {  	s30 =	sadd.s32 $0xE488, s24;
	s28 =	sadd.s32 $0x10, s25  }
0x3bd: {  	[hbm4b:s28+s3] =	stream.linear.scatter [tilespmem:s30], [sflag:$0x3], $0x80, $0x38;
	[tilespmem:$0x16C00] =	vst v63  }
0x3be: {  	s31 =	sadd.s32 $0xE510, s24;
	s29 =	sadd.s32 $0x20, s25  }
0x3bf: {  	[hbm4b:s29+s3] =	stream.linear.scatter [tilespmem:s31], [sflag:$0x3], $0x80, $0x38;
	[tilespmem:$0x16C00] =	vst v63  }
0x3c0: {  	s30 =	sadd.s32 $0xE598, s24;
	s31 =	sadd.s32 $0x30, s25  }
0x3c1: {  	[hbm4b:s31+s3] =	stream.linear.scatter [tilespmem:s30], [sflag:$0x3], $0x80, $0x38;
	[tilespmem:$0x16C00] =	vst v63  }
0x3c2: {  	s29 =	sadd.s32 $0xE620, s24;
	s30 =	sadd.s32 $0x40, s25  }
0x3c3: {  	[hbm4b:s30+s3] =	stream.linear.scatter [tilespmem:s29], [sflag:$0x3], $0x80, $0x38;
	[tilespmem:$0x16C00] =	vst v63  }
0x3c4: {  	s31 =	sadd.s32 $0xE6A8, s24;
	s29 =	sadd.s32 $0x50, s25  }
0x3c5: {  	[hbm4b:s29+s3] =	stream.linear.scatter [tilespmem:s31], [sflag:$0x3], $0x80, $0x38;
	[tilespmem:$0x16C00] =	vst v63  }
0x3c6: {  	s30 =	sadd.s32 $0xE730, s24;
	s31 =	sadd.s32 $0x60, s25  }
0x3c7: {  	[hbm4b:s31+s3] =	stream.linear.scatter [tilespmem:s30], [sflag:$0x3], $0x80, $0x38;
	[tilespmem:$0x16C00] =	vst v63  }
0x3c8: {  	s29 =	sadd.s32 $0xE7B8, s24;
	s30 =	sadd.s32 $0x70, s25  }
0x3c9: {  	[hbm4b:s30+s3] =	stream.linear.scatter [tilespmem:s29], [sflag:$0x3], $0x80, $0x38;
	[tilespmem:$0x16C00] =	vst v63  }
0x3ca: {  	s31 =	sadd.s32 $0xE840, s24;
	s29 =	sadd.s32 $0x80, s25  }
0x3cb: {  	[hbm4b:s29+s3] =	stream.linear.scatter [tilespmem:s31], [sflag:$0x3], $0x80, $0x38;
	[tilespmem:$0x16C00] =	vst v63  }
0x3cc: {  	s30 =	sadd.s32 $0xE8C8, s24;
	s31 =	sadd.s32 $0x90, s25  }
0x3cd: {  	[hbm4b:s31+s3] =	stream.linear.scatter [tilespmem:s30], [sflag:$0x3], $0x80, $0x38;
	[tilespmem:$0x16C00] =	vst v63  }
0x3ce: {  	s29 =	sadd.s32 $0xE950, s24;
	s30 =	sadd.s32 $0xA0, s25  }
0x3cf: {  	[hbm4b:s30+s3] =	stream.linear.scatter [tilespmem:s29], [sflag:$0x3], $0x80, $0x38;
	[tilespmem:$0x16C00] =	vst v63  }
0x3d0: {  	s31 =	sadd.s32 $0xE9D8, s24;
	s29 =	sadd.s32 $0xB0, s25  }
0x3d1: {  	[hbm4b:s29+s3] =	stream.linear.scatter [tilespmem:s31], [sflag:$0x3], $0x80, $0x38;
	[tilespmem:$0x16C00] =	vst v63  }
0x3d2: {  	s30 =	sadd.s32 $0xEA60, s24;
	s31 =	sadd.s32 $0xC0, s25  }
0x3d3: {  	[hbm4b:s31+s3] =	stream.linear.scatter [tilespmem:s30], [sflag:$0x3], $0x80, $0x38;
	[tilespmem:$0x16C00] =	vst v63  }
0x3d4: {  	p1 =	sne.s32 s22, $0x31;
	s29 =	sadd.s32 $0xEAE8, s24;
	s30 =	sadd.s32 $0xD0, s25  }
0x3d5: {  	[hbm4b:s30+s3] =	stream.linear.scatter [tilespmem:s29], [sflag:$0x3], $0x80, $0x38;
	[tilespmem:$0x16C00] =	vst v63  }
.Ltmp5:
0x3d6: {  	_ = 	snop;
	(pc) =	sbr.rel @p1 .LBB2_10-.Ltmp5, $4  }
0x3d7: {  	s31 =	sadd.s32 $0xEB70, s24;
	s29 =	sadd.s32 $0xE0, s25  }
0x3d8: {  	[hbm4b:s29+s3] =	stream.linear.scatter [tilespmem:s31], [sflag:$0x3], $0x80, $0x38;
	[tilespmem:$0x16C00] =	vst v63  }
0x3d9: {  	s30 =	sadd.s32 $0xEBF8, s24;
	s31 =	sadd.s32 $0xF0, s25  }
0x3da: {  	v2 =	vld [tilespmem:$0x1FE00];
	[hbm4b:s31+s3] =	stream.linear.scatter [tilespmem:s30], [sflag:$0x3], $0x80, $0x38  }
.Ltmp6:
0x3db: {  	(pc) =	sbr.rel .LBB2_11-.Ltmp6, $4  }
0x3dc: {  	_ = 	snop  }
0x3dd: {  	_ =	swait.ge [sflag:s17], $0x4000  }
0x3de: {  	[sflag:s17] =	ssyncset.done $0x0  }
0x3df: {  	[sflag:s17] =	ssyncadd.s32 $0xFFFFC000  }
.LBB2_10:
0x3e0: {  	s24 =	sshll.u32 s22, $0x9  }
0x3e1: {  	s24 =	sand.u32 $0x3FFFFE00, s24  }
.Ltmp7:
0x3e2: {  	s24 =	sadd.s32 $0x200, s24;
	(pc) =	sbr.rel @p0 .LBB2_12-.Ltmp7, $4  }
0x3e3: {  	[tilespmem:s13], [sflag:$0x1] =	stream.indirect.gather [hbm4b:s5+s10], $0x40, s24, s10, $0xb8;
	[tilespmem:$0x16C00] =	vst v63  }
0x3e4: {  	_ =	swait.ge [sflag:s17], $0x4000  }
0x3e5: {  	[sflag:s17] =	ssyncset.done $0x0  }
0x3e6: {  	[sflag:s17] =	ssyncadd.s32 $0xFFFFC000  }
.LBB2_11:
0x3e7: {  	_ =	swait.ge [sflag:s18], $0x4000  }
0x3e8: {  	[sflag:s18] =	ssyncset.done $0x0  }
0x3e9: {  	[sflag:s18] =	ssyncadd.s32 $0xFFFFC000  }
.LBB2_12:
0x3ea: {  	s25 =	simm.s32 $0xA500  }
0x3eb: {  	v0 =	vld [tilespmem:s25+$0xFFFFFF00]  }
0x3ec: {  	s24 =	simm.s32 $0x0  }
0x3ed: {  	v1 =	vadd.s32 s24, v2;
	_ =	sdelay $0x2  }
0x3ee: {  	v3 =	vld [tilespmem:$0x1FDE0];
	v0 =	vmul.f32 $8.000000000e+00, v0;
	_ =	sdelay $0x1  }
0x3ef: {  	[tilespmem:v1+s19+$0x0] =	vst.idx.msk $0xffff, v0  }
0x3f0: {  	v0 =	vld [tilespmem:s25+$0xFFFFFF10];
	_ =	sdelay $0x1  }
0x3f1: {  	v1 =	vadd.s32 s24, v3;
	_ =	sdelay $0x2  }
0x3f2: {  	v4 =	vld [tilespmem:$0x1FDF0];
	v0 =	vmul.f32 $8.000000000e+00, v0;
	_ =	sdelay $0x1  }
0x3f3: {  	[tilespmem:v1+s19+$0x0] =	vst.idx.msk $0xffff, v0  }
0x3f4: {  	v0 =	vld [tilespmem:s25+$0xFFFFFF20];
	_ =	sdelay $0x1  }
0x3f5: {  	v1 =	vadd.s32 s24, v4;
	_ =	sdelay $0x2  }
0x3f6: {  	v5 =	vld [tilespmem:$0x1FE10];
	v0 =	vmul.f32 $8.000000000e+00, v0;
	_ =	sdelay $0x1  }
0x3f7: {  	[tilespmem:v1+s19+$0x0] =	vst.idx.msk $0xffff, v0  }
0x3f8: {  	v0 =	vld [tilespmem:s25+$0xFFFFFF30];
	_ =	sdelay $0x1  }
0x3f9: {  	v1 =	vadd.s32 s24, v5;
	_ =	sdelay $0x2  }
0x3fa: {  	v6 =	vld [tilespmem:$0x1FE20];
	v0 =	vmul.f32 $8.000000000e+00, v0;
	_ =	sdelay $0x1  }
0x3fb: {  	[tilespmem:v1+s19+$0x0] =	vst.idx.msk $0xffff, v0  }
0x3fc: {  	v0 =	vld [tilespmem:s25+$0xFFFFFF40];
	_ =	sdelay $0x1  }
0x3fd: {  	v1 =	vadd.s32 s24, v6;
	_ =	sdelay $0x2  }
0x3fe: {  	v7 =	vld [tilespmem:$0x1FE30];
	v0 =	vmul.f32 $8.000000000e+00, v0;
	_ =	sdelay $0x1  }
0x3ff: {  	[tilespmem:v1+s19+$0x0] =	vst.idx.msk $0xffff, v0  }
0x400: {  	v0 =	vld [tilespmem:s25+$0xFFFFFF50];
	_ =	sdelay $0x1  }
0x401: {  	v1 =	vadd.s32 s24, v7;
	_ =	sdelay $0x2  }
0x402: {  	v8 =	vld [tilespmem:$0x1FE40];
	v0 =	vmul.f32 $8.000000000e+00, v0;
	_ =	sdelay $0x1  }
0x403: {  	[tilespmem:v1+s19+$0x0] =	vst.idx.msk $0xffff, v0  }
0x404: {  	v0 =	vld [tilespmem:s25+$0xFFFFFF60];
	_ =	sdelay $0x1  }
0x405: {  	v1 =	vadd.s32 s24, v8;
	_ =	sdelay $0x2  }
0x406: {  	v9 =	vld [tilespmem:$0x1FE50];
	v0 =	vmul.f32 $8.000000000e+00, v0;
	_ =	sdelay $0x1  }
0x407: {  	[tilespmem:v1+s19+$0x0] =	vst.idx.msk $0xffff, v0  }
0x408: {  	v0 =	vld [tilespmem:s25+$0xFFFFFF70];
	_ =	sdelay $0x1  }
0x409: {  	v1 =	vadd.s32 s24, v9;
	_ =	sdelay $0x2  }
0x40a: {  	v10 =	vld [tilespmem:$0x1FE60];
	v0 =	vmul.f32 $8.000000000e+00, v0;
	_ =	sdelay $0x1  }
0x40b: {  	[tilespmem:v1+s19+$0x0] =	vst.idx.msk $0xffff, v0  }
0x40c: {  	v0 =	vld [tilespmem:s25+$0xFFFFFF80];
	_ =	sdelay $0x1  }
0x40d: {  	v1 =	vadd.s32 s24, v10;
	_ =	sdelay $0x2  }
0x40e: {  	v11 =	vld [tilespmem:$0x1FE70];
	v0 =	vmul.f32 $8.000000000e+00, v0;
	_ =	sdelay $0x1  }
0x40f: {  	[tilespmem:v1+s19+$0x0] =	vst.idx.msk $0xffff, v0  }
0x410: {  	v0 =	vld [tilespmem:s25+$0xFFFFFF90];
	_ =	sdelay $0x1  }
0x411: {  	v1 =	vadd.s32 s24, v11;
	_ =	sdelay $0x2  }
0x412: {  	v12 =	vld [tilespmem:$0x1FE80];
	v0 =	vmul.f32 $8.000000000e+00, v0;
	_ =	sdelay $0x1  }
0x413: {  	[tilespmem:v1+s19+$0x0] =	vst.idx.msk $0xffff, v0  }
0x414: {  	v0 =	vld [tilespmem:s25+$0xFFFFFFA0];
	_ =	sdelay $0x1  }
0x415: {  	v1 =	vadd.s32 s24, v12;
	_ =	sdelay $0x2  }
0x416: {  	v13 =	vld [tilespmem:$0x1FE90];
	v0 =	vmul.f32 $8.000000000e+00, v0;
	_ =	sdelay $0x1  }
0x417: {  	[tilespmem:v1+s19+$0x0] =	vst.idx.msk $0xffff, v0  }
0x418: {  	v0 =	vld [tilespmem:s25+$0xFFFFFFB0];
	_ =	sdelay $0x1  }
0x419: {  	v1 =	vadd.s32 s24, v13;
	_ =	sdelay $0x2  }
0x41a: {  	v14 =	vld [tilespmem:$0x1FEA0];
	v0 =	vmul.f32 $8.000000000e+00, v0;
	_ =	sdelay $0x1  }
0x41b: {  	[tilespmem:v1+s19+$0x0] =	vst.idx.msk $0xffff, v0  }
0x41c: {  	v0 =	vld [tilespmem:s25+$0xFFFFFFC0];
	_ =	sdelay $0x1  }
0x41d: {  	v1 =	vadd.s32 s24, v14;
	_ =	sdelay $0x2  }
0x41e: {  	v15 =	vld [tilespmem:$0x1FEB0];
	v0 =	vmul.f32 $8.000000000e+00, v0;
	_ =	sdelay $0x1  }
0x41f: {  	[tilespmem:v1+s19+$0x0] =	vst.idx.msk $0xffff, v0  }
0x420: {  	v0 =	vld [tilespmem:s25+$0xFFFFFFD0];
	_ =	sdelay $0x1  }
0x421: {  	v1 =	vadd.s32 s24, v15;
	_ =	sdelay $0x2  }
0x422: {  	v16 =	vld [tilespmem:$0x1FEC0];
	v0 =	vmul.f32 $8.000000000e+00, v0;
	_ =	sdelay $0x1  }
0x423: {  	[tilespmem:v1+s19+$0x0] =	vst.idx.msk $0xffff, v0  }
0x424: {  	v0 =	vld [tilespmem:s25+$0xFFFFFFE0];
	_ =	sdelay $0x1  }
0x425: {  	v1 =	vadd.s32 s24, v16;
	_ =	sdelay $0x2  }
0x426: {  	v17 =	vld [tilespmem:$0x1FED0];
	v0 =	vmul.f32 $8.000000000e+00, v0;
	_ =	sdelay $0x1  }
0x427: {  	[tilespmem:v1+s19+$0x0] =	vst.idx.msk $0xffff, v0  }
0x428: {  	v0 =	vld [tilespmem:s25+$0xFFFFFFF0];
	_ =	sdelay $0x1  }
0x429: {  	v1 =	vadd.s32 s24, v17;
	_ =	sdelay $0x2  }
0x42a: {  	v18 =	vld [tilespmem:$0x1FEE0];
	v0 =	vmul.f32 $8.000000000e+00, v0;
	_ =	sdelay $0x1  }
0x42b: {  	[tilespmem:v1+s19+$0x0] =	vst.idx.msk $0xffff, v0  }
0x42c: {  	v0 =	vld [tilespmem:s25+$0x0];
	_ =	sdelay $0x1  }
0x42d: {  	v1 =	vadd.s32 s24, v18;
	_ =	sdelay $0x2  }
0x42e: {  	v19 =	vld [tilespmem:$0x1FEF0];
	v0 =	vmul.f32 $8.000000000e+00, v0;
	_ =	sdelay $0x1  }
0x42f: {  	[tilespmem:v1+s19+$0x0] =	vst.idx.msk $0xffff, v0  }
0x430: {  	v0 =	vld [tilespmem:s25+$0x10];
	_ =	sdelay $0x1  }
0x431: {  	v1 =	vadd.s32 s24, v19;
	_ =	sdelay $0x2  }
0x432: {  	v20 =	vld [tilespmem:$0x1FF00];
	v0 =	vmul.f32 $8.000000000e+00, v0;
	_ =	sdelay $0x1  }
0x433: {  	[tilespmem:v1+s19+$0x0] =	vst.idx.msk $0xffff, v0  }
0x434: {  	v0 =	vld [tilespmem:s25+$0x20];
	_ =	sdelay $0x1  }
0x435: {  	v1 =	vadd.s32 s24, v20;
	_ =	sdelay $0x2  }
0x436: {  	v21 =	vld [tilespmem:$0x1FF10];
	v0 =	vmul.f32 $8.000000000e+00, v0;
	_ =	sdelay $0x1  }
0x437: {  	[tilespmem:v1+s19+$0x0] =	vst.idx.msk $0xffff, v0  }
0x438: {  	v0 =	vld [tilespmem:s25+$0x30];
	_ =	sdelay $0x1  }
0x439: {  	v1 =	vadd.s32 s24, v21;
	_ =	sdelay $0x2  }
0x43a: {  	v22 =	vld [tilespmem:$0x1FF20];
	v0 =	vmul.f32 $8.000000000e+00, v0;
	_ =	sdelay $0x1  }
0x43b: {  	[tilespmem:v1+s19+$0x0] =	vst.idx.msk $0xffff, v0  }
0x43c: {  	v0 =	vld [tilespmem:s25+$0x40];
	_ =	sdelay $0x1  }
0x43d: {  	v1 =	vadd.s32 s24, v22;
	_ =	sdelay $0x2  }
0x43e: {  	v23 =	vld [tilespmem:$0x1FF30];
	v0 =	vmul.f32 $8.000000000e+00, v0;
	_ =	sdelay $0x1  }
0x43f: {  	[tilespmem:v1+s19+$0x0] =	vst.idx.msk $0xffff, v0  }
0x440: {  	v0 =	vld [tilespmem:s25+$0x50];
	_ =	sdelay $0x1  }
0x441: {  	v1 =	vadd.s32 s24, v23;
	_ =	sdelay $0x2  }
0x442: {  	v24 =	vld [tilespmem:$0x1FF40];
	v0 =	vmul.f32 $8.000000000e+00, v0;
	_ =	sdelay $0x1  }
0x443: {  	[tilespmem:v1+s19+$0x0] =	vst.idx.msk $0xffff, v0  }
0x444: {  	v0 =	vld [tilespmem:s25+$0x60];
	_ =	sdelay $0x1  }
0x445: {  	v1 =	vadd.s32 s24, v24;
	_ =	sdelay $0x2  }
0x446: {  	v25 =	vld [tilespmem:$0x1FF50];
	v0 =	vmul.f32 $8.000000000e+00, v0;
	_ =	sdelay $0x1  }
0x447: {  	[tilespmem:v1+s19+$0x0] =	vst.idx.msk $0xffff, v0  }
0x448: {  	v0 =	vld [tilespmem:s25+$0x70];
	_ =	sdelay $0x1  }
0x449: {  	v1 =	vadd.s32 s24, v25;
	_ =	sdelay $0x2  }
0x44a: {  	v26 =	vld [tilespmem:$0x1FF60];
	v0 =	vmul.f32 $8.000000000e+00, v0;
	_ =	sdelay $0x1  }
0x44b: {  	[tilespmem:v1+s19+$0x0] =	vst.idx.msk $0xffff, v0  }
0x44c: {  	v0 =	vld [tilespmem:s25+$0x80];
	_ =	sdelay $0x1  }
0x44d: {  	v1 =	vadd.s32 s24, v26;
	_ =	sdelay $0x2  }
0x44e: {  	v27 =	vld [tilespmem:$0x1FF70];
	v0 =	vmul.f32 $8.000000000e+00, v0;
	_ =	sdelay $0x1  }
0x44f: {  	[tilespmem:v1+s19+$0x0] =	vst.idx.msk $0xffff, v0  }
0x450: {  	v0 =	vld [tilespmem:s25+$0x90];
	_ =	sdelay $0x1  }
0x451: {  	v1 =	vadd.s32 s24, v27;
	_ =	sdelay $0x2  }
0x452: {  	v28 =	vld [tilespmem:$0x1FF80];
	v0 =	vmul.f32 $8.000000000e+00, v0;
	_ =	sdelay $0x1  }
0x453: {  	[tilespmem:v1+s19+$0x0] =	vst.idx.msk $0xffff, v0  }
0x454: {  	v0 =	vld [tilespmem:s25+$0xA0];
	_ =	sdelay $0x1  }
0x455: {  	v1 =	vadd.s32 s24, v28;
	_ =	sdelay $0x2  }
0x456: {  	v29 =	vld [tilespmem:$0x1FF90];
	v0 =	vmul.f32 $8.000000000e+00, v0;
	_ =	sdelay $0x1  }
0x457: {  	[tilespmem:v1+s19+$0x0] =	vst.idx.msk $0xffff, v0  }
0x458: {  	v0 =	vld [tilespmem:s25+$0xB0];
	_ =	sdelay $0x1  }
0x459: {  	v1 =	vadd.s32 s24, v29;
	_ =	sdelay $0x2  }
0x45a: {  	v30 =	vld [tilespmem:$0x1FFA0];
	v0 =	vmul.f32 $8.000000000e+00, v0;
	_ =	sdelay $0x1  }
0x45b: {  	[tilespmem:v1+s19+$0x0] =	vst.idx.msk $0xffff, v0  }
0x45c: {  	v0 =	vld [tilespmem:s25+$0xC0];
	_ =	sdelay $0x1  }
0x45d: {  	v1 =	vadd.s32 s24, v30;
	_ =	sdelay $0x2  }
0x45e: {  	v31 =	vld [tilespmem:$0x1FFB0];
	v0 =	vmul.f32 $8.000000000e+00, v0;
	_ =	sdelay $0x1  }
0x45f: {  	[tilespmem:v1+s19+$0x0] =	vst.idx.msk $0xffff, v0  }
0x460: {  	v0 =	vld [tilespmem:s25+$0xD0];
	_ =	sdelay $0x1  }
0x461: {  	v1 =	vadd.s32 s24, v31;
	_ =	sdelay $0x2  }
0x462: {  	v32 =	vld [tilespmem:$0x1FFC0];
	v0 =	vmul.f32 $8.000000000e+00, v0;
	_ =	sdelay $0x1  }
0x463: {  	[tilespmem:v1+s19+$0x0] =	vst.idx.msk $0xffff, v0  }
0x464: {  	v0 =	vld [tilespmem:s25+$0xE0];
	_ =	sdelay $0x1  }
0x465: {  	v1 =	vadd.s32 s24, v32;
	_ =	sdelay $0x2  }
0x466: {  	v33 =	vld [tilespmem:$0x1FFD0];
	v0 =	vmul.f32 $8.000000000e+00, v0;
	_ =	sdelay $0x1  }
0x467: {  	[tilespmem:v1+s19+$0x0] =	vst.idx.msk $0xffff, v0  }
0x468: {  	v1 =	vld [tilespmem:s25+$0xF0];
	_ =	sdelay $0x1  }
0x469: {  	v0 =	vadd.s32 s24, v33;
	_ =	sdelay $0x2  }
0x46a: {  	s26 =	simm.s32 $0x8;
	v1 =	vmul.f32 $8.000000000e+00, v1  }
.LBB2_13:
0x46b: {  	p0 =	sne.s32 s26, $0x78  }
0x46c: {  	s25 =	sadd.s32 $0x200, s25;
	s28 =	smov.u32 s26;
	s26 =	sadd.s32 $0x8, s26;
	[tilespmem:v0+s19+$0x0] =	vst.idx.msk $0xffff, v1  }
0x46d: {  	v0 =	vld [tilespmem:s25+$0xFFFFFF00];
	_ =	sdelay $0x1  }
0x46e: {  	v1 =	vadd.s32 s28, v2;
	_ =	sdelay $0x2  }
0x46f: {  	v0 =	vmul.f32 $8.000000000e+00, v0;
	_ =	sdelay $0x1  }
0x470: {  	[tilespmem:v1+s19+$0x0] =	vst.idx.msk $0xffff, v0  }
0x471: {  	v0 =	vld [tilespmem:s25+$0xFFFFFF10];
	_ =	sdelay $0x1  }
0x472: {  	v1 =	vadd.s32 s28, v3;
	_ =	sdelay $0x2  }
0x473: {  	v0 =	vmul.f32 $8.000000000e+00, v0;
	_ =	sdelay $0x1  }
0x474: {  	[tilespmem:v1+s19+$0x0] =	vst.idx.msk $0xffff, v0  }
0x475: {  	v0 =	vld [tilespmem:s25+$0xFFFFFF20];
	_ =	sdelay $0x1  }
0x476: {  	v1 =	vadd.s32 s28, v4;
	_ =	sdelay $0x2  }
0x477: {  	v0 =	vmul.f32 $8.000000000e+00, v0;
	_ =	sdelay $0x1  }
0x478: {  	[tilespmem:v1+s19+$0x0] =	vst.idx.msk $0xffff, v0  }
0x479: {  	v0 =	vld [tilespmem:s25+$0xFFFFFF30];
	_ =	sdelay $0x1  }
0x47a: {  	v1 =	vadd.s32 s28, v5;
	_ =	sdelay $0x2  }
0x47b: {  	v0 =	vmul.f32 $8.000000000e+00, v0;
	_ =	sdelay $0x1  }
0x47c: {  	[tilespmem:v1+s19+$0x0] =	vst.idx.msk $0xffff, v0  }
0x47d: {  	v0 =	vld [tilespmem:s25+$0xFFFFFF40];
	_ =	sdelay $0x1  }
0x47e: {  	v1 =	vadd.s32 s28, v6;
	_ =	sdelay $0x2  }
0x47f: {  	v0 =	vmul.f32 $8.000000000e+00, v0;
	_ =	sdelay $0x1  }
0x480: {  	[tilespmem:v1+s19+$0x0] =	vst.idx.msk $0xffff, v0  }
0x481: {  	v0 =	vld [tilespmem:s25+$0xFFFFFF50];
	_ =	sdelay $0x1  }
0x482: {  	v1 =	vadd.s32 s28, v7;
	_ =	sdelay $0x2  }
0x483: {  	v0 =	vmul.f32 $8.000000000e+00, v0;
	_ =	sdelay $0x1  }
0x484: {  	[tilespmem:v1+s19+$0x0] =	vst.idx.msk $0xffff, v0  }
0x485: {  	v0 =	vld [tilespmem:s25+$0xFFFFFF60];
	_ =	sdelay $0x1  }
0x486: {  	v1 =	vadd.s32 s28, v8;
	_ =	sdelay $0x2  }
0x487: {  	v0 =	vmul.f32 $8.000000000e+00, v0;
	_ =	sdelay $0x1  }
0x488: {  	[tilespmem:v1+s19+$0x0] =	vst.idx.msk $0xffff, v0  }
0x489: {  	v0 =	vld [tilespmem:s25+$0xFFFFFF70];
	_ =	sdelay $0x1  }
0x48a: {  	v1 =	vadd.s32 s28, v9;
	_ =	sdelay $0x2  }
0x48b: {  	v0 =	vmul.f32 $8.000000000e+00, v0;
	_ =	sdelay $0x1  }
0x48c: {  	[tilespmem:v1+s19+$0x0] =	vst.idx.msk $0xffff, v0  }
0x48d: {  	v0 =	vld [tilespmem:s25+$0xFFFFFF80];
	_ =	sdelay $0x1  }
0x48e: {  	v1 =	vadd.s32 s28, v10;
	_ =	sdelay $0x2  }
0x48f: {  	v0 =	vmul.f32 $8.000000000e+00, v0;
	_ =	sdelay $0x1  }
0x490: {  	[tilespmem:v1+s19+$0x0] =	vst.idx.msk $0xffff, v0  }
0x491: {  	v0 =	vld [tilespmem:s25+$0xFFFFFF90];
	_ =	sdelay $0x1  }
0x492: {  	v1 =	vadd.s32 s28, v11;
	_ =	sdelay $0x2  }
0x493: {  	v0 =	vmul.f32 $8.000000000e+00, v0;
	_ =	sdelay $0x1  }
0x494: {  	[tilespmem:v1+s19+$0x0] =	vst.idx.msk $0xffff, v0  }
0x495: {  	v0 =	vld [tilespmem:s25+$0xFFFFFFA0];
	_ =	sdelay $0x1  }
0x496: {  	v1 =	vadd.s32 s28, v12;
	_ =	sdelay $0x2  }
0x497: {  	v0 =	vmul.f32 $8.000000000e+00, v0;
	_ =	sdelay $0x1  }
0x498: {  	[tilespmem:v1+s19+$0x0] =	vst.idx.msk $0xffff, v0  }
0x499: {  	v0 =	vld [tilespmem:s25+$0xFFFFFFB0];
	_ =	sdelay $0x1  }
0x49a: {  	v1 =	vadd.s32 s28, v13;
	_ =	sdelay $0x2  }
0x49b: {  	v0 =	vmul.f32 $8.000000000e+00, v0;
	_ =	sdelay $0x1  }
0x49c: {  	[tilespmem:v1+s19+$0x0] =	vst.idx.msk $0xffff, v0  }
0x49d: {  	v0 =	vld [tilespmem:s25+$0xFFFFFFC0];
	_ =	sdelay $0x1  }
0x49e: {  	v1 =	vadd.s32 s28, v14;
	_ =	sdelay $0x2  }
0x49f: {  	v0 =	vmul.f32 $8.000000000e+00, v0;
	_ =	sdelay $0x1  }
0x4a0: {  	[tilespmem:v1+s19+$0x0] =	vst.idx.msk $0xffff, v0  }
0x4a1: {  	v0 =	vld [tilespmem:s25+$0xFFFFFFD0];
	_ =	sdelay $0x1  }
0x4a2: {  	v1 =	vadd.s32 s28, v15;
	_ =	sdelay $0x2  }
0x4a3: {  	v0 =	vmul.f32 $8.000000000e+00, v0;
	_ =	sdelay $0x1  }
0x4a4: {  	[tilespmem:v1+s19+$0x0] =	vst.idx.msk $0xffff, v0  }
0x4a5: {  	v0 =	vld [tilespmem:s25+$0xFFFFFFE0];
	_ =	sdelay $0x1  }
0x4a6: {  	v1 =	vadd.s32 s28, v16;
	_ =	sdelay $0x2  }
0x4a7: {  	v0 =	vmul.f32 $8.000000000e+00, v0;
	_ =	sdelay $0x1  }
0x4a8: {  	[tilespmem:v1+s19+$0x0] =	vst.idx.msk $0xffff, v0  }
0x4a9: {  	v0 =	vld [tilespmem:s25+$0xFFFFFFF0];
	_ =	sdelay $0x1  }
0x4aa: {  	v1 =	vadd.s32 s28, v17;
	_ =	sdelay $0x2  }
0x4ab: {  	v0 =	vmul.f32 $8.000000000e+00, v0;
	_ =	sdelay $0x1  }
0x4ac: {  	[tilespmem:v1+s19+$0x0] =	vst.idx.msk $0xffff, v0  }
0x4ad: {  	v0 =	vld [tilespmem:s25+$0x0];
	_ =	sdelay $0x1  }
0x4ae: {  	v1 =	vadd.s32 s28, v18;
	_ =	sdelay $0x2  }
0x4af: {  	v0 =	vmul.f32 $8.000000000e+00, v0;
	_ =	sdelay $0x1  }
0x4b0: {  	[tilespmem:v1+s19+$0x0] =	vst.idx.msk $0xffff, v0  }
0x4b1: {  	v0 =	vld [tilespmem:s25+$0x10];
	_ =	sdelay $0x1  }
0x4b2: {  	v1 =	vadd.s32 s28, v19;
	_ =	sdelay $0x2  }
0x4b3: {  	v0 =	vmul.f32 $8.000000000e+00, v0;
	_ =	sdelay $0x1  }
0x4b4: {  	[tilespmem:v1+s19+$0x0] =	vst.idx.msk $0xffff, v0  }
0x4b5: {  	v0 =	vld [tilespmem:s25+$0x20];
	_ =	sdelay $0x1  }
0x4b6: {  	v1 =	vadd.s32 s28, v20;
	_ =	sdelay $0x2  }
0x4b7: {  	v0 =	vmul.f32 $8.000000000e+00, v0;
	_ =	sdelay $0x1  }
0x4b8: {  	[tilespmem:v1+s19+$0x0] =	vst.idx.msk $0xffff, v0  }
0x4b9: {  	v0 =	vld [tilespmem:s25+$0x30];
	_ =	sdelay $0x1  }
0x4ba: {  	v1 =	vadd.s32 s28, v21;
	_ =	sdelay $0x2  }
0x4bb: {  	v0 =	vmul.f32 $8.000000000e+00, v0;
	_ =	sdelay $0x1  }
0x4bc: {  	[tilespmem:v1+s19+$0x0] =	vst.idx.msk $0xffff, v0  }
0x4bd: {  	v0 =	vld [tilespmem:s25+$0x40];
	_ =	sdelay $0x1  }
0x4be: {  	v1 =	vadd.s32 s28, v22;
	_ =	sdelay $0x2  }
0x4bf: {  	v0 =	vmul.f32 $8.000000000e+00, v0;
	_ =	sdelay $0x1  }
0x4c0: {  	[tilespmem:v1+s19+$0x0] =	vst.idx.msk $0xffff, v0  }
0x4c1: {  	v0 =	vld [tilespmem:s25+$0x50];
	_ =	sdelay $0x1  }
0x4c2: {  	v1 =	vadd.s32 s28, v23;
	_ =	sdelay $0x2  }
0x4c3: {  	v0 =	vmul.f32 $8.000000000e+00, v0;
	_ =	sdelay $0x1  }
0x4c4: {  	[tilespmem:v1+s19+$0x0] =	vst.idx.msk $0xffff, v0  }
0x4c5: {  	v0 =	vld [tilespmem:s25+$0x60];
	_ =	sdelay $0x1  }
0x4c6: {  	v1 =	vadd.s32 s28, v24;
	_ =	sdelay $0x2  }
0x4c7: {  	v0 =	vmul.f32 $8.000000000e+00, v0;
	_ =	sdelay $0x1  }
0x4c8: {  	[tilespmem:v1+s19+$0x0] =	vst.idx.msk $0xffff, v0  }
0x4c9: {  	v0 =	vld [tilespmem:s25+$0x70];
	_ =	sdelay $0x1  }
0x4ca: {  	v1 =	vadd.s32 s28, v25;
	_ =	sdelay $0x2  }
0x4cb: {  	v0 =	vmul.f32 $8.000000000e+00, v0;
	_ =	sdelay $0x1  }
0x4cc: {  	[tilespmem:v1+s19+$0x0] =	vst.idx.msk $0xffff, v0  }
0x4cd: {  	v0 =	vld [tilespmem:s25+$0x80];
	_ =	sdelay $0x1  }
0x4ce: {  	v1 =	vadd.s32 s28, v26;
	_ =	sdelay $0x2  }
0x4cf: {  	v0 =	vmul.f32 $8.000000000e+00, v0;
	_ =	sdelay $0x1  }
0x4d0: {  	[tilespmem:v1+s19+$0x0] =	vst.idx.msk $0xffff, v0  }
0x4d1: {  	v0 =	vld [tilespmem:s25+$0x90];
	_ =	sdelay $0x1  }
0x4d2: {  	v1 =	vadd.s32 s28, v27;
	_ =	sdelay $0x2  }
0x4d3: {  	v0 =	vmul.f32 $8.000000000e+00, v0;
	_ =	sdelay $0x1  }
0x4d4: {  	[tilespmem:v1+s19+$0x0] =	vst.idx.msk $0xffff, v0  }
0x4d5: {  	v0 =	vld [tilespmem:s25+$0xA0];
	_ =	sdelay $0x1  }
0x4d6: {  	v1 =	vadd.s32 s28, v28;
	_ =	sdelay $0x2  }
0x4d7: {  	v0 =	vmul.f32 $8.000000000e+00, v0;
	_ =	sdelay $0x1  }
0x4d8: {  	[tilespmem:v1+s19+$0x0] =	vst.idx.msk $0xffff, v0  }
0x4d9: {  	v0 =	vld [tilespmem:s25+$0xB0];
	_ =	sdelay $0x1  }
0x4da: {  	v1 =	vadd.s32 s28, v29;
	_ =	sdelay $0x2  }
0x4db: {  	v0 =	vmul.f32 $8.000000000e+00, v0;
	_ =	sdelay $0x1  }
0x4dc: {  	[tilespmem:v1+s19+$0x0] =	vst.idx.msk $0xffff, v0  }
0x4dd: {  	v0 =	vld [tilespmem:s25+$0xC0];
	_ =	sdelay $0x1  }
0x4de: {  	v1 =	vadd.s32 s28, v30;
	_ =	sdelay $0x2  }
0x4df: {  	v0 =	vmul.f32 $8.000000000e+00, v0;
	_ =	sdelay $0x1  }
0x4e0: {  	[tilespmem:v1+s19+$0x0] =	vst.idx.msk $0xffff, v0  }
0x4e1: {  	v0 =	vld [tilespmem:s25+$0xD0];
	_ =	sdelay $0x1  }
0x4e2: {  	v1 =	vadd.s32 s28, v31;
	_ =	sdelay $0x2  }
0x4e3: {  	v0 =	vmul.f32 $8.000000000e+00, v0;
	_ =	sdelay $0x1  }
0x4e4: {  	[tilespmem:v1+s19+$0x0] =	vst.idx.msk $0xffff, v0  }
0x4e5: {  	v0 =	vld [tilespmem:s25+$0xE0];
	_ =	sdelay $0x1  }
0x4e6: {  	v1 =	vadd.s32 s28, v32;
	_ =	sdelay $0x2  }
0x4e7: {  	v0 =	vmul.f32 $8.000000000e+00, v0;
	_ =	sdelay $0x1  }
0x4e8: {  	[tilespmem:v1+s19+$0x0] =	vst.idx.msk $0xffff, v0  }
0x4e9: {  	v1 =	vld [tilespmem:s25+$0xF0]  }
.Ltmp8:
0x4ea: {  	(pc) =	sbr.rel @p0 .LBB2_13-.Ltmp8, $2  }
0x4eb: {  	v0 =	vadd.s32 s28, v33;
	_ =	sdelay $0x2  }
0x4ec: {  	v1 =	vmul.f32 $8.000000000e+00, v1  }
0x4ed: {  	_ =	sdelay $0x1  }
0x4ee: {  	v32 =	vld [tilespmem:$0x1FFE0];
	_ =	sdelay $0x1  }
0x4ef: {  	s25 =	simm.s32 $0xC5F0;
	[tilespmem:v0+s19+$0x0] =	vst.idx.msk $0xffff, v1  }
0x4f0: {  	v0 =	vld [tilespmem:s25+$0xFFFFFE10];
	_ =	sdelay $0x1  }
0x4f1: {  	v1 =	vadd.s32 s24, v32;
	_ =	sdelay $0x2  }
0x4f2: {  	v33 =	vld [tilespmem:$0x1FFF0];
	v0 =	vmul.f32 $8.000000000e+00, v0;
	_ =	sdelay $0x1  }
0x4f3: {  	[tilespmem:v1+s19+$0x0] =	vst.idx.msk $0xffff, v0  }
0x4f4: {  	v0 =	vld [tilespmem:s25+$0xFFFFFE20];
	_ =	sdelay $0x1  }
0x4f5: {  	v1 =	vadd.s32 s24, v33;
	_ =	sdelay $0x2  }
0x4f6: {  	v0 =	vmul.f32 $8.000000000e+00, v0;
	_ =	sdelay $0x1  }
0x4f7: {  	[tilespmem:v1+s19+$0x0] =	vst.idx.msk $0xffff, v0  }
0x4f8: {  	v0 =	vld [tilespmem:s25+$0xFFFFFE30];
	_ =	sdelay $0x1  }
0x4f9: {  	v1 =	vadd.s32 s24, v34;
	_ =	sdelay $0x2  }
0x4fa: {  	v0 =	vmul.f32 $8.000000000e+00, v0;
	_ =	sdelay $0x1  }
0x4fb: {  	[tilespmem:v1+s19+$0x0] =	vst.idx.msk $0xffff, v0  }
0x4fc: {  	v0 =	vld [tilespmem:s25+$0xFFFFFE40];
	_ =	sdelay $0x1  }
0x4fd: {  	v1 =	vadd.s32 s24, v35;
	_ =	sdelay $0x2  }
0x4fe: {  	v0 =	vmul.f32 $8.000000000e+00, v0;
	_ =	sdelay $0x1  }
0x4ff: {  	[tilespmem:v1+s19+$0x0] =	vst.idx.msk $0xffff, v0  }
0x500: {  	v0 =	vld [tilespmem:s25+$0xFFFFFE50];
	_ =	sdelay $0x1  }
0x501: {  	v1 =	vadd.s32 s24, v36;
	_ =	sdelay $0x2  }
0x502: {  	v0 =	vmul.f32 $8.000000000e+00, v0;
	_ =	sdelay $0x1  }
0x503: {  	[tilespmem:v1+s19+$0x0] =	vst.idx.msk $0xffff, v0  }
0x504: {  	v0 =	vld [tilespmem:s25+$0xFFFFFE60];
	_ =	sdelay $0x1  }
0x505: {  	v1 =	vadd.s32 s24, v37;
	_ =	sdelay $0x2  }
0x506: {  	v0 =	vmul.f32 $8.000000000e+00, v0;
	_ =	sdelay $0x1  }
0x507: {  	[tilespmem:v1+s19+$0x0] =	vst.idx.msk $0xffff, v0  }
0x508: {  	v0 =	vld [tilespmem:s25+$0xFFFFFE70];
	_ =	sdelay $0x1  }
0x509: {  	v1 =	vadd.s32 s24, v38;
	_ =	sdelay $0x2  }
0x50a: {  	v0 =	vmul.f32 $8.000000000e+00, v0;
	_ =	sdelay $0x1  }
0x50b: {  	[tilespmem:v1+s19+$0x0] =	vst.idx.msk $0xffff, v0  }
0x50c: {  	v0 =	vld [tilespmem:s25+$0xFFFFFE80];
	_ =	sdelay $0x1  }
0x50d: {  	v1 =	vadd.s32 s24, v39;
	_ =	sdelay $0x2  }
0x50e: {  	v0 =	vmul.f32 $8.000000000e+00, v0;
	_ =	sdelay $0x1  }
0x50f: {  	[tilespmem:v1+s19+$0x0] =	vst.idx.msk $0xffff, v0  }
0x510: {  	v0 =	vld [tilespmem:s25+$0xFFFFFE90];
	_ =	sdelay $0x1  }
0x511: {  	v1 =	vadd.s32 s24, v40;
	_ =	sdelay $0x2  }
0x512: {  	v0 =	vmul.f32 $8.000000000e+00, v0;
	_ =	sdelay $0x1  }
0x513: {  	[tilespmem:v1+s19+$0x0] =	vst.idx.msk $0xffff, v0  }
0x514: {  	v0 =	vld [tilespmem:s25+$0xFFFFFEA0];
	_ =	sdelay $0x1  }
0x515: {  	v1 =	vadd.s32 s24, v41;
	_ =	sdelay $0x2  }
0x516: {  	v0 =	vmul.f32 $8.000000000e+00, v0;
	_ =	sdelay $0x1  }
0x517: {  	[tilespmem:v1+s19+$0x0] =	vst.idx.msk $0xffff, v0  }
0x518: {  	v0 =	vld [tilespmem:s25+$0xFFFFFEB0];
	_ =	sdelay $0x1  }
0x519: {  	v1 =	vadd.s32 s24, v42;
	_ =	sdelay $0x2  }
0x51a: {  	v0 =	vmul.f32 $8.000000000e+00, v0;
	_ =	sdelay $0x1  }
0x51b: {  	[tilespmem:v1+s19+$0x0] =	vst.idx.msk $0xffff, v0  }
0x51c: {  	v0 =	vld [tilespmem:s25+$0xFFFFFEC0];
	_ =	sdelay $0x1  }
0x51d: {  	v1 =	vadd.s32 s24, v43;
	_ =	sdelay $0x2  }
0x51e: {  	v0 =	vmul.f32 $8.000000000e+00, v0;
	_ =	sdelay $0x1  }
0x51f: {  	[tilespmem:v1+s19+$0x0] =	vst.idx.msk $0xffff, v0  }
0x520: {  	v0 =	vld [tilespmem:s25+$0xFFFFFED0];
	_ =	sdelay $0x1  }
0x521: {  	v1 =	vadd.s32 s24, v44;
	_ =	sdelay $0x2  }
0x522: {  	v0 =	vmul.f32 $8.000000000e+00, v0;
	_ =	sdelay $0x1  }
0x523: {  	[tilespmem:v1+s19+$0x0] =	vst.idx.msk $0xffff, v0  }
0x524: {  	v0 =	vld [tilespmem:s25+$0xFFFFFEE0];
	_ =	sdelay $0x1  }
0x525: {  	v1 =	vadd.s32 s24, v45;
	_ =	sdelay $0x2  }
0x526: {  	v0 =	vmul.f32 $8.000000000e+00, v0;
	_ =	sdelay $0x1  }
0x527: {  	[tilespmem:v1+s19+$0x0] =	vst.idx.msk $0xffff, v0  }
0x528: {  	v0 =	vld [tilespmem:s25+$0xFFFFFEF0];
	_ =	sdelay $0x1  }
0x529: {  	v1 =	vadd.s32 s24, v46;
	_ =	sdelay $0x2  }
0x52a: {  	v0 =	vmul.f32 $8.000000000e+00, v0;
	_ =	sdelay $0x1  }
0x52b: {  	[tilespmem:v1+s19+$0x0] =	vst.idx.msk $0xffff, v0  }
0x52c: {  	v0 =	vld [tilespmem:s25+$0xFFFFFF00];
	_ =	sdelay $0x1  }
0x52d: {  	v1 =	vadd.s32 s24, v47;
	_ =	sdelay $0x2  }
0x52e: {  	v0 =	vmul.f32 $8.000000000e+00, v0;
	_ =	sdelay $0x1  }
0x52f: {  	[tilespmem:v1+s19+$0x0] =	vst.idx.msk $0xffff, v0  }
0x530: {  	v0 =	vld [tilespmem:s25+$0xFFFFFF10];
	_ =	sdelay $0x1  }
0x531: {  	v1 =	vadd.s32 s24, v48;
	_ =	sdelay $0x2  }
0x532: {  	v0 =	vmul.f32 $8.000000000e+00, v0;
	_ =	sdelay $0x1  }
0x533: {  	[tilespmem:v1+s19+$0x0] =	vst.idx.msk $0xffff, v0  }
0x534: {  	v0 =	vld [tilespmem:s25+$0xFFFFFF20];
	_ =	sdelay $0x1  }
0x535: {  	v1 =	vadd.s32 s24, v49;
	_ =	sdelay $0x2  }
0x536: {  	v0 =	vmul.f32 $8.000000000e+00, v0;
	_ =	sdelay $0x1  }
0x537: {  	[tilespmem:v1+s19+$0x0] =	vst.idx.msk $0xffff, v0  }
0x538: {  	v0 =	vld [tilespmem:s25+$0xFFFFFF30];
	_ =	sdelay $0x1  }
0x539: {  	v1 =	vadd.s32 s24, v50;
	_ =	sdelay $0x2  }
0x53a: {  	v0 =	vmul.f32 $8.000000000e+00, v0;
	_ =	sdelay $0x1  }
0x53b: {  	[tilespmem:v1+s19+$0x0] =	vst.idx.msk $0xffff, v0  }
0x53c: {  	v0 =	vld [tilespmem:s25+$0xFFFFFF40];
	_ =	sdelay $0x1  }
0x53d: {  	v1 =	vadd.s32 s24, v51;
	_ =	sdelay $0x2  }
0x53e: {  	v0 =	vmul.f32 $8.000000000e+00, v0;
	_ =	sdelay $0x1  }
0x53f: {  	[tilespmem:v1+s19+$0x0] =	vst.idx.msk $0xffff, v0  }
0x540: {  	v0 =	vld [tilespmem:s25+$0xFFFFFF50];
	_ =	sdelay $0x1  }
0x541: {  	v1 =	vadd.s32 s24, v52;
	_ =	sdelay $0x2  }
0x542: {  	v0 =	vmul.f32 $8.000000000e+00, v0;
	_ =	sdelay $0x1  }
0x543: {  	[tilespmem:v1+s19+$0x0] =	vst.idx.msk $0xffff, v0  }
0x544: {  	v0 =	vld [tilespmem:s25+$0xFFFFFF60];
	_ =	sdelay $0x1  }
0x545: {  	v1 =	vadd.s32 s24, v53;
	_ =	sdelay $0x2  }
0x546: {  	v0 =	vmul.f32 $8.000000000e+00, v0;
	_ =	sdelay $0x1  }
0x547: {  	[tilespmem:v1+s19+$0x0] =	vst.idx.msk $0xffff, v0  }
0x548: {  	v0 =	vld [tilespmem:s25+$0xFFFFFF70];
	_ =	sdelay $0x1  }
0x549: {  	v1 =	vadd.s32 s24, v54;
	_ =	sdelay $0x2  }
0x54a: {  	v0 =	vmul.f32 $8.000000000e+00, v0;
	_ =	sdelay $0x1  }
0x54b: {  	[tilespmem:v1+s19+$0x0] =	vst.idx.msk $0xffff, v0  }
0x54c: {  	v0 =	vld [tilespmem:s25+$0xFFFFFF80];
	_ =	sdelay $0x1  }
0x54d: {  	v1 =	vadd.s32 s24, v55;
	_ =	sdelay $0x2  }
0x54e: {  	v0 =	vmul.f32 $8.000000000e+00, v0;
	_ =	sdelay $0x1  }
0x54f: {  	[tilespmem:v1+s19+$0x0] =	vst.idx.msk $0xffff, v0  }
0x550: {  	v0 =	vld [tilespmem:s25+$0xFFFFFF90];
	_ =	sdelay $0x1  }
0x551: {  	v1 =	vadd.s32 s24, v56;
	_ =	sdelay $0x2  }
0x552: {  	v0 =	vmul.f32 $8.000000000e+00, v0;
	_ =	sdelay $0x1  }
0x553: {  	[tilespmem:v1+s19+$0x0] =	vst.idx.msk $0xffff, v0  }
0x554: {  	v0 =	vld [tilespmem:s25+$0xFFFFFFA0];
	_ =	sdelay $0x1  }
0x555: {  	v1 =	vadd.s32 s24, v57;
	_ =	sdelay $0x2  }
0x556: {  	v0 =	vmul.f32 $8.000000000e+00, v0;
	_ =	sdelay $0x1  }
0x557: {  	[tilespmem:v1+s19+$0x0] =	vst.idx.msk $0xffff, v0  }
0x558: {  	v0 =	vld [tilespmem:s25+$0xFFFFFFB0];
	_ =	sdelay $0x1  }
0x559: {  	v1 =	vadd.s32 s24, v58;
	_ =	sdelay $0x2  }
0x55a: {  	v0 =	vmul.f32 $8.000000000e+00, v0;
	_ =	sdelay $0x1  }
0x55b: {  	[tilespmem:v1+s19+$0x0] =	vst.idx.msk $0xffff, v0  }
0x55c: {  	v0 =	vld [tilespmem:s25+$0xFFFFFFC0];
	_ =	sdelay $0x1  }
0x55d: {  	v1 =	vadd.s32 s24, v59;
	_ =	sdelay $0x2  }
0x55e: {  	v0 =	vmul.f32 $8.000000000e+00, v0;
	_ =	sdelay $0x1  }
0x55f: {  	[tilespmem:v1+s19+$0x0] =	vst.idx.msk $0xffff, v0  }
0x560: {  	v0 =	vld [tilespmem:s25+$0xFFFFFFD0];
	_ =	sdelay $0x1  }
0x561: {  	v1 =	vadd.s32 s24, v60;
	_ =	sdelay $0x2  }
0x562: {  	v0 =	vmul.f32 $8.000000000e+00, v0;
	_ =	sdelay $0x1  }
0x563: {  	[tilespmem:v1+s19+$0x0] =	vst.idx.msk $0xffff, v0  }
0x564: {  	v0 =	vld [tilespmem:s25+$0xFFFFFFE0];
	_ =	sdelay $0x1  }
0x565: {  	v1 =	vadd.s32 s24, v61;
	_ =	sdelay $0x2  }
0x566: {  	v0 =	vmul.f32 $8.000000000e+00, v0;
	_ =	sdelay $0x1  }
0x567: {  	[tilespmem:v1+s19+$0x0] =	vst.idx.msk $0xffff, v0  }
0x568: {  	v0 =	vld [tilespmem:s25+$0xFFFFFFF0];
	_ =	sdelay $0x1  }
0x569: {  	v1 =	vadd.s32 s24, v62;
	_ =	sdelay $0x2  }
0x56a: {  	v0 =	vmul.f32 $8.000000000e+00, v0;
	_ =	sdelay $0x1  }
0x56b: {  	[tilespmem:v1+s19+$0x0] =	vst.idx.msk $0xffff, v0  }
0x56c: {  	v1 =	vld [tilespmem:s25+$0x0];
	_ =	sdelay $0x1  }
0x56d: {  	v0 =	vadd.s32 s24, v63;
	_ =	sdelay $0x2  }
0x56e: {  	s26 =	simm.s32 $0x8;
	v1 =	vmul.f32 $8.000000000e+00, v1  }
.LBB2_15:
0x56f: {  	p0 =	sne.s32 s26, $0x78  }
0x570: {  	s25 =	sadd.s32 $0x200, s25;
	s24 =	smov.u32 s26;
	s26 =	sadd.s32 $0x8, s26;
	[tilespmem:v0+s19+$0x0] =	vst.idx.msk $0xffff, v1  }
0x571: {  	v0 =	vld [tilespmem:s25+$0xFFFFFE10];
	_ =	sdelay $0x1  }
0x572: {  	v1 =	vadd.s32 s24, v32;
	_ =	sdelay $0x2  }
0x573: {  	v0 =	vmul.f32 $8.000000000e+00, v0;
	_ =	sdelay $0x1  }
0x574: {  	[tilespmem:v1+s19+$0x0] =	vst.idx.msk $0xffff, v0  }
0x575: {  	v0 =	vld [tilespmem:s25+$0xFFFFFE20];
	_ =	sdelay $0x1  }
0x576: {  	v1 =	vadd.s32 s24, v33;
	_ =	sdelay $0x2  }
0x577: {  	v0 =	vmul.f32 $8.000000000e+00, v0;
	_ =	sdelay $0x1  }
0x578: {  	[tilespmem:v1+s19+$0x0] =	vst.idx.msk $0xffff, v0  }
0x579: {  	v0 =	vld [tilespmem:s25+$0xFFFFFE30];
	_ =	sdelay $0x1  }
0x57a: {  	v1 =	vadd.s32 s24, v34;
	_ =	sdelay $0x2  }
0x57b: {  	v0 =	vmul.f32 $8.000000000e+00, v0;
	_ =	sdelay $0x1  }
0x57c: {  	[tilespmem:v1+s19+$0x0] =	vst.idx.msk $0xffff, v0  }
0x57d: {  	v0 =	vld [tilespmem:s25+$0xFFFFFE40];
	_ =	sdelay $0x1  }
0x57e: {  	v1 =	vadd.s32 s24, v35;
	_ =	sdelay $0x2  }
0x57f: {  	v0 =	vmul.f32 $8.000000000e+00, v0;
	_ =	sdelay $0x1  }
0x580: {  	[tilespmem:v1+s19+$0x0] =	vst.idx.msk $0xffff, v0  }
0x581: {  	v0 =	vld [tilespmem:s25+$0xFFFFFE50];
	_ =	sdelay $0x1  }
0x582: {  	v1 =	vadd.s32 s24, v36;
	_ =	sdelay $0x2  }
0x583: {  	v0 =	vmul.f32 $8.000000000e+00, v0;
	_ =	sdelay $0x1  }
0x584: {  	[tilespmem:v1+s19+$0x0] =	vst.idx.msk $0xffff, v0  }
0x585: {  	v0 =	vld [tilespmem:s25+$0xFFFFFE60];
	_ =	sdelay $0x1  }
0x586: {  	v1 =	vadd.s32 s24, v37;
	_ =	sdelay $0x2  }
0x587: {  	v0 =	vmul.f32 $8.000000000e+00, v0;
	_ =	sdelay $0x1  }
0x588: {  	[tilespmem:v1+s19+$0x0] =	vst.idx.msk $0xffff, v0  }
0x589: {  	v0 =	vld [tilespmem:s25+$0xFFFFFE70];
	_ =	sdelay $0x1  }
0x58a: {  	v1 =	vadd.s32 s24, v38;
	_ =	sdelay $0x2  }
0x58b: {  	v0 =	vmul.f32 $8.000000000e+00, v0;
	_ =	sdelay $0x1  }
0x58c: {  	[tilespmem:v1+s19+$0x0] =	vst.idx.msk $0xffff, v0  }
0x58d: {  	v0 =	vld [tilespmem:s25+$0xFFFFFE80];
	_ =	sdelay $0x1  }
0x58e: {  	v1 =	vadd.s32 s24, v39;
	_ =	sdelay $0x2  }
0x58f: {  	v0 =	vmul.f32 $8.000000000e+00, v0;
	_ =	sdelay $0x1  }
0x590: {  	[tilespmem:v1+s19+$0x0] =	vst.idx.msk $0xffff, v0  }
0x591: {  	v0 =	vld [tilespmem:s25+$0xFFFFFE90];
	_ =	sdelay $0x1  }
0x592: {  	v1 =	vadd.s32 s24, v40;
	_ =	sdelay $0x2  }
0x593: {  	v0 =	vmul.f32 $8.000000000e+00, v0;
	_ =	sdelay $0x1  }
0x594: {  	[tilespmem:v1+s19+$0x0] =	vst.idx.msk $0xffff, v0  }
0x595: {  	v0 =	vld [tilespmem:s25+$0xFFFFFEA0];
	_ =	sdelay $0x1  }
0x596: {  	v1 =	vadd.s32 s24, v41;
	_ =	sdelay $0x2  }
0x597: {  	v0 =	vmul.f32 $8.000000000e+00, v0;
	_ =	sdelay $0x1  }
0x598: {  	[tilespmem:v1+s19+$0x0] =	vst.idx.msk $0xffff, v0  }
0x599: {  	v0 =	vld [tilespmem:s25+$0xFFFFFEB0];
	_ =	sdelay $0x1  }
0x59a: {  	v1 =	vadd.s32 s24, v42;
	_ =	sdelay $0x2  }
0x59b: {  	v0 =	vmul.f32 $8.000000000e+00, v0;
	_ =	sdelay $0x1  }
0x59c: {  	[tilespmem:v1+s19+$0x0] =	vst.idx.msk $0xffff, v0  }
0x59d: {  	v0 =	vld [tilespmem:s25+$0xFFFFFEC0];
	_ =	sdelay $0x1  }
0x59e: {  	v1 =	vadd.s32 s24, v43;
	_ =	sdelay $0x2  }
0x59f: {  	v0 =	vmul.f32 $8.000000000e+00, v0;
	_ =	sdelay $0x1  }
0x5a0: {  	[tilespmem:v1+s19+$0x0] =	vst.idx.msk $0xffff, v0  }
0x5a1: {  	v0 =	vld [tilespmem:s25+$0xFFFFFED0];
	_ =	sdelay $0x1  }
0x5a2: {  	v1 =	vadd.s32 s24, v44;
	_ =	sdelay $0x2  }
0x5a3: {  	v0 =	vmul.f32 $8.000000000e+00, v0;
	_ =	sdelay $0x1  }
0x5a4: {  	[tilespmem:v1+s19+$0x0] =	vst.idx.msk $0xffff, v0  }
0x5a5: {  	v0 =	vld [tilespmem:s25+$0xFFFFFEE0];
	_ =	sdelay $0x1  }
0x5a6: {  	v1 =	vadd.s32 s24, v45;
	_ =	sdelay $0x2  }
0x5a7: {  	v0 =	vmul.f32 $8.000000000e+00, v0;
	_ =	sdelay $0x1  }
0x5a8: {  	[tilespmem:v1+s19+$0x0] =	vst.idx.msk $0xffff, v0  }
0x5a9: {  	v0 =	vld [tilespmem:s25+$0xFFFFFEF0];
	_ =	sdelay $0x1  }
0x5aa: {  	v1 =	vadd.s32 s24, v46;
	_ =	sdelay $0x2  }
0x5ab: {  	v0 =	vmul.f32 $8.000000000e+00, v0;
	_ =	sdelay $0x1  }
0x5ac: {  	[tilespmem:v1+s19+$0x0] =	vst.idx.msk $0xffff, v0  }
0x5ad: {  	v0 =	vld [tilespmem:s25+$0xFFFFFF00];
	_ =	sdelay $0x1  }
0x5ae: {  	v1 =	vadd.s32 s24, v47;
	_ =	sdelay $0x2  }
0x5af: {  	v0 =	vmul.f32 $8.000000000e+00, v0;
	_ =	sdelay $0x1  }
0x5b0: {  	[tilespmem:v1+s19+$0x0] =	vst.idx.msk $0xffff, v0  }
0x5b1: {  	v0 =	vld [tilespmem:s25+$0xFFFFFF10];
	_ =	sdelay $0x1  }
0x5b2: {  	v1 =	vadd.s32 s24, v48;
	_ =	sdelay $0x2  }
0x5b3: {  	v0 =	vmul.f32 $8.000000000e+00, v0;
	_ =	sdelay $0x1  }
0x5b4: {  	[tilespmem:v1+s19+$0x0] =	vst.idx.msk $0xffff, v0  }
0x5b5: {  	v0 =	vld [tilespmem:s25+$0xFFFFFF20];
	_ =	sdelay $0x1  }
0x5b6: {  	v1 =	vadd.s32 s24, v49;
	_ =	sdelay $0x2  }
0x5b7: {  	v0 =	vmul.f32 $8.000000000e+00, v0;
	_ =	sdelay $0x1  }
0x5b8: {  	[tilespmem:v1+s19+$0x0] =	vst.idx.msk $0xffff, v0  }
0x5b9: {  	v0 =	vld [tilespmem:s25+$0xFFFFFF30];
	_ =	sdelay $0x1  }
0x5ba: {  	v1 =	vadd.s32 s24, v50;
	_ =	sdelay $0x2  }
0x5bb: {  	v0 =	vmul.f32 $8.000000000e+00, v0;
	_ =	sdelay $0x1  }
0x5bc: {  	[tilespmem:v1+s19+$0x0] =	vst.idx.msk $0xffff, v0  }
0x5bd: {  	v0 =	vld [tilespmem:s25+$0xFFFFFF40];
	_ =	sdelay $0x1  }
0x5be: {  	v1 =	vadd.s32 s24, v51;
	_ =	sdelay $0x2  }
0x5bf: {  	v0 =	vmul.f32 $8.000000000e+00, v0;
	_ =	sdelay $0x1  }
0x5c0: {  	[tilespmem:v1+s19+$0x0] =	vst.idx.msk $0xffff, v0  }
0x5c1: {  	v0 =	vld [tilespmem:s25+$0xFFFFFF50];
	_ =	sdelay $0x1  }
0x5c2: {  	v1 =	vadd.s32 s24, v52;
	_ =	sdelay $0x2  }
0x5c3: {  	v0 =	vmul.f32 $8.000000000e+00, v0;
	_ =	sdelay $0x1  }
0x5c4: {  	[tilespmem:v1+s19+$0x0] =	vst.idx.msk $0xffff, v0  }
0x5c5: {  	v0 =	vld [tilespmem:s25+$0xFFFFFF60];
	_ =	sdelay $0x1  }
0x5c6: {  	v1 =	vadd.s32 s24, v53;
	_ =	sdelay $0x2  }
0x5c7: {  	v0 =	vmul.f32 $8.000000000e+00, v0;
	_ =	sdelay $0x1  }
0x5c8: {  	[tilespmem:v1+s19+$0x0] =	vst.idx.msk $0xffff, v0  }
0x5c9: {  	v0 =	vld [tilespmem:s25+$0xFFFFFF70];
	_ =	sdelay $0x1  }
0x5ca: {  	v1 =	vadd.s32 s24, v54;
	_ =	sdelay $0x2  }
0x5cb: {  	v0 =	vmul.f32 $8.000000000e+00, v0;
	_ =	sdelay $0x1  }
0x5cc: {  	[tilespmem:v1+s19+$0x0] =	vst.idx.msk $0xffff, v0  }
0x5cd: {  	v0 =	vld [tilespmem:s25+$0xFFFFFF80];
	_ =	sdelay $0x1  }
0x5ce: {  	v1 =	vadd.s32 s24, v55;
	_ =	sdelay $0x2  }
0x5cf: {  	v0 =	vmul.f32 $8.000000000e+00, v0;
	_ =	sdelay $0x1  }
0x5d0: {  	[tilespmem:v1+s19+$0x0] =	vst.idx.msk $0xffff, v0  }
0x5d1: {  	v0 =	vld [tilespmem:s25+$0xFFFFFF90];
	_ =	sdelay $0x1  }
0x5d2: {  	v1 =	vadd.s32 s24, v56;
	_ =	sdelay $0x2  }
0x5d3: {  	v0 =	vmul.f32 $8.000000000e+00, v0;
	_ =	sdelay $0x1  }
0x5d4: {  	[tilespmem:v1+s19+$0x0] =	vst.idx.msk $0xffff, v0  }
0x5d5: {  	v0 =	vld [tilespmem:s25+$0xFFFFFFA0];
	_ =	sdelay $0x1  }
0x5d6: {  	v1 =	vadd.s32 s24, v57;
	_ =	sdelay $0x2  }
0x5d7: {  	v0 =	vmul.f32 $8.000000000e+00, v0;
	_ =	sdelay $0x1  }
0x5d8: {  	[tilespmem:v1+s19+$0x0] =	vst.idx.msk $0xffff, v0  }
0x5d9: {  	v0 =	vld [tilespmem:s25+$0xFFFFFFB0];
	_ =	sdelay $0x1  }
0x5da: {  	v1 =	vadd.s32 s24, v58;
	_ =	sdelay $0x2  }
0x5db: {  	v0 =	vmul.f32 $8.000000000e+00, v0;
	_ =	sdelay $0x1  }
0x5dc: {  	[tilespmem:v1+s19+$0x0] =	vst.idx.msk $0xffff, v0  }
0x5dd: {  	v0 =	vld [tilespmem:s25+$0xFFFFFFC0];
	_ =	sdelay $0x1  }
0x5de: {  	v1 =	vadd.s32 s24, v59;
	_ =	sdelay $0x2  }
0x5df: {  	v0 =	vmul.f32 $8.000000000e+00, v0;
	_ =	sdelay $0x1  }
0x5e0: {  	[tilespmem:v1+s19+$0x0] =	vst.idx.msk $0xffff, v0  }
0x5e1: {  	v0 =	vld [tilespmem:s25+$0xFFFFFFD0];
	_ =	sdelay $0x1  }
0x5e2: {  	v1 =	vadd.s32 s24, v60;
	_ =	sdelay $0x2  }
0x5e3: {  	v0 =	vmul.f32 $8.000000000e+00, v0;
	_ =	sdelay $0x1  }
0x5e4: {  	[tilespmem:v1+s19+$0x0] =	vst.idx.msk $0xffff, v0  }
0x5e5: {  	v0 =	vld [tilespmem:s25+$0xFFFFFFE0];
	_ =	sdelay $0x1  }
0x5e6: {  	v1 =	vadd.s32 s24, v61;
	_ =	sdelay $0x2  }
0x5e7: {  	v0 =	vmul.f32 $8.000000000e+00, v0;
	_ =	sdelay $0x1  }
0x5e8: {  	[tilespmem:v1+s19+$0x0] =	vst.idx.msk $0xffff, v0  }
0x5e9: {  	v0 =	vld [tilespmem:s25+$0xFFFFFFF0];
	_ =	sdelay $0x1  }
0x5ea: {  	v1 =	vadd.s32 s24, v62;
	_ =	sdelay $0x2  }
0x5eb: {  	v0 =	vmul.f32 $8.000000000e+00, v0;
	_ =	sdelay $0x1  }
0x5ec: {  	[tilespmem:v1+s19+$0x0] =	vst.idx.msk $0xffff, v0  }
0x5ed: {  	v1 =	vld [tilespmem:s25+$0x0]  }
.Ltmp9:
0x5ee: {  	(pc) =	sbr.rel @p0 .LBB2_15-.Ltmp9, $2  }
0x5ef: {  	v0 =	vadd.s32 s24, v63;
	_ =	sdelay $0x2  }
0x5f0: {  	v1 =	vmul.f32 $8.000000000e+00, v1  }
0x5f1: {  	s23 =	sadd.s32 s23, s8  }
0x5f2: {  	s23 =	sshll.u32 s23, $0x12  }
0x5f3: {  	s23 =	sor.u32 s7, s23  }
0x5f4: {  	s23 =	sshrl.u32 s23, $0x3  }
0x5f5: {  	s25 =	simm.s32 $0x12800;
	[tilespmem:v0+s19+$0x0] =	vst.idx.msk $0xffff, v1;
	s24 =	sadd.s32 s2, s23  }
0x5f6: {  	[hbm4b:s24+s3] =	stream.linear.scatter [tilespmem:s25], [sflag:$0x4], $0x80, $0x38;
	[tilespmem:$0x16C00] =	vst v63  }
0x5f7: {  	s26 =	simm.s32 $0x12888;
	s25 =	sadd.s32 $0x10, s24  }
0x5f8: {  	[hbm4b:s25+s3] =	stream.linear.scatter [tilespmem:s26], [sflag:$0x4], $0x80, $0x38;
	[tilespmem:$0x16C00] =	vst v63  }
0x5f9: {  	s30 =	simm.s32 $0x12910;
	s31 =	sadd.s32 $0x20, s24  }
0x5fa: {  	[hbm4b:s31+s3] =	stream.linear.scatter [tilespmem:s30], [sflag:$0x4], $0x80, $0x38;
	[tilespmem:$0x16C00] =	vst v63  }
0x5fb: {  	s25 =	simm.s32 $0x12998;
	s26 =	sadd.s32 $0x30, s24  }
0x5fc: {  	[hbm4b:s26+s3] =	stream.linear.scatter [tilespmem:s25], [sflag:$0x4], $0x80, $0x38;
	[tilespmem:$0x16C00] =	vst v63  }
0x5fd: {  	s30 =	simm.s32 $0x12A20;
	s31 =	sadd.s32 $0x40, s24  }
0x5fe: {  	[hbm4b:s31+s3] =	stream.linear.scatter [tilespmem:s30], [sflag:$0x4], $0x80, $0x38;
	[tilespmem:$0x16C00] =	vst v63  }
0x5ff: {  	s25 =	simm.s32 $0x12AA8;
	s26 =	sadd.s32 $0x50, s24  }
0x600: {  	[hbm4b:s26+s3] =	stream.linear.scatter [tilespmem:s25], [sflag:$0x4], $0x80, $0x38;
	[tilespmem:$0x16C00] =	vst v63  }
0x601: {  	s30 =	simm.s32 $0x12B30;
	s31 =	sadd.s32 $0x60, s24  }
0x602: {  	[hbm4b:s31+s3] =	stream.linear.scatter [tilespmem:s30], [sflag:$0x4], $0x80, $0x38;
	[tilespmem:$0x16C00] =	vst v63  }
0x603: {  	s25 =	simm.s32 $0x12BB8;
	s26 =	sadd.s32 $0x70, s24  }
0x604: {  	[hbm4b:s26+s3] =	stream.linear.scatter [tilespmem:s25], [sflag:$0x4], $0x80, $0x38;
	[tilespmem:$0x16C00] =	vst v63  }
0x605: {  	s30 =	simm.s32 $0x12C40;
	s31 =	sadd.s32 $0x80, s24  }
0x606: {  	[hbm4b:s31+s3] =	stream.linear.scatter [tilespmem:s30], [sflag:$0x4], $0x80, $0x38;
	[tilespmem:$0x16C00] =	vst v63  }
0x607: {  	s25 =	simm.s32 $0x12CC8;
	s26 =	sadd.s32 $0x90, s24  }
0x608: {  	[hbm4b:s26+s3] =	stream.linear.scatter [tilespmem:s25], [sflag:$0x4], $0x80, $0x38;
	[tilespmem:$0x16C00] =	vst v63  }
0x609: {  	s28 =	simm.s32 $0x4400;
	s30 =	simm.s32 $0x12D50;
	s31 =	sadd.s32 $0xA0, s24  }
0x60a: {  	[hbm4b:s31+s3] =	stream.linear.scatter [tilespmem:s30], [sflag:$0x4], $0x80, $0x38;
	[tilespmem:$0x16C00] =	vst v63  }
0x60b: {  	s23 =	simm.s32 $0x880;
	s25 =	simm.s32 $0x12DD8;
	s26 =	sadd.s32 $0xB0, s24  }
0x60c: {  	[hbm4b:s26+s3] =	stream.linear.scatter [tilespmem:s25], [sflag:$0x4], $0x80, $0x38;
	[tilespmem:$0x16C00] =	vst v63  }
0x60d: {  	s29 =	sadd.s32 $0xF0, s24;
	s30 =	simm.s32 $0x12E60;
	s31 =	sadd.s32 $0xC0, s24  }
0x60e: {  	[hbm4b:s31+s3] =	stream.linear.scatter [tilespmem:s30], [sflag:$0x4], $0x80, $0x38;
	[tilespmem:$0x16C00] =	vst v63  }
0x60f: {  	s25 =	simm.s32 $0x12EE8;
	s26 =	sadd.s32 $0xD0, s24;
	s30 =	simm.s32 $0x12F70  }
0x610: {  	[hbm4b:s26+s3] =	stream.linear.scatter [tilespmem:s25], [sflag:$0x4], $0x80, $0x38;
	[tilespmem:$0x16C00] =	vst v63  }
0x611: {  	s31 =	sadd.s32 $0xE0, s24;
	s24 =	sadd.s32 $0x1000, s24;
	s25 =	simm.s32 $0x12FF8  }
0x612: {  	[hbm4b:s31+s3] =	stream.linear.scatter [tilespmem:s30], [sflag:$0x4], $0x80, $0x38;
	[tilespmem:$0x16C00] =	vst v63  }
.LBB2_17:
0x613: {  	[hbm4b:s29+s3] =	stream.linear.scatter [tilespmem:s25], [sflag:$0x4], $0x80, $0x38;
	[tilespmem:$0x16C00] =	vst v63  }
0x614: {  	s25 =	smov.u32 s23;
	s23 =	smov.u32 s28  }
0x615: {  	s26 =	sadd.s32 $0x2200, s28;
	s23 =	sshra.s32 s23, $0x2;
	s29 =	sadd.s32 $0x12800, s25  }
0x616: {  	[hbm4b:s24+s3] =	stream.linear.scatter [tilespmem:s29], [sflag:$0x4], $0x80, $0x38;
	[tilespmem:$0x16C00] =	vst v63  }
0x617: {  	p0 =	sne.s32 s28, $0xEE00;
	s28 =	sadd.s32 $0x12888, s25;
	s29 =	sadd.s32 $0x10, s24  }
0x618: {  	[hbm4b:s29+s3] =	stream.linear.scatter [tilespmem:s28], [sflag:$0x4], $0x80, $0x38;
	[tilespmem:$0x16C00] =	vst v63  }
0x619: {  	s28 =	sadd.s32 $0x12910, s25;
	s29 =	sadd.s32 $0x20, s24  }
0x61a: {  	[hbm4b:s29+s3] =	stream.linear.scatter [tilespmem:s28], [sflag:$0x4], $0x80, $0x38;
	[tilespmem:$0x16C00] =	vst v63  }
0x61b: {  	s28 =	sadd.s32 $0x12998, s25;
	s29 =	sadd.s32 $0x30, s24  }
0x61c: {  	[hbm4b:s29+s3] =	stream.linear.scatter [tilespmem:s28], [sflag:$0x4], $0x80, $0x38;
	[tilespmem:$0x16C00] =	vst v63  }
0x61d: {  	s28 =	sadd.s32 $0x12A20, s25;
	s29 =	sadd.s32 $0x40, s24  }
0x61e: {  	[hbm4b:s29+s3] =	stream.linear.scatter [tilespmem:s28], [sflag:$0x4], $0x80, $0x38;
	[tilespmem:$0x16C00] =	vst v63  }
0x61f: {  	s28 =	sadd.s32 $0x12AA8, s25;
	s29 =	sadd.s32 $0x50, s24  }
0x620: {  	[hbm4b:s29+s3] =	stream.linear.scatter [tilespmem:s28], [sflag:$0x4], $0x80, $0x38;
	[tilespmem:$0x16C00] =	vst v63  }
0x621: {  	s28 =	sadd.s32 $0x12B30, s25;
	s29 =	sadd.s32 $0x60, s24  }
0x622: {  	[hbm4b:s29+s3] =	stream.linear.scatter [tilespmem:s28], [sflag:$0x4], $0x80, $0x38;
	[tilespmem:$0x16C00] =	vst v63  }
0x623: {  	s28 =	sadd.s32 $0x12BB8, s25;
	s29 =	sadd.s32 $0x70, s24  }
0x624: {  	[hbm4b:s29+s3] =	stream.linear.scatter [tilespmem:s28], [sflag:$0x4], $0x80, $0x38;
	[tilespmem:$0x16C00] =	vst v63  }
0x625: {  	s28 =	sadd.s32 $0x12C40, s25;
	s29 =	sadd.s32 $0x80, s24  }
0x626: {  	[hbm4b:s29+s3] =	stream.linear.scatter [tilespmem:s28], [sflag:$0x4], $0x80, $0x38;
	[tilespmem:$0x16C00] =	vst v63  }
0x627: {  	s28 =	sadd.s32 $0x12CC8, s25;
	s29 =	sadd.s32 $0x90, s24  }
0x628: {  	[hbm4b:s29+s3] =	stream.linear.scatter [tilespmem:s28], [sflag:$0x4], $0x80, $0x38;
	[tilespmem:$0x16C00] =	vst v63  }
0x629: {  	s28 =	sadd.s32 $0x12D50, s25;
	s29 =	sadd.s32 $0xA0, s24  }
0x62a: {  	[hbm4b:s29+s3] =	stream.linear.scatter [tilespmem:s28], [sflag:$0x4], $0x80, $0x38;
	[tilespmem:$0x16C00] =	vst v63  }
0x62b: {  	s28 =	sadd.s32 $0x12DD8, s25;
	s29 =	sadd.s32 $0xB0, s24  }
0x62c: {  	[hbm4b:s29+s3] =	stream.linear.scatter [tilespmem:s28], [sflag:$0x4], $0x80, $0x38;
	[tilespmem:$0x16C00] =	vst v63  }
0x62d: {  	s28 =	sadd.s32 $0x12E60, s25;
	s29 =	sadd.s32 $0xC0, s24  }
0x62e: {  	[hbm4b:s29+s3] =	stream.linear.scatter [tilespmem:s28], [sflag:$0x4], $0x80, $0x38;
	[tilespmem:$0x16C00] =	vst v63  }
.Ltmp10:
0x62f: {  	s28 =	sadd.s32 $0x12EE8, s25;
	s29 =	sadd.s32 $0xD0, s24;
	(pc) =	sbr.rel @p0 .LBB2_17-.Ltmp10, $4  }
0x630: {  	[hbm4b:s29+s3] =	stream.linear.scatter [tilespmem:s28], [sflag:$0x4], $0x80, $0x38;
	[tilespmem:$0x16C00] =	vst v63  }
0x631: {  	s28 =	sadd.s32 $0x12F70, s25;
	s29 =	sadd.s32 $0xE0, s24;
	s25 =	sadd.s32 $0x12FF8, s25  }
0x632: {  	[hbm4b:s29+s3] =	stream.linear.scatter [tilespmem:s28], [sflag:$0x4], $0x80, $0x38;
	[tilespmem:$0x16C00] =	vst v63  }
0x633: {  	s29 =	sadd.s32 $0xF0, s24;
	s24 =	sadd.s32 $0x1000, s24;
	s28 =	smov.u32 s26  }
0x634: {  	[hbm4b:s29+s3] =	stream.linear.scatter [tilespmem:s25], [sflag:$0x4], $0x80, $0x38;
	[tilespmem:$0x16C00] =	vst v63  }
0x635: {  	s30 =	sadd.s32 $0x12800, s23  }
0x636: {  	[hbm4b:s24+s3] =	stream.linear.scatter [tilespmem:s30], [sflag:$0x4], $0x80, $0x38;
	[tilespmem:$0x16C00] =	vst v63  }
0x637: {  	s31 =	sadd.s32 $0x12888, s23;
	s26 =	sadd.s32 $0x10, s24  }
0x638: {  	[hbm4b:s26+s3] =	stream.linear.scatter [tilespmem:s31], [sflag:$0x4], $0x80, $0x38;
	[tilespmem:$0x16C00] =	vst v63  }
0x639: {  	s28 =	sadd.s32 $0x12910, s23;
	s29 =	sadd.s32 $0x20, s24  }
0x63a: {  	[hbm4b:s29+s3] =	stream.linear.scatter [tilespmem:s28], [sflag:$0x4], $0x80, $0x38;
	[tilespmem:$0x16C00] =	vst v63  }
0x63b: {  	s30 =	sadd.s32 $0x12998, s23;
	s31 =	sadd.s32 $0x30, s24  }
0x63c: {  	[hbm4b:s31+s3] =	stream.linear.scatter [tilespmem:s30], [sflag:$0x4], $0x80, $0x38;
	[tilespmem:$0x16C00] =	vst v63  }
0x63d: {  	s28 =	sadd.s32 $0x12A20, s23;
	s29 =	sadd.s32 $0x40, s24  }
0x63e: {  	[hbm4b:s29+s3] =	stream.linear.scatter [tilespmem:s28], [sflag:$0x4], $0x80, $0x38;
	[tilespmem:$0x16C00] =	vst v63  }
0x63f: {  	s30 =	sadd.s32 $0x12AA8, s23;
	s31 =	sadd.s32 $0x50, s24  }
0x640: {  	[hbm4b:s31+s3] =	stream.linear.scatter [tilespmem:s30], [sflag:$0x4], $0x80, $0x38;
	[tilespmem:$0x16C00] =	vst v63  }
0x641: {  	s28 =	sadd.s32 $0x12B30, s23;
	s29 =	sadd.s32 $0x60, s24  }
0x642: {  	[hbm4b:s29+s3] =	stream.linear.scatter [tilespmem:s28], [sflag:$0x4], $0x80, $0x38;
	[tilespmem:$0x16C00] =	vst v63  }
0x643: {  	s30 =	sadd.s32 $0x12BB8, s23;
	s31 =	sadd.s32 $0x70, s24  }
0x644: {  	[hbm4b:s31+s3] =	stream.linear.scatter [tilespmem:s30], [sflag:$0x4], $0x80, $0x38;
	[tilespmem:$0x16C00] =	vst v63  }
0x645: {  	s28 =	sadd.s32 $0x12C40, s23;
	s29 =	sadd.s32 $0x80, s24  }
0x646: {  	[hbm4b:s29+s3] =	stream.linear.scatter [tilespmem:s28], [sflag:$0x4], $0x80, $0x38;
	[tilespmem:$0x16C00] =	vst v63  }
0x647: {  	s30 =	sadd.s32 $0x12CC8, s23;
	s31 =	sadd.s32 $0x90, s24  }
0x648: {  	[hbm4b:s31+s3] =	stream.linear.scatter [tilespmem:s30], [sflag:$0x4], $0x80, $0x38;
	[tilespmem:$0x16C00] =	vst v63  }
0x649: {  	s28 =	sadd.s32 $0x12D50, s23;
	s29 =	sadd.s32 $0xA0, s24  }
0x64a: {  	[hbm4b:s29+s3] =	stream.linear.scatter [tilespmem:s28], [sflag:$0x4], $0x80, $0x38;
	[tilespmem:$0x16C00] =	vst v63  }
0x64b: {  	s30 =	sadd.s32 $0x12DD8, s23;
	s31 =	sadd.s32 $0xB0, s24  }
0x64c: {  	[hbm4b:s31+s3] =	stream.linear.scatter [tilespmem:s30], [sflag:$0x4], $0x80, $0x38;
	[tilespmem:$0x16C00] =	vst v63  }
0x64d: {  	s28 =	sadd.s32 $0x12E60, s23;
	s29 =	sadd.s32 $0xC0, s24  }
0x64e: {  	[hbm4b:s29+s3] =	stream.linear.scatter [tilespmem:s28], [sflag:$0x4], $0x80, $0x38;
	[tilespmem:$0x16C00] =	vst v63  }
0x64f: {  	p0 =	seq.s32 s22, $0x31;
	s30 =	sadd.s32 $0x12EE8, s23;
	s31 =	sadd.s32 $0xD0, s24  }
0x650: {  	[hbm4b:s31+s3] =	stream.linear.scatter [tilespmem:s30], [sflag:$0x4], $0x80, $0x38;
	[tilespmem:$0x16C00] =	vst v63  }
.Ltmp11:
0x651: {  	_ = 	snop;
	(pc) =	sbr.rel @p0 .LBB2_20-.Ltmp11, $4  }
0x652: {  	s28 =	sadd.s32 $0x12F70, s23;
	s29 =	sadd.s32 $0xE0, s24  }
0x653: {  	[hbm4b:s29+s3] =	stream.linear.scatter [tilespmem:s28], [sflag:$0x4], $0x80, $0x38;
	[tilespmem:$0x16C00] =	vst v63  }
0x654: {  	s30 =	sadd.s32 $0x12FF8, s23;
	s31 =	sadd.s32 $0xF0, s24  }
0x655: {  	v2 =	vld [tilespmem:$0x1FE00];
	[hbm4b:s31+s3] =	stream.linear.scatter [tilespmem:s30], [sflag:$0x4], $0x80, $0x38  }
.Ltmp12:
0x656: {  	(pc) =	sbr.rel .LBB2_2-.Ltmp12, $4  }
0x657: {  	s23 =	sshll.u32 s22, $0x9  }
0x658: {  	s23 =	sand.u32 $0x3FFFFE00, s23  }
0x659: {  	s22 =	sadd.s32 $0x1, s22;
	s23 =	sadd.s32 $0x300, s23  }
0x65a: {  	[tilespmem:s14], [sflag:$0x2] =	stream.indirect.gather [hbm4b:s5+s10], $0x40, s23, s10, $0xb8;
	[tilespmem:$0x16C00] =	vst v63  }
.LBB2_21:
0x65b: {  	_ =	sfence.sel $0x180000  }
0x65c: {  	[bflag:$0x0] =	sbarrier.arrive $0xFFFF  }
0x65d: {  	p0 =	sne.s32 s0, $0x0;
	_ =	strace $0x90000047  }
0x65e: {  	s0 =	sadd.s32 @!p0 $0x100000, s1;
	[bflag:$0x2] =	sbarrier.arrive $0xFFFF  }
0x65f: {  	[sflag:s0] =	ssyncadd.tile.s32 @!p0 $0x1;
	_ =	shalt  }
.Lfunc_end2:
_tile_overlayer_lowered:
.L_overlay_start_2:
0x660: {  	(tag) =	ssettag $0x2  }
0x661: {  	s0 =	rddreg [dreg:$0x0];
	s2 =	stileid.u32  }
0x662: {  	s1 =	rddreg [dreg:$0x1];
	p0 =	sne.s32 s2, $0x0  }
0x663: {  	s3 =	rddreg [dreg:$0x2];
	[bflag:$0x3] =	sbarrier.arrive $0xFFFF;
	s2 =	simm.s32 @!p0 $0x1C05  }
0x664: {  	[timem:s3], [sflag:s2] =	dma.local @!p0 [hbm:s0], s1  }
0x665: {  	s0 =	simm.s32 @!p0 $0x5  }
0x666: {  	_ =	swait.ge @!p0 [sflag:s0], s1  }
0x667: {  	s1 =	ssub.s32 @!p0 $0x0, s1;
	[sflag:s0] =	ssyncset.done @!p0 $0x0  }
0x668: {  	[sflag:s0] =	ssyncadd.s32 @!p0 s1  }
0x669: {  	[bflag:$0x3] =	sbarrier.arrive $0xFFFF  }
0x66a: {  	_ =	shalt  }

</sc_bundles>
